<compile_context>
chip_gen: v7x
topology: tpu7x:2x2x1
jax: 0.10.2.dev20260603
libtpu: 0.0.44.dev20260713+nightly
codegen_flags: <defaults>
</compile_context>

<pallas_src>
import functools

import jax
import jax.numpy as jnp
from jax import lax
from jax.experimental import pallas as pl
from jax.experimental.pallas import tpu as pltpu
from jax.experimental.pallas import tpu_sc as plsc

C = 19
NCLS = 10
K = 2048
NROWS = 2 * NCLS
HWORDS = NROWS * K
NW = 32
M = 2048
L = 16
NB = 8
NPIX = 512 * 512


def _sc_hist_body(probas_4d, labels_3d, out_hbm,
                  pbuf_a, lbuf_a, pbuf_b, lbuf_b, hist, sem_a, sem_b):
    span = NPIX // NW
    chunks_per_b = span // M
    n_chunks = NB * chunks_per_b

    cid = lax.axis_index("c")
    sid = lax.axis_index("s")
    wid = sid * 2 + cid

    probas_hbm = probas_4d
    labels_hbm = labels_3d

    def _zero(i, _):
        hist[pl.ds(i * L, L)] = jnp.zeros((L,), jnp.float32)
        return 0
    lax.fori_loop(0, HWORDS // L, _zero, 0)

    ones = jnp.ones((L,), jnp.float32)
    fK = jnp.float32(K)

    def _fire(t, pbuf, lbuf, sem):
        b = t // chunks_per_b
        ci = t % chunks_per_b
        off = wid * span + ci * M
        for c in range(C):
            pltpu.async_copy(
                probas_hbm.at[pl.ds((b * C + c) * NPIX + off, M)],
                pbuf.at[pl.ds(c * M, M)], sem)
        pltpu.async_copy(labels_hbm.at[pl.ds(b * NPIX + off, M)], lbuf, sem)

    def _drain(pbuf, lbuf, sem):
        pltpu.make_async_copy(probas_hbm.at[pl.ds(0, C * M)], pbuf, sem).wait()
        pltpu.make_async_copy(labels_hbm.at[pl.ds(0, M)], lbuf, sem).wait()

    NS = 4

    def _compute(pbuf, lbuf):
        def _vec(i, _):
            base = i * (NS * L)
            lbls = [lbuf[pl.ds(base + s * L, L)] for s in range(NS)]
            es = [[] for _ in range(NS)]
            accs = [None] * NS
            for c in range(C):
                for s in range(NS):
                    ex = jnp.exp(pbuf[pl.ds(c * M + base + s * L, L)])
                    accs[s] = ex if accs[s] is None else accs[s] + ex
                    if c < NCLS:
                        es[s].append(ex)
            rcpks = [fK / accs[s] for s in range(NS)]
            for c in range(NCLS):
                for s in range(NS):
                    ti = jnp.minimum((es[s][c] * rcpks[s]).astype(jnp.int32),
                                     K - 1)
                    fg = lbls[s] == c
                    idx = jnp.where(fg,
                                    (NCLS * K + c * K + K - 1) - ti,
                                    c * K + ti)
                    plsc.addupdate_scatter(hist, [idx], ones)
            return 0
        lax.fori_loop(0, M // (NS * L), _vec, 0)

    _fire(0, pbuf_a, lbuf_a, sem_a)

    def _pair(p, _):
        t0 = 2 * p
        _fire(t0 + 1, pbuf_b, lbuf_b, sem_b)
        _drain(pbuf_a, lbuf_a, sem_a)
        _compute(pbuf_a, lbuf_a)
        _fire(jnp.minimum(t0 + 2, n_chunks - 1), pbuf_a, lbuf_a, sem_a)
        _drain(pbuf_b, lbuf_b, sem_b)
        _compute(pbuf_b, lbuf_b)
        return 0

    lax.fori_loop(0, n_chunks // 2, _pair, 0)
    _drain(pbuf_a, lbuf_a, sem_a)
    pltpu.sync_copy(hist, out_hbm.at[pl.ds(wid * HWORDS, HWORDS)])


def _tc_reduce_body(h_ref, o_ref):
    hs = jnp.sum(h_ref[...], axis=0)
    cnt_bg = hs[0:NCLS]
    cnt_fg = hs[NCLS:2 * NCLS]

    u = lax.broadcasted_iota(jnp.int32, (K, K), 0)
    j = lax.broadcasted_iota(jnp.int32, (K, K), 1)
    tri = (u >= j).astype(jnp.float32)
    A = jnp.dot(cnt_fg, tri, preferred_element_type=jnp.float32)
    Bc = jnp.dot(cnt_bg, tri, preferred_element_type=jnp.float32)
    P = A[:, 0:1]

    jj = lax.broadcasted_iota(jnp.int32, (1, K), 1).astype(jnp.float32)
    mid = (jj + 0.5) * (1.0 / K)
    kbar = A - 0.5 * cnt_fg
    mbar = Bc - 0.5 * cnt_bg
    d1 = jnp.maximum(P + mbar, 0.5)
    term = mid * (cnt_fg / d1 + cnt_bg * (P - kbar) / (d1 * (d1 + 1.0)))
    contrib = jnp.sum(term, axis=1, keepdims=True)
    loss = jnp.sum(jnp.where(P > 0.0, contrib, 0.0), keepdims=True) / NCLS
    o_ref[...] = loss.reshape(1, 1)


def kernel(probas, labels):
    mesh = plsc.VectorSubcoreMesh(core_axis_name="c", subcore_axis_name="s")
    sc_hist = functools.partial(
        pl.kernel,
        out_type=jax.ShapeDtypeStruct((NW * HWORDS,), jnp.float32),
        mesh=mesh,
        scratch_types=[
            pltpu.VMEM((C * M,), jnp.float32),
            pltpu.VMEM((M,), jnp.int32),
            pltpu.VMEM((C * M,), jnp.float32),
            pltpu.VMEM((M,), jnp.int32),
            pltpu.VMEM((HWORDS,), jnp.float32),
            pltpu.SemaphoreType.DMA,
            pltpu.SemaphoreType.DMA,
        ],
        compiler_params=pltpu.CompilerParams(
            needs_layout_passes=False, use_tc_tiling_on_sc=True),
    )(_sc_hist_body)

    parts = sc_hist(probas.reshape(-1), labels.reshape(-1)).reshape(
        NW, NROWS, K)

    loss = pl.pallas_call(
        _tc_reduce_body,
        out_shape=jax.ShapeDtypeStruct((1, 1), jnp.float32),
    )(parts)
    return loss.reshape(())

# --- scband reference (transcript-rebuilt; emitter-appended) ---
"""Pipeline reference for scband-simplified-lovasz-softmax-18047452578348 (READ-ONLY COPY).

The authoritative reference and input builder live on the scoring server;
editing this copy changes nothing except your own understanding.
"""

import jax, jax.numpy as jnp
import numpy as np


def lovasz_grad(gt_sorted):
    gts = gt_sorted.sum()
    intersection = gts - jnp.cumsum(gt_sorted, axis=0)
    union = gts + jnp.cumsum(1.0 - gt_sorted, axis=0)
    jaccard = 1.0 - intersection / union
    # torch: jaccard[1:p] = jaccard[1:p] - jaccard[0:-1] (RHS read before write)
    jaccard = jnp.concatenate([jaccard[:1], jaccard[1:] - jaccard[:-1]], axis=0)
    return jaccard


def setup_inputs(seed: int = 0) -> dict:
    key = jax.random.key(seed)
    k1, k2 = jax.random.split(key)
    probas = jax.random.normal(k1, (8, 19, 512, 512), dtype=jnp.float32)
    labels = jax.random.randint(k2, (8, 512, 512), 0, 19, dtype=jnp.int32)
    return {"probas": probas, "labels": labels}


def reference(probas, labels):
    # probas.dim == 4 -> softmax over class dim
    probas = jax.nn.softmax(probas, axis=1)
    B, C, H, W = probas.shape
    probas = jnp.transpose(probas, (0, 2, 3, 1)).reshape(-1, C)
    labels = labels.reshape(-1)
    # ignore_index is None -> no masking
    loss = jnp.asarray(0.0, dtype=jnp.float32)
    max_classes = min(10, C)
    for c in range(max_classes):
        fg = (labels == c).astype(jnp.float32)
        class_pred = probas[:, c]
        errors = jnp.abs(fg - class_pred)
        perm = jnp.argsort(-errors)
        errors_sorted = errors[perm]
        fg_sorted = fg[perm]
        grad = lovasz_grad(fg_sorted)
        contrib = jnp.dot(errors_sorted, grad)
        # torch skips classes with no fg pixels (adds 0)
        loss = loss + jnp.where(fg.sum() == 0, 0.0, contrib)
    return loss / max_classes

if __name__ == "__main__":
    import jax
    _d = setup_inputs()
    print(jax.jit(kernel)(*tuple(_d.values())))

</pallas_src>

<mosaic_0001>
#map = affine_map<(d0, d1) -> (0)>
module attributes {stable_mosaic.version = 14 : i64} {
  func.func @_sc_hist_body(%arg0: i32, %arg1: i32, %arg2: memref<39845888xf32, #tpu.memory_space<hbm>>, %arg3: memref<2097152xi32, #tpu.memory_space<hbm>>, %arg4: memref<1310720xf32, #tpu.memory_space<hbm>>, %arg5: memref<38912xf32, #tpu.memory_space<vmem>>, %arg6: memref<2048xi32, #tpu.memory_space<vmem>>, %arg7: memref<38912xf32, #tpu.memory_space<vmem>>, %arg8: memref<2048xi32, #tpu.memory_space<vmem>>, %arg9: memref<40960xf32, #tpu.memory_space<vmem>>, %arg10: memref<!tpu.dma_semaphore, #tpu.memory_space<semaphore_mem>>, %arg11: memref<!tpu.dma_semaphore, #tpu.memory_space<semaphore_mem>>) attributes {dimension_semantics = [#tpu.dimension_semantics<core_parallel>, #tpu.dimension_semantics<subcore_parallel>], iteration_bounds = array<i64: 2, 16>, scalar_prefetch = 0 : i64, scratch_operands = 7 : i64, tpu.core_type = #tpu.core_type<sc_vector_subcore>, window_params = [{transform_indices = #map}, {transform_indices = #map}, {transform_indices = #map}]} {
    %mul3A = arith.constant 2 : i32
    %mul3A_0 = arith.muli %arg1, %mul3A : i32
    %add3A = arith.addi %mul3A_0, %arg0 : i32
    %scan3A = arith.constant 0 : i32
    %scan3A_1 = arith.constant 0 : i32
    %scan3A_2 = arith.constant 2560 : i32
    %scan3A_3 = arith.addi %scan3A_1, %scan3A_2 : i32
    %scan3A_4 = arith.constant 1 : i32
    %scan3A_5 = scf.for %scan3A_184 = %scan3A_1 to %scan3A_3 step %scan3A_4 iter_args(%scan3A_185 = %scan3A) -> (i32)  : i32 {
      %broadcast_in_dim3A_186 = arith.constant 0.000000e+00 : f32
      %broadcast_in_dim3A_187 = vector.broadcast %broadcast_in_dim3A_186 : f32 to vector<16xf32>
      %mul3A_188 = arith.constant 16 : i32
      %mul3A_189 = arith.muli %scan3A_184, %mul3A_188 : i32
      %swap3A = arith.index_cast %mul3A_189 : i32 to index
      %swap3A_190 = tpu.vector_load %arg9[%swap3A] {strides = array<i32>} : memref<40960xf32, #tpu.memory_space<vmem>>, vector<16xf32>,
      tpu.vector_store %arg9[%swap3A], %broadcast_in_dim3A_187 {strides = array<i32>} : memref<40960xf32, #tpu.memory_space<vmem>>, vector<16xf32>,
      %scan3A_191 = arith.constant 0 : i32
      scf.yield %scan3A_191 : i32
    }
    %scan3A_6 = arith.constant 2560 : i32
    %broadcast_in_dim3A = arith.constant 1.000000e+00 : f32
    %broadcast_in_dim3A_7 = vector.broadcast %broadcast_in_dim3A : f32 to vector<16xf32>
    %mul3A_8 = arith.constant 8192 : i32
    %mul3A_9 = arith.muli %add3A, %mul3A_8 : i32
    %add3A_10 = arith.constant 0 : i32
    %add3A_11 = arith.addi %mul3A_9, %add3A_10 : i32
    %add3A_12 = arith.constant 0 : i32
    %add3A_13 = arith.addi %add3A_12, %add3A_11 : i32
    %dma_start3A = arith.constant 0 : i32
    %dma_start3A_14 = tpu.memref_slice %arg5[%dma_start3A] : memref<38912xf32, #tpu.memory_space<vmem>> -> memref<2048xf32, #tpu.memory_space<vmem>>
    %dma_start3A_15 = tpu.memref_slice %arg2[%add3A_13] : memref<39845888xf32, #tpu.memory_space<hbm>> -> memref<2048xf32, #tpu.memory_space<hbm>>
    %dma_start3A_16 = arith.constant 0 : i32
    %dma_start3A_17 = tpu.memref_slice %arg5[%dma_start3A_16] : memref<38912xf32, #tpu.memory_space<vmem>> -> memref<2048xf32, #tpu.memory_space<vmem>>
    %dma_start3A_18 = tpu.memref_slice %arg2[%add3A_13] : memref<39845888xf32, #tpu.memory_space<hbm>> -> memref<2048xf32, #tpu.memory_space<hbm>>
    tpu.enqueue_dma source(%dma_start3A_18 : memref<2048xf32, #tpu.memory_space<hbm>>) target(%dma_start3A_17 : memref<2048xf32, #tpu.memory_space<vmem>>) target_semaphore(%arg10 : memref<!tpu.dma_semaphore, #tpu.memory_space<semaphore_mem>>)
    %add3A_19 = arith.constant 262144 : i32
    %add3A_20 = arith.addi %add3A_19, %add3A_11 : i32
    %dma_start3A_21 = arith.constant 2048 : i32
    %dma_start3A_22 = tpu.memref_slice %arg5[%dma_start3A_21] : memref<38912xf32, #tpu.memory_space<vmem>> -> memref<2048xf32, #tpu.memory_space<vmem>>
    %dma_start3A_23 = tpu.memref_slice %arg2[%add3A_20] : memref<39845888xf32, #tpu.memory_space<hbm>> -> memref<2048xf32, #tpu.memory_space<hbm>>
    %dma_start3A_24 = arith.constant 2048 : i32
    %dma_start3A_25 = tpu.memref_slice %arg5[%dma_start3A_24] : memref<38912xf32, #tpu.memory_space<vmem>> -> memref<2048xf32, #tpu.memory_space<vmem>>
    %dma_start3A_26 = tpu.memref_slice %arg2[%add3A_20] : memref<39845888xf32, #tpu.memory_space<hbm>> -> memref<2048xf32, #tpu.memory_space<hbm>>
    tpu.enqueue_dma source(%dma_start3A_26 : memref<2048xf32, #tpu.memory_space<hbm>>) target(%dma_start3A_25 : memref<2048xf32, #tpu.memory_space<vmem>>) target_semaphore(%arg10 : memref<!tpu.dma_semaphore, #tpu.memory_space<semaphore_mem>>)
    %add3A_27 = arith.constant 524288 : i32
    %add3A_28 = arith.addi %add3A_27, %add3A_11 : i32
    %dma_start3A_29 = arith.constant 4096 : i32
    %dma_start3A_30 = tpu.memref_slice %arg5[%dma_start3A_29] : memref<38912xf32, #tpu.memory_space<vmem>> -> memref<2048xf32, #tpu.memory_space<vmem>>
    %dma_start3A_31 = tpu.memref_slice %arg2[%add3A_28] : memref<39845888xf32, #tpu.memory_space<hbm>> -> memref<2048xf32, #tpu.memory_space<hbm>>
    %dma_start3A_32 = arith.constant 4096 : i32
    %dma_start3A_33 = tpu.memref_slice %arg5[%dma_start3A_32] : memref<38912xf32, #tpu.memory_space<vmem>> -> memref<2048xf32, #tpu.memory_space<vmem>>
    %dma_start3A_34 = tpu.memref_slice %arg2[%add3A_28] : memref<39845888xf32, #tpu.memory_space<hbm>> -> memref<2048xf32, #tpu.memory_space<hbm>>
    tpu.enqueue_dma source(%dma_start3A_34 : memref<2048xf32, #tpu.memory_space<hbm>>) target(%dma_start3A_33 : memref<2048xf32, #tpu.memory_space<vmem>>) target_semaphore(%arg10 : memref<!tpu.dma_semaphore, #tpu.memory_space<semaphore_mem>>)
    %add3A_35 = arith.constant 786432 : i32
    %add3A_36 = arith.addi %add3A_35, %add3A_11 : i32
    %dma_start3A_37 = arith.constant 6144 : i32
    %dma_start3A_38 = tpu.memref_slice %arg5[%dma_start3A_37] : memref<38912xf32, #tpu.memory_space<vmem>> -> memref<2048xf32, #tpu.memory_space<vmem>>
    %dma_start3A_39 = tpu.memref_slice %arg2[%add3A_36] : memref<39845888xf32, #tpu.memory_space<hbm>> -> memref<2048xf32, #tpu.memory_space<hbm>>
    %dma_start3A_40 = arith.constant 6144 : i32
    %dma_start3A_41 = tpu.memref_slice %arg5[%dma_start3A_40] : memref<38912xf32, #tpu.memory_space<vmem>> -> memref<2048xf32, #tpu.memory_space<vmem>>
    %dma_start3A_42 = tpu.memref_slice %arg2[%add3A_36] : memref<39845888xf32, #tpu.memory_space<hbm>> -> memref<2048xf32, #tpu.memory_space<hbm>>
    tpu.enqueue_dma source(%dma_start3A_42 : memref<2048xf32, #tpu.memory_space<hbm>>) target(%dma_start3A_41 : memref<2048xf32, #tpu.memory_space<vmem>>) target_semaphore(%arg10 : memref<!tpu.dma_semaphore, #tpu.memory_space<semaphore_mem>>)
    %add3A_43 = arith.constant 1048576 : i32
    %add3A_44 = arith.addi %add3A_43, %add3A_11 : i32
    %dma_start3A_45 = arith.constant 8192 : i32
    %dma_start3A_46 = tpu.memref_slice %arg5[%dma_start3A_45] : memref<38912xf32, #tpu.memory_space<vmem>> -> memref<2048xf32, #tpu.memory_space<vmem>>
    %dma_start3A_47 = tpu.memref_slice %arg2[%add3A_44] : memref<39845888xf32, #tpu.memory_space<hbm>> -> memref<2048xf32, #tpu.memory_space<hbm>>
    %dma_start3A_48 = arith.constant 8192 : i32
    %dma_start3A_49 = tpu.memref_slice %arg5[%dma_start3A_48] : memref<38912xf32, #tpu.memory_space<vmem>> -> memref<2048xf32, #tpu.memory_space<vmem>>
    %dma_start3A_50 = tpu.memref_slice %arg2[%add3A_44] : memref<39845888xf32, #tpu.memory_space<hbm>> -> memref<2048xf32, #tpu.memory_space<hbm>>
    tpu.enqueue_dma source(%dma_start3A_50 : memref<2048xf32, #tpu.memory_space<hbm>>) target(%dma_start3A_49 : memref<2048xf32, #tpu.memory_space<vmem>>) target_semaphore(%arg10 : memref<!tpu.dma_semaphore, #tpu.memory_space<semaphore_mem>>)
    %add3A_51 = arith.constant 1310720 : i32
    %add3A_52 = arith.addi %add3A_51, %add3A_11 : i32
    %dma_start3A_53 = arith.constant 10240 : i32
    %dma_start3A_54 = tpu.memref_slice %arg5[%dma_start3A_53] : memref<38912xf32, #tpu.memory_space<vmem>> -> memref<2048xf32, #tpu.memory_space<vmem>>
    %dma_start3A_55 = tpu.memref_slice %arg2[%add3A_52] : memref<39845888xf32, #tpu.memory_space<hbm>> -> memref<2048xf32, #tpu.memory_space<hbm>>
    %dma_start3A_56 = arith.constant 10240 : i32
    %dma_start3A_57 = tpu.memref_slice %arg5[%dma_start3A_56] : memref<38912xf32, #tpu.memory_space<vmem>> -> memref<2048xf32, #tpu.memory_space<vmem>>
    %dma_start3A_58 = tpu.memref_slice %arg2[%add3A_52] : memref<39845888xf32, #tpu.memory_space<hbm>> -> memref<2048xf32, #tpu.memory_space<hbm>>
    tpu.enqueue_dma source(%dma_start3A_58 : memref<2048xf32, #tpu.memory_space<hbm>>) target(%dma_start3A_57 : memref<2048xf32, #tpu.memory_space<vmem>>) target_semaphore(%arg10 : memref<!tpu.dma_semaphore, #tpu.memory_space<semaphore_mem>>)
    %add3A_59 = arith.constant 1572864 : i32
    %add3A_60 = arith.addi %add3A_59, %add3A_11 : i32
    %dma_start3A_61 = arith.constant 12288 : i32
    %dma_start3A_62 = tpu.memref_slice %arg5[%dma_start3A_61] : memref<38912xf32, #tpu.memory_space<vmem>> -> memref<2048xf32, #tpu.memory_space<vmem>>
    %dma_start3A_63 = tpu.memref_slice %arg2[%add3A_60] : memref<39845888xf32, #tpu.memory_space<hbm>> -> memref<2048xf32, #tpu.memory_space<hbm>>
    %dma_start3A_64 = arith.constant 12288 : i32
    %dma_start3A_65 = tpu.memref_slice %arg5[%dma_start3A_64] : memref<38912xf32, #tpu.memory_space<vmem>> -> memref<2048xf32, #tpu.memory_space<vmem>>
    %dma_start3A_66 = tpu.memref_slice %arg2[%add3A_60] : memref<39845888xf32, #tpu.memory_space<hbm>> -> memref<2048xf32, #tpu.memory_space<hbm>>
    tpu.enqueue_dma source(%dma_start3A_66 : memref<2048xf32, #tpu.memory_space<hbm>>) target(%dma_start3A_65 : memref<2048xf32, #tpu.memory_space<vmem>>) target_semaphore(%arg10 : memref<!tpu.dma_semaphore, #tpu.memory_space<semaphore_mem>>)
    %add3A_67 = arith.constant 1835008 : i32
    %add3A_68 = arith.addi %add3A_67, %add3A_11 : i32
    %dma_start3A_69 = arith.constant 14336 : i32
    %dma_start3A_70 = tpu.memref_slice %arg5[%dma_start3A_69] : memref<38912xf32, #tpu.memory_space<vmem>> -> memref<2048xf32, #tpu.memory_space<vmem>>
    %dma_start3A_71 = tpu.memref_slice %arg2[%add3A_68] : memref<39845888xf32, #tpu.memory_space<hbm>> -> memref<2048xf32, #tpu.memory_space<hbm>>
    %dma_start3A_72 = arith.constant 14336 : i32
    %dma_start3A_73 = tpu.memref_slice %arg5[%dma_start3A_72] : memref<38912xf32, #tpu.memory_space<vmem>> -> memref<2048xf32, #tpu.memory_space<vmem>>
    %dma_start3A_74 = tpu.memref_slice %arg2[%add3A_68] : memref<39845888xf32, #tpu.memory_space<hbm>> -> memref<2048xf32, #tpu.memory_space<hbm>>
    tpu.enqueue_dma source(%dma_start3A_74 : memref<2048xf32, #tpu.memory_space<hbm>>) target(%dma_start3A_73 : memref<2048xf32, #tpu.memory_space<vmem>>) target_semaphore(%arg10 : memref<!tpu.dma_semaphore, #tpu.memory_space<semaphore_mem>>)
    %add3A_75 = arith.constant 2097152 : i32
    %add3A_76 = arith.addi %add3A_75, %add3A_11 : i32
    %dma_start3A_77 = arith.constant 16384 : i32
    %dma_start3A_78 = tpu.memref_slice %arg5[%dma_start3A_77] : memref<38912xf32, #tpu.memory_space<vmem>> -> memref<2048xf32, #tpu.memory_space<vmem>>
    %dma_start3A_79 = tpu.memref_slice %arg2[%add3A_76] : memref<39845888xf32, #tpu.memory_space<hbm>> -> memref<2048xf32, #tpu.memory_space<hbm>>
    %dma_start3A_80 = arith.constant 16384 : i32
    %dma_start3A_81 = tpu.memref_slice %arg5[%dma_start3A_80] : memref<38912xf32, #tpu.memory_space<vmem>> -> memref<2048xf32, #tpu.memory_space<vmem>>
    %dma_start3A_82 = tpu.memref_slice %arg2[%add3A_76] : memref<39845888xf32, #tpu.memory_space<hbm>> -> memref<2048xf32, #tpu.memory_space<hbm>>
    tpu.enqueue_dma source(%dma_start3A_82 : memref<2048xf32, #tpu.memory_space<hbm>>) target(%dma_start3A_81 : memref<2048xf32, #tpu.memory_space<vmem>>) target_semaphore(%arg10 : memref<!tpu.dma_semaphore, #tpu.memory_space<semaphore_mem>>)
    %add3A_83 = arith.constant 2359296 : i32
    %add3A_84 = arith.addi %add3A_83, %add3A_11 : i32
    %dma_start3A_85 = arith.constant 18432 : i32
    %dma_start3A_86 = tpu.memref_slice %arg5[%dma_start3A_85] : memref<38912xf32, #tpu.memory_space<vmem>> -> memref<2048xf32, #tpu.memory_space<vmem>>
    %dma_start3A_87 = tpu.memref_slice %arg2[%add3A_84] : memref<39845888xf32, #tpu.memory_space<hbm>> -> memref<2048xf32, #tpu.memory_space<hbm>>
    %dma_start3A_88 = arith.constant 18432 : i32
    %dma_start3A_89 = tpu.memref_slice %arg5[%dma_start3A_88] : memref<38912xf32, #tpu.memory_space<vmem>> -> memref<2048xf32, #tpu.memory_space<vmem>>
    %dma_start3A_90 = tpu.memref_slice %arg2[%add3A_84] : memref<39845888xf32, #tpu.memory_space<hbm>> -> memref<2048xf32, #tpu.memory_space<hbm>>
    tpu.enqueue_dma source(%dma_start3A_90 : memref<2048xf32, #tpu.memory_space<hbm>>) target(%dma_start3A_89 : memref<2048xf32, #tpu.memory_space<vmem>>) target_semaphore(%arg10 : memref<!tpu.dma_semaphore, #tpu.memory_space<semaphore_mem>>)
    %add3A_91 = arith.constant 2621440 : i32
    %add3A_92 = arith.addi %add3A_91, %add3A_11 : i32
    %dma_start3A_93 = arith.constant 20480 : i32
    %dma_start3A_94 = tpu.memref_slice %arg5[%dma_start3A_93] : memref<38912xf32, #tpu.memory_space<vmem>> -> memref<2048xf32, #tpu.memory_space<vmem>>
    %dma_start3A_95 = tpu.memref_slice %arg2[%add3A_92] : memref<39845888xf32, #tpu.memory_space<hbm>> -> memref<2048xf32, #tpu.memory_space<hbm>>
    %dma_start3A_96 = arith.constant 20480 : i32
    %dma_start3A_97 = tpu.memref_slice %arg5[%dma_start3A_96] : memref<38912xf32, #tpu.memory_space<vmem>> -> memref<2048xf32, #tpu.memory_space<vmem>>
    %dma_start3A_98 = tpu.memref_slice %arg2[%add3A_92] : memref<39845888xf32, #tpu.memory_space<hbm>> -> memref<2048xf32, #tpu.memory_space<hbm>>
    tpu.enqueue_dma source(%dma_start3A_98 : memref<2048xf32, #tpu.memory_space<hbm>>) target(%dma_start3A_97 : memref<2048xf32, #tpu.memory_space<vmem>>) target_semaphore(%arg10 : memref<!tpu.dma_semaphore, #tpu.memory_space<semaphore_mem>>)
    %add3A_99 = arith.constant 2883584 : i32
    %add3A_100 = arith.addi %add3A_99, %add3A_11 : i32
    %dma_start3A_101 = arith.constant 22528 : i32
    %dma_start3A_102 = tpu.memref_slice %arg5[%dma_start3A_101] : memref<38912xf32, #tpu.memory_space<vmem>> -> memref<2048xf32, #tpu.memory_space<vmem>>
    %dma_start3A_103 = tpu.memref_slice %arg2[%add3A_100] : memref<39845888xf32, #tpu.memory_space<hbm>> -> memref<2048xf32, #tpu.memory_space<hbm>>
    %dma_start3A_104 = arith.constant 22528 : i32
    %dma_start3A_105 = tpu.memref_slice %arg5[%dma_start3A_104] : memref<38912xf32, #tpu.memory_space<vmem>> -> memref<2048xf32, #tpu.memory_space<vmem>>
    %dma_start3A_106 = tpu.memref_slice %arg2[%add3A_100] : memref<39845888xf32, #tpu.memory_space<hbm>> -> memref<2048xf32, #tpu.memory_space<hbm>>
    tpu.enqueue_dma source(%dma_start3A_106 : memref<2048xf32, #tpu.memory_space<hbm>>) target(%dma_start3A_105 : memref<2048xf32, #tpu.memory_space<vmem>>) target_semaphore(%arg10 : memref<!tpu.dma_semaphore, #tpu.memory_space<semaphore_mem>>)
    %add3A_107 = arith.constant 3145728 : i32
    %add3A_108 = arith.addi %add3A_107, %add3A_11 : i32
    %dma_start3A_109 = arith.constant 24576 : i32
    %dma_start3A_110 = tpu.memref_slice %arg5[%dma_start3A_109] : memref<38912xf32, #tpu.memory_space<vmem>> -> memref<2048xf32, #tpu.memory_space<vmem>>
    %dma_start3A_111 = tpu.memref_slice %arg2[%add3A_108] : memref<39845888xf32, #tpu.memory_space<hbm>> -> memref<2048xf32, #tpu.memory_space<hbm>>
    %dma_start3A_112 = arith.constant 24576 : i32
    %dma_start3A_113 = tpu.memref_slice %arg5[%dma_start3A_112] : memref<38912xf32, #tpu.memory_space<vmem>> -> memref<2048xf32, #tpu.memory_space<vmem>>
    %dma_start3A_114 = tpu.memref_slice %arg2[%add3A_108] : memref<39845888xf32, #tpu.memory_space<hbm>> -> memref<2048xf32, #tpu.memory_space<hbm>>
    tpu.enqueue_dma source(%dma_start3A_114 : memref<2048xf32, #tpu.memory_space<hbm>>) target(%dma_start3A_113 : memref<2048xf32, #tpu.memory_space<vmem>>) target_semaphore(%arg10 : memref<!tpu.dma_semaphore, #tpu.memory_space<semaphore_mem>>)
    %add3A_115 = arith.constant 3407872 : i32
    %add3A_116 = arith.addi %add3A_115, %add3A_11 : i32
    %dma_start3A_117 = arith.constant 26624 : i32
    %dma_start3A_118 = tpu.memref_slice %arg5[%dma_start3A_117] : memref<38912xf32, #tpu.memory_space<vmem>> -> memref<2048xf32, #tpu.memory_space<vmem>>
    %dma_start3A_119 = tpu.memref_slice %arg2[%add3A_116] : memref<39845888xf32, #tpu.memory_space<hbm>> -> memref<2048xf32, #tpu.memory_space<hbm>>
    %dma_start3A_120 = arith.constant 26624 : i32
    %dma_start3A_121 = tpu.memref_slice %arg5[%dma_start3A_120] : memref<38912xf32, #tpu.memory_space<vmem>> -> memref<2048xf32, #tpu.memory_space<vmem>>
    %dma_start3A_122 = tpu.memref_slice %arg2[%add3A_116] : memref<39845888xf32, #tpu.memory_space<hbm>> -> memref<2048xf32, #tpu.memory_space<hbm>>
    tpu.enqueue_dma source(%dma_start3A_122 : memref<2048xf32, #tpu.memory_space<hbm>>) target(%dma_start3A_121 : memref<2048xf32, #tpu.memory_space<vmem>>) target_semaphore(%arg10 : memref<!tpu.dma_semaphore, #tpu.memory_space<semaphore_mem>>)
    %add3A_123 = arith.constant 3670016 : i32
    %add3A_124 = arith.addi %add3A_123, %add3A_11 : i32
    %dma_start3A_125 = arith.constant 28672 : i32
    %dma_start3A_126 = tpu.memref_slice %arg5[%dma_start3A_125] : memref<38912xf32, #tpu.memory_space<vmem>> -> memref<2048xf32, #tpu.memory_space<vmem>>
    %dma_start3A_127 = tpu.memref_slice %arg2[%add3A_124] : memref<39845888xf32, #tpu.memory_space<hbm>> -> memref<2048xf32, #tpu.memory_space<hbm>>
    %dma_start3A_128 = arith.constant 28672 : i32
    %dma_start3A_129 = tpu.memref_slice %arg5[%dma_start3A_128] : memref<38912xf32, #tpu.memory_space<vmem>> -> memref<2048xf32, #tpu.memory_space<vmem>>
    %dma_start3A_130 = tpu.memref_slice %arg2[%add3A_124] : memref<39845888xf32, #tpu.memory_space<hbm>> -> memref<2048xf32, #tpu.memory_space<hbm>>
    tpu.enqueue_dma source(%dma_start3A_130 : memref<2048xf32, #tpu.memory_space<hbm>>) target(%dma_start3A_129 : memref<2048xf32, #tpu.memory_space<vmem>>) target_semaphore(%arg10 : memref<!tpu.dma_semaphore, #tpu.memory_space<semaphore_mem>>)
    %add3A_131 = arith.constant 3932160 : i32
    %add3A_132 = arith.addi %add3A_131, %add3A_11 : i32
    %dma_start3A_133 = arith.constant 30720 : i32
    %dma_start3A_134 = tpu.memref_slice %arg5[%dma_start3A_133] : memref<38912xf32, #tpu.memory_space<vmem>> -> memref<2048xf32, #tpu.memory_space<vmem>>
    %dma_start3A_135 = tpu.memref_slice %arg2[%add3A_132] : memref<39845888xf32, #tpu.memory_space<hbm>> -> memref<2048xf32, #tpu.memory_space<hbm>>
    %dma_start3A_136 = arith.constant 30720 : i32
    %dma_start3A_137 = tpu.memref_slice %arg5[%dma_start3A_136] : memref<38912xf32, #tpu.memory_space<vmem>> -> memref<2048xf32, #tpu.memory_space<vmem>>
    %dma_start3A_138 = tpu.memref_slice %arg2[%add3A_132] : memref<39845888xf32, #tpu.memory_space<hbm>> -> memref<2048xf32, #tpu.memory_space<hbm>>
    tpu.enqueue_dma source(%dma_start3A_138 : memref<2048xf32, #tpu.memory_space<hbm>>) target(%dma_start3A_137 : memref<2048xf32, #tpu.memory_space<vmem>>) target_semaphore(%arg10 : memref<!tpu.dma_semaphore, #tpu.memory_space<semaphore_mem>>)
    %add3A_139 = arith.constant 4194304 : i32
    %add3A_140 = arith.addi %add3A_139, %add3A_11 : i32
    %dma_start3A_141 = arith.constant 32768 : i32
    %dma_start3A_142 = tpu.memref_slice %arg5[%dma_start3A_141] : memref<38912xf32, #tpu.memory_space<vmem>> -> memref<2048xf32, #tpu.memory_space<vmem>>
    %dma_start3A_143 = tpu.memref_slice %arg2[%add3A_140] : memref<39845888xf32, #tpu.memory_space<hbm>> -> memref<2048xf32, #tpu.memory_space<hbm>>
    %dma_start3A_144 = arith.constant 32768 : i32
    %dma_start3A_145 = tpu.memref_slice %arg5[%dma_start3A_144] : memref<38912xf32, #tpu.memory_space<vmem>> -> memref<2048xf32, #tpu.memory_space<vmem>>
    %dma_start3A_146 = tpu.memref_slice %arg2[%add3A_140] : memref<39845888xf32, #tpu.memory_space<hbm>> -> memref<2048xf32, #tpu.memory_space<hbm>>
    tpu.enqueue_dma source(%dma_start3A_146 : memref<2048xf32, #tpu.memory_space<hbm>>) target(%dma_start3A_145 : memref<2048xf32, #tpu.memory_space<vmem>>) target_semaphore(%arg10 : memref<!tpu.dma_semaphore, #tpu.memory_space<semaphore_mem>>)
    %add3A_147 = arith.constant 4456448 : i32
    %add3A_148 = arith.addi %add3A_147, %add3A_11 : i32
    %dma_start3A_149 = arith.constant 34816 : i32
    %dma_start3A_150 = tpu.memref_slice %arg5[%dma_start3A_149] : memref<38912xf32, #tpu.memory_space<vmem>> -> memref<2048xf32, #tpu.memory_space<vmem>>
    %dma_start3A_151 = tpu.memref_slice %arg2[%add3A_148] : memref<39845888xf32, #tpu.memory_space<hbm>> -> memref<2048xf32, #tpu.memory_space<hbm>>
    %dma_start3A_152 = arith.constant 34816 : i32
    %dma_start3A_153 = tpu.memref_slice %arg5[%dma_start3A_152] : memref<38912xf32, #tpu.memory_space<vmem>> -> memref<2048xf32, #tpu.memory_space<vmem>>
    %dma_start3A_154 = tpu.memref_slice %arg2[%add3A_148] : memref<39845888xf32, #tpu.memory_space<hbm>> -> memref<2048xf32, #tpu.memory_space<hbm>>
    tpu.enqueue_dma source(%dma_start3A_154 : memref<2048xf32, #tpu.memory_space<hbm>>) target(%dma_start3A_153 : memref<2048xf32, #tpu.memory_space<vmem>>) target_semaphore(%arg10 : memref<!tpu.dma_semaphore, #tpu.memory_space<semaphore_mem>>)
    %add3A_155 = arith.constant 4718592 : i32
    %add3A_156 = arith.addi %add3A_155, %add3A_11 : i32
    %dma_start3A_157 = arith.constant 36864 : i32
    %dma_start3A_158 = tpu.memref_slice %arg5[%dma_start3A_157] : memref<38912xf32, #tpu.memory_space<vmem>> -> memref<2048xf32, #tpu.memory_space<vmem>>
    %dma_start3A_159 = tpu.memref_slice %arg2[%add3A_156] : memref<39845888xf32, #tpu.memory_space<hbm>> -> memref<2048xf32, #tpu.memory_space<hbm>>
    %dma_start3A_160 = arith.constant 36864 : i32
    %dma_start3A_161 = tpu.memref_slice %arg5[%dma_start3A_160] : memref<38912xf32, #tpu.memory_space<vmem>> -> memref<2048xf32, #tpu.memory_space<vmem>>
    %dma_start3A_162 = tpu.memref_slice %arg2[%add3A_156] : memref<39845888xf32, #tpu.memory_space<hbm>> -> memref<2048xf32, #tpu.memory_space<hbm>>
    tpu.enqueue_dma source(%dma_start3A_162 : memref<2048xf32, #tpu.memory_space<hbm>>) target(%dma_start3A_161 : memref<2048xf32, #tpu.memory_space<vmem>>) target_semaphore(%arg10 : memref<!tpu.dma_semaphore, #tpu.memory_space<semaphore_mem>>)
    %add3A_163 = arith.constant 0 : i32
    %add3A_164 = arith.addi %add3A_163, %add3A_11 : i32
    %dma_start3A_165 = tpu.memref_slice %arg3[%add3A_164] : memref<2097152xi32, #tpu.memory_space<hbm>> -> memref<2048xi32, #tpu.memory_space<hbm>>
    %dma_start3A_166 = tpu.memref_slice %arg3[%add3A_164] : memref<2097152xi32, #tpu.memory_space<hbm>> -> memref<2048xi32, #tpu.memory_space<hbm>>
    tpu.enqueue_dma source(%dma_start3A_166 : memref<2048xi32, #tpu.memory_space<hbm>>) target(%arg6 : memref<2048xi32, #tpu.memory_space<vmem>>) target_semaphore(%arg10 : memref<!tpu.dma_semaphore, #tpu.memory_space<semaphore_mem>>)
    %scan3A_167 = arith.constant 2.048000e+03 : f32
    %scan3A_168 = arith.constant 0 : i32
    %scan3A_169 = arith.constant 0 : i32
    %scan3A_170 = arith.constant 16 : i32
    %scan3A_171 = arith.addi %scan3A_169, %scan3A_170 : i32
    %scan3A_172 = arith.constant 1 : i32
    %scan3A_173 = scf.for %scan3A_184 = %scan3A_169 to %scan3A_171 step %scan3A_172 iter_args(%scan3A_185 = %scan3A_168) -> (i32)  : i32 {
      %mul3A_186 = arith.constant 2 : i32
      %mul3A_187 = arith.muli %mul3A_186, %scan3A_184 : i32
      %add3A_188 = arith.constant 1 : i32
      %add3A_189 = arith.addi %mul3A_187, %add3A_188 : i32
      %jit3A = arith.constant 4 : i32
      %div3A = arith.divsi %add3A_189, %jit3A : i32
      %sign3A = arith.constant 0 : i32
      %sign3A_190 = arith.cmpi sgt, %add3A_189, %sign3A : i32
      %sign3A_191 = arith.extui %sign3A_190 : i1 to i32
      %sign3A_192 = arith.constant 0 : i32
      %sign3A_193 = arith.cmpi slt, %add3A_189, %sign3A_192 : i32
      %sign3A_194 = arith.extui %sign3A_193 : i1 to i32
      %sign3A_195 = arith.subi %sign3A_191, %sign3A_194 : i32
      %sign3A_196 = arith.constant 0 : i32
      %sign3A_197 = arith.cmpi sgt, %jit3A, %sign3A_196 : i32
      %sign3A_198 = arith.extui %sign3A_197 : i1 to i32
      %sign3A_199 = arith.constant 0 : i32
      %sign3A_200 = arith.cmpi slt, %jit3A, %sign3A_199 : i32
      %sign3A_201 = arith.extui %sign3A_200 : i1 to i32
      %sign3A_202 = arith.subi %sign3A_198, %sign3A_201 : i32
      %ne3A = arith.cmpi ne, %sign3A_195, %sign3A_202 : i32
      %rem3A = arith.remsi %add3A_189, %jit3A : i32
      %ne3A_203 = arith.constant 0 : i32
      %ne3A_204 = arith.cmpi ne, %rem3A, %ne3A_203 : i32
      %and3A = arith.andi %ne3A, %ne3A_204 : i1
      %sub3A = arith.constant 1 : i32
      %sub3A_205 = arith.subi %div3A, %sub3A : i32
      %select_n3A = arith.select %and3A, %sub3A_205, %div3A : i32
      %jit3A_206 = arith.constant 4 : i32
      %eq3A = arith.constant 0 : i32
      %eq3A_207 = arith.cmpi eq, %jit3A_206, %eq3A : i32
      %jit3A_208 = arith.constant 1 : i32
      %select_n3A_209 = arith.select %eq3A_207, %jit3A_208, %jit3A_206 : i32
      %rem3A_210 = arith.remsi %add3A_189, %select_n3A_209 : i32
      %ne3A_211 = arith.constant 0 : i32
      %ne3A_212 = arith.cmpi ne, %rem3A_210, %ne3A_211 : i32
      %lt3A = arith.constant 0 : i32
      %lt3A_213 = arith.cmpi slt, %rem3A_210, %lt3A : i32
      %lt3A_214 = arith.constant 0 : i32
      %lt3A_215 = arith.cmpi slt, %select_n3A_209, %lt3A_214 : i32
      %ne3A_216 = arith.xori %lt3A_213, %lt3A_215 : i1
      %and3A_217 = arith.andi %ne3A_216, %ne3A_212 : i1
      %add3A_218 = arith.addi %rem3A_210, %select_n3A_209 : i32
      %select_n3A_219 = arith.select %and3A_217, %add3A_218, %rem3A_210 : i32
      %mul3A_220 = arith.constant 8192 : i32
      %mul3A_221 = arith.muli %add3A, %mul3A_220 : i32
      %mul3A_222 = arith.constant 2048 : i32
      %mul3A_223 = arith.muli %select_n3A_219, %mul3A_222 : i32
      %add3A_224 = arith.addi %mul3A_221, %mul3A_223 : i32
      %mul3A_225 = arith.constant 19 : i32
      %mul3A_226 = arith.muli %select_n3A, %mul3A_225 : i32
      %add3A_227 = arith.constant 0 : i32
      %add3A_228 = arith.addi %mul3A_226, %add3A_227 : i32
      %mul3A_229 = arith.constant 262144 : i32
      %mul3A_230 = arith.muli %add3A_228, %mul3A_229 : i32
      %add3A_231 = arith.addi %mul3A_230, %add3A_224 : i32
      %dma_start3A_232 = arith.constant 0 : i32
      %dma_start3A_233 = tpu.memref_slice %arg7[%dma_start3A_232] : memref<38912xf32, #tpu.memory_space<vmem>> -> memref<2048xf32, #tpu.memory_space<vmem>>
      %dma_start3A_234 = tpu.memref_slice %arg2[%add3A_231] : memref<39845888xf32, #tpu.memory_space<hbm>> -> memref<2048xf32, #tpu.memory_space<hbm>>
      %dma_start3A_235 = arith.constant 0 : i32
      %dma_start3A_236 = tpu.memref_slice %arg7[%dma_start3A_235] : memref<38912xf32, #tpu.memory_space<vmem>> -> memref<2048xf32, #tpu.memory_space<vmem>>
      %dma_start3A_237 = tpu.memref_slice %arg2[%add3A_231] : memref<39845888xf32, #tpu.memory_space<hbm>> -> memref<2048xf32, #tpu.memory_space<hbm>>
      tpu.enqueue_dma source(%dma_start3A_237 : memref<2048xf32, #tpu.memory_space<hbm>>) target(%dma_start3A_236 : memref<2048xf32, #tpu.memory_space<vmem>>) target_semaphore(%arg11 : memref<!tpu.dma_semaphore, #tpu.memory_space<semaphore_mem>>)
      %mul3A_238 = arith.constant 19 : i32
      %mul3A_239 = arith.muli %select_n3A, %mul3A_238 : i32
      %add3A_240 = arith.constant 1 : i32
      %add3A_241 = arith.addi %mul3A_239, %add3A_240 : i32
      %mul3A_242 = arith.constant 262144 : i32
      %mul3A_243 = arith.muli %add3A_241, %mul3A_242 : i32
      %add3A_244 = arith.addi %mul3A_243, %add3A_224 : i32
      %dma_start3A_245 = arith.constant 2048 : i32
      %dma_start3A_246 = tpu.memref_slice %arg7[%dma_start3A_245] : memref<38912xf32, #tpu.memory_space<vmem>> -> memref<2048xf32, #tpu.memory_space<vmem>>
      %dma_start3A_247 = tpu.memref_slice %arg2[%add3A_244] : memref<39845888xf32, #tpu.memory_space<hbm>> -> memref<2048xf32, #tpu.memory_space<hbm>>
      %dma_start3A_248 = arith.constant 2048 : i32
      %dma_start3A_249 = tpu.memref_slice %arg7[%dma_start3A_248] : memref<38912xf32, #tpu.memory_space<vmem>> -> memref<2048xf32, #tpu.memory_space<vmem>>
      %dma_start3A_250 = tpu.memref_slice %arg2[%add3A_244] : memref<39845888xf32, #tpu.memory_space<hbm>> -> memref<2048xf32, #tpu.memory_space<hbm>>
      tpu.enqueue_dma source(%dma_start3A_250 : memref<2048xf32, #tpu.memory_space<hbm>>) target(%dma_start3A_249 : memref<2048xf32, #tpu.memory_space<vmem>>) target_semaphore(%arg11 : memref<!tpu.dma_semaphore, #tpu.memory_space<semaphore_mem>>)
      %mul3A_251 = arith.constant 19 : i32
      %mul3A_252 = arith.muli %select_n3A, %mul3A_251 : i32
      %add3A_253 = arith.constant 2 : i32
      %add3A_254 = arith.addi %mul3A_252, %add3A_253 : i32
      %mul3A_255 = arith.constant 262144 : i32
      %mul3A_256 = arith.muli %add3A_254, %mul3A_255 : i32
      %add3A_257 = arith.addi %mul3A_256, %add3A_224 : i32
      %dma_start3A_258 = arith.constant 4096 : i32
      %dma_start3A_259 = tpu.memref_slice %arg7[%dma_start3A_258] : memref<38912xf32, #tpu.memory_space<vmem>> -> memref<2048xf32, #tpu.memory_space<vmem>>
      %dma_start3A_260 = tpu.memref_slice %arg2[%add3A_257] : memref<39845888xf32, #tpu.memory_space<hbm>> -> memref<2048xf32, #tpu.memory_space<hbm>>
      %dma_start3A_261 = arith.constant 4096 : i32
      %dma_start3A_262 = tpu.memref_slice %arg7[%dma_start3A_261] : memref<38912xf32, #tpu.memory_space<vmem>> -> memref<2048xf32, #tpu.memory_space<vmem>>
      %dma_start3A_263 = tpu.memref_slice %arg2[%add3A_257] : memref<39845888xf32, #tpu.memory_space<hbm>> -> memref<2048xf32, #tpu.memory_space<hbm>>
      tpu.enqueue_dma source(%dma_start3A_263 : memref<2048xf32, #tpu.memory_space<hbm>>) target(%dma_start3A_262 : memref<2048xf32, #tpu.memory_space<vmem>>) target_semaphore(%arg11 : memref<!tpu.dma_semaphore, #tpu.memory_space<semaphore_mem>>)
      %mul3A_264 = arith.constant 19 : i32
      %mul3A_265 = arith.muli %select_n3A, %mul3A_264 : i32
      %add3A_266 = arith.constant 3 : i32
      %add3A_267 = arith.addi %mul3A_265, %add3A_266 : i32
      %mul3A_268 = arith.constant 262144 : i32
      %mul3A_269 = arith.muli %add3A_267, %mul3A_268 : i32
      %add3A_270 = arith.addi %mul3A_269, %add3A_224 : i32
      %dma_start3A_271 = arith.constant 6144 : i32
      %dma_start3A_272 = tpu.memref_slice %arg7[%dma_start3A_271] : memref<38912xf32, #tpu.memory_space<vmem>> -> memref<2048xf32, #tpu.memory_space<vmem>>
      %dma_start3A_273 = tpu.memref_slice %arg2[%add3A_270] : memref<39845888xf32, #tpu.memory_space<hbm>> -> memref<2048xf32, #tpu.memory_space<hbm>>
      %dma_start3A_274 = arith.constant 6144 : i32
      %dma_start3A_275 = tpu.memref_slice %arg7[%dma_start3A_274] : memref<38912xf32, #tpu.memory_space<vmem>> -> memref<2048xf32, #tpu.memory_space<vmem>>
      %dma_start3A_276 = tpu.memref_slice %arg2[%add3A_270] : memref<39845888xf32, #tpu.memory_space<hbm>> -> memref<2048xf32, #tpu.memory_space<hbm>>
      tpu.enqueue_dma source(%dma_start3A_276 : memref<2048xf32, #tpu.memory_space<hbm>>) target(%dma_start3A_275 : memref<2048xf32, #tpu.memory_space<vmem>>) target_semaphore(%arg11 : memref<!tpu.dma_semaphore, #tpu.memory_space<semaphore_mem>>)
      %mul3A_277 = arith.constant 19 : i32
      %mul3A_278 = arith.muli %select_n3A, %mul3A_277 : i32
      %add3A_279 = arith.constant 4 : i32
      %add3A_280 = arith.addi %mul3A_278, %add3A_279 : i32
      %mul3A_281 = arith.constant 262144 : i32
      %mul3A_282 = arith.muli %add3A_280, %mul3A_281 : i32
      %add3A_283 = arith.addi %mul3A_282, %add3A_224 : i32
      %dma_start3A_284 = arith.constant 8192 : i32
      %dma_start3A_285 = tpu.memref_slice %arg7[%dma_start3A_284] : memref<38912xf32, #tpu.memory_space<vmem>> -> memref<2048xf32, #tpu.memory_space<vmem>>
      %dma_start3A_286 = tpu.memref_slice %arg2[%add3A_283] : memref<39845888xf32, #tpu.memory_space<hbm>> -> memref<2048xf32, #tpu.memory_space<hbm>>
      %dma_start3A_287 = arith.constant 8192 : i32
      %dma_start3A_288 = tpu.memref_slice %arg7[%dma_start3A_287] : memref<38912xf32, #tpu.memory_space<vmem>> -> memref<2048xf32, #tpu.memory_space<vmem>>
      %dma_start3A_289 = tpu.memref_slice %arg2[%add3A_283] : memref<39845888xf32, #tpu.memory_space<hbm>> -> memref<2048xf32, #tpu.memory_space<hbm>>
      tpu.enqueue_dma source(%dma_start3A_289 : memref<2048xf32, #tpu.memory_space<hbm>>) target(%dma_start3A_288 : memref<2048xf32, #tpu.memory_space<vmem>>) target_semaphore(%arg11 : memref<!tpu.dma_semaphore, #tpu.memory_space<semaphore_mem>>)
      %mul3A_290 = arith.constant 19 : i32
      %mul3A_291 = arith.muli %select_n3A, %mul3A_290 : i32
      %add3A_292 = arith.constant 5 : i32
      %add3A_293 = arith.addi %mul3A_291, %add3A_292 : i32
      %mul3A_294 = arith.constant 262144 : i32
      %mul3A_295 = arith.muli %add3A_293, %mul3A_294 : i32
      %add3A_296 = arith.addi %mul3A_295, %add3A_224 : i32
      %dma_start3A_297 = arith.constant 10240 : i32
      %dma_start3A_298 = tpu.memref_slice %arg7[%dma_start3A_297] : memref<38912xf32, #tpu.memory_space<vmem>> -> memref<2048xf32, #tpu.memory_space<vmem>>
      %dma_start3A_299 = tpu.memref_slice %arg2[%add3A_296] : memref<39845888xf32, #tpu.memory_space<hbm>> -> memref<2048xf32, #tpu.memory_space<hbm>>
      %dma_start3A_300 = arith.constant 10240 : i32
      %dma_start3A_301 = tpu.memref_slice %arg7[%dma_start3A_300] : memref<38912xf32, #tpu.memory_space<vmem>> -> memref<2048xf32, #tpu.memory_space<vmem>>
      %dma_start3A_302 = tpu.memref_slice %arg2[%add3A_296] : memref<39845888xf32, #tpu.memory_space<hbm>> -> memref<2048xf32, #tpu.memory_space<hbm>>
      tpu.enqueue_dma source(%dma_start3A_302 : memref<2048xf32, #tpu.memory_space<hbm>>) target(%dma_start3A_301 : memref<2048xf32, #tpu.memory_space<vmem>>) target_semaphore(%arg11 : memref<!tpu.dma_semaphore, #tpu.memory_space<semaphore_mem>>)
      %mul3A_303 = arith.constant 19 : i32
      %mul3A_304 = arith.muli %select_n3A, %mul3A_303 : i32
      %add3A_305 = arith.constant 6 : i32
      %add3A_306 = arith.addi %mul3A_304, %add3A_305 : i32
      %mul3A_307 = arith.constant 262144 : i32
      %mul3A_308 = arith.muli %add3A_306, %mul3A_307 : i32
      %add3A_309 = arith.addi %mul3A_308, %add3A_224 : i32
      %dma_start3A_310 = arith.constant 12288 : i32
      %dma_start3A_311 = tpu.memref_slice %arg7[%dma_start3A_310] : memref<38912xf32, #tpu.memory_space<vmem>> -> memref<2048xf32, #tpu.memory_space<vmem>>
      %dma_start3A_312 = tpu.memref_slice %arg2[%add3A_309] : memref<39845888xf32, #tpu.memory_space<hbm>> -> memref<2048xf32, #tpu.memory_space<hbm>>
      %dma_start3A_313 = arith.constant 12288 : i32
      %dma_start3A_314 = tpu.memref_slice %arg7[%dma_start3A_313] : memref<38912xf32, #tpu.memory_space<vmem>> -> memref<2048xf32, #tpu.memory_space<vmem>>
      %dma_start3A_315 = tpu.memref_slice %arg2[%add3A_309] : memref<39845888xf32, #tpu.memory_space<hbm>> -> memref<2048xf32, #tpu.memory_space<hbm>>
      tpu.enqueue_dma source(%dma_start3A_315 : memref<2048xf32, #tpu.memory_space<hbm>>) target(%dma_start3A_314 : memref<2048xf32, #tpu.memory_space<vmem>>) target_semaphore(%arg11 : memref<!tpu.dma_semaphore, #tpu.memory_space<semaphore_mem>>)
      %mul3A_316 = arith.constant 19 : i32
      %mul3A_317 = arith.muli %select_n3A, %mul3A_316 : i32
      %add3A_318 = arith.constant 7 : i32
      %add3A_319 = arith.addi %mul3A_317, %add3A_318 : i32
      %mul3A_320 = arith.constant 262144 : i32
      %mul3A_321 = arith.muli %add3A_319, %mul3A_320 : i32
      %add3A_322 = arith.addi %mul3A_321, %add3A_224 : i32
      %dma_start3A_323 = arith.constant 14336 : i32
      %dma_start3A_324 = tpu.memref_slice %arg7[%dma_start3A_323] : memref<38912xf32, #tpu.memory_space<vmem>> -> memref<2048xf32, #tpu.memory_space<vmem>>
      %dma_start3A_325 = tpu.memref_slice %arg2[%add3A_322] : memref<39845888xf32, #tpu.memory_space<hbm>> -> memref<2048xf32, #tpu.memory_space<hbm>>
      %dma_start3A_326 = arith.constant 14336 : i32
      %dma_start3A_327 = tpu.memref_slice %arg7[%dma_start3A_326] : memref<38912xf32, #tpu.memory_space<vmem>> -> memref<2048xf32, #tpu.memory_space<vmem>>
      %dma_start3A_328 = tpu.memref_slice %arg2[%add3A_322] : memref<39845888xf32, #tpu.memory_space<hbm>> -> memref<2048xf32, #tpu.memory_space<hbm>>
      tpu.enqueue_dma source(%dma_start3A_328 : memref<2048xf32, #tpu.memory_space<hbm>>) target(%dma_start3A_327 : memref<2048xf32, #tpu.memory_space<vmem>>) target_semaphore(%arg11 : memref<!tpu.dma_semaphore, #tpu.memory_space<semaphore_mem>>)
      %mul3A_329 = arith.constant 19 : i32
      %mul3A_330 = arith.muli %select_n3A, %mul3A_329 : i32
      %add3A_331 = arith.constant 8 : i32
      %add3A_332 = arith.addi %mul3A_330, %add3A_331 : i32
      %mul3A_333 = arith.constant 262144 : i32
      %mul3A_334 = arith.muli %add3A_332, %mul3A_333 : i32
      %add3A_335 = arith.addi %mul3A_334, %add3A_224 : i32
      %dma_start3A_336 = arith.constant 16384 : i32
      %dma_start3A_337 = tpu.memref_slice %arg7[%dma_start3A_336] : memref<38912xf32, #tpu.memory_space<vmem>> -> memref<2048xf32, #tpu.memory_space<vmem>>
      %dma_start3A_338 = tpu.memref_slice %arg2[%add3A_335] : memref<39845888xf32, #tpu.memory_space<hbm>> -> memref<2048xf32, #tpu.memory_space<hbm>>
      %dma_start3A_339 = arith.constant 16384 : i32
      %dma_start3A_340 = tpu.memref_slice %arg7[%dma_start3A_339] : memref<38912xf32, #tpu.memory_space<vmem>> -> memref<2048xf32, #tpu.memory_space<vmem>>
      %dma_start3A_341 = tpu.memref_slice %arg2[%add3A_335] : memref<39845888xf32, #tpu.memory_space<hbm>> -> memref<2048xf32, #tpu.memory_space<hbm>>
      tpu.enqueue_dma source(%dma_start3A_341 : memref<2048xf32, #tpu.memory_space<hbm>>) target(%dma_start3A_340 : memref<2048xf32, #tpu.memory_space<vmem>>) target_semaphore(%arg11 : memref<!tpu.dma_semaphore, #tpu.memory_space<semaphore_mem>>)
      %mul3A_342 = arith.constant 19 : i32
      %mul3A_343 = arith.muli %select_n3A, %mul3A_342 : i32
      %add3A_344 = arith.constant 9 : i32
      %add3A_345 = arith.addi %mul3A_343, %add3A_344 : i32
      %mul3A_346 = arith.constant 262144 : i32
      %mul3A_347 = arith.muli %add3A_345, %mul3A_346 : i32
      %add3A_348 = arith.addi %mul3A_347, %add3A_224 : i32
      %dma_start3A_349 = arith.constant 18432 : i32
      %dma_start3A_350 = tpu.memref_slice %arg7[%dma_start3A_349] : memref<38912xf32, #tpu.memory_space<vmem>> -> memref<2048xf32, #tpu.memory_space<vmem>>
      %dma_start3A_351 = tpu.memref_slice %arg2[%add3A_348] : memref<39845888xf32, #tpu.memory_space<hbm>> -> memref<2048xf32, #tpu.memory_space<hbm>>
      %dma_start3A_352 = arith.constant 18432 : i32
      %dma_start3A_353 = tpu.memref_slice %arg7[%dma_start3A_352] : memref<38912xf32, #tpu.memory_space<vmem>> -> memref<2048xf32, #tpu.memory_space<vmem>>
      %dma_start3A_354 = tpu.memref_slice %arg2[%add3A_348] : memref<39845888xf32, #tpu.memory_space<hbm>> -> memref<2048xf32, #tpu.memory_space<hbm>>
      tpu.enqueue_dma source(%dma_start3A_354 : memref<2048xf32, #tpu.memory_space<hbm>>) target(%dma_start3A_353 : memref<2048xf32, #tpu.memory_space<vmem>>) target_semaphore(%arg11 : memref<!tpu.dma_semaphore, #tpu.memory_space<semaphore_mem>>)
      %mul3A_355 = arith.constant 19 : i32
      %mul3A_356 = arith.muli %select_n3A, %mul3A_355 : i32
      %add3A_357 = arith.constant 10 : i32
      %add3A_358 = arith.addi %mul3A_356, %add3A_357 : i32
      %mul3A_359 = arith.constant 262144 : i32
      %mul3A_360 = arith.muli %add3A_358, %mul3A_359 : i32
      %add3A_361 = arith.addi %mul3A_360, %add3A_224 : i32
      %dma_start3A_362 = arith.constant 20480 : i32
      %dma_start3A_363 = tpu.memref_slice %arg7[%dma_start3A_362] : memref<38912xf32, #tpu.memory_space<vmem>> -> memref<2048xf32, #tpu.memory_space<vmem>>
      %dma_start3A_364 = tpu.memref_slice %arg2[%add3A_361] : memref<39845888xf32, #tpu.memory_space<hbm>> -> memref<2048xf32, #tpu.memory_space<hbm>>
      %dma_start3A_365 = arith.constant 20480 : i32
      %dma_start3A_366 = tpu.memref_slice %arg7[%dma_start3A_365] : memref<38912xf32, #tpu.memory_space<vmem>> -> memref<2048xf32, #tpu.memory_space<vmem>>
      %dma_start3A_367 = tpu.memref_slice %arg2[%add3A_361] : memref<39845888xf32, #tpu.memory_space<hbm>> -> memref<2048xf32, #tpu.memory_space<hbm>>
      tpu.enqueue_dma source(%dma_start3A_367 : memref<2048xf32, #tpu.memory_space<hbm>>) target(%dma_start3A_366 : memref<2048xf32, #tpu.memory_space<vmem>>) target_semaphore(%arg11 : memref<!tpu.dma_semaphore, #tpu.memory_space<semaphore_mem>>)
      %mul3A_368 = arith.constant 19 : i32
      %mul3A_369 = arith.muli %select_n3A, %mul3A_368 : i32
      %add3A_370 = arith.constant 11 : i32
      %add3A_371 = arith.addi %mul3A_369, %add3A_370 : i32
      %mul3A_372 = arith.constant 262144 : i32
      %mul3A_373 = arith.muli %add3A_371, %mul3A_372 : i32
      %add3A_374 = arith.addi %mul3A_373, %add3A_224 : i32
      %dma_start3A_375 = arith.constant 22528 : i32
      %dma_start3A_376 = tpu.memref_slice %arg7[%dma_start3A_375] : memref<38912xf32, #tpu.memory_space<vmem>> -> memref<2048xf32, #tpu.memory_space<vmem>>
      %dma_start3A_377 = tpu.memref_slice %arg2[%add3A_374] : memref<39845888xf32, #tpu.memory_space<hbm>> -> memref<2048xf32, #tpu.memory_space<hbm>>
      %dma_start3A_378 = arith.constant 22528 : i32
      %dma_start3A_379 = tpu.memref_slice %arg7[%dma_start3A_378] : memref<38912xf32, #tpu.memory_space<vmem>> -> memref<2048xf32, #tpu.memory_space<vmem>>
      %dma_start3A_380 = tpu.memref_slice %arg2[%add3A_374] : memref<39845888xf32, #tpu.memory_space<hbm>> -> memref<2048xf32, #tpu.memory_space<hbm>>
      tpu.enqueue_dma source(%dma_start3A_380 : memref<2048xf32, #tpu.memory_space<hbm>>) target(%dma_start3A_379 : memref<2048xf32, #tpu.memory_space<vmem>>) target_semaphore(%arg11 : memref<!tpu.dma_semaphore, #tpu.memory_space<semaphore_mem>>)
      %mul3A_381 = arith.constant 19 : i32
      %mul3A_382 = arith.muli %select_n3A, %mul3A_381 : i32
      %add3A_383 = arith.constant 12 : i32
      %add3A_384 = arith.addi %mul3A_382, %add3A_383 : i32
      %mul3A_385 = arith.constant 262144 : i32
      %mul3A_386 = arith.muli %add3A_384, %mul3A_385 : i32
      %add3A_387 = arith.addi %mul3A_386, %add3A_224 : i32
      %dma_start3A_388 = arith.constant 24576 : i32
      %dma_start3A_389 = tpu.memref_slice %arg7[%dma_start3A_388] : memref<38912xf32, #tpu.memory_space<vmem>> -> memref<2048xf32, #tpu.memory_space<vmem>>
      %dma_start3A_390 = tpu.memref_slice %arg2[%add3A_387] : memref<39845888xf32, #tpu.memory_space<hbm>> -> memref<2048xf32, #tpu.memory_space<hbm>>
      %dma_start3A_391 = arith.constant 24576 : i32
      %dma_start3A_392 = tpu.memref_slice %arg7[%dma_start3A_391] : memref<38912xf32, #tpu.memory_space<vmem>> -> memref<2048xf32, #tpu.memory_space<vmem>>
      %dma_start3A_393 = tpu.memref_slice %arg2[%add3A_387] : memref<39845888xf32, #tpu.memory_space<hbm>> -> memref<2048xf32, #tpu.memory_space<hbm>>
      tpu.enqueue_dma source(%dma_start3A_393 : memref<2048xf32, #tpu.memory_space<hbm>>) target(%dma_start3A_392 : memref<2048xf32, #tpu.memory_space<vmem>>) target_semaphore(%arg11 : memref<!tpu.dma_semaphore, #tpu.memory_space<semaphore_mem>>)
      %mul3A_394 = arith.constant 19 : i32
      %mul3A_395 = arith.muli %select_n3A, %mul3A_394 : i32
      %add3A_396 = arith.constant 13 : i32
      %add3A_397 = arith.addi %mul3A_395, %add3A_396 : i32
      %mul3A_398 = arith.constant 262144 : i32
      %mul3A_399 = arith.muli %add3A_397, %mul3A_398 : i32
      %add3A_400 = arith.addi %mul3A_399, %add3A_224 : i32
      %dma_start3A_401 = arith.constant 26624 : i32
      %dma_start3A_402 = tpu.memref_slice %arg7[%dma_start3A_401] : memref<38912xf32, #tpu.memory_space<vmem>> -> memref<2048xf32, #tpu.memory_space<vmem>>
      %dma_start3A_403 = tpu.memref_slice %arg2[%add3A_400] : memref<39845888xf32, #tpu.memory_space<hbm>> -> memref<2048xf32, #tpu.memory_space<hbm>>
      %dma_start3A_404 = arith.constant 26624 : i32
      %dma_start3A_405 = tpu.memref_slice %arg7[%dma_start3A_404] : memref<38912xf32, #tpu.memory_space<vmem>> -> memref<2048xf32, #tpu.memory_space<vmem>>
      %dma_start3A_406 = tpu.memref_slice %arg2[%add3A_400] : memref<39845888xf32, #tpu.memory_space<hbm>> -> memref<2048xf32, #tpu.memory_space<hbm>>
      tpu.enqueue_dma source(%dma_start3A_406 : memref<2048xf32, #tpu.memory_space<hbm>>) target(%dma_start3A_405 : memref<2048xf32, #tpu.memory_space<vmem>>) target_semaphore(%arg11 : memref<!tpu.dma_semaphore, #tpu.memory_space<semaphore_mem>>)
      %mul3A_407 = arith.constant 19 : i32
      %mul3A_408 = arith.muli %select_n3A, %mul3A_407 : i32
      %add3A_409 = arith.constant 14 : i32
      %add3A_410 = arith.addi %mul3A_408, %add3A_409 : i32
      %mul3A_411 = arith.constant 262144 : i32
      %mul3A_412 = arith.muli %add3A_410, %mul3A_411 : i32
      %add3A_413 = arith.addi %mul3A_412, %add3A_224 : i32
      %dma_start3A_414 = arith.constant 28672 : i32
      %dma_start3A_415 = tpu.memref_slice %arg7[%dma_start3A_414] : memref<38912xf32, #tpu.memory_space<vmem>> -> memref<2048xf32, #tpu.memory_space<vmem>>
      %dma_start3A_416 = tpu.memref_slice %arg2[%add3A_413] : memref<39845888xf32, #tpu.memory_space<hbm>> -> memref<2048xf32, #tpu.memory_space<hbm>>
      %dma_start3A_417 = arith.constant 28672 : i32
      %dma_start3A_418 = tpu.memref_slice %arg7[%dma_start3A_417] : memref<38912xf32, #tpu.memory_space<vmem>> -> memref<2048xf32, #tpu.memory_space<vmem>>
      %dma_start3A_419 = tpu.memref_slice %arg2[%add3A_413] : memref<39845888xf32, #tpu.memory_space<hbm>> -> memref<2048xf32, #tpu.memory_space<hbm>>
      tpu.enqueue_dma source(%dma_start3A_419 : memref<2048xf32, #tpu.memory_space<hbm>>) target(%dma_start3A_418 : memref<2048xf32, #tpu.memory_space<vmem>>) target_semaphore(%arg11 : memref<!tpu.dma_semaphore, #tpu.memory_space<semaphore_mem>>)
      %mul3A_420 = arith.constant 19 : i32
      %mul3A_421 = arith.muli %select_n3A, %mul3A_420 : i32
      %add3A_422 = arith.constant 15 : i32
      %add3A_423 = arith.addi %mul3A_421, %add3A_422 : i32
      %mul3A_424 = arith.constant 262144 : i32
      %mul3A_425 = arith.muli %add3A_423, %mul3A_424 : i32
      %add3A_426 = arith.addi %mul3A_425, %add3A_224 : i32
      %dma_start3A_427 = arith.constant 30720 : i32
      %dma_start3A_428 = tpu.memref_slice %arg7[%dma_start3A_427] : memref<38912xf32, #tpu.memory_space<vmem>> -> memref<2048xf32, #tpu.memory_space<vmem>>
      %dma_start3A_429 = tpu.memref_slice %arg2[%add3A_426] : memref<39845888xf32, #tpu.memory_space<hbm>> -> memref<2048xf32, #tpu.memory_space<hbm>>
      %dma_start3A_430 = arith.constant 30720 : i32
      %dma_start3A_431 = tpu.memref_slice %arg7[%dma_start3A_430] : memref<38912xf32, #tpu.memory_space<vmem>> -> memref<2048xf32, #tpu.memory_space<vmem>>
      %dma_start3A_432 = tpu.memref_slice %arg2[%add3A_426] : memref<39845888xf32, #tpu.memory_space<hbm>> -> memref<2048xf32, #tpu.memory_space<hbm>>
      tpu.enqueue_dma source(%dma_start3A_432 : memref<2048xf32, #tpu.memory_space<hbm>>) target(%dma_start3A_431 : memref<2048xf32, #tpu.memory_space<vmem>>) target_semaphore(%arg11 : memref<!tpu.dma_semaphore, #tpu.memory_space<semaphore_mem>>)
      %mul3A_433 = arith.constant 19 : i32
      %mul3A_434 = arith.muli %select_n3A, %mul3A_433 : i32
      %add3A_435 = arith.constant 16 : i32
      %add3A_436 = arith.addi %mul3A_434, %add3A_435 : i32
      %mul3A_437 = arith.constant 262144 : i32
      %mul3A_438 = arith.muli %add3A_436, %mul3A_437 : i32
      %add3A_439 = arith.addi %mul3A_438, %add3A_224 : i32
      %dma_start3A_440 = arith.constant 32768 : i32
      %dma_start3A_441 = tpu.memref_slice %arg7[%dma_start3A_440] : memref<38912xf32, #tpu.memory_space<vmem>> -> memref<2048xf32, #tpu.memory_space<vmem>>
      %dma_start3A_442 = tpu.memref_slice %arg2[%add3A_439] : memref<39845888xf32, #tpu.memory_space<hbm>> -> memref<2048xf32, #tpu.memory_space<hbm>>
      %dma_start3A_443 = arith.constant 32768 : i32
      %dma_start3A_444 = tpu.memref_slice %arg7[%dma_start3A_443] : memref<38912xf32, #tpu.memory_space<vmem>> -> memref<2048xf32, #tpu.memory_space<vmem>>
      %dma_start3A_445 = tpu.memref_slice %arg2[%add3A_439] : memref<39845888xf32, #tpu.memory_space<hbm>> -> memref<2048xf32, #tpu.memory_space<hbm>>
      tpu.enqueue_dma source(%dma_start3A_445 : memref<2048xf32, #tpu.memory_space<hbm>>) target(%dma_start3A_444 : memref<2048xf32, #tpu.memory_space<vmem>>) target_semaphore(%arg11 : memref<!tpu.dma_semaphore, #tpu.memory_space<semaphore_mem>>)
      %mul3A_446 = arith.constant 19 : i32
      %mul3A_447 = arith.muli %select_n3A, %mul3A_446 : i32
      %add3A_448 = arith.constant 17 : i32
      %add3A_449 = arith.addi %mul3A_447, %add3A_448 : i32
      %mul3A_450 = arith.constant 262144 : i32
      %mul3A_451 = arith.muli %add3A_449, %mul3A_450 : i32
      %add3A_452 = arith.addi %mul3A_451, %add3A_224 : i32
      %dma_start3A_453 = arith.constant 34816 : i32
      %dma_start3A_454 = tpu.memref_slice %arg7[%dma_start3A_453] : memref<38912xf32, #tpu.memory_space<vmem>> -> memref<2048xf32, #tpu.memory_space<vmem>>
      %dma_start3A_455 = tpu.memref_slice %arg2[%add3A_452] : memref<39845888xf32, #tpu.memory_space<hbm>> -> memref<2048xf32, #tpu.memory_space<hbm>>
      %dma_start3A_456 = arith.constant 34816 : i32
      %dma_start3A_457 = tpu.memref_slice %arg7[%dma_start3A_456] : memref<38912xf32, #tpu.memory_space<vmem>> -> memref<2048xf32, #tpu.memory_space<vmem>>
      %dma_start3A_458 = tpu.memref_slice %arg2[%add3A_452] : memref<39845888xf32, #tpu.memory_space<hbm>> -> memref<2048xf32, #tpu.memory_space<hbm>>
      tpu.enqueue_dma source(%dma_start3A_458 : memref<2048xf32, #tpu.memory_space<hbm>>) target(%dma_start3A_457 : memref<2048xf32, #tpu.memory_space<vmem>>) target_semaphore(%arg11 : memref<!tpu.dma_semaphore, #tpu.memory_space<semaphore_mem>>)
      %mul3A_459 = arith.constant 19 : i32
      %mul3A_460 = arith.muli %select_n3A, %mul3A_459 : i32
      %add3A_461 = arith.constant 18 : i32
      %add3A_462 = arith.addi %mul3A_460, %add3A_461 : i32
      %mul3A_463 = arith.constant 262144 : i32
      %mul3A_464 = arith.muli %add3A_462, %mul3A_463 : i32
      %add3A_465 = arith.addi %mul3A_464, %add3A_224 : i32
      %dma_start3A_466 = arith.constant 36864 : i32
      %dma_start3A_467 = tpu.memref_slice %arg7[%dma_start3A_466] : memref<38912xf32, #tpu.memory_space<vmem>> -> memref<2048xf32, #tpu.memory_space<vmem>>
      %dma_start3A_468 = tpu.memref_slice %arg2[%add3A_465] : memref<39845888xf32, #tpu.memory_space<hbm>> -> memref<2048xf32, #tpu.memory_space<hbm>>
      %dma_start3A_469 = arith.constant 36864 : i32
      %dma_start3A_470 = tpu.memref_slice %arg7[%dma_start3A_469] : memref<38912xf32, #tpu.memory_space<vmem>> -> memref<2048xf32, #tpu.memory_space<vmem>>
      %dma_start3A_471 = tpu.memref_slice %arg2[%add3A_465] : memref<39845888xf32, #tpu.memory_space<hbm>> -> memref<2048xf32, #tpu.memory_space<hbm>>
      tpu.enqueue_dma source(%dma_start3A_471 : memref<2048xf32, #tpu.memory_space<hbm>>) target(%dma_start3A_470 : memref<2048xf32, #tpu.memory_space<vmem>>) target_semaphore(%arg11 : memref<!tpu.dma_semaphore, #tpu.memory_space<semaphore_mem>>)
      %mul3A_472 = arith.constant 262144 : i32
      %mul3A_473 = arith.muli %select_n3A, %mul3A_472 : i32
      %add3A_474 = arith.addi %mul3A_473, %add3A_224 : i32
      %dma_start3A_475 = tpu.memref_slice %arg3[%add3A_474] : memref<2097152xi32, #tpu.memory_space<hbm>> -> memref<2048xi32, #tpu.memory_space<hbm>>
      %dma_start3A_476 = tpu.memref_slice %arg3[%add3A_474] : memref<2097152xi32, #tpu.memory_space<hbm>> -> memref<2048xi32, #tpu.memory_space<hbm>>
      tpu.enqueue_dma source(%dma_start3A_476 : memref<2048xi32, #tpu.memory_space<hbm>>) target(%arg8 : memref<2048xi32, #tpu.memory_space<vmem>>) target_semaphore(%arg11 : memref<!tpu.dma_semaphore, #tpu.memory_space<semaphore_mem>>)
      %dma_wait3A_477 = arith.constant 0 : i32
      %dma_wait3A_478 = tpu.memref_slice %arg2[%dma_wait3A_477] : memref<39845888xf32, #tpu.memory_space<hbm>> -> memref<38912xf32, #tpu.memory_space<hbm>>
      %dma_wait3A_479 = arith.constant 0 : i32
      %dma_wait3A_480 = tpu.memref_slice %arg2[%dma_wait3A_479] : memref<39845888xf32, #tpu.memory_space<hbm>> -> memref<38912xf32, #tpu.memory_space<hbm>>
      tpu.wait_dma2 semaphore(%arg10 : memref<!tpu.dma_semaphore, #tpu.memory_space<semaphore_mem>>) src(%dma_wait3A_480 : memref<38912xf32, #tpu.memory_space<hbm>>) dst(%arg5 : memref<38912xf32, #tpu.memory_space<vmem>>)
      %dma_wait3A_481 = arith.constant 0 : i32
      %dma_wait3A_482 = tpu.memref_slice %arg3[%dma_wait3A_481] : memref<2097152xi32, #tpu.memory_space<hbm>> -> memref<2048xi32, #tpu.memory_space<hbm>>
      %dma_wait3A_483 = arith.constant 0 : i32
      %dma_wait3A_484 = tpu.memref_slice %arg3[%dma_wait3A_483] : memref<2097152xi32, #tpu.memory_space<hbm>> -> memref<2048xi32, #tpu.memory_space<hbm>>
      tpu.wait_dma2 semaphore(%arg10 : memref<!tpu.dma_semaphore, #tpu.memory_space<semaphore_mem>>) src(%dma_wait3A_484 : memref<2048xi32, #tpu.memory_space<hbm>>) dst(%arg6 : memref<2048xi32, #tpu.memory_space<vmem>>)
      %scan3A_485 = arith.constant 0 : i32
      %scan3A_486 = arith.constant 0 : i32
      %scan3A_487 = arith.constant 32 : i32
      %scan3A_488 = arith.addi %scan3A_486, %scan3A_487 : i32
      %scan3A_489 = arith.constant 1 : i32
      %scan3A_490 = scf.for %scan3A_808 = %scan3A_486 to %scan3A_488 step %scan3A_489 iter_args(%scan3A_809 = %scan3A_485) -> (i32)  : i32 {
        %mul3A_810 = arith.constant 64 : i32
        %mul3A_811 = arith.muli %scan3A_808, %mul3A_810 : i32
        %add3A_812 = arith.constant 0 : i32
        %add3A_813 = arith.addi %mul3A_811, %add3A_812 : i32
        %get3A = arith.index_cast %add3A_813 : i32 to index
        %get3A_814 = tpu.vector_load %arg6[%get3A] {strides = array<i32>} : memref<2048xi32, #tpu.memory_space<vmem>>, vector<16xi32>,
        %add3A_815 = arith.constant 16 : i32
        %add3A_816 = arith.addi %mul3A_811, %add3A_815 : i32
        %get3A_817 = arith.index_cast %add3A_816 : i32 to index
        %get3A_818 = tpu.vector_load %arg6[%get3A_817] {strides = array<i32>} : memref<2048xi32, #tpu.memory_space<vmem>>, vector<16xi32>,
        %add3A_819 = arith.constant 32 : i32
        %add3A_820 = arith.addi %mul3A_811, %add3A_819 : i32
        %get3A_821 = arith.index_cast %add3A_820 : i32 to index
        %get3A_822 = tpu.vector_load %arg6[%get3A_821] {strides = array<i32>} : memref<2048xi32, #tpu.memory_space<vmem>>, vector<16xi32>,
        %add3A_823 = arith.constant 48 : i32
        %add3A_824 = arith.addi %mul3A_811, %add3A_823 : i32
        %get3A_825 = arith.index_cast %add3A_824 : i32 to index
        %get3A_826 = tpu.vector_load %arg6[%get3A_825] {strides = array<i32>} : memref<2048xi32, #tpu.memory_space<vmem>>, vector<16xi32>,
        %add3A_827 = arith.constant 0 : i32
        %add3A_828 = arith.addi %add3A_827, %mul3A_811 : i32
        %add3A_829 = arith.constant 0 : i32
        %add3A_830 = arith.addi %add3A_828, %add3A_829 : i32
        %get3A_831 = arith.index_cast %add3A_830 : i32 to index
        %get3A_832 = tpu.vector_load %arg5[%get3A_831] {strides = array<i32>} : memref<38912xf32, #tpu.memory_space<vmem>>, vector<16xf32>,
        %exp3A = math.exp %get3A_832 : vector<16xf32>
        %add3A_833 = arith.constant 0 : i32
        %add3A_834 = arith.addi %add3A_833, %mul3A_811 : i32
        %add3A_835 = arith.constant 16 : i32
        %add3A_836 = arith.addi %add3A_834, %add3A_835 : i32
        %get3A_837 = arith.index_cast %add3A_836 : i32 to index
        %get3A_838 = tpu.vector_load %arg5[%get3A_837] {strides = array<i32>} : memref<38912xf32, #tpu.memory_space<vmem>>, vector<16xf32>,
        %exp3A_839 = math.exp %get3A_838 : vector<16xf32>
        %add3A_840 = arith.constant 0 : i32
        %add3A_841 = arith.addi %add3A_840, %mul3A_811 : i32
        %add3A_842 = arith.constant 32 : i32
        %add3A_843 = arith.addi %add3A_841, %add3A_842 : i32
        %get3A_844 = arith.index_cast %add3A_843 : i32 to index
        %get3A_845 = tpu.vector_load %arg5[%get3A_844] {strides = array<i32>} : memref<38912xf32, #tpu.memory_space<vmem>>, vector<16xf32>,
        %exp3A_846 = math.exp %get3A_845 : vector<16xf32>
        %add3A_847 = arith.constant 0 : i32
        %add3A_848 = arith.addi %add3A_847, %mul3A_811 : i32
        %add3A_849 = arith.constant 48 : i32
        %add3A_850 = arith.addi %add3A_848, %add3A_849 : i32
        %get3A_851 = arith.index_cast %add3A_850 : i32 to index
        %get3A_852 = tpu.vector_load %arg5[%get3A_851] {strides = array<i32>} : memref<38912xf32, #tpu.memory_space<vmem>>, vector<16xf32>,
        %exp3A_853 = math.exp %get3A_852 : vector<16xf32>
        %add3A_854 = arith.constant 2048 : i32
        %add3A_855 = arith.addi %add3A_854, %mul3A_811 : i32
        %add3A_856 = arith.constant 0 : i32
        %add3A_857 = arith.addi %add3A_855, %add3A_856 : i32
        %get3A_858 = arith.index_cast %add3A_857 : i32 to index
        %get3A_859 = tpu.vector_load %arg5[%get3A_858] {strides = array<i32>} : memref<38912xf32, #tpu.memory_space<vmem>>, vector<16xf32>,
        %exp3A_860 = math.exp %get3A_859 : vector<16xf32>
        %add3A_861 = arith.addf %exp3A, %exp3A_860 : vector<16xf32>
        %add3A_862 = arith.constant 2048 : i32
        %add3A_863 = arith.addi %add3A_862, %mul3A_811 : i32
        %add3A_864 = arith.constant 16 : i32
        %add3A_865 = arith.addi %add3A_863, %add3A_864 : i32
        %get3A_866 = arith.index_cast %add3A_865 : i32 to index
        %get3A_867 = tpu.vector_load %arg5[%get3A_866] {strides = array<i32>} : memref<38912xf32, #tpu.memory_space<vmem>>, vector<16xf32>,
        %exp3A_868 = math.exp %get3A_867 : vector<16xf32>
        %add3A_869 = arith.addf %exp3A_839, %exp3A_868 : vector<16xf32>
        %add3A_870 = arith.constant 2048 : i32
        %add3A_871 = arith.addi %add3A_870, %mul3A_811 : i32
        %add3A_872 = arith.constant 32 : i32
        %add3A_873 = arith.addi %add3A_871, %add3A_872 : i32
        %get3A_874 = arith.index_cast %add3A_873 : i32 to index
        %get3A_875 = tpu.vector_load %arg5[%get3A_874] {strides = array<i32>} : memref<38912xf32, #tpu.memory_space<vmem>>, vector<16xf32>,
        %exp3A_876 = math.exp %get3A_875 : vector<16xf32>
        %add3A_877 = arith.addf %exp3A_846, %exp3A_876 : vector<16xf32>
        %add3A_878 = arith.constant 2048 : i32
        %add3A_879 = arith.addi %add3A_878, %mul3A_811 : i32
        %add3A_880 = arith.constant 48 : i32
        %add3A_881 = arith.addi %add3A_879, %add3A_880 : i32
        %get3A_882 = arith.index_cast %add3A_881 : i32 to index
        %get3A_883 = tpu.vector_load %arg5[%get3A_882] {strides = array<i32>} : memref<38912xf32, #tpu.memory_space<vmem>>, vector<16xf32>,
        %exp3A_884 = math.exp %get3A_883 : vector<16xf32>
        %add3A_885 = arith.addf %exp3A_853, %exp3A_884 : vector<16xf32>
        %add3A_886 = arith.constant 4096 : i32
        %add3A_887 = arith.addi %add3A_886, %mul3A_811 : i32
        %add3A_888 = arith.constant 0 : i32
        %add3A_889 = arith.addi %add3A_887, %add3A_888 : i32
        %get3A_890 = arith.index_cast %add3A_889 : i32 to index
        %get3A_891 = tpu.vector_load %arg5[%get3A_890] {strides = array<i32>} : memref<38912xf32, #tpu.memory_space<vmem>>, vector<16xf32>,
        %exp3A_892 = math.exp %get3A_891 : vector<16xf32>
        %add3A_893 = arith.addf %add3A_861, %exp3A_892 : vector<16xf32>
        %add3A_894 = arith.constant 4096 : i32
        %add3A_895 = arith.addi %add3A_894, %mul3A_811 : i32
        %add3A_896 = arith.constant 16 : i32
        %add3A_897 = arith.addi %add3A_895, %add3A_896 : i32
        %get3A_898 = arith.index_cast %add3A_897 : i32 to index
        %get3A_899 = tpu.vector_load %arg5[%get3A_898] {strides = array<i32>} : memref<38912xf32, #tpu.memory_space<vmem>>, vector<16xf32>,
        %exp3A_900 = math.exp %get3A_899 : vector<16xf32>
        %add3A_901 = arith.addf %add3A_869, %exp3A_900 : vector<16xf32>
        %add3A_902 = arith.constant 4096 : i32
        %add3A_903 = arith.addi %add3A_902, %mul3A_811 : i32
        %add3A_904 = arith.constant 32 : i32
        %add3A_905 = arith.addi %add3A_903, %add3A_904 : i32
        %get3A_906 = arith.index_cast %add3A_905 : i32 to index
        %get3A_907 = tpu.vector_load %arg5[%get3A_906] {strides = array<i32>} : memref<38912xf32, #tpu.memory_space<vmem>>, vector<16xf32>,
        %exp3A_908 = math.exp %get3A_907 : vector<16xf32>
        %add3A_909 = arith.addf %add3A_877, %exp3A_908 : vector<16xf32>
        %add3A_910 = arith.constant 4096 : i32
        %add3A_911 = arith.addi %add3A_910, %mul3A_811 : i32
        %add3A_912 = arith.constant 48 : i32
        %add3A_913 = arith.addi %add3A_911, %add3A_912 : i32
        %get3A_914 = arith.index_cast %add3A_913 : i32 to index
        %get3A_915 = tpu.vector_load %arg5[%get3A_914] {strides = array<i32>} : memref<38912xf32, #tpu.memory_space<vmem>>, vector<16xf32>,
        %exp3A_916 = math.exp %get3A_915 : vector<16xf32>
        %add3A_917 = arith.addf %add3A_885, %exp3A_916 : vector<16xf32>
        %add3A_918 = arith.constant 6144 : i32
        %add3A_919 = arith.addi %add3A_918, %mul3A_811 : i32
        %add3A_920 = arith.constant 0 : i32
        %add3A_921 = arith.addi %add3A_919, %add3A_920 : i32
        %get3A_922 = arith.index_cast %add3A_921 : i32 to index
        %get3A_923 = tpu.vector_load %arg5[%get3A_922] {strides = array<i32>} : memref<38912xf32, #tpu.memory_space<vmem>>, vector<16xf32>,
        %exp3A_924 = math.exp %get3A_923 : vector<16xf32>
        %add3A_925 = arith.addf %add3A_893, %exp3A_924 : vector<16xf32>
        %add3A_926 = arith.constant 6144 : i32
        %add3A_927 = arith.addi %add3A_926, %mul3A_811 : i32
        %add3A_928 = arith.constant 16 : i32
        %add3A_929 = arith.addi %add3A_927, %add3A_928 : i32
        %get3A_930 = arith.index_cast %add3A_929 : i32 to index
        %get3A_931 = tpu.vector_load %arg5[%get3A_930] {strides = array<i32>} : memref<38912xf32, #tpu.memory_space<vmem>>, vector<16xf32>,
        %exp3A_932 = math.exp %get3A_931 : vector<16xf32>
        %add3A_933 = arith.addf %add3A_901, %exp3A_932 : vector<16xf32>
        %add3A_934 = arith.constant 6144 : i32
        %add3A_935 = arith.addi %add3A_934, %mul3A_811 : i32
        %add3A_936 = arith.constant 32 : i32
        %add3A_937 = arith.addi %add3A_935, %add3A_936 : i32
        %get3A_938 = arith.index_cast %add3A_937 : i32 to index
        %get3A_939 = tpu.vector_load %arg5[%get3A_938] {strides = array<i32>} : memref<38912xf32, #tpu.memory_space<vmem>>, vector<16xf32>,
        %exp3A_940 = math.exp %get3A_939 : vector<16xf32>
        %add3A_941 = arith.addf %add3A_909, %exp3A_940 : vector<16xf32>
        %add3A_942 = arith.constant 6144 : i32
        %add3A_943 = arith.addi %add3A_942, %mul3A_811 : i32
        %add3A_944 = arith.constant 48 : i32
        %add3A_945 = arith.addi %add3A_943, %add3A_944 : i32
        %get3A_946 = arith.index_cast %add3A_945 : i32 to index
        %get3A_947 = tpu.vector_load %arg5[%get3A_946] {strides = array<i32>} : memref<38912xf32, #tpu.memory_space<vmem>>, vector<16xf32>,
        %exp3A_948 = math.exp %get3A_947 : vector<16xf32>
        %add3A_949 = arith.addf %add3A_917, %exp3A_948 : vector<16xf32>
        %add3A_950 = arith.constant 8192 : i32
        %add3A_951 = arith.addi %add3A_950, %mul3A_811 : i32
        %add3A_952 = arith.constant 0 : i32
        %add3A_953 = arith.addi %add3A_951, %add3A_952 : i32
        %get3A_954 = arith.index_cast %add3A_953 : i32 to index
        %get3A_955 = tpu.vector_load %arg5[%get3A_954] {strides = array<i32>} : memref<38912xf32, #tpu.memory_space<vmem>>, vector<16xf32>,
        %exp3A_956 = math.exp %get3A_955 : vector<16xf32>
        %add3A_957 = arith.addf %add3A_925, %exp3A_956 : vector<16xf32>
        %add3A_958 = arith.constant 8192 : i32
        %add3A_959 = arith.addi %add3A_958, %mul3A_811 : i32
        %add3A_960 = arith.constant 16 : i32
        %add3A_961 = arith.addi %add3A_959, %add3A_960 : i32
        %get3A_962 = arith.index_cast %add3A_961 : i32 to index
        %get3A_963 = tpu.vector_load %arg5[%get3A_962] {strides = array<i32>} : memref<38912xf32, #tpu.memory_space<vmem>>, vector<16xf32>,
        %exp3A_964 = math.exp %get3A_963 : vector<16xf32>
        %add3A_965 = arith.addf %add3A_933, %exp3A_964 : vector<16xf32>
        %add3A_966 = arith.constant 8192 : i32
        %add3A_967 = arith.addi %add3A_966, %mul3A_811 : i32
        %add3A_968 = arith.constant 32 : i32
        %add3A_969 = arith.addi %add3A_967, %add3A_968 : i32
        %get3A_970 = arith.index_cast %add3A_969 : i32 to index
        %get3A_971 = tpu.vector_load %arg5[%get3A_970] {strides = array<i32>} : memref<38912xf32, #tpu.memory_space<vmem>>, vector<16xf32>,
        %exp3A_972 = math.exp %get3A_971 : vector<16xf32>
        %add3A_973 = arith.addf %add3A_941, %exp3A_972 : vector<16xf32>
        %add3A_974 = arith.constant 8192 : i32
        %add3A_975 = arith.addi %add3A_974, %mul3A_811 : i32
        %add3A_976 = arith.constant 48 : i32
        %add3A_977 = arith.addi %add3A_975, %add3A_976 : i32
        %get3A_978 = arith.index_cast %add3A_977 : i32 to index
        %get3A_979 = tpu.vector_load %arg5[%get3A_978] {strides = array<i32>} : memref<38912xf32, #tpu.memory_space<vmem>>, vector<16xf32>,
        %exp3A_980 = math.exp %get3A_979 : vector<16xf32>
        %add3A_981 = arith.addf %add3A_949, %exp3A_980 : vector<16xf32>
        %add3A_982 = arith.constant 10240 : i32
        %add3A_983 = arith.addi %add3A_982, %mul3A_811 : i32
        %add3A_984 = arith.constant 0 : i32
        %add3A_985 = arith.addi %add3A_983, %add3A_984 : i32
        %get3A_986 = arith.index_cast %add3A_985 : i32 to index
        %get3A_987 = tpu.vector_load %arg5[%get3A_986] {strides = array<i32>} : memref<38912xf32, #tpu.memory_space<vmem>>, vector<16xf32>,
        %exp3A_988 = math.exp %get3A_987 : vector<16xf32>
        %add3A_989 = arith.addf %add3A_957, %exp3A_988 : vector<16xf32>
        %add3A_990 = arith.constant 10240 : i32
        %add3A_991 = arith.addi %add3A_990, %mul3A_811 : i32
        %add3A_992 = arith.constant 16 : i32
        %add3A_993 = arith.addi %add3A_991, %add3A_992 : i32
        %get3A_994 = arith.index_cast %add3A_993 : i32 to index
        %get3A_995 = tpu.vector_load %arg5[%get3A_994] {strides = array<i32>} : memref<38912xf32, #tpu.memory_space<vmem>>, vector<16xf32>,
        %exp3A_996 = math.exp %get3A_995 : vector<16xf32>
        %add3A_997 = arith.addf %add3A_965, %exp3A_996 : vector<16xf32>
        %add3A_998 = arith.constant 10240 : i32
        %add3A_999 = arith.addi %add3A_998, %mul3A_811 : i32
        %add3A_1000 = arith.constant 32 : i32
        %add3A_1001 = arith.addi %add3A_999, %add3A_1000 : i32
        %get3A_1002 = arith.index_cast %add3A_1001 : i32 to index
        %get3A_1003 = tpu.vector_load %arg5[%get3A_1002] {strides = array<i32>} : memref<38912xf32, #tpu.memory_space<vmem>>, vector<16xf32>,
        %exp3A_1004 = math.exp %get3A_1003 : vector<16xf32>
        %add3A_1005 = arith.addf %add3A_973, %exp3A_1004 : vector<16xf32>
        %add3A_1006 = arith.constant 10240 : i32
        %add3A_1007 = arith.addi %add3A_1006, %mul3A_811 : i32
        %add3A_1008 = arith.constant 48 : i32
        %add3A_1009 = arith.addi %add3A_1007, %add3A_1008 : i32
        %get3A_1010 = arith.index_cast %add3A_1009 : i32 to index
        %get3A_1011 = tpu.vector_load %arg5[%get3A_1010] {strides = array<i32>} : memref<38912xf32, #tpu.memory_space<vmem>>, vector<16xf32>,
        %exp3A_1012 = math.exp %get3A_1011 : vector<16xf32>
        %add3A_1013 = arith.addf %add3A_981, %exp3A_1012 : vector<16xf32>
        %add3A_1014 = arith.constant 12288 : i32
        %add3A_1015 = arith.addi %add3A_1014, %mul3A_811 : i32
        %add3A_1016 = arith.constant 0 : i32
        %add3A_1017 = arith.addi %add3A_1015, %add3A_1016 : i32
        %get3A_1018 = arith.index_cast %add3A_1017 : i32 to index
        %get3A_1019 = tpu.vector_load %arg5[%get3A_1018] {strides = array<i32>} : memref<38912xf32, #tpu.memory_space<vmem>>, vector<16xf32>,
        %exp3A_1020 = math.exp %get3A_1019 : vector<16xf32>
        %add3A_1021 = arith.addf %add3A_989, %exp3A_1020 : vector<16xf32>
        %add3A_1022 = arith.constant 12288 : i32
        %add3A_1023 = arith.addi %add3A_1022, %mul3A_811 : i32
        %add3A_1024 = arith.constant 16 : i32
        %add3A_1025 = arith.addi %add3A_1023, %add3A_1024 : i32
        %get3A_1026 = arith.index_cast %add3A_1025 : i32 to index
        %get3A_1027 = tpu.vector_load %arg5[%get3A_1026] {strides = array<i32>} : memref<38912xf32, #tpu.memory_space<vmem>>, vector<16xf32>,
        %exp3A_1028 = math.exp %get3A_1027 : vector<16xf32>
        %add3A_1029 = arith.addf %add3A_997, %exp3A_1028 : vector<16xf32>
        %add3A_1030 = arith.constant 12288 : i32
        %add3A_1031 = arith.addi %add3A_1030, %mul3A_811 : i32
        %add3A_1032 = arith.constant 32 : i32
        %add3A_1033 = arith.addi %add3A_1031, %add3A_1032 : i32
        %get3A_1034 = arith.index_cast %add3A_1033 : i32 to index
        %get3A_1035 = tpu.vector_load %arg5[%get3A_1034] {strides = array<i32>} : memref<38912xf32, #tpu.memory_space<vmem>>, vector<16xf32>,
        %exp3A_1036 = math.exp %get3A_1035 : vector<16xf32>
        %add3A_1037 = arith.addf %add3A_1005, %exp3A_1036 : vector<16xf32>
        %add3A_1038 = arith.constant 12288 : i32
        %add3A_1039 = arith.addi %add3A_1038, %mul3A_811 : i32
        %add3A_1040 = arith.constant 48 : i32
        %add3A_1041 = arith.addi %add3A_1039, %add3A_1040 : i32
        %get3A_1042 = arith.index_cast %add3A_1041 : i32 to index
        %get3A_1043 = tpu.vector_load %arg5[%get3A_1042] {strides = array<i32>} : memref<38912xf32, #tpu.memory_space<vmem>>, vector<16xf32>,
        %exp3A_1044 = math.exp %get3A_1043 : vector<16xf32>
        %add3A_1045 = arith.addf %add3A_1013, %exp3A_1044 : vector<16xf32>
        %add3A_1046 = arith.constant 14336 : i32
        %add3A_1047 = arith.addi %add3A_1046, %mul3A_811 : i32
        %add3A_1048 = arith.constant 0 : i32
        %add3A_1049 = arith.addi %add3A_1047, %add3A_1048 : i32
        %get3A_1050 = arith.index_cast %add3A_1049 : i32 to index
        %get3A_1051 = tpu.vector_load %arg5[%get3A_1050] {strides = array<i32>} : memref<38912xf32, #tpu.memory_space<vmem>>, vector<16xf32>,
        %exp3A_1052 = math.exp %get3A_1051 : vector<16xf32>
        %add3A_1053 = arith.addf %add3A_1021, %exp3A_1052 : vector<16xf32>
        %add3A_1054 = arith.constant 14336 : i32
        %add3A_1055 = arith.addi %add3A_1054, %mul3A_811 : i32
        %add3A_1056 = arith.constant 16 : i32
        %add3A_1057 = arith.addi %add3A_1055, %add3A_1056 : i32
        %get3A_1058 = arith.index_cast %add3A_1057 : i32 to index
        %get3A_1059 = tpu.vector_load %arg5[%get3A_1058] {strides = array<i32>} : memref<38912xf32, #tpu.memory_space<vmem>>, vector<16xf32>,
        %exp3A_1060 = math.exp %get3A_1059 : vector<16xf32>
        %add3A_1061 = arith.addf %add3A_1029, %exp3A_1060 : vector<16xf32>
        %add3A_1062 = arith.constant 14336 : i32
        %add3A_1063 = arith.addi %add3A_1062, %mul3A_811 : i32
        %add3A_1064 = arith.constant 32 : i32
        %add3A_1065 = arith.addi %add3A_1063, %add3A_1064 : i32
        %get3A_1066 = arith.index_cast %add3A_1065 : i32 to index
        %get3A_1067 = tpu.vector_load %arg5[%get3A_1066] {strides = array<i32>} : memref<38912xf32, #tpu.memory_space<vmem>>, vector<16xf32>,
        %exp3A_1068 = math.exp %get3A_1067 : vector<16xf32>
        %add3A_1069 = arith.addf %add3A_1037, %exp3A_1068 : vector<16xf32>
        %add3A_1070 = arith.constant 14336 : i32
        %add3A_1071 = arith.addi %add3A_1070, %mul3A_811 : i32
        %add3A_1072 = arith.constant 48 : i32
        %add3A_1073 = arith.addi %add3A_1071, %add3A_1072 : i32
        %get3A_1074 = arith.index_cast %add3A_1073 : i32 to index
        %get3A_1075 = tpu.vector_load %arg5[%get3A_1074] {strides = array<i32>} : memref<38912xf32, #tpu.memory_space<vmem>>, vector<16xf32>,
        %exp3A_1076 = math.exp %get3A_1075 : vector<16xf32>
        %add3A_1077 = arith.addf %add3A_1045, %exp3A_1076 : vector<16xf32>
        %add3A_1078 = arith.constant 16384 : i32
        %add3A_1079 = arith.addi %add3A_1078, %mul3A_811 : i32
        %add3A_1080 = arith.constant 0 : i32
        %add3A_1081 = arith.addi %add3A_1079, %add3A_1080 : i32
        %get3A_1082 = arith.index_cast %add3A_1081 : i32 to index
        %get3A_1083 = tpu.vector_load %arg5[%get3A_1082] {strides = array<i32>} : memref<38912xf32, #tpu.memory_space<vmem>>, vector<16xf32>,
        %exp3A_1084 = math.exp %get3A_1083 : vector<16xf32>
        %add3A_1085 = arith.addf %add3A_1053, %exp3A_1084 : vector<16xf32>
        %add3A_1086 = arith.constant 16384 : i32
        %add3A_1087 = arith.addi %add3A_1086, %mul3A_811 : i32
        %add3A_1088 = arith.constant 16 : i32
        %add3A_1089 = arith.addi %add3A_1087, %add3A_1088 : i32
        %get3A_1090 = arith.index_cast %add3A_1089 : i32 to index
        %get3A_1091 = tpu.vector_load %arg5[%get3A_1090] {strides = array<i32>} : memref<38912xf32, #tpu.memory_space<vmem>>, vector<16xf32>,
        %exp3A_1092 = math.exp %get3A_1091 : vector<16xf32>
        %add3A_1093 = arith.addf %add3A_1061, %exp3A_1092 : vector<16xf32>
        %add3A_1094 = arith.constant 16384 : i32
        %add3A_1095 = arith.addi %add3A_1094, %mul3A_811 : i32
        %add3A_1096 = arith.constant 32 : i32
        %add3A_1097 = arith.addi %add3A_1095, %add3A_1096 : i32
        %get3A_1098 = arith.index_cast %add3A_1097 : i32 to index
        %get3A_1099 = tpu.vector_load %arg5[%get3A_1098] {strides = array<i32>} : memref<38912xf32, #tpu.memory_space<vmem>>, vector<16xf32>,
        %exp3A_1100 = math.exp %get3A_1099 : vector<16xf32>
        %add3A_1101 = arith.addf %add3A_1069, %exp3A_1100 : vector<16xf32>
        %add3A_1102 = arith.constant 16384 : i32
        %add3A_1103 = arith.addi %add3A_1102, %mul3A_811 : i32
        %add3A_1104 = arith.constant 48 : i32
        %add3A_1105 = arith.addi %add3A_1103, %add3A_1104 : i32
        %get3A_1106 = arith.index_cast %add3A_1105 : i32 to index
        %get3A_1107 = tpu.vector_load %arg5[%get3A_1106] {strides = array<i32>} : memref<38912xf32, #tpu.memory_space<vmem>>, vector<16xf32>,
        %exp3A_1108 = math.exp %get3A_1107 : vector<16xf32>
        %add3A_1109 = arith.addf %add3A_1077, %exp3A_1108 : vector<16xf32>
        %add3A_1110 = arith.constant 18432 : i32
        %add3A_1111 = arith.addi %add3A_1110, %mul3A_811 : i32
        %add3A_1112 = arith.constant 0 : i32
        %add3A_1113 = arith.addi %add3A_1111, %add3A_1112 : i32
        %get3A_1114 = arith.index_cast %add3A_1113 : i32 to index
        %get3A_1115 = tpu.vector_load %arg5[%get3A_1114] {strides = array<i32>} : memref<38912xf32, #tpu.memory_space<vmem>>, vector<16xf32>,
        %exp3A_1116 = math.exp %get3A_1115 : vector<16xf32>
        %add3A_1117 = arith.addf %add3A_1085, %exp3A_1116 : vector<16xf32>
        %add3A_1118 = arith.constant 18432 : i32
        %add3A_1119 = arith.addi %add3A_1118, %mul3A_811 : i32
        %add3A_1120 = arith.constant 16 : i32
        %add3A_1121 = arith.addi %add3A_1119, %add3A_1120 : i32
        %get3A_1122 = arith.index_cast %add3A_1121 : i32 to index
        %get3A_1123 = tpu.vector_load %arg5[%get3A_1122] {strides = array<i32>} : memref<38912xf32, #tpu.memory_space<vmem>>, vector<16xf32>,
        %exp3A_1124 = math.exp %get3A_1123 : vector<16xf32>
        %add3A_1125 = arith.addf %add3A_1093, %exp3A_1124 : vector<16xf32>
        %add3A_1126 = arith.constant 18432 : i32
        %add3A_1127 = arith.addi %add3A_1126, %mul3A_811 : i32
        %add3A_1128 = arith.constant 32 : i32
        %add3A_1129 = arith.addi %add3A_1127, %add3A_1128 : i32
        %get3A_1130 = arith.index_cast %add3A_1129 : i32 to index
        %get3A_1131 = tpu.vector_load %arg5[%get3A_1130] {strides = array<i32>} : memref<38912xf32, #tpu.memory_space<vmem>>, vector<16xf32>,
        %exp3A_1132 = math.exp %get3A_1131 : vector<16xf32>
        %add3A_1133 = arith.addf %add3A_1101, %exp3A_1132 : vector<16xf32>
        %add3A_1134 = arith.constant 18432 : i32
        %add3A_1135 = arith.addi %add3A_1134, %mul3A_811 : i32
        %add3A_1136 = arith.constant 48 : i32
        %add3A_1137 = arith.addi %add3A_1135, %add3A_1136 : i32
        %get3A_1138 = arith.index_cast %add3A_1137 : i32 to index
        %get3A_1139 = tpu.vector_load %arg5[%get3A_1138] {strides = array<i32>} : memref<38912xf32, #tpu.memory_space<vmem>>, vector<16xf32>,
        %exp3A_1140 = math.exp %get3A_1139 : vector<16xf32>
        %add3A_1141 = arith.addf %add3A_1109, %exp3A_1140 : vector<16xf32>
        %add3A_1142 = arith.constant 20480 : i32
        %add3A_1143 = arith.addi %add3A_1142, %mul3A_811 : i32
        %add3A_1144 = arith.constant 0 : i32
        %add3A_1145 = arith.addi %add3A_1143, %add3A_1144 : i32
        %get3A_1146 = arith.index_cast %add3A_1145 : i32 to index
        %get3A_1147 = tpu.vector_load %arg5[%get3A_1146] {strides = array<i32>} : memref<38912xf32, #tpu.memory_space<vmem>>, vector<16xf32>,
        %exp3A_1148 = math.exp %get3A_1147 : vector<16xf32>
        %add3A_1149 = arith.addf %add3A_1117, %exp3A_1148 : vector<16xf32>
        %add3A_1150 = arith.constant 20480 : i32
        %add3A_1151 = arith.addi %add3A_1150, %mul3A_811 : i32
        %add3A_1152 = arith.constant 16 : i32
        %add3A_1153 = arith.addi %add3A_1151, %add3A_1152 : i32
        %get3A_1154 = arith.index_cast %add3A_1153 : i32 to index
        %get3A_1155 = tpu.vector_load %arg5[%get3A_1154] {strides = array<i32>} : memref<38912xf32, #tpu.memory_space<vmem>>, vector<16xf32>,
        %exp3A_1156 = math.exp %get3A_1155 : vector<16xf32>
        %add3A_1157 = arith.addf %add3A_1125, %exp3A_1156 : vector<16xf32>
        %add3A_1158 = arith.constant 20480 : i32
        %add3A_1159 = arith.addi %add3A_1158, %mul3A_811 : i32
        %add3A_1160 = arith.constant 32 : i32
        %add3A_1161 = arith.addi %add3A_1159, %add3A_1160 : i32
        %get3A_1162 = arith.index_cast %add3A_1161 : i32 to index
        %get3A_1163 = tpu.vector_load %arg5[%get3A_1162] {strides = array<i32>} : memref<38912xf32, #tpu.memory_space<vmem>>, vector<16xf32>,
        %exp3A_1164 = math.exp %get3A_1163 : vector<16xf32>
        %add3A_1165 = arith.addf %add3A_1133, %exp3A_1164 : vector<16xf32>
        %add3A_1166 = arith.constant 20480 : i32
        %add3A_1167 = arith.addi %add3A_1166, %mul3A_811 : i32
        %add3A_1168 = arith.constant 48 : i32
        %add3A_1169 = arith.addi %add3A_1167, %add3A_1168 : i32
        %get3A_1170 = arith.index_cast %add3A_1169 : i32 to index
        %get3A_1171 = tpu.vector_load %arg5[%get3A_1170] {strides = array<i32>} : memref<38912xf32, #tpu.memory_space<vmem>>, vector<16xf32>,
        %exp3A_1172 = math.exp %get3A_1171 : vector<16xf32>
        %add3A_1173 = arith.addf %add3A_1141, %exp3A_1172 : vector<16xf32>
        %add3A_1174 = arith.constant 22528 : i32
        %add3A_1175 = arith.addi %add3A_1174, %mul3A_811 : i32
        %add3A_1176 = arith.constant 0 : i32
        %add3A_1177 = arith.addi %add3A_1175, %add3A_1176 : i32
        %get3A_1178 = arith.index_cast %add3A_1177 : i32 to index
        %get3A_1179 = tpu.vector_load %arg5[%get3A_1178] {strides = array<i32>} : memref<38912xf32, #tpu.memory_space<vmem>>, vector<16xf32>,
        %exp3A_1180 = math.exp %get3A_1179 : vector<16xf32>
        %add3A_1181 = arith.addf %add3A_1149, %exp3A_1180 : vector<16xf32>
        %add3A_1182 = arith.constant 22528 : i32
        %add3A_1183 = arith.addi %add3A_1182, %mul3A_811 : i32
        %add3A_1184 = arith.constant 16 : i32
        %add3A_1185 = arith.addi %add3A_1183, %add3A_1184 : i32
        %get3A_1186 = arith.index_cast %add3A_1185 : i32 to index
        %get3A_1187 = tpu.vector_load %arg5[%get3A_1186] {strides = array<i32>} : memref<38912xf32, #tpu.memory_space<vmem>>, vector<16xf32>,
        %exp3A_1188 = math.exp %get3A_1187 : vector<16xf32>
        %add3A_1189 = arith.addf %add3A_1157, %exp3A_1188 : vector<16xf32>
        %add3A_1190 = arith.constant 22528 : i32
        %add3A_1191 = arith.addi %add3A_1190, %mul3A_811 : i32
        %add3A_1192 = arith.constant 32 : i32
        %add3A_1193 = arith.addi %add3A_1191, %add3A_1192 : i32
        %get3A_1194 = arith.index_cast %add3A_1193 : i32 to index
        %get3A_1195 = tpu.vector_load %arg5[%get3A_1194] {strides = array<i32>} : memref<38912xf32, #tpu.memory_space<vmem>>, vector<16xf32>,
        %exp3A_1196 = math.exp %get3A_1195 : vector<16xf32>
        %add3A_1197 = arith.addf %add3A_1165, %exp3A_1196 : vector<16xf32>
        %add3A_1198 = arith.constant 22528 : i32
        %add3A_1199 = arith.addi %add3A_1198, %mul3A_811 : i32
        %add3A_1200 = arith.constant 48 : i32
        %add3A_1201 = arith.addi %add3A_1199, %add3A_1200 : i32
        %get3A_1202 = arith.index_cast %add3A_1201 : i32 to index
        %get3A_1203 = tpu.vector_load %arg5[%get3A_1202] {strides = array<i32>} : memref<38912xf32, #tpu.memory_space<vmem>>, vector<16xf32>,
        %exp3A_1204 = math.exp %get3A_1203 : vector<16xf32>
        %add3A_1205 = arith.addf %add3A_1173, %exp3A_1204 : vector<16xf32>
        %add3A_1206 = arith.constant 24576 : i32
        %add3A_1207 = arith.addi %add3A_1206, %mul3A_811 : i32
        %add3A_1208 = arith.constant 0 : i32
        %add3A_1209 = arith.addi %add3A_1207, %add3A_1208 : i32
        %get3A_1210 = arith.index_cast %add3A_1209 : i32 to index
        %get3A_1211 = tpu.vector_load %arg5[%get3A_1210] {strides = array<i32>} : memref<38912xf32, #tpu.memory_space<vmem>>, vector<16xf32>,
        %exp3A_1212 = math.exp %get3A_1211 : vector<16xf32>
        %add3A_1213 = arith.addf %add3A_1181, %exp3A_1212 : vector<16xf32>
        %add3A_1214 = arith.constant 24576 : i32
        %add3A_1215 = arith.addi %add3A_1214, %mul3A_811 : i32
        %add3A_1216 = arith.constant 16 : i32
        %add3A_1217 = arith.addi %add3A_1215, %add3A_1216 : i32
        %get3A_1218 = arith.index_cast %add3A_1217 : i32 to index
        %get3A_1219 = tpu.vector_load %arg5[%get3A_1218] {strides = array<i32>} : memref<38912xf32, #tpu.memory_space<vmem>>, vector<16xf32>,
        %exp3A_1220 = math.exp %get3A_1219 : vector<16xf32>
        %add3A_1221 = arith.addf %add3A_1189, %exp3A_1220 : vector<16xf32>
        %add3A_1222 = arith.constant 24576 : i32
        %add3A_1223 = arith.addi %add3A_1222, %mul3A_811 : i32
        %add3A_1224 = arith.constant 32 : i32
        %add3A_1225 = arith.addi %add3A_1223, %add3A_1224 : i32
        %get3A_1226 = arith.index_cast %add3A_1225 : i32 to index
        %get3A_1227 = tpu.vector_load %arg5[%get3A_1226] {strides = array<i32>} : memref<38912xf32, #tpu.memory_space<vmem>>, vector<16xf32>,
        %exp3A_1228 = math.exp %get3A_1227 : vector<16xf32>
        %add3A_1229 = arith.addf %add3A_1197, %exp3A_1228 : vector<16xf32>
        %add3A_1230 = arith.constant 24576 : i32
        %add3A_1231 = arith.addi %add3A_1230, %mul3A_811 : i32
        %add3A_1232 = arith.constant 48 : i32
        %add3A_1233 = arith.addi %add3A_1231, %add3A_1232 : i32
        %get3A_1234 = arith.index_cast %add3A_1233 : i32 to index
        %get3A_1235 = tpu.vector_load %arg5[%get3A_1234] {strides = array<i32>} : memref<38912xf32, #tpu.memory_space<vmem>>, vector<16xf32>,
        %exp3A_1236 = math.exp %get3A_1235 : vector<16xf32>
        %add3A_1237 = arith.addf %add3A_1205, %exp3A_1236 : vector<16xf32>
        %add3A_1238 = arith.constant 26624 : i32
        %add3A_1239 = arith.addi %add3A_1238, %mul3A_811 : i32
        %add3A_1240 = arith.constant 0 : i32
        %add3A_1241 = arith.addi %add3A_1239, %add3A_1240 : i32
        %get3A_1242 = arith.index_cast %add3A_1241 : i32 to index
        %get3A_1243 = tpu.vector_load %arg5[%get3A_1242] {strides = array<i32>} : memref<38912xf32, #tpu.memory_space<vmem>>, vector<16xf32>,
        %exp3A_1244 = math.exp %get3A_1243 : vector<16xf32>
        %add3A_1245 = arith.addf %add3A_1213, %exp3A_1244 : vector<16xf32>
        %add3A_1246 = arith.constant 26624 : i32
        %add3A_1247 = arith.addi %add3A_1246, %mul3A_811 : i32
        %add3A_1248 = arith.constant 16 : i32
        %add3A_1249 = arith.addi %add3A_1247, %add3A_1248 : i32
        %get3A_1250 = arith.index_cast %add3A_1249 : i32 to index
        %get3A_1251 = tpu.vector_load %arg5[%get3A_1250] {strides = array<i32>} : memref<38912xf32, #tpu.memory_space<vmem>>, vector<16xf32>,
        %exp3A_1252 = math.exp %get3A_1251 : vector<16xf32>
        %add3A_1253 = arith.addf %add3A_1221, %exp3A_1252 : vector<16xf32>
        %add3A_1254 = arith.constant 26624 : i32
        %add3A_1255 = arith.addi %add3A_1254, %mul3A_811 : i32
        %add3A_1256 = arith.constant 32 : i32
        %add3A_1257 = arith.addi %add3A_1255, %add3A_1256 : i32
        %get3A_1258 = arith.index_cast %add3A_1257 : i32 to index
        %get3A_1259 = tpu.vector_load %arg5[%get3A_1258] {strides = array<i32>} : memref<38912xf32, #tpu.memory_space<vmem>>, vector<16xf32>,
        %exp3A_1260 = math.exp %get3A_1259 : vector<16xf32>
        %add3A_1261 = arith.addf %add3A_1229, %exp3A_1260 : vector<16xf32>
        %add3A_1262 = arith.constant 26624 : i32
        %add3A_1263 = arith.addi %add3A_1262, %mul3A_811 : i32
        %add3A_1264 = arith.constant 48 : i32
        %add3A_1265 = arith.addi %add3A_1263, %add3A_1264 : i32
        %get3A_1266 = arith.index_cast %add3A_1265 : i32 to index
        %get3A_1267 = tpu.vector_load %arg5[%get3A_1266] {strides = array<i32>} : memref<38912xf32, #tpu.memory_space<vmem>>, vector<16xf32>,
        %exp3A_1268 = math.exp %get3A_1267 : vector<16xf32>
        %add3A_1269 = arith.addf %add3A_1237, %exp3A_1268 : vector<16xf32>
        %add3A_1270 = arith.constant 28672 : i32
        %add3A_1271 = arith.addi %add3A_1270, %mul3A_811 : i32
        %add3A_1272 = arith.constant 0 : i32
        %add3A_1273 = arith.addi %add3A_1271, %add3A_1272 : i32
        %get3A_1274 = arith.index_cast %add3A_1273 : i32 to index
        %get3A_1275 = tpu.vector_load %arg5[%get3A_1274] {strides = array<i32>} : memref<38912xf32, #tpu.memory_space<vmem>>, vector<16xf32>,
        %exp3A_1276 = math.exp %get3A_1275 : vector<16xf32>
        %add3A_1277 = arith.addf %add3A_1245, %exp3A_1276 : vector<16xf32>
        %add3A_1278 = arith.constant 28672 : i32
        %add3A_1279 = arith.addi %add3A_1278, %mul3A_811 : i32
        %add3A_1280 = arith.constant 16 : i32
        %add3A_1281 = arith.addi %add3A_1279, %add3A_1280 : i32
        %get3A_1282 = arith.index_cast %add3A_1281 : i32 to index
        %get3A_1283 = tpu.vector_load %arg5[%get3A_1282] {strides = array<i32>} : memref<38912xf32, #tpu.memory_space<vmem>>, vector<16xf32>,
        %exp3A_1284 = math.exp %get3A_1283 : vector<16xf32>
        %add3A_1285 = arith.addf %add3A_1253, %exp3A_1284 : vector<16xf32>
        %add3A_1286 = arith.constant 28672 : i32
        %add3A_1287 = arith.addi %add3A_1286, %mul3A_811 : i32
        %add3A_1288 = arith.constant 32 : i32
        %add3A_1289 = arith.addi %add3A_1287, %add3A_1288 : i32
        %get3A_1290 = arith.index_cast %add3A_1289 : i32 to index
        %get3A_1291 = tpu.vector_load %arg5[%get3A_1290] {strides = array<i32>} : memref<38912xf32, #tpu.memory_space<vmem>>, vector<16xf32>,
        %exp3A_1292 = math.exp %get3A_1291 : vector<16xf32>
        %add3A_1293 = arith.addf %add3A_1261, %exp3A_1292 : vector<16xf32>
        %add3A_1294 = arith.constant 28672 : i32
        %add3A_1295 = arith.addi %add3A_1294, %mul3A_811 : i32
        %add3A_1296 = arith.constant 48 : i32
        %add3A_1297 = arith.addi %add3A_1295, %add3A_1296 : i32
        %get3A_1298 = arith.index_cast %add3A_1297 : i32 to index
        %get3A_1299 = tpu.vector_load %arg5[%get3A_1298] {strides = array<i32>} : memref<38912xf32, #tpu.memory_space<vmem>>, vector<16xf32>,
        %exp3A_1300 = math.exp %get3A_1299 : vector<16xf32>
        %add3A_1301 = arith.addf %add3A_1269, %exp3A_1300 : vector<16xf32>
        %add3A_1302 = arith.constant 30720 : i32
        %add3A_1303 = arith.addi %add3A_1302, %mul3A_811 : i32
        %add3A_1304 = arith.constant 0 : i32
        %add3A_1305 = arith.addi %add3A_1303, %add3A_1304 : i32
        %get3A_1306 = arith.index_cast %add3A_1305 : i32 to index
        %get3A_1307 = tpu.vector_load %arg5[%get3A_1306] {strides = array<i32>} : memref<38912xf32, #tpu.memory_space<vmem>>, vector<16xf32>,
        %exp3A_1308 = math.exp %get3A_1307 : vector<16xf32>
        %add3A_1309 = arith.addf %add3A_1277, %exp3A_1308 : vector<16xf32>
        %add3A_1310 = arith.constant 30720 : i32
        %add3A_1311 = arith.addi %add3A_1310, %mul3A_811 : i32
        %add3A_1312 = arith.constant 16 : i32
        %add3A_1313 = arith.addi %add3A_1311, %add3A_1312 : i32
        %get3A_1314 = arith.index_cast %add3A_1313 : i32 to index
        %get3A_1315 = tpu.vector_load %arg5[%get3A_1314] {strides = array<i32>} : memref<38912xf32, #tpu.memory_space<vmem>>, vector<16xf32>,
        %exp3A_1316 = math.exp %get3A_1315 : vector<16xf32>
        %add3A_1317 = arith.addf %add3A_1285, %exp3A_1316 : vector<16xf32>
        %add3A_1318 = arith.constant 30720 : i32
        %add3A_1319 = arith.addi %add3A_1318, %mul3A_811 : i32
        %add3A_1320 = arith.constant 32 : i32
        %add3A_1321 = arith.addi %add3A_1319, %add3A_1320 : i32
        %get3A_1322 = arith.index_cast %add3A_1321 : i32 to index
        %get3A_1323 = tpu.vector_load %arg5[%get3A_1322] {strides = array<i32>} : memref<38912xf32, #tpu.memory_space<vmem>>, vector<16xf32>,
        %exp3A_1324 = math.exp %get3A_1323 : vector<16xf32>
        %add3A_1325 = arith.addf %add3A_1293, %exp3A_1324 : vector<16xf32>
        %add3A_1326 = arith.constant 30720 : i32
        %add3A_1327 = arith.addi %add3A_1326, %mul3A_811 : i32
        %add3A_1328 = arith.constant 48 : i32
        %add3A_1329 = arith.addi %add3A_1327, %add3A_1328 : i32
        %get3A_1330 = arith.index_cast %add3A_1329 : i32 to index
        %get3A_1331 = tpu.vector_load %arg5[%get3A_1330] {strides = array<i32>} : memref<38912xf32, #tpu.memory_space<vmem>>, vector<16xf32>,
        %exp3A_1332 = math.exp %get3A_1331 : vector<16xf32>
        %add3A_1333 = arith.addf %add3A_1301, %exp3A_1332 : vector<16xf32>
        %add3A_1334 = arith.constant 32768 : i32
        %add3A_1335 = arith.addi %add3A_1334, %mul3A_811 : i32
        %add3A_1336 = arith.constant 0 : i32
        %add3A_1337 = arith.addi %add3A_1335, %add3A_1336 : i32
        %get3A_1338 = arith.index_cast %add3A_1337 : i32 to index
        %get3A_1339 = tpu.vector_load %arg5[%get3A_1338] {strides = array<i32>} : memref<38912xf32, #tpu.memory_space<vmem>>, vector<16xf32>,
        %exp3A_1340 = math.exp %get3A_1339 : vector<16xf32>
        %add3A_1341 = arith.addf %add3A_1309, %exp3A_1340 : vector<16xf32>
        %add3A_1342 = arith.constant 32768 : i32
        %add3A_1343 = arith.addi %add3A_1342, %mul3A_811 : i32
        %add3A_1344 = arith.constant 16 : i32
        %add3A_1345 = arith.addi %add3A_1343, %add3A_1344 : i32
        %get3A_1346 = arith.index_cast %add3A_1345 : i32 to index
        %get3A_1347 = tpu.vector_load %arg5[%get3A_1346] {strides = array<i32>} : memref<38912xf32, #tpu.memory_space<vmem>>, vector<16xf32>,
        %exp3A_1348 = math.exp %get3A_1347 : vector<16xf32>
        %add3A_1349 = arith.addf %add3A_1317, %exp3A_1348 : vector<16xf32>
        %add3A_1350 = arith.constant 32768 : i32
        %add3A_1351 = arith.addi %add3A_1350, %mul3A_811 : i32
        %add3A_1352 = arith.constant 32 : i32
        %add3A_1353 = arith.addi %add3A_1351, %add3A_1352 : i32
        %get3A_1354 = arith.index_cast %add3A_1353 : i32 to index
        %get3A_1355 = tpu.vector_load %arg5[%get3A_1354] {strides = array<i32>} : memref<38912xf32, #tpu.memory_space<vmem>>, vector<16xf32>,
        %exp3A_1356 = math.exp %get3A_1355 : vector<16xf32>
        %add3A_1357 = arith.addf %add3A_1325, %exp3A_1356 : vector<16xf32>
        %add3A_1358 = arith.constant 32768 : i32
        %add3A_1359 = arith.addi %add3A_1358, %mul3A_811 : i32
        %add3A_1360 = arith.constant 48 : i32
        %add3A_1361 = arith.addi %add3A_1359, %add3A_1360 : i32
        %get3A_1362 = arith.index_cast %add3A_1361 : i32 to index
        %get3A_1363 = tpu.vector_load %arg5[%get3A_1362] {strides = array<i32>} : memref<38912xf32, #tpu.memory_space<vmem>>, vector<16xf32>,
        %exp3A_1364 = math.exp %get3A_1363 : vector<16xf32>
        %add3A_1365 = arith.addf %add3A_1333, %exp3A_1364 : vector<16xf32>
        %add3A_1366 = arith.constant 34816 : i32
        %add3A_1367 = arith.addi %add3A_1366, %mul3A_811 : i32
        %add3A_1368 = arith.constant 0 : i32
        %add3A_1369 = arith.addi %add3A_1367, %add3A_1368 : i32
        %get3A_1370 = arith.index_cast %add3A_1369 : i32 to index
        %get3A_1371 = tpu.vector_load %arg5[%get3A_1370] {strides = array<i32>} : memref<38912xf32, #tpu.memory_space<vmem>>, vector<16xf32>,
        %exp3A_1372 = math.exp %get3A_1371 : vector<16xf32>
        %add3A_1373 = arith.addf %add3A_1341, %exp3A_1372 : vector<16xf32>
        %add3A_1374 = arith.constant 34816 : i32
        %add3A_1375 = arith.addi %add3A_1374, %mul3A_811 : i32
        %add3A_1376 = arith.constant 16 : i32
        %add3A_1377 = arith.addi %add3A_1375, %add3A_1376 : i32
        %get3A_1378 = arith.index_cast %add3A_1377 : i32 to index
        %get3A_1379 = tpu.vector_load %arg5[%get3A_1378] {strides = array<i32>} : memref<38912xf32, #tpu.memory_space<vmem>>, vector<16xf32>,
        %exp3A_1380 = math.exp %get3A_1379 : vector<16xf32>
        %add3A_1381 = arith.addf %add3A_1349, %exp3A_1380 : vector<16xf32>
        %add3A_1382 = arith.constant 34816 : i32
        %add3A_1383 = arith.addi %add3A_1382, %mul3A_811 : i32
        %add3A_1384 = arith.constant 32 : i32
        %add3A_1385 = arith.addi %add3A_1383, %add3A_1384 : i32
        %get3A_1386 = arith.index_cast %add3A_1385 : i32 to index
        %get3A_1387 = tpu.vector_load %arg5[%get3A_1386] {strides = array<i32>} : memref<38912xf32, #tpu.memory_space<vmem>>, vector<16xf32>,
        %exp3A_1388 = math.exp %get3A_1387 : vector<16xf32>
        %add3A_1389 = arith.addf %add3A_1357, %exp3A_1388 : vector<16xf32>
        %add3A_1390 = arith.constant 34816 : i32
        %add3A_1391 = arith.addi %add3A_1390, %mul3A_811 : i32
        %add3A_1392 = arith.constant 48 : i32
        %add3A_1393 = arith.addi %add3A_1391, %add3A_1392 : i32
        %get3A_1394 = arith.index_cast %add3A_1393 : i32 to index
        %get3A_1395 = tpu.vector_load %arg5[%get3A_1394] {strides = array<i32>} : memref<38912xf32, #tpu.memory_space<vmem>>, vector<16xf32>,
        %exp3A_1396 = math.exp %get3A_1395 : vector<16xf32>
        %add3A_1397 = arith.addf %add3A_1365, %exp3A_1396 : vector<16xf32>
        %add3A_1398 = arith.constant 36864 : i32
        %add3A_1399 = arith.addi %add3A_1398, %mul3A_811 : i32
        %add3A_1400 = arith.constant 0 : i32
        %add3A_1401 = arith.addi %add3A_1399, %add3A_1400 : i32
        %get3A_1402 = arith.index_cast %add3A_1401 : i32 to index
        %get3A_1403 = tpu.vector_load %arg5[%get3A_1402] {strides = array<i32>} : memref<38912xf32, #tpu.memory_space<vmem>>, vector<16xf32>,
        %exp3A_1404 = math.exp %get3A_1403 : vector<16xf32>
        %add3A_1405 = arith.addf %add3A_1373, %exp3A_1404 : vector<16xf32>
        %add3A_1406 = arith.constant 36864 : i32
        %add3A_1407 = arith.addi %add3A_1406, %mul3A_811 : i32
        %add3A_1408 = arith.constant 16 : i32
        %add3A_1409 = arith.addi %add3A_1407, %add3A_1408 : i32
        %get3A_1410 = arith.index_cast %add3A_1409 : i32 to index
        %get3A_1411 = tpu.vector_load %arg5[%get3A_1410] {strides = array<i32>} : memref<38912xf32, #tpu.memory_space<vmem>>, vector<16xf32>,
        %exp3A_1412 = math.exp %get3A_1411 : vector<16xf32>
        %add3A_1413 = arith.addf %add3A_1381, %exp3A_1412 : vector<16xf32>
        %add3A_1414 = arith.constant 36864 : i32
        %add3A_1415 = arith.addi %add3A_1414, %mul3A_811 : i32
        %add3A_1416 = arith.constant 32 : i32
        %add3A_1417 = arith.addi %add3A_1415, %add3A_1416 : i32
        %get3A_1418 = arith.index_cast %add3A_1417 : i32 to index
        %get3A_1419 = tpu.vector_load %arg5[%get3A_1418] {strides = array<i32>} : memref<38912xf32, #tpu.memory_space<vmem>>, vector<16xf32>,
        %exp3A_1420 = math.exp %get3A_1419 : vector<16xf32>
        %add3A_1421 = arith.addf %add3A_1389, %exp3A_1420 : vector<16xf32>
        %add3A_1422 = arith.constant 36864 : i32
        %add3A_1423 = arith.addi %add3A_1422, %mul3A_811 : i32
        %add3A_1424 = arith.constant 48 : i32
        %add3A_1425 = arith.addi %add3A_1423, %add3A_1424 : i32
        %get3A_1426 = arith.index_cast %add3A_1425 : i32 to index
        %get3A_1427 = tpu.vector_load %arg5[%get3A_1426] {strides = array<i32>} : memref<38912xf32, #tpu.memory_space<vmem>>, vector<16xf32>,
        %exp3A_1428 = math.exp %get3A_1427 : vector<16xf32>
        %add3A_1429 = arith.addf %add3A_1397, %exp3A_1428 : vector<16xf32>
        %div3A_1430 = vector.broadcast %scan3A_167 : f32 to vector<16xf32>
        %div3A_1431 = arith.divf %div3A_1430, %add3A_1405 : vector<16xf32>
        %div3A_1432 = vector.broadcast %scan3A_167 : f32 to vector<16xf32>
        %div3A_1433 = arith.divf %div3A_1432, %add3A_1413 : vector<16xf32>
        %div3A_1434 = vector.broadcast %scan3A_167 : f32 to vector<16xf32>
        %div3A_1435 = arith.divf %div3A_1434, %add3A_1421 : vector<16xf32>
        %div3A_1436 = vector.broadcast %scan3A_167 : f32 to vector<16xf32>
        %div3A_1437 = arith.divf %div3A_1436, %add3A_1429 : vector<16xf32>
        %mul3A_1438 = arith.mulf %exp3A, %div3A_1431 : vector<16xf32>
        %convert_element_type3A = arith.fptosi %mul3A_1438 : vector<16xf32> to vector<16xi32>
        %min3A_1439 = arith.constant 2047 : i32
        %min3A_1440 = vector.broadcast %min3A_1439 : i32 to vector<16xi32>
        %min3A_1441 = arith.minsi %convert_element_type3A, %min3A_1440 : vector<16xi32>
        %eq3A_1442 = arith.constant 0 : i32
        %eq3A_1443 = vector.broadcast %eq3A_1442 : i32 to vector<16xi32>
        %eq3A_1444 = arith.cmpi eq, %get3A_814, %eq3A_1443 : vector<16xi32>
        %sub3A_1445 = arith.constant 22527 : i32
        %sub3A_1446 = vector.broadcast %sub3A_1445 : i32 to vector<16xi32>
        %sub3A_1447 = arith.subi %sub3A_1446, %min3A_1441 : vector<16xi32>
        %add3A_1448 = arith.constant 0 : i32
        %add3A_1449 = vector.broadcast %add3A_1448 : i32 to vector<16xi32>
        %add3A_1450 = arith.addi %add3A_1449, %min3A_1441 : vector<16xi32>
        %select_n3A_1451 = arith.select %eq3A_1444, %sub3A_1447, %add3A_1450 : vector<16xi1>, vector<16xi32>
        tpu.vector_store_idx %arg9[%select_n3A_1451], %broadcast_in_dim3A_7 {add = true} : memref<40960xf32, #tpu.memory_space<vmem>>[vector<16xi32>], vector<16xf32>,
        %mul3A_1452 = arith.mulf %exp3A_839, %div3A_1433 : vector<16xf32>
        %convert_element_type3A_1453 = arith.fptosi %mul3A_1452 : vector<16xf32> to vector<16xi32>
        %min3A_1454 = arith.constant 2047 : i32
        %min3A_1455 = vector.broadcast %min3A_1454 : i32 to vector<16xi32>
        %min3A_1456 = arith.minsi %convert_element_type3A_1453, %min3A_1455 : vector<16xi32>
        %eq3A_1457 = arith.constant 0 : i32
        %eq3A_1458 = vector.broadcast %eq3A_1457 : i32 to vector<16xi32>
        %eq3A_1459 = arith.cmpi eq, %get3A_818, %eq3A_1458 : vector<16xi32>
        %sub3A_1460 = arith.constant 22527 : i32
        %sub3A_1461 = vector.broadcast %sub3A_1460 : i32 to vector<16xi32>
        %sub3A_1462 = arith.subi %sub3A_1461, %min3A_1456 : vector<16xi32>
        %add3A_1463 = arith.constant 0 : i32
        %add3A_1464 = vector.broadcast %add3A_1463 : i32 to vector<16xi32>
        %add3A_1465 = arith.addi %add3A_1464, %min3A_1456 : vector<16xi32>
        %select_n3A_1466 = arith.select %eq3A_1459, %sub3A_1462, %add3A_1465 : vector<16xi1>, vector<16xi32>
        tpu.vector_store_idx %arg9[%select_n3A_1466], %broadcast_in_dim3A_7 {add = true} : memref<40960xf32, #tpu.memory_space<vmem>>[vector<16xi32>], vector<16xf32>,
        %mul3A_1467 = arith.mulf %exp3A_846, %div3A_1435 : vector<16xf32>
        %convert_element_type3A_1468 = arith.fptosi %mul3A_1467 : vector<16xf32> to vector<16xi32>
        %min3A_1469 = arith.constant 2047 : i32
        %min3A_1470 = vector.broadcast %min3A_1469 : i32 to vector<16xi32>
        %min3A_1471 = arith.minsi %convert_element_type3A_1468, %min3A_1470 : vector<16xi32>
        %eq3A_1472 = arith.constant 0 : i32
        %eq3A_1473 = vector.broadcast %eq3A_1472 : i32 to vector<16xi32>
        %eq3A_1474 = arith.cmpi eq, %get3A_822, %eq3A_1473 : vector<16xi32>
        %sub3A_1475 = arith.constant 22527 : i32
        %sub3A_1476 = vector.broadcast %sub3A_1475 : i32 to vector<16xi32>
        %sub3A_1477 = arith.subi %sub3A_1476, %min3A_1471 : vector<16xi32>
        %add3A_1478 = arith.constant 0 : i32
        %add3A_1479 = vector.broadcast %add3A_1478 : i32 to vector<16xi32>
        %add3A_1480 = arith.addi %add3A_1479, %min3A_1471 : vector<16xi32>
        %select_n3A_1481 = arith.select %eq3A_1474, %sub3A_1477, %add3A_1480 : vector<16xi1>, vector<16xi32>
        tpu.vector_store_idx %arg9[%select_n3A_1481], %broadcast_in_dim3A_7 {add = true} : memref<40960xf32, #tpu.memory_space<vmem>>[vector<16xi32>], vector<16xf32>,
        %mul3A_1482 = arith.mulf %exp3A_853, %div3A_1437 : vector<16xf32>
        %convert_element_type3A_1483 = arith.fptosi %mul3A_1482 : vector<16xf32> to vector<16xi32>
        %min3A_1484 = arith.constant 2047 : i32
        %min3A_1485 = vector.broadcast %min3A_1484 : i32 to vector<16xi32>
        %min3A_1486 = arith.minsi %convert_element_type3A_1483, %min3A_1485 : vector<16xi32>
        %eq3A_1487 = arith.constant 0 : i32
        %eq3A_1488 = vector.broadcast %eq3A_1487 : i32 to vector<16xi32>
        %eq3A_1489 = arith.cmpi eq, %get3A_826, %eq3A_1488 : vector<16xi32>
        %sub3A_1490 = arith.constant 22527 : i32
        %sub3A_1491 = vector.broadcast %sub3A_1490 : i32 to vector<16xi32>
        %sub3A_1492 = arith.subi %sub3A_1491, %min3A_1486 : vector<16xi32>
        %add3A_1493 = arith.constant 0 : i32
        %add3A_1494 = vector.broadcast %add3A_1493 : i32 to vector<16xi32>
        %add3A_1495 = arith.addi %add3A_1494, %min3A_1486 : vector<16xi32>
        %select_n3A_1496 = arith.select %eq3A_1489, %sub3A_1492, %add3A_1495 : vector<16xi1>, vector<16xi32>
        tpu.vector_store_idx %arg9[%select_n3A_1496], %broadcast_in_dim3A_7 {add = true} : memref<40960xf32, #tpu.memory_space<vmem>>[vector<16xi32>], vector<16xf32>,
        %mul3A_1497 = arith.mulf %exp3A_860, %div3A_1431 : vector<16xf32>
        %convert_element_type3A_1498 = arith.fptosi %mul3A_1497 : vector<16xf32> to vector<16xi32>
        %min3A_1499 = arith.constant 2047 : i32
        %min3A_1500 = vector.broadcast %min3A_1499 : i32 to vector<16xi32>
        %min3A_1501 = arith.minsi %convert_element_type3A_1498, %min3A_1500 : vector<16xi32>
        %eq3A_1502 = arith.constant 1 : i32
        %eq3A_1503 = vector.broadcast %eq3A_1502 : i32 to vector<16xi32>
        %eq3A_1504 = arith.cmpi eq, %get3A_814, %eq3A_1503 : vector<16xi32>
        %sub3A_1505 = arith.constant 24575 : i32
        %sub3A_1506 = vector.broadcast %sub3A_1505 : i32 to vector<16xi32>
        %sub3A_1507 = arith.subi %sub3A_1506, %min3A_1501 : vector<16xi32>
        %add3A_1508 = arith.constant 2048 : i32
        %add3A_1509 = vector.broadcast %add3A_1508 : i32 to vector<16xi32>
        %add3A_1510 = arith.addi %add3A_1509, %min3A_1501 : vector<16xi32>
        %select_n3A_1511 = arith.select %eq3A_1504, %sub3A_1507, %add3A_1510 : vector<16xi1>, vector<16xi32>
        tpu.vector_store_idx %arg9[%select_n3A_1511], %broadcast_in_dim3A_7 {add = true} : memref<40960xf32, #tpu.memory_space<vmem>>[vector<16xi32>], vector<16xf32>,
        %mul3A_1512 = arith.mulf %exp3A_868, %div3A_1433 : vector<16xf32>
        %convert_element_type3A_1513 = arith.fptosi %mul3A_1512 : vector<16xf32> to vector<16xi32>
        %min3A_1514 = arith.constant 2047 : i32
        %min3A_1515 = vector.broadcast %min3A_1514 : i32 to vector<16xi32>
        %min3A_1516 = arith.minsi %convert_element_type3A_1513, %min3A_1515 : vector<16xi32>
        %eq3A_1517 = arith.constant 1 : i32
        %eq3A_1518 = vector.broadcast %eq3A_1517 : i32 to vector<16xi32>
        %eq3A_1519 = arith.cmpi eq, %get3A_818, %eq3A_1518 : vector<16xi32>
        %sub3A_1520 = arith.constant 24575 : i32
        %sub3A_1521 = vector.broadcast %sub3A_1520 : i32 to vector<16xi32>
        %sub3A_1522 = arith.subi %sub3A_1521, %min3A_1516 : vector<16xi32>
        %add3A_1523 = arith.constant 2048 : i32
        %add3A_1524 = vector.broadcast %add3A_1523 : i32 to vector<16xi32>
        %add3A_1525 = arith.addi %add3A_1524, %min3A_1516 : vector<16xi32>
        %select_n3A_1526 = arith.select %eq3A_1519, %sub3A_1522, %add3A_1525 : vector<16xi1>, vector<16xi32>
        tpu.vector_store_idx %arg9[%select_n3A_1526], %broadcast_in_dim3A_7 {add = true} : memref<40960xf32, #tpu.memory_space<vmem>>[vector<16xi32>], vector<16xf32>,
        %mul3A_1527 = arith.mulf %exp3A_876, %div3A_1435 : vector<16xf32>
        %convert_element_type3A_1528 = arith.fptosi %mul3A_1527 : vector<16xf32> to vector<16xi32>
        %min3A_1529 = arith.constant 2047 : i32
        %min3A_1530 = vector.broadcast %min3A_1529 : i32 to vector<16xi32>
        %min3A_1531 = arith.minsi %convert_element_type3A_1528, %min3A_1530 : vector<16xi32>
        %eq3A_1532 = arith.constant 1 : i32
        %eq3A_1533 = vector.broadcast %eq3A_1532 : i32 to vector<16xi32>
        %eq3A_1534 = arith.cmpi eq, %get3A_822, %eq3A_1533 : vector<16xi32>
        %sub3A_1535 = arith.constant 24575 : i32
        %sub3A_1536 = vector.broadcast %sub3A_1535 : i32 to vector<16xi32>
        %sub3A_1537 = arith.subi %sub3A_1536, %min3A_1531 : vector<16xi32>
        %add3A_1538 = arith.constant 2048 : i32
        %add3A_1539 = vector.broadcast %add3A_1538 : i32 to vector<16xi32>
        %add3A_1540 = arith.addi %add3A_1539, %min3A_1531 : vector<16xi32>
        %select_n3A_1541 = arith.select %eq3A_1534, %sub3A_1537, %add3A_1540 : vector<16xi1>, vector<16xi32>
        tpu.vector_store_idx %arg9[%select_n3A_1541], %broadcast_in_dim3A_7 {add = true} : memref<40960xf32, #tpu.memory_space<vmem>>[vector<16xi32>], vector<16xf32>,
        %mul3A_1542 = arith.mulf %exp3A_884, %div3A_1437 : vector<16xf32>
        %convert_element_type3A_1543 = arith.fptosi %mul3A_1542 : vector<16xf32> to vector<16xi32>
        %min3A_1544 = arith.constant 2047 : i32
        %min3A_1545 = vector.broadcast %min3A_1544 : i32 to vector<16xi32>
        %min3A_1546 = arith.minsi %convert_element_type3A_1543, %min3A_1545 : vector<16xi32>
        %eq3A_1547 = arith.constant 1 : i32
        %eq3A_1548 = vector.broadcast %eq3A_1547 : i32 to vector<16xi32>
        %eq3A_1549 = arith.cmpi eq, %get3A_826, %eq3A_1548 : vector<16xi32>
        %sub3A_1550 = arith.constant 24575 : i32
        %sub3A_1551 = vector.broadcast %sub3A_1550 : i32 to vector<16xi32>
        %sub3A_1552 = arith.subi %sub3A_1551, %min3A_1546 : vector<16xi32>
        %add3A_1553 = arith.constant 2048 : i32
        %add3A_1554 = vector.broadcast %add3A_1553 : i32 to vector<16xi32>
        %add3A_1555 = arith.addi %add3A_1554, %min3A_1546 : vector<16xi32>
        %select_n3A_1556 = arith.select %eq3A_1549, %sub3A_1552, %add3A_1555 : vector<16xi1>, vector<16xi32>
        tpu.vector_store_idx %arg9[%select_n3A_1556], %broadcast_in_dim3A_7 {add = true} : memref<40960xf32, #tpu.memory_space<vmem>>[vector<16xi32>], vector<16xf32>,
        %mul3A_1557 = arith.mulf %exp3A_892, %div3A_1431 : vector<16xf32>
        %convert_element_type3A_1558 = arith.fptosi %mul3A_1557 : vector<16xf32> to vector<16xi32>
        %min3A_1559 = arith.constant 2047 : i32
        %min3A_1560 = vector.broadcast %min3A_1559 : i32 to vector<16xi32>
        %min3A_1561 = arith.minsi %convert_element_type3A_1558, %min3A_1560 : vector<16xi32>
        %eq3A_1562 = arith.constant 2 : i32
        %eq3A_1563 = vector.broadcast %eq3A_1562 : i32 to vector<16xi32>
        %eq3A_1564 = arith.cmpi eq, %get3A_814, %eq3A_1563 : vector<16xi32>
        %sub3A_1565 = arith.constant 26623 : i32
        %sub3A_1566 = vector.broadcast %sub3A_1565 : i32 to vector<16xi32>
        %sub3A_1567 = arith.subi %sub3A_1566, %min3A_1561 : vector<16xi32>
        %add3A_1568 = arith.constant 4096 : i32
        %add3A_1569 = vector.broadcast %add3A_1568 : i32 to vector<16xi32>
        %add3A_1570 = arith.addi %add3A_1569, %min3A_1561 : vector<16xi32>
        %select_n3A_1571 = arith.select %eq3A_1564, %sub3A_1567, %add3A_1570 : vector<16xi1>, vector<16xi32>
        tpu.vector_store_idx %arg9[%select_n3A_1571], %broadcast_in_dim3A_7 {add = true} : memref<40960xf32, #tpu.memory_space<vmem>>[vector<16xi32>], vector<16xf32>,
        %mul3A_1572 = arith.mulf %exp3A_900, %div3A_1433 : vector<16xf32>
        %convert_element_type3A_1573 = arith.fptosi %mul3A_1572 : vector<16xf32> to vector<16xi32>
        %min3A_1574 = arith.constant 2047 : i32
        %min3A_1575 = vector.broadcast %min3A_1574 : i32 to vector<16xi32>
        %min3A_1576 = arith.minsi %convert_element_type3A_1573, %min3A_1575 : vector<16xi32>
        %eq3A_1577 = arith.constant 2 : i32
        %eq3A_1578 = vector.broadcast %eq3A_1577 : i32 to vector<16xi32>
        %eq3A_1579 = arith.cmpi eq, %get3A_818, %eq3A_1578 : vector<16xi32>
        %sub3A_1580 = arith.constant 26623 : i32
        %sub3A_1581 = vector.broadcast %sub3A_1580 : i32 to vector<16xi32>
        %sub3A_1582 = arith.subi %sub3A_1581, %min3A_1576 : vector<16xi32>
        %add3A_1583 = arith.constant 4096 : i32
        %add3A_1584 = vector.broadcast %add3A_1583 : i32 to vector<16xi32>
        %add3A_1585 = arith.addi %add3A_1584, %min3A_1576 : vector<16xi32>
        %select_n3A_1586 = arith.select %eq3A_1579, %sub3A_1582, %add3A_1585 : vector<16xi1>, vector<16xi32>
        tpu.vector_store_idx %arg9[%select_n3A_1586], %broadcast_in_dim3A_7 {add = true} : memref<40960xf32, #tpu.memory_space<vmem>>[vector<16xi32>], vector<16xf32>,
        %mul3A_1587 = arith.mulf %exp3A_908, %div3A_1435 : vector<16xf32>
        %convert_element_type3A_1588 = arith.fptosi %mul3A_1587 : vector<16xf32> to vector<16xi32>
        %min3A_1589 = arith.constant 2047 : i32
        %min3A_1590 = vector.broadcast %min3A_1589 : i32 to vector<16xi32>
        %min3A_1591 = arith.minsi %convert_element_type3A_1588, %min3A_1590 : vector<16xi32>
        %eq3A_1592 = arith.constant 2 : i32
        %eq3A_1593 = vector.broadcast %eq3A_1592 : i32 to vector<16xi32>
        %eq3A_1594 = arith.cmpi eq, %get3A_822, %eq3A_1593 : vector<16xi32>
        %sub3A_1595 = arith.constant 26623 : i32
        %sub3A_1596 = vector.broadcast %sub3A_1595 : i32 to vector<16xi32>
        %sub3A_1597 = arith.subi %sub3A_1596, %min3A_1591 : vector<16xi32>
        %add3A_1598 = arith.constant 4096 : i32
        %add3A_1599 = vector.broadcast %add3A_1598 : i32 to vector<16xi32>
        %add3A_1600 = arith.addi %add3A_1599, %min3A_1591 : vector<16xi32>
        %select_n3A_1601 = arith.select %eq3A_1594, %sub3A_1597, %add3A_1600 : vector<16xi1>, vector<16xi32>
        tpu.vector_store_idx %arg9[%select_n3A_1601], %broadcast_in_dim3A_7 {add = true} : memref<40960xf32, #tpu.memory_space<vmem>>[vector<16xi32>], vector<16xf32>,
        %mul3A_1602 = arith.mulf %exp3A_916, %div3A_1437 : vector<16xf32>
        %convert_element_type3A_1603 = arith.fptosi %mul3A_1602 : vector<16xf32> to vector<16xi32>
        %min3A_1604 = arith.constant 2047 : i32
        %min3A_1605 = vector.broadcast %min3A_1604 : i32 to vector<16xi32>
        %min3A_1606 = arith.minsi %convert_element_type3A_1603, %min3A_1605 : vector<16xi32>
        %eq3A_1607 = arith.constant 2 : i32
        %eq3A_1608 = vector.broadcast %eq3A_1607 : i32 to vector<16xi32>
        %eq3A_1609 = arith.cmpi eq, %get3A_826, %eq3A_1608 : vector<16xi32>
        %sub3A_1610 = arith.constant 26623 : i32
        %sub3A_1611 = vector.broadcast %sub3A_1610 : i32 to vector<16xi32>
        %sub3A_1612 = arith.subi %sub3A_1611, %min3A_1606 : vector<16xi32>
        %add3A_1613 = arith.constant 4096 : i32
        %add3A_1614 = vector.broadcast %add3A_1613 : i32 to vector<16xi32>
        %add3A_1615 = arith.addi %add3A_1614, %min3A_1606 : vector<16xi32>
        %select_n3A_1616 = arith.select %eq3A_1609, %sub3A_1612, %add3A_1615 : vector<16xi1>, vector<16xi32>
        tpu.vector_store_idx %arg9[%select_n3A_1616], %broadcast_in_dim3A_7 {add = true} : memref<40960xf32, #tpu.memory_space<vmem>>[vector<16xi32>], vector<16xf32>,
        %mul3A_1617 = arith.mulf %exp3A_924, %div3A_1431 : vector<16xf32>
        %convert_element_type3A_1618 = arith.fptosi %mul3A_1617 : vector<16xf32> to vector<16xi32>
        %min3A_1619 = arith.constant 2047 : i32
        %min3A_1620 = vector.broadcast %min3A_1619 : i32 to vector<16xi32>
        %min3A_1621 = arith.minsi %convert_element_type3A_1618, %min3A_1620 : vector<16xi32>
        %eq3A_1622 = arith.constant 3 : i32
        %eq3A_1623 = vector.broadcast %eq3A_1622 : i32 to vector<16xi32>
        %eq3A_1624 = arith.cmpi eq, %get3A_814, %eq3A_1623 : vector<16xi32>
        %sub3A_1625 = arith.constant 28671 : i32
        %sub3A_1626 = vector.broadcast %sub3A_1625 : i32 to vector<16xi32>
        %sub3A_1627 = arith.subi %sub3A_1626, %min3A_1621 : vector<16xi32>
        %add3A_1628 = arith.constant 6144 : i32
        %add3A_1629 = vector.broadcast %add3A_1628 : i32 to vector<16xi32>
        %add3A_1630 = arith.addi %add3A_1629, %min3A_1621 : vector<16xi32>
        %select_n3A_1631 = arith.select %eq3A_1624, %sub3A_1627, %add3A_1630 : vector<16xi1>, vector<16xi32>
        tpu.vector_store_idx %arg9[%select_n3A_1631], %broadcast_in_dim3A_7 {add = true} : memref<40960xf32, #tpu.memory_space<vmem>>[vector<16xi32>], vector<16xf32>,
        %mul3A_1632 = arith.mulf %exp3A_932, %div3A_1433 : vector<16xf32>
        %convert_element_type3A_1633 = arith.fptosi %mul3A_1632 : vector<16xf32> to vector<16xi32>
        %min3A_1634 = arith.constant 2047 : i32
        %min3A_1635 = vector.broadcast %min3A_1634 : i32 to vector<16xi32>
        %min3A_1636 = arith.minsi %convert_element_type3A_1633, %min3A_1635 : vector<16xi32>
        %eq3A_1637 = arith.constant 3 : i32
        %eq3A_1638 = vector.broadcast %eq3A_1637 : i32 to vector<16xi32>
        %eq3A_1639 = arith.cmpi eq, %get3A_818, %eq3A_1638 : vector<16xi32>
        %sub3A_1640 = arith.constant 28671 : i32
        %sub3A_1641 = vector.broadcast %sub3A_1640 : i32 to vector<16xi32>
        %sub3A_1642 = arith.subi %sub3A_1641, %min3A_1636 : vector<16xi32>
        %add3A_1643 = arith.constant 6144 : i32
        %add3A_1644 = vector.broadcast %add3A_1643 : i32 to vector<16xi32>
        %add3A_1645 = arith.addi %add3A_1644, %min3A_1636 : vector<16xi32>
        %select_n3A_1646 = arith.select %eq3A_1639, %sub3A_1642, %add3A_1645 : vector<16xi1>, vector<16xi32>
        tpu.vector_store_idx %arg9[%select_n3A_1646], %broadcast_in_dim3A_7 {add = true} : memref<40960xf32, #tpu.memory_space<vmem>>[vector<16xi32>], vector<16xf32>,
        %mul3A_1647 = arith.mulf %exp3A_940, %div3A_1435 : vector<16xf32>
        %convert_element_type3A_1648 = arith.fptosi %mul3A_1647 : vector<16xf32> to vector<16xi32>
        %min3A_1649 = arith.constant 2047 : i32
        %min3A_1650 = vector.broadcast %min3A_1649 : i32 to vector<16xi32>
        %min3A_1651 = arith.minsi %convert_element_type3A_1648, %min3A_1650 : vector<16xi32>
        %eq3A_1652 = arith.constant 3 : i32
        %eq3A_1653 = vector.broadcast %eq3A_1652 : i32 to vector<16xi32>
        %eq3A_1654 = arith.cmpi eq, %get3A_822, %eq3A_1653 : vector<16xi32>
        %sub3A_1655 = arith.constant 28671 : i32
        %sub3A_1656 = vector.broadcast %sub3A_1655 : i32 to vector<16xi32>
        %sub3A_1657 = arith.subi %sub3A_1656, %min3A_1651 : vector<16xi32>
        %add3A_1658 = arith.constant 6144 : i32
        %add3A_1659 = vector.broadcast %add3A_1658 : i32 to vector<16xi32>
        %add3A_1660 = arith.addi %add3A_1659, %min3A_1651 : vector<16xi32>
        %select_n3A_1661 = arith.select %eq3A_1654, %sub3A_1657, %add3A_1660 : vector<16xi1>, vector<16xi32>
        tpu.vector_store_idx %arg9[%select_n3A_1661], %broadcast_in_dim3A_7 {add = true} : memref<40960xf32, #tpu.memory_space<vmem>>[vector<16xi32>], vector<16xf32>,
        %mul3A_1662 = arith.mulf %exp3A_948, %div3A_1437 : vector<16xf32>
        %convert_element_type3A_1663 = arith.fptosi %mul3A_1662 : vector<16xf32> to vector<16xi32>
        %min3A_1664 = arith.constant 2047 : i32
        %min3A_1665 = vector.broadcast %min3A_1664 : i32 to vector<16xi32>
        %min3A_1666 = arith.minsi %convert_element_type3A_1663, %min3A_1665 : vector<16xi32>
        %eq3A_1667 = arith.constant 3 : i32
        %eq3A_1668 = vector.broadcast %eq3A_1667 : i32 to vector<16xi32>
        %eq3A_1669 = arith.cmpi eq, %get3A_826, %eq3A_1668 : vector<16xi32>
        %sub3A_1670 = arith.constant 28671 : i32
        %sub3A_1671 = vector.broadcast %sub3A_1670 : i32 to vector<16xi32>
        %sub3A_1672 = arith.subi %sub3A_1671, %min3A_1666 : vector<16xi32>
        %add3A_1673 = arith.constant 6144 : i32
        %add3A_1674 = vector.broadcast %add3A_1673 : i32 to vector<16xi32>
        %add3A_1675 = arith.addi %add3A_1674, %min3A_1666 : vector<16xi32>
        %select_n3A_1676 = arith.select %eq3A_1669, %sub3A_1672, %add3A_1675 : vector<16xi1>, vector<16xi32>
        tpu.vector_store_idx %arg9[%select_n3A_1676], %broadcast_in_dim3A_7 {add = true} : memref<40960xf32, #tpu.memory_space<vmem>>[vector<16xi32>], vector<16xf32>,
        %mul3A_1677 = arith.mulf %exp3A_956, %div3A_1431 : vector<16xf32>
        %convert_element_type3A_1678 = arith.fptosi %mul3A_1677 : vector<16xf32> to vector<16xi32>
        %min3A_1679 = arith.constant 2047 : i32
        %min3A_1680 = vector.broadcast %min3A_1679 : i32 to vector<16xi32>
        %min3A_1681 = arith.minsi %convert_element_type3A_1678, %min3A_1680 : vector<16xi32>
        %eq3A_1682 = arith.constant 4 : i32
        %eq3A_1683 = vector.broadcast %eq3A_1682 : i32 to vector<16xi32>
        %eq3A_1684 = arith.cmpi eq, %get3A_814, %eq3A_1683 : vector<16xi32>
        %sub3A_1685 = arith.constant 30719 : i32
        %sub3A_1686 = vector.broadcast %sub3A_1685 : i32 to vector<16xi32>
        %sub3A_1687 = arith.subi %sub3A_1686, %min3A_1681 : vector<16xi32>
        %add3A_1688 = arith.constant 8192 : i32
        %add3A_1689 = vector.broadcast %add3A_1688 : i32 to vector<16xi32>
        %add3A_1690 = arith.addi %add3A_1689, %min3A_1681 : vector<16xi32>
        %select_n3A_1691 = arith.select %eq3A_1684, %sub3A_1687, %add3A_1690 : vector<16xi1>, vector<16xi32>
        tpu.vector_store_idx %arg9[%select_n3A_1691], %broadcast_in_dim3A_7 {add = true} : memref<40960xf32, #tpu.memory_space<vmem>>[vector<16xi32>], vector<16xf32>,
        %mul3A_1692 = arith.mulf %exp3A_964, %div3A_1433 : vector<16xf32>
        %convert_element_type3A_1693 = arith.fptosi %mul3A_1692 : vector<16xf32> to vector<16xi32>
        %min3A_1694 = arith.constant 2047 : i32
        %min3A_1695 = vector.broadcast %min3A_1694 : i32 to vector<16xi32>
        %min3A_1696 = arith.minsi %convert_element_type3A_1693, %min3A_1695 : vector<16xi32>
        %eq3A_1697 = arith.constant 4 : i32
        %eq3A_1698 = vector.broadcast %eq3A_1697 : i32 to vector<16xi32>
        %eq3A_1699 = arith.cmpi eq, %get3A_818, %eq3A_1698 : vector<16xi32>
        %sub3A_1700 = arith.constant 30719 : i32
        %sub3A_1701 = vector.broadcast %sub3A_1700 : i32 to vector<16xi32>
        %sub3A_1702 = arith.subi %sub3A_1701, %min3A_1696 : vector<16xi32>
        %add3A_1703 = arith.constant 8192 : i32
        %add3A_1704 = vector.broadcast %add3A_1703 : i32 to vector<16xi32>
        %add3A_1705 = arith.addi %add3A_1704, %min3A_1696 : vector<16xi32>
        %select_n3A_1706 = arith.select %eq3A_1699, %sub3A_1702, %add3A_1705 : vector<16xi1>, vector<16xi32>
        tpu.vector_store_idx %arg9[%select_n3A_1706], %broadcast_in_dim3A_7 {add = true} : memref<40960xf32, #tpu.memory_space<vmem>>[vector<16xi32>], vector<16xf32>,
        %mul3A_1707 = arith.mulf %exp3A_972, %div3A_1435 : vector<16xf32>
        %convert_element_type3A_1708 = arith.fptosi %mul3A_1707 : vector<16xf32> to vector<16xi32>
        %min3A_1709 = arith.constant 2047 : i32
        %min3A_1710 = vector.broadcast %min3A_1709 : i32 to vector<16xi32>
        %min3A_1711 = arith.minsi %convert_element_type3A_1708, %min3A_1710 : vector<16xi32>
        %eq3A_1712 = arith.constant 4 : i32
        %eq3A_1713 = vector.broadcast %eq3A_1712 : i32 to vector<16xi32>
        %eq3A_1714 = arith.cmpi eq, %get3A_822, %eq3A_1713 : vector<16xi32>
        %sub3A_1715 = arith.constant 30719 : i32
        %sub3A_1716 = vector.broadcast %sub3A_1715 : i32 to vector<16xi32>
        %sub3A_1717 = arith.subi %sub3A_1716, %min3A_1711 : vector<16xi32>
        %add3A_1718 = arith.constant 8192 : i32
        %add3A_1719 = vector.broadcast %add3A_1718 : i32 to vector<16xi32>
        %add3A_1720 = arith.addi %add3A_1719, %min3A_1711 : vector<16xi32>
        %select_n3A_1721 = arith.select %eq3A_1714, %sub3A_1717, %add3A_1720 : vector<16xi1>, vector<16xi32>
        tpu.vector_store_idx %arg9[%select_n3A_1721], %broadcast_in_dim3A_7 {add = true} : memref<40960xf32, #tpu.memory_space<vmem>>[vector<16xi32>], vector<16xf32>,
        %mul3A_1722 = arith.mulf %exp3A_980, %div3A_1437 : vector<16xf32>
        %convert_element_type3A_1723 = arith.fptosi %mul3A_1722 : vector<16xf32> to vector<16xi32>
        %min3A_1724 = arith.constant 2047 : i32
        %min3A_1725 = vector.broadcast %min3A_1724 : i32 to vector<16xi32>
        %min3A_1726 = arith.minsi %convert_element_type3A_1723, %min3A_1725 : vector<16xi32>
        %eq3A_1727 = arith.constant 4 : i32
        %eq3A_1728 = vector.broadcast %eq3A_1727 : i32 to vector<16xi32>
        %eq3A_1729 = arith.cmpi eq, %get3A_826, %eq3A_1728 : vector<16xi32>
        %sub3A_1730 = arith.constant 30719 : i32
        %sub3A_1731 = vector.broadcast %sub3A_1730 : i32 to vector<16xi32>
        %sub3A_1732 = arith.subi %sub3A_1731, %min3A_1726 : vector<16xi32>
        %add3A_1733 = arith.constant 8192 : i32
        %add3A_1734 = vector.broadcast %add3A_1733 : i32 to vector<16xi32>
        %add3A_1735 = arith.addi %add3A_1734, %min3A_1726 : vector<16xi32>
        %select_n3A_1736 = arith.select %eq3A_1729, %sub3A_1732, %add3A_1735 : vector<16xi1>, vector<16xi32>
        tpu.vector_store_idx %arg9[%select_n3A_1736], %broadcast_in_dim3A_7 {add = true} : memref<40960xf32, #tpu.memory_space<vmem>>[vector<16xi32>], vector<16xf32>,
        %mul3A_1737 = arith.mulf %exp3A_988, %div3A_1431 : vector<16xf32>
        %convert_element_type3A_1738 = arith.fptosi %mul3A_1737 : vector<16xf32> to vector<16xi32>
        %min3A_1739 = arith.constant 2047 : i32
        %min3A_1740 = vector.broadcast %min3A_1739 : i32 to vector<16xi32>
        %min3A_1741 = arith.minsi %convert_element_type3A_1738, %min3A_1740 : vector<16xi32>
        %eq3A_1742 = arith.constant 5 : i32
        %eq3A_1743 = vector.broadcast %eq3A_1742 : i32 to vector<16xi32>
        %eq3A_1744 = arith.cmpi eq, %get3A_814, %eq3A_1743 : vector<16xi32>
        %sub3A_1745 = arith.constant 32767 : i32
        %sub3A_1746 = vector.broadcast %sub3A_1745 : i32 to vector<16xi32>
        %sub3A_1747 = arith.subi %sub3A_1746, %min3A_1741 : vector<16xi32>
        %add3A_1748 = arith.constant 10240 : i32
        %add3A_1749 = vector.broadcast %add3A_1748 : i32 to vector<16xi32>
        %add3A_1750 = arith.addi %add3A_1749, %min3A_1741 : vector<16xi32>
        %select_n3A_1751 = arith.select %eq3A_1744, %sub3A_1747, %add3A_1750 : vector<16xi1>, vector<16xi32>
        tpu.vector_store_idx %arg9[%select_n3A_1751], %broadcast_in_dim3A_7 {add = true} : memref<40960xf32, #tpu.memory_space<vmem>>[vector<16xi32>], vector<16xf32>,
        %mul3A_1752 = arith.mulf %exp3A_996, %div3A_1433 : vector<16xf32>
        %convert_element_type3A_1753 = arith.fptosi %mul3A_1752 : vector<16xf32> to vector<16xi32>
        %min3A_1754 = arith.constant 2047 : i32
        %min3A_1755 = vector.broadcast %min3A_1754 : i32 to vector<16xi32>
        %min3A_1756 = arith.minsi %convert_element_type3A_1753, %min3A_1755 : vector<16xi32>
        %eq3A_1757 = arith.constant 5 : i32
        %eq3A_1758 = vector.broadcast %eq3A_1757 : i32 to vector<16xi32>
        %eq3A_1759 = arith.cmpi eq, %get3A_818, %eq3A_1758 : vector<16xi32>
        %sub3A_1760 = arith.constant 32767 : i32
        %sub3A_1761 = vector.broadcast %sub3A_1760 : i32 to vector<16xi32>
        %sub3A_1762 = arith.subi %sub3A_1761, %min3A_1756 : vector<16xi32>
        %add3A_1763 = arith.constant 10240 : i32
        %add3A_1764 = vector.broadcast %add3A_1763 : i32 to vector<16xi32>
        %add3A_1765 = arith.addi %add3A_1764, %min3A_1756 : vector<16xi32>
        %select_n3A_1766 = arith.select %eq3A_1759, %sub3A_1762, %add3A_1765 : vector<16xi1>, vector<16xi32>
        tpu.vector_store_idx %arg9[%select_n3A_1766], %broadcast_in_dim3A_7 {add = true} : memref<40960xf32, #tpu.memory_space<vmem>>[vector<16xi32>], vector<16xf32>,
        %mul3A_1767 = arith.mulf %exp3A_1004, %div3A_1435 : vector<16xf32>
        %convert_element_type3A_1768 = arith.fptosi %mul3A_1767 : vector<16xf32> to vector<16xi32>
        %min3A_1769 = arith.constant 2047 : i32
        %min3A_1770 = vector.broadcast %min3A_1769 : i32 to vector<16xi32>
        %min3A_1771 = arith.minsi %convert_element_type3A_1768, %min3A_1770 : vector<16xi32>
        %eq3A_1772 = arith.constant 5 : i32
        %eq3A_1773 = vector.broadcast %eq3A_1772 : i32 to vector<16xi32>
        %eq3A_1774 = arith.cmpi eq, %get3A_822, %eq3A_1773 : vector<16xi32>
        %sub3A_1775 = arith.constant 32767 : i32
        %sub3A_1776 = vector.broadcast %sub3A_1775 : i32 to vector<16xi32>
        %sub3A_1777 = arith.subi %sub3A_1776, %min3A_1771 : vector<16xi32>
        %add3A_1778 = arith.constant 10240 : i32
        %add3A_1779 = vector.broadcast %add3A_1778 : i32 to vector<16xi32>
        %add3A_1780 = arith.addi %add3A_1779, %min3A_1771 : vector<16xi32>
        %select_n3A_1781 = arith.select %eq3A_1774, %sub3A_1777, %add3A_1780 : vector<16xi1>, vector<16xi32>
        tpu.vector_store_idx %arg9[%select_n3A_1781], %broadcast_in_dim3A_7 {add = true} : memref<40960xf32, #tpu.memory_space<vmem>>[vector<16xi32>], vector<16xf32>,
        %mul3A_1782 = arith.mulf %exp3A_1012, %div3A_1437 : vector<16xf32>
        %convert_element_type3A_1783 = arith.fptosi %mul3A_1782 : vector<16xf32> to vector<16xi32>
        %min3A_1784 = arith.constant 2047 : i32
        %min3A_1785 = vector.broadcast %min3A_1784 : i32 to vector<16xi32>
        %min3A_1786 = arith.minsi %convert_element_type3A_1783, %min3A_1785 : vector<16xi32>
        %eq3A_1787 = arith.constant 5 : i32
        %eq3A_1788 = vector.broadcast %eq3A_1787 : i32 to vector<16xi32>
        %eq3A_1789 = arith.cmpi eq, %get3A_826, %eq3A_1788 : vector<16xi32>
        %sub3A_1790 = arith.constant 32767 : i32
        %sub3A_1791 = vector.broadcast %sub3A_1790 : i32 to vector<16xi32>
        %sub3A_1792 = arith.subi %sub3A_1791, %min3A_1786 : vector<16xi32>
        %add3A_1793 = arith.constant 10240 : i32
        %add3A_1794 = vector.broadcast %add3A_1793 : i32 to vector<16xi32>
        %add3A_1795 = arith.addi %add3A_1794, %min3A_1786 : vector<16xi32>
        %select_n3A_1796 = arith.select %eq3A_1789, %sub3A_1792, %add3A_1795 : vector<16xi1>, vector<16xi32>
        tpu.vector_store_idx %arg9[%select_n3A_1796], %broadcast_in_dim3A_7 {add = true} : memref<40960xf32, #tpu.memory_space<vmem>>[vector<16xi32>], vector<16xf32>,
        %mul3A_1797 = arith.mulf %exp3A_1020, %div3A_1431 : vector<16xf32>
        %convert_element_type3A_1798 = arith.fptosi %mul3A_1797 : vector<16xf32> to vector<16xi32>
        %min3A_1799 = arith.constant 2047 : i32
        %min3A_1800 = vector.broadcast %min3A_1799 : i32 to vector<16xi32>
        %min3A_1801 = arith.minsi %convert_element_type3A_1798, %min3A_1800 : vector<16xi32>
        %eq3A_1802 = arith.constant 6 : i32
        %eq3A_1803 = vector.broadcast %eq3A_1802 : i32 to vector<16xi32>
        %eq3A_1804 = arith.cmpi eq, %get3A_814, %eq3A_1803 : vector<16xi32>
        %sub3A_1805 = arith.constant 34815 : i32
        %sub3A_1806 = vector.broadcast %sub3A_1805 : i32 to vector<16xi32>
        %sub3A_1807 = arith.subi %sub3A_1806, %min3A_1801 : vector<16xi32>
        %add3A_1808 = arith.constant 12288 : i32
        %add3A_1809 = vector.broadcast %add3A_1808 : i32 to vector<16xi32>
        %add3A_1810 = arith.addi %add3A_1809, %min3A_1801 : vector<16xi32>
        %select_n3A_1811 = arith.select %eq3A_1804, %sub3A_1807, %add3A_1810 : vector<16xi1>, vector<16xi32>
        tpu.vector_store_idx %arg9[%select_n3A_1811], %broadcast_in_dim3A_7 {add = true} : memref<40960xf32, #tpu.memory_space<vmem>>[vector<16xi32>], vector<16xf32>,
        %mul3A_1812 = arith.mulf %exp3A_1028, %div3A_1433 : vector<16xf32>
        %convert_element_type3A_1813 = arith.fptosi %mul3A_1812 : vector<16xf32> to vector<16xi32>
        %min3A_1814 = arith.constant 2047 : i32
        %min3A_1815 = vector.broadcast %min3A_1814 : i32 to vector<16xi32>
        %min3A_1816 = arith.minsi %convert_element_type3A_1813, %min3A_1815 : vector<16xi32>
        %eq3A_1817 = arith.constant 6 : i32
        %eq3A_1818 = vector.broadcast %eq3A_1817 : i32 to vector<16xi32>
        %eq3A_1819 = arith.cmpi eq, %get3A_818, %eq3A_1818 : vector<16xi32>
        %sub3A_1820 = arith.constant 34815 : i32
        %sub3A_1821 = vector.broadcast %sub3A_1820 : i32 to vector<16xi32>
        %sub3A_1822 = arith.subi %sub3A_1821, %min3A_1816 : vector<16xi32>
        %add3A_1823 = arith.constant 12288 : i32
        %add3A_1824 = vector.broadcast %add3A_1823 : i32 to vector<16xi32>
        %add3A_1825 = arith.addi %add3A_1824, %min3A_1816 : vector<16xi32>
        %select_n3A_1826 = arith.select %eq3A_1819, %sub3A_1822, %add3A_1825 : vector<16xi1>, vector<16xi32>
        tpu.vector_store_idx %arg9[%select_n3A_1826], %broadcast_in_dim3A_7 {add = true} : memref<40960xf32, #tpu.memory_space<vmem>>[vector<16xi32>], vector<16xf32>,
        %mul3A_1827 = arith.mulf %exp3A_1036, %div3A_1435 : vector<16xf32>
        %convert_element_type3A_1828 = arith.fptosi %mul3A_1827 : vector<16xf32> to vector<16xi32>
        %min3A_1829 = arith.constant 2047 : i32
        %min3A_1830 = vector.broadcast %min3A_1829 : i32 to vector<16xi32>
        %min3A_1831 = arith.minsi %convert_element_type3A_1828, %min3A_1830 : vector<16xi32>
        %eq3A_1832 = arith.constant 6 : i32
        %eq3A_1833 = vector.broadcast %eq3A_1832 : i32 to vector<16xi32>
        %eq3A_1834 = arith.cmpi eq, %get3A_822, %eq3A_1833 : vector<16xi32>
        %sub3A_1835 = arith.constant 34815 : i32
        %sub3A_1836 = vector.broadcast %sub3A_1835 : i32 to vector<16xi32>
        %sub3A_1837 = arith.subi %sub3A_1836, %min3A_1831 : vector<16xi32>
        %add3A_1838 = arith.constant 12288 : i32
        %add3A_1839 = vector.broadcast %add3A_1838 : i32 to vector<16xi32>
        %add3A_1840 = arith.addi %add3A_1839, %min3A_1831 : vector<16xi32>
        %select_n3A_1841 = arith.select %eq3A_1834, %sub3A_1837, %add3A_1840 : vector<16xi1>, vector<16xi32>
        tpu.vector_store_idx %arg9[%select_n3A_1841], %broadcast_in_dim3A_7 {add = true} : memref<40960xf32, #tpu.memory_space<vmem>>[vector<16xi32>], vector<16xf32>,
        %mul3A_1842 = arith.mulf %exp3A_1044, %div3A_1437 : vector<16xf32>
        %convert_element_type3A_1843 = arith.fptosi %mul3A_1842 : vector<16xf32> to vector<16xi32>
        %min3A_1844 = arith.constant 2047 : i32
        %min3A_1845 = vector.broadcast %min3A_1844 : i32 to vector<16xi32>
        %min3A_1846 = arith.minsi %convert_element_type3A_1843, %min3A_1845 : vector<16xi32>
        %eq3A_1847 = arith.constant 6 : i32
        %eq3A_1848 = vector.broadcast %eq3A_1847 : i32 to vector<16xi32>
        %eq3A_1849 = arith.cmpi eq, %get3A_826, %eq3A_1848 : vector<16xi32>
        %sub3A_1850 = arith.constant 34815 : i32
        %sub3A_1851 = vector.broadcast %sub3A_1850 : i32 to vector<16xi32>
        %sub3A_1852 = arith.subi %sub3A_1851, %min3A_1846 : vector<16xi32>
        %add3A_1853 = arith.constant 12288 : i32
        %add3A_1854 = vector.broadcast %add3A_1853 : i32 to vector<16xi32>
        %add3A_1855 = arith.addi %add3A_1854, %min3A_1846 : vector<16xi32>
        %select_n3A_1856 = arith.select %eq3A_1849, %sub3A_1852, %add3A_1855 : vector<16xi1>, vector<16xi32>
        tpu.vector_store_idx %arg9[%select_n3A_1856], %broadcast_in_dim3A_7 {add = true} : memref<40960xf32, #tpu.memory_space<vmem>>[vector<16xi32>], vector<16xf32>,
        %mul3A_1857 = arith.mulf %exp3A_1052, %div3A_1431 : vector<16xf32>
        %convert_element_type3A_1858 = arith.fptosi %mul3A_1857 : vector<16xf32> to vector<16xi32>
        %min3A_1859 = arith.constant 2047 : i32
        %min3A_1860 = vector.broadcast %min3A_1859 : i32 to vector<16xi32>
        %min3A_1861 = arith.minsi %convert_element_type3A_1858, %min3A_1860 : vector<16xi32>
        %eq3A_1862 = arith.constant 7 : i32
        %eq3A_1863 = vector.broadcast %eq3A_1862 : i32 to vector<16xi32>
        %eq3A_1864 = arith.cmpi eq, %get3A_814, %eq3A_1863 : vector<16xi32>
        %sub3A_1865 = arith.constant 36863 : i32
        %sub3A_1866 = vector.broadcast %sub3A_1865 : i32 to vector<16xi32>
        %sub3A_1867 = arith.subi %sub3A_1866, %min3A_1861 : vector<16xi32>
        %add3A_1868 = arith.constant 14336 : i32
        %add3A_1869 = vector.broadcast %add3A_1868 : i32 to vector<16xi32>
        %add3A_1870 = arith.addi %add3A_1869, %min3A_1861 : vector<16xi32>
        %select_n3A_1871 = arith.select %eq3A_1864, %sub3A_1867, %add3A_1870 : vector<16xi1>, vector<16xi32>
        tpu.vector_store_idx %arg9[%select_n3A_1871], %broadcast_in_dim3A_7 {add = true} : memref<40960xf32, #tpu.memory_space<vmem>>[vector<16xi32>], vector<16xf32>,
        %mul3A_1872 = arith.mulf %exp3A_1060, %div3A_1433 : vector<16xf32>
        %convert_element_type3A_1873 = arith.fptosi %mul3A_1872 : vector<16xf32> to vector<16xi32>
        %min3A_1874 = arith.constant 2047 : i32
        %min3A_1875 = vector.broadcast %min3A_1874 : i32 to vector<16xi32>
        %min3A_1876 = arith.minsi %convert_element_type3A_1873, %min3A_1875 : vector<16xi32>
        %eq3A_1877 = arith.constant 7 : i32
        %eq3A_1878 = vector.broadcast %eq3A_1877 : i32 to vector<16xi32>
        %eq3A_1879 = arith.cmpi eq, %get3A_818, %eq3A_1878 : vector<16xi32>
        %sub3A_1880 = arith.constant 36863 : i32
        %sub3A_1881 = vector.broadcast %sub3A_1880 : i32 to vector<16xi32>
        %sub3A_1882 = arith.subi %sub3A_1881, %min3A_1876 : vector<16xi32>
        %add3A_1883 = arith.constant 14336 : i32
        %add3A_1884 = vector.broadcast %add3A_1883 : i32 to vector<16xi32>
        %add3A_1885 = arith.addi %add3A_1884, %min3A_1876 : vector<16xi32>
        %select_n3A_1886 = arith.select %eq3A_1879, %sub3A_1882, %add3A_1885 : vector<16xi1>, vector<16xi32>
        tpu.vector_store_idx %arg9[%select_n3A_1886], %broadcast_in_dim3A_7 {add = true} : memref<40960xf32, #tpu.memory_space<vmem>>[vector<16xi32>], vector<16xf32>,
        %mul3A_1887 = arith.mulf %exp3A_1068, %div3A_1435 : vector<16xf32>
        %convert_element_type3A_1888 = arith.fptosi %mul3A_1887 : vector<16xf32> to vector<16xi32>
        %min3A_1889 = arith.constant 2047 : i32
        %min3A_1890 = vector.broadcast %min3A_1889 : i32 to vector<16xi32>
        %min3A_1891 = arith.minsi %convert_element_type3A_1888, %min3A_1890 : vector<16xi32>
        %eq3A_1892 = arith.constant 7 : i32
        %eq3A_1893 = vector.broadcast %eq3A_1892 : i32 to vector<16xi32>
        %eq3A_1894 = arith.cmpi eq, %get3A_822, %eq3A_1893 : vector<16xi32>
        %sub3A_1895 = arith.constant 36863 : i32
        %sub3A_1896 = vector.broadcast %sub3A_1895 : i32 to vector<16xi32>
        %sub3A_1897 = arith.subi %sub3A_1896, %min3A_1891 : vector<16xi32>
        %add3A_1898 = arith.constant 14336 : i32
        %add3A_1899 = vector.broadcast %add3A_1898 : i32 to vector<16xi32>
        %add3A_1900 = arith.addi %add3A_1899, %min3A_1891 : vector<16xi32>
        %select_n3A_1901 = arith.select %eq3A_1894, %sub3A_1897, %add3A_1900 : vector<16xi1>, vector<16xi32>
        tpu.vector_store_idx %arg9[%select_n3A_1901], %broadcast_in_dim3A_7 {add = true} : memref<40960xf32, #tpu.memory_space<vmem>>[vector<16xi32>], vector<16xf32>,
        %mul3A_1902 = arith.mulf %exp3A_1076, %div3A_1437 : vector<16xf32>
        %convert_element_type3A_1903 = arith.fptosi %mul3A_1902 : vector<16xf32> to vector<16xi32>
        %min3A_1904 = arith.constant 2047 : i32
        %min3A_1905 = vector.broadcast %min3A_1904 : i32 to vector<16xi32>
        %min3A_1906 = arith.minsi %convert_element_type3A_1903, %min3A_1905 : vector<16xi32>
        %eq3A_1907 = arith.constant 7 : i32
        %eq3A_1908 = vector.broadcast %eq3A_1907 : i32 to vector<16xi32>
        %eq3A_1909 = arith.cmpi eq, %get3A_826, %eq3A_1908 : vector<16xi32>
        %sub3A_1910 = arith.constant 36863 : i32
        %sub3A_1911 = vector.broadcast %sub3A_1910 : i32 to vector<16xi32>
        %sub3A_1912 = arith.subi %sub3A_1911, %min3A_1906 : vector<16xi32>
        %add3A_1913 = arith.constant 14336 : i32
        %add3A_1914 = vector.broadcast %add3A_1913 : i32 to vector<16xi32>
        %add3A_1915 = arith.addi %add3A_1914, %min3A_1906 : vector<16xi32>
        %select_n3A_1916 = arith.select %eq3A_1909, %sub3A_1912, %add3A_1915 : vector<16xi1>, vector<16xi32>
        tpu.vector_store_idx %arg9[%select_n3A_1916], %broadcast_in_dim3A_7 {add = true} : memref<40960xf32, #tpu.memory_space<vmem>>[vector<16xi32>], vector<16xf32>,
        %mul3A_1917 = arith.mulf %exp3A_1084, %div3A_1431 : vector<16xf32>
        %convert_element_type3A_1918 = arith.fptosi %mul3A_1917 : vector<16xf32> to vector<16xi32>
        %min3A_1919 = arith.constant 2047 : i32
        %min3A_1920 = vector.broadcast %min3A_1919 : i32 to vector<16xi32>
        %min3A_1921 = arith.minsi %convert_element_type3A_1918, %min3A_1920 : vector<16xi32>
        %eq3A_1922 = arith.constant 8 : i32
        %eq3A_1923 = vector.broadcast %eq3A_1922 : i32 to vector<16xi32>
        %eq3A_1924 = arith.cmpi eq, %get3A_814, %eq3A_1923 : vector<16xi32>
        %sub3A_1925 = arith.constant 38911 : i32
        %sub3A_1926 = vector.broadcast %sub3A_1925 : i32 to vector<16xi32>
        %sub3A_1927 = arith.subi %sub3A_1926, %min3A_1921 : vector<16xi32>
        %add3A_1928 = arith.constant 16384 : i32
        %add3A_1929 = vector.broadcast %add3A_1928 : i32 to vector<16xi32>
        %add3A_1930 = arith.addi %add3A_1929, %min3A_1921 : vector<16xi32>
        %select_n3A_1931 = arith.select %eq3A_1924, %sub3A_1927, %add3A_1930 : vector<16xi1>, vector<16xi32>
        tpu.vector_store_idx %arg9[%select_n3A_1931], %broadcast_in_dim3A_7 {add = true} : memref<40960xf32, #tpu.memory_space<vmem>>[vector<16xi32>], vector<16xf32>,
        %mul3A_1932 = arith.mulf %exp3A_1092, %div3A_1433 : vector<16xf32>
        %convert_element_type3A_1933 = arith.fptosi %mul3A_1932 : vector<16xf32> to vector<16xi32>
        %min3A_1934 = arith.constant 2047 : i32
        %min3A_1935 = vector.broadcast %min3A_1934 : i32 to vector<16xi32>
        %min3A_1936 = arith.minsi %convert_element_type3A_1933, %min3A_1935 : vector<16xi32>
        %eq3A_1937 = arith.constant 8 : i32
        %eq3A_1938 = vector.broadcast %eq3A_1937 : i32 to vector<16xi32>
        %eq3A_1939 = arith.cmpi eq, %get3A_818, %eq3A_1938 : vector<16xi32>
        %sub3A_1940 = arith.constant 38911 : i32
        %sub3A_1941 = vector.broadcast %sub3A_1940 : i32 to vector<16xi32>
        %sub3A_1942 = arith.subi %sub3A_1941, %min3A_1936 : vector<16xi32>
        %add3A_1943 = arith.constant 16384 : i32
        %add3A_1944 = vector.broadcast %add3A_1943 : i32 to vector<16xi32>
        %add3A_1945 = arith.addi %add3A_1944, %min3A_1936 : vector<16xi32>
        %select_n3A_1946 = arith.select %eq3A_1939, %sub3A_1942, %add3A_1945 : vector<16xi1>, vector<16xi32>
        tpu.vector_store_idx %arg9[%select_n3A_1946], %broadcast_in_dim3A_7 {add = true} : memref<40960xf32, #tpu.memory_space<vmem>>[vector<16xi32>], vector<16xf32>,
        %mul3A_1947 = arith.mulf %exp3A_1100, %div3A_1435 : vector<16xf32>
        %convert_element_type3A_1948 = arith.fptosi %mul3A_1947 : vector<16xf32> to vector<16xi32>
        %min3A_1949 = arith.constant 2047 : i32
        %min3A_1950 = vector.broadcast %min3A_1949 : i32 to vector<16xi32>
        %min3A_1951 = arith.minsi %convert_element_type3A_1948, %min3A_1950 : vector<16xi32>
        %eq3A_1952 = arith.constant 8 : i32
        %eq3A_1953 = vector.broadcast %eq3A_1952 : i32 to vector<16xi32>
        %eq3A_1954 = arith.cmpi eq, %get3A_822, %eq3A_1953 : vector<16xi32>
        %sub3A_1955 = arith.constant 38911 : i32
        %sub3A_1956 = vector.broadcast %sub3A_1955 : i32 to vector<16xi32>
        %sub3A_1957 = arith.subi %sub3A_1956, %min3A_1951 : vector<16xi32>
        %add3A_1958 = arith.constant 16384 : i32
        %add3A_1959 = vector.broadcast %add3A_1958 : i32 to vector<16xi32>
        %add3A_1960 = arith.addi %add3A_1959, %min3A_1951 : vector<16xi32>
        %select_n3A_1961 = arith.select %eq3A_1954, %sub3A_1957, %add3A_1960 : vector<16xi1>, vector<16xi32>
        tpu.vector_store_idx %arg9[%select_n3A_1961], %broadcast_in_dim3A_7 {add = true} : memref<40960xf32, #tpu.memory_space<vmem>>[vector<16xi32>], vector<16xf32>,
        %mul3A_1962 = arith.mulf %exp3A_1108, %div3A_1437 : vector<16xf32>
        %convert_element_type3A_1963 = arith.fptosi %mul3A_1962 : vector<16xf32> to vector<16xi32>
        %min3A_1964 = arith.constant 2047 : i32
        %min3A_1965 = vector.broadcast %min3A_1964 : i32 to vector<16xi32>
        %min3A_1966 = arith.minsi %convert_element_type3A_1963, %min3A_1965 : vector<16xi32>
        %eq3A_1967 = arith.constant 8 : i32
        %eq3A_1968 = vector.broadcast %eq3A_1967 : i32 to vector<16xi32>
        %eq3A_1969 = arith.cmpi eq, %get3A_826, %eq3A_1968 : vector<16xi32>
        %sub3A_1970 = arith.constant 38911 : i32
        %sub3A_1971 = vector.broadcast %sub3A_1970 : i32 to vector<16xi32>
        %sub3A_1972 = arith.subi %sub3A_1971, %min3A_1966 : vector<16xi32>
        %add3A_1973 = arith.constant 16384 : i32
        %add3A_1974 = vector.broadcast %add3A_1973 : i32 to vector<16xi32>
        %add3A_1975 = arith.addi %add3A_1974, %min3A_1966 : vector<16xi32>
        %select_n3A_1976 = arith.select %eq3A_1969, %sub3A_1972, %add3A_1975 : vector<16xi1>, vector<16xi32>
        tpu.vector_store_idx %arg9[%select_n3A_1976], %broadcast_in_dim3A_7 {add = true} : memref<40960xf32, #tpu.memory_space<vmem>>[vector<16xi32>], vector<16xf32>,
        %mul3A_1977 = arith.mulf %exp3A_1116, %div3A_1431 : vector<16xf32>
        %convert_element_type3A_1978 = arith.fptosi %mul3A_1977 : vector<16xf32> to vector<16xi32>
        %min3A_1979 = arith.constant 2047 : i32
        %min3A_1980 = vector.broadcast %min3A_1979 : i32 to vector<16xi32>
        %min3A_1981 = arith.minsi %convert_element_type3A_1978, %min3A_1980 : vector<16xi32>
        %eq3A_1982 = arith.constant 9 : i32
        %eq3A_1983 = vector.broadcast %eq3A_1982 : i32 to vector<16xi32>
        %eq3A_1984 = arith.cmpi eq, %get3A_814, %eq3A_1983 : vector<16xi32>
        %sub3A_1985 = arith.constant 40959 : i32
        %sub3A_1986 = vector.broadcast %sub3A_1985 : i32 to vector<16xi32>
        %sub3A_1987 = arith.subi %sub3A_1986, %min3A_1981 : vector<16xi32>
        %add3A_1988 = arith.constant 18432 : i32
        %add3A_1989 = vector.broadcast %add3A_1988 : i32 to vector<16xi32>
        %add3A_1990 = arith.addi %add3A_1989, %min3A_1981 : vector<16xi32>
        %select_n3A_1991 = arith.select %eq3A_1984, %sub3A_1987, %add3A_1990 : vector<16xi1>, vector<16xi32>
        tpu.vector_store_idx %arg9[%select_n3A_1991], %broadcast_in_dim3A_7 {add = true} : memref<40960xf32, #tpu.memory_space<vmem>>[vector<16xi32>], vector<16xf32>,
        %mul3A_1992 = arith.mulf %exp3A_1124, %div3A_1433 : vector<16xf32>
        %convert_element_type3A_1993 = arith.fptosi %mul3A_1992 : vector<16xf32> to vector<16xi32>
        %min3A_1994 = arith.constant 2047 : i32
        %min3A_1995 = vector.broadcast %min3A_1994 : i32 to vector<16xi32>
        %min3A_1996 = arith.minsi %convert_element_type3A_1993, %min3A_1995 : vector<16xi32>
        %eq3A_1997 = arith.constant 9 : i32
        %eq3A_1998 = vector.broadcast %eq3A_1997 : i32 to vector<16xi32>
        %eq3A_1999 = arith.cmpi eq, %get3A_818, %eq3A_1998 : vector<16xi32>
        %sub3A_2000 = arith.constant 40959 : i32
        %sub3A_2001 = vector.broadcast %sub3A_2000 : i32 to vector<16xi32>
        %sub3A_2002 = arith.subi %sub3A_2001, %min3A_1996 : vector<16xi32>
        %add3A_2003 = arith.constant 18432 : i32
        %add3A_2004 = vector.broadcast %add3A_2003 : i32 to vector<16xi32>
        %add3A_2005 = arith.addi %add3A_2004, %min3A_1996 : vector<16xi32>
        %select_n3A_2006 = arith.select %eq3A_1999, %sub3A_2002, %add3A_2005 : vector<16xi1>, vector<16xi32>
        tpu.vector_store_idx %arg9[%select_n3A_2006], %broadcast_in_dim3A_7 {add = true} : memref<40960xf32, #tpu.memory_space<vmem>>[vector<16xi32>], vector<16xf32>,
        %mul3A_2007 = arith.mulf %exp3A_1132, %div3A_1435 : vector<16xf32>
        %convert_element_type3A_2008 = arith.fptosi %mul3A_2007 : vector<16xf32> to vector<16xi32>
        %min3A_2009 = arith.constant 2047 : i32
        %min3A_2010 = vector.broadcast %min3A_2009 : i32 to vector<16xi32>
        %min3A_2011 = arith.minsi %convert_element_type3A_2008, %min3A_2010 : vector<16xi32>
        %eq3A_2012 = arith.constant 9 : i32
        %eq3A_2013 = vector.broadcast %eq3A_2012 : i32 to vector<16xi32>
        %eq3A_2014 = arith.cmpi eq, %get3A_822, %eq3A_2013 : vector<16xi32>
        %sub3A_2015 = arith.constant 40959 : i32
        %sub3A_2016 = vector.broadcast %sub3A_2015 : i32 to vector<16xi32>
        %sub3A_2017 = arith.subi %sub3A_2016, %min3A_2011 : vector<16xi32>
        %add3A_2018 = arith.constant 18432 : i32
        %add3A_2019 = vector.broadcast %add3A_2018 : i32 to vector<16xi32>
        %add3A_2020 = arith.addi %add3A_2019, %min3A_2011 : vector<16xi32>
        %select_n3A_2021 = arith.select %eq3A_2014, %sub3A_2017, %add3A_2020 : vector<16xi1>, vector<16xi32>
        tpu.vector_store_idx %arg9[%select_n3A_2021], %broadcast_in_dim3A_7 {add = true} : memref<40960xf32, #tpu.memory_space<vmem>>[vector<16xi32>], vector<16xf32>,
        %mul3A_2022 = arith.mulf %exp3A_1140, %div3A_1437 : vector<16xf32>
        %convert_element_type3A_2023 = arith.fptosi %mul3A_2022 : vector<16xf32> to vector<16xi32>
        %min3A_2024 = arith.constant 2047 : i32
        %min3A_2025 = vector.broadcast %min3A_2024 : i32 to vector<16xi32>
        %min3A_2026 = arith.minsi %convert_element_type3A_2023, %min3A_2025 : vector<16xi32>
        %eq3A_2027 = arith.constant 9 : i32
        %eq3A_2028 = vector.broadcast %eq3A_2027 : i32 to vector<16xi32>
        %eq3A_2029 = arith.cmpi eq, %get3A_826, %eq3A_2028 : vector<16xi32>
        %sub3A_2030 = arith.constant 40959 : i32
        %sub3A_2031 = vector.broadcast %sub3A_2030 : i32 to vector<16xi32>
        %sub3A_2032 = arith.subi %sub3A_2031, %min3A_2026 : vector<16xi32>
        %add3A_2033 = arith.constant 18432 : i32
        %add3A_2034 = vector.broadcast %add3A_2033 : i32 to vector<16xi32>
        %add3A_2035 = arith.addi %add3A_2034, %min3A_2026 : vector<16xi32>
        %select_n3A_2036 = arith.select %eq3A_2029, %sub3A_2032, %add3A_2035 : vector<16xi1>, vector<16xi32>
        tpu.vector_store_idx %arg9[%select_n3A_2036], %broadcast_in_dim3A_7 {add = true} : memref<40960xf32, #tpu.memory_space<vmem>>[vector<16xi32>], vector<16xf32>,
        %scan3A_2037 = arith.constant 0 : i32
        scf.yield %scan3A_2037 : i32
      }
      %scan3A_491 = arith.constant 32 : i32
      %add3A_492 = arith.constant 2 : i32
      %add3A_493 = arith.addi %mul3A_187, %add3A_492 : i32
      %min3A = arith.constant 31 : i32
      %min3A_494 = arith.minsi %add3A_493, %min3A : i32
      %jit3A_495 = arith.constant 4 : i32
      %div3A_496 = arith.divsi %min3A_494, %jit3A_495 : i32
      %sign3A_497 = arith.constant 0 : i32
      %sign3A_498 = arith.cmpi sgt, %min3A_494, %sign3A_497 : i32
      %sign3A_499 = arith.extui %sign3A_498 : i1 to i32
      %sign3A_500 = arith.constant 0 : i32
      %sign3A_501 = arith.cmpi slt, %min3A_494, %sign3A_500 : i32
      %sign3A_502 = arith.extui %sign3A_501 : i1 to i32
      %sign3A_503 = arith.subi %sign3A_499, %sign3A_502 : i32
      %sign3A_504 = arith.constant 0 : i32
      %sign3A_505 = arith.cmpi sgt, %jit3A_495, %sign3A_504 : i32
      %sign3A_506 = arith.extui %sign3A_505 : i1 to i32
      %sign3A_507 = arith.constant 0 : i32
      %sign3A_508 = arith.cmpi slt, %jit3A_495, %sign3A_507 : i32
      %sign3A_509 = arith.extui %sign3A_508 : i1 to i32
      %sign3A_510 = arith.subi %sign3A_506, %sign3A_509 : i32
      %ne3A_511 = arith.cmpi ne, %sign3A_503, %sign3A_510 : i32
      %rem3A_512 = arith.remsi %min3A_494, %jit3A_495 : i32
      %ne3A_513 = arith.constant 0 : i32
      %ne3A_514 = arith.cmpi ne, %rem3A_512, %ne3A_513 : i32
      %and3A_515 = arith.andi %ne3A_511, %ne3A_514 : i1
      %sub3A_516 = arith.constant 1 : i32
      %sub3A_517 = arith.subi %div3A_496, %sub3A_516 : i32
      %select_n3A_518 = arith.select %and3A_515, %sub3A_517, %div3A_496 : i32
      %jit3A_519 = arith.constant 4 : i32
      %eq3A_520 = arith.constant 0 : i32
      %eq3A_521 = arith.cmpi eq, %jit3A_519, %eq3A_520 : i32
      %jit3A_522 = arith.constant 1 : i32
      %select_n3A_523 = arith.select %eq3A_521, %jit3A_522, %jit3A_519 : i32
      %rem3A_524 = arith.remsi %min3A_494, %select_n3A_523 : i32
      %ne3A_525 = arith.constant 0 : i32
      %ne3A_526 = arith.cmpi ne, %rem3A_524, %ne3A_525 : i32
      %lt3A_527 = arith.constant 0 : i32
      %lt3A_528 = arith.cmpi slt, %rem3A_524, %lt3A_527 : i32
      %lt3A_529 = arith.constant 0 : i32
      %lt3A_530 = arith.cmpi slt, %select_n3A_523, %lt3A_529 : i32
      %ne3A_531 = arith.xori %lt3A_528, %lt3A_530 : i1
      %and3A_532 = arith.andi %ne3A_531, %ne3A_526 : i1
      %add3A_533 = arith.addi %rem3A_524, %select_n3A_523 : i32
      %select_n3A_534 = arith.select %and3A_532, %add3A_533, %rem3A_524 : i32
      %mul3A_535 = arith.constant 8192 : i32
      %mul3A_536 = arith.muli %add3A, %mul3A_535 : i32
      %mul3A_537 = arith.constant 2048 : i32
      %mul3A_538 = arith.muli %select_n3A_534, %mul3A_537 : i32
      %add3A_539 = arith.addi %mul3A_536, %mul3A_538 : i32
      %mul3A_540 = arith.constant 19 : i32
      %mul3A_541 = arith.muli %select_n3A_518, %mul3A_540 : i32
      %add3A_542 = arith.constant 0 : i32
      %add3A_543 = arith.addi %mul3A_541, %add3A_542 : i32
      %mul3A_544 = arith.constant 262144 : i32
      %mul3A_545 = arith.muli %add3A_543, %mul3A_544 : i32
      %add3A_546 = arith.addi %mul3A_545, %add3A_539 : i32
      %dma_start3A_547 = arith.constant 0 : i32
      %dma_start3A_548 = tpu.memref_slice %arg5[%dma_start3A_547] : memref<38912xf32, #tpu.memory_space<vmem>> -> memref<2048xf32, #tpu.memory_space<vmem>>
      %dma_start3A_549 = tpu.memref_slice %arg2[%add3A_546] : memref<39845888xf32, #tpu.memory_space<hbm>> -> memref<2048xf32, #tpu.memory_space<hbm>>
      %dma_start3A_550 = arith.constant 0 : i32
      %dma_start3A_551 = tpu.memref_slice %arg5[%dma_start3A_550] : memref<38912xf32, #tpu.memory_space<vmem>> -> memref<2048xf32, #tpu.memory_space<vmem>>
      %dma_start3A_552 = tpu.memref_slice %arg2[%add3A_546] : memref<39845888xf32, #tpu.memory_space<hbm>> -> memref<2048xf32, #tpu.memory_space<hbm>>
      tpu.enqueue_dma source(%dma_start3A_552 : memref<2048xf32, #tpu.memory_space<hbm>>) target(%dma_start3A_551 : memref<2048xf32, #tpu.memory_space<vmem>>) target_semaphore(%arg10 : memref<!tpu.dma_semaphore, #tpu.memory_space<semaphore_mem>>)
      %mul3A_553 = arith.constant 19 : i32
      %mul3A_554 = arith.muli %select_n3A_518, %mul3A_553 : i32
      %add3A_555 = arith.constant 1 : i32
      %add3A_556 = arith.addi %mul3A_554, %add3A_555 : i32
      %mul3A_557 = arith.constant 262144 : i32
      %mul3A_558 = arith.muli %add3A_556, %mul3A_557 : i32
      %add3A_559 = arith.addi %mul3A_558, %add3A_539 : i32
      %dma_start3A_560 = arith.constant 2048 : i32
      %dma_start3A_561 = tpu.memref_slice %arg5[%dma_start3A_560] : memref<38912xf32, #tpu.memory_space<vmem>> -> memref<2048xf32, #tpu.memory_space<vmem>>
      %dma_start3A_562 = tpu.memref_slice %arg2[%add3A_559] : memref<39845888xf32, #tpu.memory_space<hbm>> -> memref<2048xf32, #tpu.memory_space<hbm>>
      %dma_start3A_563 = arith.constant 2048 : i32
      %dma_start3A_564 = tpu.memref_slice %arg5[%dma_start3A_563] : memref<38912xf32, #tpu.memory_space<vmem>> -> memref<2048xf32, #tpu.memory_space<vmem>>
      %dma_start3A_565 = tpu.memref_slice %arg2[%add3A_559] : memref<39845888xf32, #tpu.memory_space<hbm>> -> memref<2048xf32, #tpu.memory_space<hbm>>
      tpu.enqueue_dma source(%dma_start3A_565 : memref<2048xf32, #tpu.memory_space<hbm>>) target(%dma_start3A_564 : memref<2048xf32, #tpu.memory_space<vmem>>) target_semaphore(%arg10 : memref<!tpu.dma_semaphore, #tpu.memory_space<semaphore_mem>>)
      %mul3A_566 = arith.constant 19 : i32
      %mul3A_567 = arith.muli %select_n3A_518, %mul3A_566 : i32
      %add3A_568 = arith.constant 2 : i32
      %add3A_569 = arith.addi %mul3A_567, %add3A_568 : i32
      %mul3A_570 = arith.constant 262144 : i32
      %mul3A_571 = arith.muli %add3A_569, %mul3A_570 : i32
      %add3A_572 = arith.addi %mul3A_571, %add3A_539 : i32
      %dma_start3A_573 = arith.constant 4096 : i32
      %dma_start3A_574 = tpu.memref_slice %arg5[%dma_start3A_573] : memref<38912xf32, #tpu.memory_space<vmem>> -> memref<2048xf32, #tpu.memory_space<vmem>>
      %dma_start3A_575 = tpu.memref_slice %arg2[%add3A_572] : memref<39845888xf32, #tpu.memory_space<hbm>> -> memref<2048xf32, #tpu.memory_space<hbm>>
      %dma_start3A_576 = arith.constant 4096 : i32
      %dma_start3A_577 = tpu.memref_slice %arg5[%dma_start3A_576] : memref<38912xf32, #tpu.memory_space<vmem>> -> memref<2048xf32, #tpu.memory_space<vmem>>
      %dma_start3A_578 = tpu.memref_slice %arg2[%add3A_572] : memref<39845888xf32, #tpu.memory_space<hbm>> -> memref<2048xf32, #tpu.memory_space<hbm>>
      tpu.enqueue_dma source(%dma_start3A_578 : memref<2048xf32, #tpu.memory_space<hbm>>) target(%dma_start3A_577 : memref<2048xf32, #tpu.memory_space<vmem>>) target_semaphore(%arg10 : memref<!tpu.dma_semaphore, #tpu.memory_space<semaphore_mem>>)
      %mul3A_579 = arith.constant 19 : i32
      %mul3A_580 = arith.muli %select_n3A_518, %mul3A_579 : i32
      %add3A_581 = arith.constant 3 : i32
      %add3A_582 = arith.addi %mul3A_580, %add3A_581 : i32
      %mul3A_583 = arith.constant 262144 : i32
      %mul3A_584 = arith.muli %add3A_582, %mul3A_583 : i32
      %add3A_585 = arith.addi %mul3A_584, %add3A_539 : i32
      %dma_start3A_586 = arith.constant 6144 : i32
      %dma_start3A_587 = tpu.memref_slice %arg5[%dma_start3A_586] : memref<38912xf32, #tpu.memory_space<vmem>> -> memref<2048xf32, #tpu.memory_space<vmem>>
      %dma_start3A_588 = tpu.memref_slice %arg2[%add3A_585] : memref<39845888xf32, #tpu.memory_space<hbm>> -> memref<2048xf32, #tpu.memory_space<hbm>>
      %dma_start3A_589 = arith.constant 6144 : i32
      %dma_start3A_590 = tpu.memref_slice %arg5[%dma_start3A_589] : memref<38912xf32, #tpu.memory_space<vmem>> -> memref<2048xf32, #tpu.memory_space<vmem>>
      %dma_start3A_591 = tpu.memref_slice %arg2[%add3A_585] : memref<39845888xf32, #tpu.memory_space<hbm>> -> memref<2048xf32, #tpu.memory_space<hbm>>
      tpu.enqueue_dma source(%dma_start3A_591 : memref<2048xf32, #tpu.memory_space<hbm>>) target(%dma_start3A_590 : memref<2048xf32, #tpu.memory_space<vmem>>) target_semaphore(%arg10 : memref<!tpu.dma_semaphore, #tpu.memory_space<semaphore_mem>>)
      %mul3A_592 = arith.constant 19 : i32
      %mul3A_593 = arith.muli %select_n3A_518, %mul3A_592 : i32
      %add3A_594 = arith.constant 4 : i32
      %add3A_595 = arith.addi %mul3A_593, %add3A_594 : i32
      %mul3A_596 = arith.constant 262144 : i32
      %mul3A_597 = arith.muli %add3A_595, %mul3A_596 : i32
      %add3A_598 = arith.addi %mul3A_597, %add3A_539 : i32
      %dma_start3A_599 = arith.constant 8192 : i32
      %dma_start3A_600 = tpu.memref_slice %arg5[%dma_start3A_599] : memref<38912xf32, #tpu.memory_space<vmem>> -> memref<2048xf32, #tpu.memory_space<vmem>>
      %dma_start3A_601 = tpu.memref_slice %arg2[%add3A_598] : memref<39845888xf32, #tpu.memory_space<hbm>> -> memref<2048xf32, #tpu.memory_space<hbm>>
      %dma_start3A_602 = arith.constant 8192 : i32
      %dma_start3A_603 = tpu.memref_slice %arg5[%dma_start3A_602] : memref<38912xf32, #tpu.memory_space<vmem>> -> memref<2048xf32, #tpu.memory_space<vmem>>
      %dma_start3A_604 = tpu.memref_slice %arg2[%add3A_598] : memref<39845888xf32, #tpu.memory_space<hbm>> -> memref<2048xf32, #tpu.memory_space<hbm>>
      tpu.enqueue_dma source(%dma_start3A_604 : memref<2048xf32, #tpu.memory_space<hbm>>) target(%dma_start3A_603 : memref<2048xf32, #tpu.memory_space<vmem>>) target_semaphore(%arg10 : memref<!tpu.dma_semaphore, #tpu.memory_space<semaphore_mem>>)
      %mul3A_605 = arith.constant 19 : i32
      %mul3A_606 = arith.muli %select_n3A_518, %mul3A_605 : i32
      %add3A_607 = arith.constant 5 : i32
      %add3A_608 = arith.addi %mul3A_606, %add3A_607 : i32
      %mul3A_609 = arith.constant 262144 : i32
      %mul3A_610 = arith.muli %add3A_608, %mul3A_609 : i32
      %add3A_611 = arith.addi %mul3A_610, %add3A_539 : i32
      %dma_start3A_612 = arith.constant 10240 : i32
      %dma_start3A_613 = tpu.memref_slice %arg5[%dma_start3A_612] : memref<38912xf32, #tpu.memory_space<vmem>> -> memref<2048xf32, #tpu.memory_space<vmem>>
      %dma_start3A_614 = tpu.memref_slice %arg2[%add3A_611] : memref<39845888xf32, #tpu.memory_space<hbm>> -> memref<2048xf32, #tpu.memory_space<hbm>>
      %dma_start3A_615 = arith.constant 10240 : i32
      %dma_start3A_616 = tpu.memref_slice %arg5[%dma_start3A_615] : memref<38912xf32, #tpu.memory_space<vmem>> -> memref<2048xf32, #tpu.memory_space<vmem>>
      %dma_start3A_617 = tpu.memref_slice %arg2[%add3A_611] : memref<39845888xf32, #tpu.memory_space<hbm>> -> memref<2048xf32, #tpu.memory_space<hbm>>
      tpu.enqueue_dma source(%dma_start3A_617 : memref<2048xf32, #tpu.memory_space<hbm>>) target(%dma_start3A_616 : memref<2048xf32, #tpu.memory_space<vmem>>) target_semaphore(%arg10 : memref<!tpu.dma_semaphore, #tpu.memory_space<semaphore_mem>>)
      %mul3A_618 = arith.constant 19 : i32
      %mul3A_619 = arith.muli %select_n3A_518, %mul3A_618 : i32
      %add3A_620 = arith.constant 6 : i32
      %add3A_621 = arith.addi %mul3A_619, %add3A_620 : i32
      %mul3A_622 = arith.constant 262144 : i32
      %mul3A_623 = arith.muli %add3A_621, %mul3A_622 : i32
      %add3A_624 = arith.addi %mul3A_623, %add3A_539 : i32
      %dma_start3A_625 = arith.constant 12288 : i32
      %dma_start3A_626 = tpu.memref_slice %arg5[%dma_start3A_625] : memref<38912xf32, #tpu.memory_space<vmem>> -> memref<2048xf32, #tpu.memory_space<vmem>>
      %dma_start3A_627 = tpu.memref_slice %arg2[%add3A_624] : memref<39845888xf32, #tpu.memory_space<hbm>> -> memref<2048xf32, #tpu.memory_space<hbm>>
      %dma_start3A_628 = arith.constant 12288 : i32
      %dma_start3A_629 = tpu.memref_slice %arg5[%dma_start3A_628] : memref<38912xf32, #tpu.memory_space<vmem>> -> memref<2048xf32, #tpu.memory_space<vmem>>
      %dma_start3A_630 = tpu.memref_slice %arg2[%add3A_624] : memref<39845888xf32, #tpu.memory_space<hbm>> -> memref<2048xf32, #tpu.memory_space<hbm>>
      tpu.enqueue_dma source(%dma_start3A_630 : memref<2048xf32, #tpu.memory_space<hbm>>) target(%dma_start3A_629 : memref<2048xf32, #tpu.memory_space<vmem>>) target_semaphore(%arg10 : memref<!tpu.dma_semaphore, #tpu.memory_space<semaphore_mem>>)
      %mul3A_631 = arith.constant 19 : i32
      %mul3A_632 = arith.muli %select_n3A_518, %mul3A_631 : i32
      %add3A_633 = arith.constant 7 : i32
      %add3A_634 = arith.addi %mul3A_632, %add3A_633 : i32
      %mul3A_635 = arith.constant 262144 : i32
      %mul3A_636 = arith.muli %add3A_634, %mul3A_635 : i32
      %add3A_637 = arith.addi %mul3A_636, %add3A_539 : i32
      %dma_start3A_638 = arith.constant 14336 : i32
      %dma_start3A_639 = tpu.memref_slice %arg5[%dma_start3A_638] : memref<38912xf32, #tpu.memory_space<vmem>> -> memref<2048xf32, #tpu.memory_space<vmem>>
      %dma_start3A_640 = tpu.memref_slice %arg2[%add3A_637] : memref<39845888xf32, #tpu.memory_space<hbm>> -> memref<2048xf32, #tpu.memory_space<hbm>>
      %dma_start3A_641 = arith.constant 14336 : i32
      %dma_start3A_642 = tpu.memref_slice %arg5[%dma_start3A_641] : memref<38912xf32, #tpu.memory_space<vmem>> -> memref<2048xf32, #tpu.memory_space<vmem>>
      %dma_start3A_643 = tpu.memref_slice %arg2[%add3A_637] : memref<39845888xf32, #tpu.memory_space<hbm>> -> memref<2048xf32, #tpu.memory_space<hbm>>
      tpu.enqueue_dma source(%dma_start3A_643 : memref<2048xf32, #tpu.memory_space<hbm>>) target(%dma_start3A_642 : memref<2048xf32, #tpu.memory_space<vmem>>) target_semaphore(%arg10 : memref<!tpu.dma_semaphore, #tpu.memory_space<semaphore_mem>>)
      %mul3A_644 = arith.constant 19 : i32
      %mul3A_645 = arith.muli %select_n3A_518, %mul3A_644 : i32
      %add3A_646 = arith.constant 8 : i32
      %add3A_647 = arith.addi %mul3A_645, %add3A_646 : i32
      %mul3A_648 = arith.constant 262144 : i32
      %mul3A_649 = arith.muli %add3A_647, %mul3A_648 : i32
      %add3A_650 = arith.addi %mul3A_649, %add3A_539 : i32
      %dma_start3A_651 = arith.constant 16384 : i32
      %dma_start3A_652 = tpu.memref_slice %arg5[%dma_start3A_651] : memref<38912xf32, #tpu.memory_space<vmem>> -> memref<2048xf32, #tpu.memory_space<vmem>>
      %dma_start3A_653 = tpu.memref_slice %arg2[%add3A_650] : memref<39845888xf32, #tpu.memory_space<hbm>> -> memref<2048xf32, #tpu.memory_space<hbm>>
      %dma_start3A_654 = arith.constant 16384 : i32
      %dma_start3A_655 = tpu.memref_slice %arg5[%dma_start3A_654] : memref<38912xf32, #tpu.memory_space<vmem>> -> memref<2048xf32, #tpu.memory_space<vmem>>
      %dma_start3A_656 = tpu.memref_slice %arg2[%add3A_650] : memref<39845888xf32, #tpu.memory_space<hbm>> -> memref<2048xf32, #tpu.memory_space<hbm>>
      tpu.enqueue_dma source(%dma_start3A_656 : memref<2048xf32, #tpu.memory_space<hbm>>) target(%dma_start3A_655 : memref<2048xf32, #tpu.memory_space<vmem>>) target_semaphore(%arg10 : memref<!tpu.dma_semaphore, #tpu.memory_space<semaphore_mem>>)
      %mul3A_657 = arith.constant 19 : i32
      %mul3A_658 = arith.muli %select_n3A_518, %mul3A_657 : i32
      %add3A_659 = arith.constant 9 : i32
      %add3A_660 = arith.addi %mul3A_658, %add3A_659 : i32
      %mul3A_661 = arith.constant 262144 : i32
      %mul3A_662 = arith.muli %add3A_660, %mul3A_661 : i32
      %add3A_663 = arith.addi %mul3A_662, %add3A_539 : i32
      %dma_start3A_664 = arith.constant 18432 : i32
      %dma_start3A_665 = tpu.memref_slice %arg5[%dma_start3A_664] : memref<38912xf32, #tpu.memory_space<vmem>> -> memref<2048xf32, #tpu.memory_space<vmem>>
      %dma_start3A_666 = tpu.memref_slice %arg2[%add3A_663] : memref<39845888xf32, #tpu.memory_space<hbm>> -> memref<2048xf32, #tpu.memory_space<hbm>>
      %dma_start3A_667 = arith.constant 18432 : i32
      %dma_start3A_668 = tpu.memref_slice %arg5[%dma_start3A_667] : memref<38912xf32, #tpu.memory_space<vmem>> -> memref<2048xf32, #tpu.memory_space<vmem>>
      %dma_start3A_669 = tpu.memref_slice %arg2[%add3A_663] : memref<39845888xf32, #tpu.memory_space<hbm>> -> memref<2048xf32, #tpu.memory_space<hbm>>
      tpu.enqueue_dma source(%dma_start3A_669 : memref<2048xf32, #tpu.memory_space<hbm>>) target(%dma_start3A_668 : memref<2048xf32, #tpu.memory_space<vmem>>) target_semaphore(%arg10 : memref<!tpu.dma_semaphore, #tpu.memory_space<semaphore_mem>>)
      %mul3A_670 = arith.constant 19 : i32
      %mul3A_671 = arith.muli %select_n3A_518, %mul3A_670 : i32
      %add3A_672 = arith.constant 10 : i32
      %add3A_673 = arith.addi %mul3A_671, %add3A_672 : i32
      %mul3A_674 = arith.constant 262144 : i32
      %mul3A_675 = arith.muli %add3A_673, %mul3A_674 : i32
      %add3A_676 = arith.addi %mul3A_675, %add3A_539 : i32
      %dma_start3A_677 = arith.constant 20480 : i32
      %dma_start3A_678 = tpu.memref_slice %arg5[%dma_start3A_677] : memref<38912xf32, #tpu.memory_space<vmem>> -> memref<2048xf32, #tpu.memory_space<vmem>>
      %dma_start3A_679 = tpu.memref_slice %arg2[%add3A_676] : memref<39845888xf32, #tpu.memory_space<hbm>> -> memref<2048xf32, #tpu.memory_space<hbm>>
      %dma_start3A_680 = arith.constant 20480 : i32
      %dma_start3A_681 = tpu.memref_slice %arg5[%dma_start3A_680] : memref<38912xf32, #tpu.memory_space<vmem>> -> memref<2048xf32, #tpu.memory_space<vmem>>
      %dma_start3A_682 = tpu.memref_slice %arg2[%add3A_676] : memref<39845888xf32, #tpu.memory_space<hbm>> -> memref<2048xf32, #tpu.memory_space<hbm>>
      tpu.enqueue_dma source(%dma_start3A_682 : memref<2048xf32, #tpu.memory_space<hbm>>) target(%dma_start3A_681 : memref<2048xf32, #tpu.memory_space<vmem>>) target_semaphore(%arg10 : memref<!tpu.dma_semaphore, #tpu.memory_space<semaphore_mem>>)
      %mul3A_683 = arith.constant 19 : i32
      %mul3A_684 = arith.muli %select_n3A_518, %mul3A_683 : i32
      %add3A_685 = arith.constant 11 : i32
      %add3A_686 = arith.addi %mul3A_684, %add3A_685 : i32
      %mul3A_687 = arith.constant 262144 : i32
      %mul3A_688 = arith.muli %add3A_686, %mul3A_687 : i32
      %add3A_689 = arith.addi %mul3A_688, %add3A_539 : i32
      %dma_start3A_690 = arith.constant 22528 : i32
      %dma_start3A_691 = tpu.memref_slice %arg5[%dma_start3A_690] : memref<38912xf32, #tpu.memory_space<vmem>> -> memref<2048xf32, #tpu.memory_space<vmem>>
      %dma_start3A_692 = tpu.memref_slice %arg2[%add3A_689] : memref<39845888xf32, #tpu.memory_space<hbm>> -> memref<2048xf32, #tpu.memory_space<hbm>>
      %dma_start3A_693 = arith.constant 22528 : i32
      %dma_start3A_694 = tpu.memref_slice %arg5[%dma_start3A_693] : memref<38912xf32, #tpu.memory_space<vmem>> -> memref<2048xf32, #tpu.memory_space<vmem>>
      %dma_start3A_695 = tpu.memref_slice %arg2[%add3A_689] : memref<39845888xf32, #tpu.memory_space<hbm>> -> memref<2048xf32, #tpu.memory_space<hbm>>
      tpu.enqueue_dma source(%dma_start3A_695 : memref<2048xf32, #tpu.memory_space<hbm>>) target(%dma_start3A_694 : memref<2048xf32, #tpu.memory_space<vmem>>) target_semaphore(%arg10 : memref<!tpu.dma_semaphore, #tpu.memory_space<semaphore_mem>>)
      %mul3A_696 = arith.constant 19 : i32
      %mul3A_697 = arith.muli %select_n3A_518, %mul3A_696 : i32
      %add3A_698 = arith.constant 12 : i32
      %add3A_699 = arith.addi %mul3A_697, %add3A_698 : i32
      %mul3A_700 = arith.constant 262144 : i32
      %mul3A_701 = arith.muli %add3A_699, %mul3A_700 : i32
      %add3A_702 = arith.addi %mul3A_701, %add3A_539 : i32
      %dma_start3A_703 = arith.constant 24576 : i32
      %dma_start3A_704 = tpu.memref_slice %arg5[%dma_start3A_703] : memref<38912xf32, #tpu.memory_space<vmem>> -> memref<2048xf32, #tpu.memory_space<vmem>>
      %dma_start3A_705 = tpu.memref_slice %arg2[%add3A_702] : memref<39845888xf32, #tpu.memory_space<hbm>> -> memref<2048xf32, #tpu.memory_space<hbm>>
      %dma_start3A_706 = arith.constant 24576 : i32
      %dma_start3A_707 = tpu.memref_slice %arg5[%dma_start3A_706] : memref<38912xf32, #tpu.memory_space<vmem>> -> memref<2048xf32, #tpu.memory_space<vmem>>
      %dma_start3A_708 = tpu.memref_slice %arg2[%add3A_702] : memref<39845888xf32, #tpu.memory_space<hbm>> -> memref<2048xf32, #tpu.memory_space<hbm>>
      tpu.enqueue_dma source(%dma_start3A_708 : memref<2048xf32, #tpu.memory_space<hbm>>) target(%dma_start3A_707 : memref<2048xf32, #tpu.memory_space<vmem>>) target_semaphore(%arg10 : memref<!tpu.dma_semaphore, #tpu.memory_space<semaphore_mem>>)
      %mul3A_709 = arith.constant 19 : i32
      %mul3A_710 = arith.muli %select_n3A_518, %mul3A_709 : i32
      %add3A_711 = arith.constant 13 : i32
      %add3A_712 = arith.addi %mul3A_710, %add3A_711 : i32
      %mul3A_713 = arith.constant 262144 : i32
      %mul3A_714 = arith.muli %add3A_712, %mul3A_713 : i32
      %add3A_715 = arith.addi %mul3A_714, %add3A_539 : i32
      %dma_start3A_716 = arith.constant 26624 : i32
      %dma_start3A_717 = tpu.memref_slice %arg5[%dma_start3A_716] : memref<38912xf32, #tpu.memory_space<vmem>> -> memref<2048xf32, #tpu.memory_space<vmem>>
      %dma_start3A_718 = tpu.memref_slice %arg2[%add3A_715] : memref<39845888xf32, #tpu.memory_space<hbm>> -> memref<2048xf32, #tpu.memory_space<hbm>>
      %dma_start3A_719 = arith.constant 26624 : i32
      %dma_start3A_720 = tpu.memref_slice %arg5[%dma_start3A_719] : memref<38912xf32, #tpu.memory_space<vmem>> -> memref<2048xf32, #tpu.memory_space<vmem>>
      %dma_start3A_721 = tpu.memref_slice %arg2[%add3A_715] : memref<39845888xf32, #tpu.memory_space<hbm>> -> memref<2048xf32, #tpu.memory_space<hbm>>
      tpu.enqueue_dma source(%dma_start3A_721 : memref<2048xf32, #tpu.memory_space<hbm>>) target(%dma_start3A_720 : memref<2048xf32, #tpu.memory_space<vmem>>) target_semaphore(%arg10 : memref<!tpu.dma_semaphore, #tpu.memory_space<semaphore_mem>>)
      %mul3A_722 = arith.constant 19 : i32
      %mul3A_723 = arith.muli %select_n3A_518, %mul3A_722 : i32
      %add3A_724 = arith.constant 14 : i32
      %add3A_725 = arith.addi %mul3A_723, %add3A_724 : i32
      %mul3A_726 = arith.constant 262144 : i32
      %mul3A_727 = arith.muli %add3A_725, %mul3A_726 : i32
      %add3A_728 = arith.addi %mul3A_727, %add3A_539 : i32
      %dma_start3A_729 = arith.constant 28672 : i32
      %dma_start3A_730 = tpu.memref_slice %arg5[%dma_start3A_729] : memref<38912xf32, #tpu.memory_space<vmem>> -> memref<2048xf32, #tpu.memory_space<vmem>>
      %dma_start3A_731 = tpu.memref_slice %arg2[%add3A_728] : memref<39845888xf32, #tpu.memory_space<hbm>> -> memref<2048xf32, #tpu.memory_space<hbm>>
      %dma_start3A_732 = arith.constant 28672 : i32
      %dma_start3A_733 = tpu.memref_slice %arg5[%dma_start3A_732] : memref<38912xf32, #tpu.memory_space<vmem>> -> memref<2048xf32, #tpu.memory_space<vmem>>
      %dma_start3A_734 = tpu.memref_slice %arg2[%add3A_728] : memref<39845888xf32, #tpu.memory_space<hbm>> -> memref<2048xf32, #tpu.memory_space<hbm>>
      tpu.enqueue_dma source(%dma_start3A_734 : memref<2048xf32, #tpu.memory_space<hbm>>) target(%dma_start3A_733 : memref<2048xf32, #tpu.memory_space<vmem>>) target_semaphore(%arg10 : memref<!tpu.dma_semaphore, #tpu.memory_space<semaphore_mem>>)
      %mul3A_735 = arith.constant 19 : i32
      %mul3A_736 = arith.muli %select_n3A_518, %mul3A_735 : i32
      %add3A_737 = arith.constant 15 : i32
      %add3A_738 = arith.addi %mul3A_736, %add3A_737 : i32
      %mul3A_739 = arith.constant 262144 : i32
      %mul3A_740 = arith.muli %add3A_738, %mul3A_739 : i32
      %add3A_741 = arith.addi %mul3A_740, %add3A_539 : i32
      %dma_start3A_742 = arith.constant 30720 : i32
      %dma_start3A_743 = tpu.memref_slice %arg5[%dma_start3A_742] : memref<38912xf32, #tpu.memory_space<vmem>> -> memref<2048xf32, #tpu.memory_space<vmem>>
      %dma_start3A_744 = tpu.memref_slice %arg2[%add3A_741] : memref<39845888xf32, #tpu.memory_space<hbm>> -> memref<2048xf32, #tpu.memory_space<hbm>>
      %dma_start3A_745 = arith.constant 30720 : i32
      %dma_start3A_746 = tpu.memref_slice %arg5[%dma_start3A_745] : memref<38912xf32, #tpu.memory_space<vmem>> -> memref<2048xf32, #tpu.memory_space<vmem>>
      %dma_start3A_747 = tpu.memref_slice %arg2[%add3A_741] : memref<39845888xf32, #tpu.memory_space<hbm>> -> memref<2048xf32, #tpu.memory_space<hbm>>
      tpu.enqueue_dma source(%dma_start3A_747 : memref<2048xf32, #tpu.memory_space<hbm>>) target(%dma_start3A_746 : memref<2048xf32, #tpu.memory_space<vmem>>) target_semaphore(%arg10 : memref<!tpu.dma_semaphore, #tpu.memory_space<semaphore_mem>>)
      %mul3A_748 = arith.constant 19 : i32
      %mul3A_749 = arith.muli %select_n3A_518, %mul3A_748 : i32
      %add3A_750 = arith.constant 16 : i32
      %add3A_751 = arith.addi %mul3A_749, %add3A_750 : i32
      %mul3A_752 = arith.constant 262144 : i32
      %mul3A_753 = arith.muli %add3A_751, %mul3A_752 : i32
      %add3A_754 = arith.addi %mul3A_753, %add3A_539 : i32
      %dma_start3A_755 = arith.constant 32768 : i32
      %dma_start3A_756 = tpu.memref_slice %arg5[%dma_start3A_755] : memref<38912xf32, #tpu.memory_space<vmem>> -> memref<2048xf32, #tpu.memory_space<vmem>>
      %dma_start3A_757 = tpu.memref_slice %arg2[%add3A_754] : memref<39845888xf32, #tpu.memory_space<hbm>> -> memref<2048xf32, #tpu.memory_space<hbm>>
      %dma_start3A_758 = arith.constant 32768 : i32
      %dma_start3A_759 = tpu.memref_slice %arg5[%dma_start3A_758] : memref<38912xf32, #tpu.memory_space<vmem>> -> memref<2048xf32, #tpu.memory_space<vmem>>
      %dma_start3A_760 = tpu.memref_slice %arg2[%add3A_754] : memref<39845888xf32, #tpu.memory_space<hbm>> -> memref<2048xf32, #tpu.memory_space<hbm>>
      tpu.enqueue_dma source(%dma_start3A_760 : memref<2048xf32, #tpu.memory_space<hbm>>) target(%dma_start3A_759 : memref<2048xf32, #tpu.memory_space<vmem>>) target_semaphore(%arg10 : memref<!tpu.dma_semaphore, #tpu.memory_space<semaphore_mem>>)
      %mul3A_761 = arith.constant 19 : i32
      %mul3A_762 = arith.muli %select_n3A_518, %mul3A_761 : i32
      %add3A_763 = arith.constant 17 : i32
      %add3A_764 = arith.addi %mul3A_762, %add3A_763 : i32
      %mul3A_765 = arith.constant 262144 : i32
      %mul3A_766 = arith.muli %add3A_764, %mul3A_765 : i32
      %add3A_767 = arith.addi %mul3A_766, %add3A_539 : i32
      %dma_start3A_768 = arith.constant 34816 : i32
      %dma_start3A_769 = tpu.memref_slice %arg5[%dma_start3A_768] : memref<38912xf32, #tpu.memory_space<vmem>> -> memref<2048xf32, #tpu.memory_space<vmem>>
      %dma_start3A_770 = tpu.memref_slice %arg2[%add3A_767] : memref<39845888xf32, #tpu.memory_space<hbm>> -> memref<2048xf32, #tpu.memory_space<hbm>>
      %dma_start3A_771 = arith.constant 34816 : i32
      %dma_start3A_772 = tpu.memref_slice %arg5[%dma_start3A_771] : memref<38912xf32, #tpu.memory_space<vmem>> -> memref<2048xf32, #tpu.memory_space<vmem>>
      %dma_start3A_773 = tpu.memref_slice %arg2[%add3A_767] : memref<39845888xf32, #tpu.memory_space<hbm>> -> memref<2048xf32, #tpu.memory_space<hbm>>
      tpu.enqueue_dma source(%dma_start3A_773 : memref<2048xf32, #tpu.memory_space<hbm>>) target(%dma_start3A_772 : memref<2048xf32, #tpu.memory_space<vmem>>) target_semaphore(%arg10 : memref<!tpu.dma_semaphore, #tpu.memory_space<semaphore_mem>>)
      %mul3A_774 = arith.constant 19 : i32
      %mul3A_775 = arith.muli %select_n3A_518, %mul3A_774 : i32
      %add3A_776 = arith.constant 18 : i32
      %add3A_777 = arith.addi %mul3A_775, %add3A_776 : i32
      %mul3A_778 = arith.constant 262144 : i32
      %mul3A_779 = arith.muli %add3A_777, %mul3A_778 : i32
      %add3A_780 = arith.addi %mul3A_779, %add3A_539 : i32
      %dma_start3A_781 = arith.constant 36864 : i32
      %dma_start3A_782 = tpu.memref_slice %arg5[%dma_start3A_781] : memref<38912xf32, #tpu.memory_space<vmem>> -> memref<2048xf32, #tpu.memory_space<vmem>>
      %dma_start3A_783 = tpu.memref_slice %arg2[%add3A_780] : memref<39845888xf32, #tpu.memory_space<hbm>> -> memref<2048xf32, #tpu.memory_space<hbm>>
      %dma_start3A_784 = arith.constant 36864 : i32
      %dma_start3A_785 = tpu.memref_slice %arg5[%dma_start3A_784] : memref<38912xf32, #tpu.memory_space<vmem>> -> memref<2048xf32, #tpu.memory_space<vmem>>
      %dma_start3A_786 = tpu.memref_slice %arg2[%add3A_780] : memref<39845888xf32, #tpu.memory_space<hbm>> -> memref<2048xf32, #tpu.memory_space<hbm>>
      tpu.enqueue_dma source(%dma_start3A_786 : memref<2048xf32, #tpu.memory_space<hbm>>) target(%dma_start3A_785 : memref<2048xf32, #tpu.memory_space<vmem>>) target_semaphore(%arg10 : memref<!tpu.dma_semaphore, #tpu.memory_space<semaphore_mem>>)
      %mul3A_787 = arith.constant 262144 : i32
      %mul3A_788 = arith.muli %select_n3A_518, %mul3A_787 : i32
      %add3A_789 = arith.addi %mul3A_788, %add3A_539 : i32
      %dma_start3A_790 = tpu.memref_slice %arg3[%add3A_789] : memref<2097152xi32, #tpu.memory_space<hbm>> -> memref<2048xi32, #tpu.memory_space<hbm>>
      %dma_start3A_791 = tpu.memref_slice %arg3[%add3A_789] : memref<2097152xi32, #tpu.memory_space<hbm>> -> memref<2048xi32, #tpu.memory_space<hbm>>
      tpu.enqueue_dma source(%dma_start3A_791 : memref<2048xi32, #tpu.memory_space<hbm>>) target(%arg6 : memref<2048xi32, #tpu.memory_space<vmem>>) target_semaphore(%arg10 : memref<!tpu.dma_semaphore, #tpu.memory_space<semaphore_mem>>)
      %dma_wait3A_792 = arith.constant 0 : i32
      %dma_wait3A_793 = tpu.memref_slice %arg2[%dma_wait3A_792] : memref<39845888xf32, #tpu.memory_space<hbm>> -> memref<38912xf32, #tpu.memory_space<hbm>>
      %dma_wait3A_794 = arith.constant 0 : i32
      %dma_wait3A_795 = tpu.memref_slice %arg2[%dma_wait3A_794] : memref<39845888xf32, #tpu.memory_space<hbm>> -> memref<38912xf32, #tpu.memory_space<hbm>>
      tpu.wait_dma2 semaphore(%arg11 : memref<!tpu.dma_semaphore, #tpu.memory_space<semaphore_mem>>) src(%dma_wait3A_795 : memref<38912xf32, #tpu.memory_space<hbm>>) dst(%arg7 : memref<38912xf32, #tpu.memory_space<vmem>>)
      %dma_wait3A_796 = arith.constant 0 : i32
      %dma_wait3A_797 = tpu.memref_slice %arg3[%dma_wait3A_796] : memref<2097152xi32, #tpu.memory_space<hbm>> -> memref<2048xi32, #tpu.memory_space<hbm>>
      %dma_wait3A_798 = arith.constant 0 : i32
      %dma_wait3A_799 = tpu.memref_slice %arg3[%dma_wait3A_798] : memref<2097152xi32, #tpu.memory_space<hbm>> -> memref<2048xi32, #tpu.memory_space<hbm>>
      tpu.wait_dma2 semaphore(%arg11 : memref<!tpu.dma_semaphore, #tpu.memory_space<semaphore_mem>>) src(%dma_wait3A_799 : memref<2048xi32, #tpu.memory_space<hbm>>) dst(%arg8 : memref<2048xi32, #tpu.memory_space<vmem>>)
      %scan3A_800 = arith.constant 0 : i32
      %scan3A_801 = arith.constant 0 : i32
      %scan3A_802 = arith.constant 32 : i32
      %scan3A_803 = arith.addi %scan3A_801, %scan3A_802 : i32
      %scan3A_804 = arith.constant 1 : i32
      %scan3A_805 = scf.for %scan3A_808 = %scan3A_801 to %scan3A_803 step %scan3A_804 iter_args(%scan3A_809 = %scan3A_800) -> (i32)  : i32 {
        %mul3A_810 = arith.constant 64 : i32
        %mul3A_811 = arith.muli %scan3A_808, %mul3A_810 : i32
        %add3A_812 = arith.constant 0 : i32
        %add3A_813 = arith.addi %mul3A_811, %add3A_812 : i32
        %get3A = arith.index_cast %add3A_813 : i32 to index
        %get3A_814 = tpu.vector_load %arg8[%get3A] {strides = array<i32>} : memref<2048xi32, #tpu.memory_space<vmem>>, vector<16xi32>,
        %add3A_815 = arith.constant 16 : i32
        %add3A_816 = arith.addi %mul3A_811, %add3A_815 : i32
        %get3A_817 = arith.index_cast %add3A_816 : i32 to index
        %get3A_818 = tpu.vector_load %arg8[%get3A_817] {strides = array<i32>} : memref<2048xi32, #tpu.memory_space<vmem>>, vector<16xi32>,
        %add3A_819 = arith.constant 32 : i32
        %add3A_820 = arith.addi %mul3A_811, %add3A_819 : i32
        %get3A_821 = arith.index_cast %add3A_820 : i32 to index
        %get3A_822 = tpu.vector_load %arg8[%get3A_821] {strides = array<i32>} : memref<2048xi32, #tpu.memory_space<vmem>>, vector<16xi32>,
        %add3A_823 = arith.constant 48 : i32
        %add3A_824 = arith.addi %mul3A_811, %add3A_823 : i32
        %get3A_825 = arith.index_cast %add3A_824 : i32 to index
        %get3A_826 = tpu.vector_load %arg8[%get3A_825] {strides = array<i32>} : memref<2048xi32, #tpu.memory_space<vmem>>, vector<16xi32>,
        %add3A_827 = arith.constant 0 : i32
        %add3A_828 = arith.addi %add3A_827, %mul3A_811 : i32
        %add3A_829 = arith.constant 0 : i32
        %add3A_830 = arith.addi %add3A_828, %add3A_829 : i32
        %get3A_831 = arith.index_cast %add3A_830 : i32 to index
        %get3A_832 = tpu.vector_load %arg7[%get3A_831] {strides = array<i32>} : memref<38912xf32, #tpu.memory_space<vmem>>, vector<16xf32>,
        %exp3A = math.exp %get3A_832 : vector<16xf32>
        %add3A_833 = arith.constant 0 : i32
        %add3A_834 = arith.addi %add3A_833, %mul3A_811 : i32
        %add3A_835 = arith.constant 16 : i32
        %add3A_836 = arith.addi %add3A_834, %add3A_835 : i32
        %get3A_837 = arith.index_cast %add3A_836 : i32 to index
        %get3A_838 = tpu.vector_load %arg7[%get3A_837] {strides = array<i32>} : memref<38912xf32, #tpu.memory_space<vmem>>, vector<16xf32>,
        %exp3A_839 = math.exp %get3A_838 : vector<16xf32>
        %add3A_840 = arith.constant 0 : i32
        %add3A_841 = arith.addi %add3A_840, %mul3A_811 : i32
        %add3A_842 = arith.constant 32 : i32
        %add3A_843 = arith.addi %add3A_841, %add3A_842 : i32
        %get3A_844 = arith.index_cast %add3A_843 : i32 to index
        %get3A_845 = tpu.vector_load %arg7[%get3A_844] {strides = array<i32>} : memref<38912xf32, #tpu.memory_space<vmem>>, vector<16xf32>,
        %exp3A_846 = math.exp %get3A_845 : vector<16xf32>
        %add3A_847 = arith.constant 0 : i32
        %add3A_848 = arith.addi %add3A_847, %mul3A_811 : i32
        %add3A_849 = arith.constant 48 : i32
        %add3A_850 = arith.addi %add3A_848, %add3A_849 : i32
        %get3A_851 = arith.index_cast %add3A_850 : i32 to index
        %get3A_852 = tpu.vector_load %arg7[%get3A_851] {strides = array<i32>} : memref<38912xf32, #tpu.memory_space<vmem>>, vector<16xf32>,
        %exp3A_853 = math.exp %get3A_852 : vector<16xf32>
        %add3A_854 = arith.constant 2048 : i32
        %add3A_855 = arith.addi %add3A_854, %mul3A_811 : i32
        %add3A_856 = arith.constant 0 : i32
        %add3A_857 = arith.addi %add3A_855, %add3A_856 : i32
        %get3A_858 = arith.index_cast %add3A_857 : i32 to index
        %get3A_859 = tpu.vector_load %arg7[%get3A_858] {strides = array<i32>} : memref<38912xf32, #tpu.memory_space<vmem>>, vector<16xf32>,
        %exp3A_860 = math.exp %get3A_859 : vector<16xf32>
        %add3A_861 = arith.addf %exp3A, %exp3A_860 : vector<16xf32>
        %add3A_862 = arith.constant 2048 : i32
        %add3A_863 = arith.addi %add3A_862, %mul3A_811 : i32
        %add3A_864 = arith.constant 16 : i32
        %add3A_865 = arith.addi %add3A_863, %add3A_864 : i32
        %get3A_866 = arith.index_cast %add3A_865 : i32 to index
        %get3A_867 = tpu.vector_load %arg7[%get3A_866] {strides = array<i32>} : memref<38912xf32, #tpu.memory_space<vmem>>, vector<16xf32>,
        %exp3A_868 = math.exp %get3A_867 : vector<16xf32>
        %add3A_869 = arith.addf %exp3A_839, %exp3A_868 : vector<16xf32>
        %add3A_870 = arith.constant 2048 : i32
        %add3A_871 = arith.addi %add3A_870, %mul3A_811 : i32
        %add3A_872 = arith.constant 32 : i32
        %add3A_873 = arith.addi %add3A_871, %add3A_872 : i32
        %get3A_874 = arith.index_cast %add3A_873 : i32 to index
        %get3A_875 = tpu.vector_load %arg7[%get3A_874] {strides = array<i32>} : memref<38912xf32, #tpu.memory_space<vmem>>, vector<16xf32>,
        %exp3A_876 = math.exp %get3A_875 : vector<16xf32>
        %add3A_877 = arith.addf %exp3A_846, %exp3A_876 : vector<16xf32>
        %add3A_878 = arith.constant 2048 : i32
        %add3A_879 = arith.addi %add3A_878, %mul3A_811 : i32
        %add3A_880 = arith.constant 48 : i32
        %add3A_881 = arith.addi %add3A_879, %add3A_880 : i32
        %get3A_882 = arith.index_cast %add3A_881 : i32 to index
        %get3A_883 = tpu.vector_load %arg7[%get3A_882] {strides = array<i32>} : memref<38912xf32, #tpu.memory_space<vmem>>, vector<16xf32>,
        %exp3A_884 = math.exp %get3A_883 : vector<16xf32>
        %add3A_885 = arith.addf %exp3A_853, %exp3A_884 : vector<16xf32>
        %add3A_886 = arith.constant 4096 : i32
        %add3A_887 = arith.addi %add3A_886, %mul3A_811 : i32
        %add3A_888 = arith.constant 0 : i32
        %add3A_889 = arith.addi %add3A_887, %add3A_888 : i32
        %get3A_890 = arith.index_cast %add3A_889 : i32 to index
        %get3A_891 = tpu.vector_load %arg7[%get3A_890] {strides = array<i32>} : memref<38912xf32, #tpu.memory_space<vmem>>, vector<16xf32>,
        %exp3A_892 = math.exp %get3A_891 : vector<16xf32>
        %add3A_893 = arith.addf %add3A_861, %exp3A_892 : vector<16xf32>
        %add3A_894 = arith.constant 4096 : i32
        %add3A_895 = arith.addi %add3A_894, %mul3A_811 : i32
        %add3A_896 = arith.constant 16 : i32
        %add3A_897 = arith.addi %add3A_895, %add3A_896 : i32
        %get3A_898 = arith.index_cast %add3A_897 : i32 to index
        %get3A_899 = tpu.vector_load %arg7[%get3A_898] {strides = array<i32>} : memref<38912xf32, #tpu.memory_space<vmem>>, vector<16xf32>,
        %exp3A_900 = math.exp %get3A_899 : vector<16xf32>
        %add3A_901 = arith.addf %add3A_869, %exp3A_900 : vector<16xf32>
        %add3A_902 = arith.constant 4096 : i32
        %add3A_903 = arith.addi %add3A_902, %mul3A_811 : i32
        %add3A_904 = arith.constant 32 : i32
        %add3A_905 = arith.addi %add3A_903, %add3A_904 : i32
        %get3A_906 = arith.index_cast %add3A_905 : i32 to index
        %get3A_907 = tpu.vector_load %arg7[%get3A_906] {strides = array<i32>} : memref<38912xf32, #tpu.memory_space<vmem>>, vector<16xf32>,
        %exp3A_908 = math.exp %get3A_907 : vector<16xf32>
        %add3A_909 = arith.addf %add3A_877, %exp3A_908 : vector<16xf32>
        %add3A_910 = arith.constant 4096 : i32
        %add3A_911 = arith.addi %add3A_910, %mul3A_811 : i32
        %add3A_912 = arith.constant 48 : i32
        %add3A_913 = arith.addi %add3A_911, %add3A_912 : i32
        %get3A_914 = arith.index_cast %add3A_913 : i32 to index
        %get3A_915 = tpu.vector_load %arg7[%get3A_914] {strides = array<i32>} : memref<38912xf32, #tpu.memory_space<vmem>>, vector<16xf32>,
        %exp3A_916 = math.exp %get3A_915 : vector<16xf32>
        %add3A_917 = arith.addf %add3A_885, %exp3A_916 : vector<16xf32>
        %add3A_918 = arith.constant 6144 : i32
        %add3A_919 = arith.addi %add3A_918, %mul3A_811 : i32
        %add3A_920 = arith.constant 0 : i32
        %add3A_921 = arith.addi %add3A_919, %add3A_920 : i32
        %get3A_922 = arith.index_cast %add3A_921 : i32 to index
        %get3A_923 = tpu.vector_load %arg7[%get3A_922] {strides = array<i32>} : memref<38912xf32, #tpu.memory_space<vmem>>, vector<16xf32>,
        %exp3A_924 = math.exp %get3A_923 : vector<16xf32>
        %add3A_925 = arith.addf %add3A_893, %exp3A_924 : vector<16xf32>
        %add3A_926 = arith.constant 6144 : i32
        %add3A_927 = arith.addi %add3A_926, %mul3A_811 : i32
        %add3A_928 = arith.constant 16 : i32
        %add3A_929 = arith.addi %add3A_927, %add3A_928 : i32
        %get3A_930 = arith.index_cast %add3A_929 : i32 to index
        %get3A_931 = tpu.vector_load %arg7[%get3A_930] {strides = array<i32>} : memref<38912xf32, #tpu.memory_space<vmem>>, vector<16xf32>,
        %exp3A_932 = math.exp %get3A_931 : vector<16xf32>
        %add3A_933 = arith.addf %add3A_901, %exp3A_932 : vector<16xf32>
        %add3A_934 = arith.constant 6144 : i32
        %add3A_935 = arith.addi %add3A_934, %mul3A_811 : i32
        %add3A_936 = arith.constant 32 : i32
        %add3A_937 = arith.addi %add3A_935, %add3A_936 : i32
        %get3A_938 = arith.index_cast %add3A_937 : i32 to index
        %get3A_939 = tpu.vector_load %arg7[%get3A_938] {strides = array<i32>} : memref<38912xf32, #tpu.memory_space<vmem>>, vector<16xf32>,
        %exp3A_940 = math.exp %get3A_939 : vector<16xf32>
        %add3A_941 = arith.addf %add3A_909, %exp3A_940 : vector<16xf32>
        %add3A_942 = arith.constant 6144 : i32
        %add3A_943 = arith.addi %add3A_942, %mul3A_811 : i32
        %add3A_944 = arith.constant 48 : i32
        %add3A_945 = arith.addi %add3A_943, %add3A_944 : i32
        %get3A_946 = arith.index_cast %add3A_945 : i32 to index
        %get3A_947 = tpu.vector_load %arg7[%get3A_946] {strides = array<i32>} : memref<38912xf32, #tpu.memory_space<vmem>>, vector<16xf32>,
        %exp3A_948 = math.exp %get3A_947 : vector<16xf32>
        %add3A_949 = arith.addf %add3A_917, %exp3A_948 : vector<16xf32>
        %add3A_950 = arith.constant 8192 : i32
        %add3A_951 = arith.addi %add3A_950, %mul3A_811 : i32
        %add3A_952 = arith.constant 0 : i32
        %add3A_953 = arith.addi %add3A_951, %add3A_952 : i32
        %get3A_954 = arith.index_cast %add3A_953 : i32 to index
        %get3A_955 = tpu.vector_load %arg7[%get3A_954] {strides = array<i32>} : memref<38912xf32, #tpu.memory_space<vmem>>, vector<16xf32>,
        %exp3A_956 = math.exp %get3A_955 : vector<16xf32>
        %add3A_957 = arith.addf %add3A_925, %exp3A_956 : vector<16xf32>
        %add3A_958 = arith.constant 8192 : i32
        %add3A_959 = arith.addi %add3A_958, %mul3A_811 : i32
        %add3A_960 = arith.constant 16 : i32
        %add3A_961 = arith.addi %add3A_959, %add3A_960 : i32
        %get3A_962 = arith.index_cast %add3A_961 : i32 to index
        %get3A_963 = tpu.vector_load %arg7[%get3A_962] {strides = array<i32>} : memref<38912xf32, #tpu.memory_space<vmem>>, vector<16xf32>,
        %exp3A_964 = math.exp %get3A_963 : vector<16xf32>
        %add3A_965 = arith.addf %add3A_933, %exp3A_964 : vector<16xf32>
        %add3A_966 = arith.constant 8192 : i32
        %add3A_967 = arith.addi %add3A_966, %mul3A_811 : i32
        %add3A_968 = arith.constant 32 : i32
        %add3A_969 = arith.addi %add3A_967, %add3A_968 : i32
        %get3A_970 = arith.index_cast %add3A_969 : i32 to index
        %get3A_971 = tpu.vector_load %arg7[%get3A_970] {strides = array<i32>} : memref<38912xf32, #tpu.memory_space<vmem>>, vector<16xf32>,
        %exp3A_972 = math.exp %get3A_971 : vector<16xf32>
        %add3A_973 = arith.addf %add3A_941, %exp3A_972 : vector<16xf32>
        %add3A_974 = arith.constant 8192 : i32
        %add3A_975 = arith.addi %add3A_974, %mul3A_811 : i32
        %add3A_976 = arith.constant 48 : i32
        %add3A_977 = arith.addi %add3A_975, %add3A_976 : i32
        %get3A_978 = arith.index_cast %add3A_977 : i32 to index
        %get3A_979 = tpu.vector_load %arg7[%get3A_978] {strides = array<i32>} : memref<38912xf32, #tpu.memory_space<vmem>>, vector<16xf32>,
        %exp3A_980 = math.exp %get3A_979 : vector<16xf32>
        %add3A_981 = arith.addf %add3A_949, %exp3A_980 : vector<16xf32>
        %add3A_982 = arith.constant 10240 : i32
        %add3A_983 = arith.addi %add3A_982, %mul3A_811 : i32
        %add3A_984 = arith.constant 0 : i32
        %add3A_985 = arith.addi %add3A_983, %add3A_984 : i32
        %get3A_986 = arith.index_cast %add3A_985 : i32 to index
        %get3A_987 = tpu.vector_load %arg7[%get3A_986] {strides = array<i32>} : memref<38912xf32, #tpu.memory_space<vmem>>, vector<16xf32>,
        %exp3A_988 = math.exp %get3A_987 : vector<16xf32>
        %add3A_989 = arith.addf %add3A_957, %exp3A_988 : vector<16xf32>
        %add3A_990 = arith.constant 10240 : i32
        %add3A_991 = arith.addi %add3A_990, %mul3A_811 : i32
        %add3A_992 = arith.constant 16 : i32
        %add3A_993 = arith.addi %add3A_991, %add3A_992 : i32
        %get3A_994 = arith.index_cast %add3A_993 : i32 to index
        %get3A_995 = tpu.vector_load %arg7[%get3A_994] {strides = array<i32>} : memref<38912xf32, #tpu.memory_space<vmem>>, vector<16xf32>,
        %exp3A_996 = math.exp %get3A_995 : vector<16xf32>
        %add3A_997 = arith.addf %add3A_965, %exp3A_996 : vector<16xf32>
        %add3A_998 = arith.constant 10240 : i32
        %add3A_999 = arith.addi %add3A_998, %mul3A_811 : i32
        %add3A_1000 = arith.constant 32 : i32
        %add3A_1001 = arith.addi %add3A_999, %add3A_1000 : i32
        %get3A_1002 = arith.index_cast %add3A_1001 : i32 to index
        %get3A_1003 = tpu.vector_load %arg7[%get3A_1002] {strides = array<i32>} : memref<38912xf32, #tpu.memory_space<vmem>>, vector<16xf32>,
        %exp3A_1004 = math.exp %get3A_1003 : vector<16xf32>
        %add3A_1005 = arith.addf %add3A_973, %exp3A_1004 : vector<16xf32>
        %add3A_1006 = arith.constant 10240 : i32
        %add3A_1007 = arith.addi %add3A_1006, %mul3A_811 : i32
        %add3A_1008 = arith.constant 48 : i32
        %add3A_1009 = arith.addi %add3A_1007, %add3A_1008 : i32
        %get3A_1010 = arith.index_cast %add3A_1009 : i32 to index
        %get3A_1011 = tpu.vector_load %arg7[%get3A_1010] {strides = array<i32>} : memref<38912xf32, #tpu.memory_space<vmem>>, vector<16xf32>,
        %exp3A_1012 = math.exp %get3A_1011 : vector<16xf32>
        %add3A_1013 = arith.addf %add3A_981, %exp3A_1012 : vector<16xf32>
        %add3A_1014 = arith.constant 12288 : i32
        %add3A_1015 = arith.addi %add3A_1014, %mul3A_811 : i32
        %add3A_1016 = arith.constant 0 : i32
        %add3A_1017 = arith.addi %add3A_1015, %add3A_1016 : i32
        %get3A_1018 = arith.index_cast %add3A_1017 : i32 to index
        %get3A_1019 = tpu.vector_load %arg7[%get3A_1018] {strides = array<i32>} : memref<38912xf32, #tpu.memory_space<vmem>>, vector<16xf32>,
        %exp3A_1020 = math.exp %get3A_1019 : vector<16xf32>
        %add3A_1021 = arith.addf %add3A_989, %exp3A_1020 : vector<16xf32>
        %add3A_1022 = arith.constant 12288 : i32
        %add3A_1023 = arith.addi %add3A_1022, %mul3A_811 : i32
        %add3A_1024 = arith.constant 16 : i32
        %add3A_1025 = arith.addi %add3A_1023, %add3A_1024 : i32
        %get3A_1026 = arith.index_cast %add3A_1025 : i32 to index
        %get3A_1027 = tpu.vector_load %arg7[%get3A_1026] {strides = array<i32>} : memref<38912xf32, #tpu.memory_space<vmem>>, vector<16xf32>,
        %exp3A_1028 = math.exp %get3A_1027 : vector<16xf32>
        %add3A_1029 = arith.addf %add3A_997, %exp3A_1028 : vector<16xf32>
        %add3A_1030 = arith.constant 12288 : i32
        %add3A_1031 = arith.addi %add3A_1030, %mul3A_811 : i32
        %add3A_1032 = arith.constant 32 : i32
        %add3A_1033 = arith.addi %add3A_1031, %add3A_1032 : i32
        %get3A_1034 = arith.index_cast %add3A_1033 : i32 to index
        %get3A_1035 = tpu.vector_load %arg7[%get3A_1034] {strides = array<i32>} : memref<38912xf32, #tpu.memory_space<vmem>>, vector<16xf32>,
        %exp3A_1036 = math.exp %get3A_1035 : vector<16xf32>
        %add3A_1037 = arith.addf %add3A_1005, %exp3A_1036 : vector<16xf32>
        %add3A_1038 = arith.constant 12288 : i32
        %add3A_1039 = arith.addi %add3A_1038, %mul3A_811 : i32
        %add3A_1040 = arith.constant 48 : i32
        %add3A_1041 = arith.addi %add3A_1039, %add3A_1040 : i32
        %get3A_1042 = arith.index_cast %add3A_1041 : i32 to index
        %get3A_1043 = tpu.vector_load %arg7[%get3A_1042] {strides = array<i32>} : memref<38912xf32, #tpu.memory_space<vmem>>, vector<16xf32>,
        %exp3A_1044 = math.exp %get3A_1043 : vector<16xf32>
        %add3A_1045 = arith.addf %add3A_1013, %exp3A_1044 : vector<16xf32>
        %add3A_1046 = arith.constant 14336 : i32
        %add3A_1047 = arith.addi %add3A_1046, %mul3A_811 : i32
        %add3A_1048 = arith.constant 0 : i32
        %add3A_1049 = arith.addi %add3A_1047, %add3A_1048 : i32
        %get3A_1050 = arith.index_cast %add3A_1049 : i32 to index
        %get3A_1051 = tpu.vector_load %arg7[%get3A_1050] {strides = array<i32>} : memref<38912xf32, #tpu.memory_space<vmem>>, vector<16xf32>,
        %exp3A_1052 = math.exp %get3A_1051 : vector<16xf32>
        %add3A_1053 = arith.addf %add3A_1021, %exp3A_1052 : vector<16xf32>
        %add3A_1054 = arith.constant 14336 : i32
        %add3A_1055 = arith.addi %add3A_1054, %mul3A_811 : i32
        %add3A_1056 = arith.constant 16 : i32
        %add3A_1057 = arith.addi %add3A_1055, %add3A_1056 : i32
        %get3A_1058 = arith.index_cast %add3A_1057 : i32 to index
        %get3A_1059 = tpu.vector_load %arg7[%get3A_1058] {strides = array<i32>} : memref<38912xf32, #tpu.memory_space<vmem>>, vector<16xf32>,
        %exp3A_1060 = math.exp %get3A_1059 : vector<16xf32>
        %add3A_1061 = arith.addf %add3A_1029, %exp3A_1060 : vector<16xf32>
        %add3A_1062 = arith.constant 14336 : i32
        %add3A_1063 = arith.addi %add3A_1062, %mul3A_811 : i32
        %add3A_1064 = arith.constant 32 : i32
        %add3A_1065 = arith.addi %add3A_1063, %add3A_1064 : i32
        %get3A_1066 = arith.index_cast %add3A_1065 : i32 to index
        %get3A_1067 = tpu.vector_load %arg7[%get3A_1066] {strides = array<i32>} : memref<38912xf32, #tpu.memory_space<vmem>>, vector<16xf32>,
        %exp3A_1068 = math.exp %get3A_1067 : vector<16xf32>
        %add3A_1069 = arith.addf %add3A_1037, %exp3A_1068 : vector<16xf32>
        %add3A_1070 = arith.constant 14336 : i32
        %add3A_1071 = arith.addi %add3A_1070, %mul3A_811 : i32
        %add3A_1072 = arith.constant 48 : i32
        %add3A_1073 = arith.addi %add3A_1071, %add3A_1072 : i32
        %get3A_1074 = arith.index_cast %add3A_1073 : i32 to index
        %get3A_1075 = tpu.vector_load %arg7[%get3A_1074] {strides = array<i32>} : memref<38912xf32, #tpu.memory_space<vmem>>, vector<16xf32>,
        %exp3A_1076 = math.exp %get3A_1075 : vector<16xf32>
        %add3A_1077 = arith.addf %add3A_1045, %exp3A_1076 : vector<16xf32>
        %add3A_1078 = arith.constant 16384 : i32
        %add3A_1079 = arith.addi %add3A_1078, %mul3A_811 : i32
        %add3A_1080 = arith.constant 0 : i32
        %add3A_1081 = arith.addi %add3A_1079, %add3A_1080 : i32
        %get3A_1082 = arith.index_cast %add3A_1081 : i32 to index
        %get3A_1083 = tpu.vector_load %arg7[%get3A_1082] {strides = array<i32>} : memref<38912xf32, #tpu.memory_space<vmem>>, vector<16xf32>,
        %exp3A_1084 = math.exp %get3A_1083 : vector<16xf32>
        %add3A_1085 = arith.addf %add3A_1053, %exp3A_1084 : vector<16xf32>
        %add3A_1086 = arith.constant 16384 : i32
        %add3A_1087 = arith.addi %add3A_1086, %mul3A_811 : i32
        %add3A_1088 = arith.constant 16 : i32
        %add3A_1089 = arith.addi %add3A_1087, %add3A_1088 : i32
        %get3A_1090 = arith.index_cast %add3A_1089 : i32 to index
        %get3A_1091 = tpu.vector_load %arg7[%get3A_1090] {strides = array<i32>} : memref<38912xf32, #tpu.memory_space<vmem>>, vector<16xf32>,
        %exp3A_1092 = math.exp %get3A_1091 : vector<16xf32>
        %add3A_1093 = arith.addf %add3A_1061, %exp3A_1092 : vector<16xf32>
        %add3A_1094 = arith.constant 16384 : i32
        %add3A_1095 = arith.addi %add3A_1094, %mul3A_811 : i32
        %add3A_1096 = arith.constant 32 : i32
        %add3A_1097 = arith.addi %add3A_1095, %add3A_1096 : i32
        %get3A_1098 = arith.index_cast %add3A_1097 : i32 to index
        %get3A_1099 = tpu.vector_load %arg7[%get3A_1098] {strides = array<i32>} : memref<38912xf32, #tpu.memory_space<vmem>>, vector<16xf32>,
        %exp3A_1100 = math.exp %get3A_1099 : vector<16xf32>
        %add3A_1101 = arith.addf %add3A_1069, %exp3A_1100 : vector<16xf32>
        %add3A_1102 = arith.constant 16384 : i32
        %add3A_1103 = arith.addi %add3A_1102, %mul3A_811 : i32
        %add3A_1104 = arith.constant 48 : i32
        %add3A_1105 = arith.addi %add3A_1103, %add3A_1104 : i32
        %get3A_1106 = arith.index_cast %add3A_1105 : i32 to index
        %get3A_1107 = tpu.vector_load %arg7[%get3A_1106] {strides = array<i32>} : memref<38912xf32, #tpu.memory_space<vmem>>, vector<16xf32>,
        %exp3A_1108 = math.exp %get3A_1107 : vector<16xf32>
        %add3A_1109 = arith.addf %add3A_1077, %exp3A_1108 : vector<16xf32>
        %add3A_1110 = arith.constant 18432 : i32
        %add3A_1111 = arith.addi %add3A_1110, %mul3A_811 : i32
        %add3A_1112 = arith.constant 0 : i32
        %add3A_1113 = arith.addi %add3A_1111, %add3A_1112 : i32
        %get3A_1114 = arith.index_cast %add3A_1113 : i32 to index
        %get3A_1115 = tpu.vector_load %arg7[%get3A_1114] {strides = array<i32>} : memref<38912xf32, #tpu.memory_space<vmem>>, vector<16xf32>,
        %exp3A_1116 = math.exp %get3A_1115 : vector<16xf32>
        %add3A_1117 = arith.addf %add3A_1085, %exp3A_1116 : vector<16xf32>
        %add3A_1118 = arith.constant 18432 : i32
        %add3A_1119 = arith.addi %add3A_1118, %mul3A_811 : i32
        %add3A_1120 = arith.constant 16 : i32
        %add3A_1121 = arith.addi %add3A_1119, %add3A_1120 : i32
        %get3A_1122 = arith.index_cast %add3A_1121 : i32 to index
        %get3A_1123 = tpu.vector_load %arg7[%get3A_1122] {strides = array<i32>} : memref<38912xf32, #tpu.memory_space<vmem>>, vector<16xf32>,
        %exp3A_1124 = math.exp %get3A_1123 : vector<16xf32>
        %add3A_1125 = arith.addf %add3A_1093, %exp3A_1124 : vector<16xf32>
        %add3A_1126 = arith.constant 18432 : i32
        %add3A_1127 = arith.addi %add3A_1126, %mul3A_811 : i32
        %add3A_1128 = arith.constant 32 : i32
        %add3A_1129 = arith.addi %add3A_1127, %add3A_1128 : i32
        %get3A_1130 = arith.index_cast %add3A_1129 : i32 to index
        %get3A_1131 = tpu.vector_load %arg7[%get3A_1130] {strides = array<i32>} : memref<38912xf32, #tpu.memory_space<vmem>>, vector<16xf32>,
        %exp3A_1132 = math.exp %get3A_1131 : vector<16xf32>
        %add3A_1133 = arith.addf %add3A_1101, %exp3A_1132 : vector<16xf32>
        %add3A_1134 = arith.constant 18432 : i32
        %add3A_1135 = arith.addi %add3A_1134, %mul3A_811 : i32
        %add3A_1136 = arith.constant 48 : i32
        %add3A_1137 = arith.addi %add3A_1135, %add3A_1136 : i32
        %get3A_1138 = arith.index_cast %add3A_1137 : i32 to index
        %get3A_1139 = tpu.vector_load %arg7[%get3A_1138] {strides = array<i32>} : memref<38912xf32, #tpu.memory_space<vmem>>, vector<16xf32>,
        %exp3A_1140 = math.exp %get3A_1139 : vector<16xf32>
        %add3A_1141 = arith.addf %add3A_1109, %exp3A_1140 : vector<16xf32>
        %add3A_1142 = arith.constant 20480 : i32
        %add3A_1143 = arith.addi %add3A_1142, %mul3A_811 : i32
        %add3A_1144 = arith.constant 0 : i32
        %add3A_1145 = arith.addi %add3A_1143, %add3A_1144 : i32
        %get3A_1146 = arith.index_cast %add3A_1145 : i32 to index
        %get3A_1147 = tpu.vector_load %arg7[%get3A_1146] {strides = array<i32>} : memref<38912xf32, #tpu.memory_space<vmem>>, vector<16xf32>,
        %exp3A_1148 = math.exp %get3A_1147 : vector<16xf32>
        %add3A_1149 = arith.addf %add3A_1117, %exp3A_1148 : vector<16xf32>
        %add3A_1150 = arith.constant 20480 : i32
        %add3A_1151 = arith.addi %add3A_1150, %mul3A_811 : i32
        %add3A_1152 = arith.constant 16 : i32
        %add3A_1153 = arith.addi %add3A_1151, %add3A_1152 : i32
        %get3A_1154 = arith.index_cast %add3A_1153 : i32 to index
        %get3A_1155 = tpu.vector_load %arg7[%get3A_1154] {strides = array<i32>} : memref<38912xf32, #tpu.memory_space<vmem>>, vector<16xf32>,
        %exp3A_1156 = math.exp %get3A_1155 : vector<16xf32>
        %add3A_1157 = arith.addf %add3A_1125, %exp3A_1156 : vector<16xf32>
        %add3A_1158 = arith.constant 20480 : i32
        %add3A_1159 = arith.addi %add3A_1158, %mul3A_811 : i32
        %add3A_1160 = arith.constant 32 : i32
        %add3A_1161 = arith.addi %add3A_1159, %add3A_1160 : i32
        %get3A_1162 = arith.index_cast %add3A_1161 : i32 to index
        %get3A_1163 = tpu.vector_load %arg7[%get3A_1162] {strides = array<i32>} : memref<38912xf32, #tpu.memory_space<vmem>>, vector<16xf32>,
        %exp3A_1164 = math.exp %get3A_1163 : vector<16xf32>
        %add3A_1165 = arith.addf %add3A_1133, %exp3A_1164 : vector<16xf32>
        %add3A_1166 = arith.constant 20480 : i32
        %add3A_1167 = arith.addi %add3A_1166, %mul3A_811 : i32
        %add3A_1168 = arith.constant 48 : i32
        %add3A_1169 = arith.addi %add3A_1167, %add3A_1168 : i32
        %get3A_1170 = arith.index_cast %add3A_1169 : i32 to index
        %get3A_1171 = tpu.vector_load %arg7[%get3A_1170] {strides = array<i32>} : memref<38912xf32, #tpu.memory_space<vmem>>, vector<16xf32>,
        %exp3A_1172 = math.exp %get3A_1171 : vector<16xf32>
        %add3A_1173 = arith.addf %add3A_1141, %exp3A_1172 : vector<16xf32>
        %add3A_1174 = arith.constant 22528 : i32
        %add3A_1175 = arith.addi %add3A_1174, %mul3A_811 : i32
        %add3A_1176 = arith.constant 0 : i32
        %add3A_1177 = arith.addi %add3A_1175, %add3A_1176 : i32
        %get3A_1178 = arith.index_cast %add3A_1177 : i32 to index
        %get3A_1179 = tpu.vector_load %arg7[%get3A_1178] {strides = array<i32>} : memref<38912xf32, #tpu.memory_space<vmem>>, vector<16xf32>,
        %exp3A_1180 = math.exp %get3A_1179 : vector<16xf32>
        %add3A_1181 = arith.addf %add3A_1149, %exp3A_1180 : vector<16xf32>
        %add3A_1182 = arith.constant 22528 : i32
        %add3A_1183 = arith.addi %add3A_1182, %mul3A_811 : i32
        %add3A_1184 = arith.constant 16 : i32
        %add3A_1185 = arith.addi %add3A_1183, %add3A_1184 : i32
        %get3A_1186 = arith.index_cast %add3A_1185 : i32 to index
        %get3A_1187 = tpu.vector_load %arg7[%get3A_1186] {strides = array<i32>} : memref<38912xf32, #tpu.memory_space<vmem>>, vector<16xf32>,
        %exp3A_1188 = math.exp %get3A_1187 : vector<16xf32>
        %add3A_1189 = arith.addf %add3A_1157, %exp3A_1188 : vector<16xf32>
        %add3A_1190 = arith.constant 22528 : i32
        %add3A_1191 = arith.addi %add3A_1190, %mul3A_811 : i32
        %add3A_1192 = arith.constant 32 : i32
        %add3A_1193 = arith.addi %add3A_1191, %add3A_1192 : i32
        %get3A_1194 = arith.index_cast %add3A_1193 : i32 to index
        %get3A_1195 = tpu.vector_load %arg7[%get3A_1194] {strides = array<i32>} : memref<38912xf32, #tpu.memory_space<vmem>>, vector<16xf32>,
        %exp3A_1196 = math.exp %get3A_1195 : vector<16xf32>
        %add3A_1197 = arith.addf %add3A_1165, %exp3A_1196 : vector<16xf32>
        %add3A_1198 = arith.constant 22528 : i32
        %add3A_1199 = arith.addi %add3A_1198, %mul3A_811 : i32
        %add3A_1200 = arith.constant 48 : i32
        %add3A_1201 = arith.addi %add3A_1199, %add3A_1200 : i32
        %get3A_1202 = arith.index_cast %add3A_1201 : i32 to index
        %get3A_1203 = tpu.vector_load %arg7[%get3A_1202] {strides = array<i32>} : memref<38912xf32, #tpu.memory_space<vmem>>, vector<16xf32>,
        %exp3A_1204 = math.exp %get3A_1203 : vector<16xf32>
        %add3A_1205 = arith.addf %add3A_1173, %exp3A_1204 : vector<16xf32>
        %add3A_1206 = arith.constant 24576 : i32
        %add3A_1207 = arith.addi %add3A_1206, %mul3A_811 : i32
        %add3A_1208 = arith.constant 0 : i32
        %add3A_1209 = arith.addi %add3A_1207, %add3A_1208 : i32
        %get3A_1210 = arith.index_cast %add3A_1209 : i32 to index
        %get3A_1211 = tpu.vector_load %arg7[%get3A_1210] {strides = array<i32>} : memref<38912xf32, #tpu.memory_space<vmem>>, vector<16xf32>,
        %exp3A_1212 = math.exp %get3A_1211 : vector<16xf32>
        %add3A_1213 = arith.addf %add3A_1181, %exp3A_1212 : vector<16xf32>
        %add3A_1214 = arith.constant 24576 : i32
        %add3A_1215 = arith.addi %add3A_1214, %mul3A_811 : i32
        %add3A_1216 = arith.constant 16 : i32
        %add3A_1217 = arith.addi %add3A_1215, %add3A_1216 : i32
        %get3A_1218 = arith.index_cast %add3A_1217 : i32 to index
        %get3A_1219 = tpu.vector_load %arg7[%get3A_1218] {strides = array<i32>} : memref<38912xf32, #tpu.memory_space<vmem>>, vector<16xf32>,
        %exp3A_1220 = math.exp %get3A_1219 : vector<16xf32>
        %add3A_1221 = arith.addf %add3A_1189, %exp3A_1220 : vector<16xf32>
        %add3A_1222 = arith.constant 24576 : i32
        %add3A_1223 = arith.addi %add3A_1222, %mul3A_811 : i32
        %add3A_1224 = arith.constant 32 : i32
        %add3A_1225 = arith.addi %add3A_1223, %add3A_1224 : i32
        %get3A_1226 = arith.index_cast %add3A_1225 : i32 to index
        %get3A_1227 = tpu.vector_load %arg7[%get3A_1226] {strides = array<i32>} : memref<38912xf32, #tpu.memory_space<vmem>>, vector<16xf32>,
        %exp3A_1228 = math.exp %get3A_1227 : vector<16xf32>
        %add3A_1229 = arith.addf %add3A_1197, %exp3A_1228 : vector<16xf32>
        %add3A_1230 = arith.constant 24576 : i32
        %add3A_1231 = arith.addi %add3A_1230, %mul3A_811 : i32
        %add3A_1232 = arith.constant 48 : i32
        %add3A_1233 = arith.addi %add3A_1231, %add3A_1232 : i32
        %get3A_1234 = arith.index_cast %add3A_1233 : i32 to index
        %get3A_1235 = tpu.vector_load %arg7[%get3A_1234] {strides = array<i32>} : memref<38912xf32, #tpu.memory_space<vmem>>, vector<16xf32>,
        %exp3A_1236 = math.exp %get3A_1235 : vector<16xf32>
        %add3A_1237 = arith.addf %add3A_1205, %exp3A_1236 : vector<16xf32>
        %add3A_1238 = arith.constant 26624 : i32
        %add3A_1239 = arith.addi %add3A_1238, %mul3A_811 : i32
        %add3A_1240 = arith.constant 0 : i32
        %add3A_1241 = arith.addi %add3A_1239, %add3A_1240 : i32
        %get3A_1242 = arith.index_cast %add3A_1241 : i32 to index
        %get3A_1243 = tpu.vector_load %arg7[%get3A_1242] {strides = array<i32>} : memref<38912xf32, #tpu.memory_space<vmem>>, vector<16xf32>,
        %exp3A_1244 = math.exp %get3A_1243 : vector<16xf32>
        %add3A_1245 = arith.addf %add3A_1213, %exp3A_1244 : vector<16xf32>
        %add3A_1246 = arith.constant 26624 : i32
        %add3A_1247 = arith.addi %add3A_1246, %mul3A_811 : i32
        %add3A_1248 = arith.constant 16 : i32
        %add3A_1249 = arith.addi %add3A_1247, %add3A_1248 : i32
        %get3A_1250 = arith.index_cast %add3A_1249 : i32 to index
        %get3A_1251 = tpu.vector_load %arg7[%get3A_1250] {strides = array<i32>} : memref<38912xf32, #tpu.memory_space<vmem>>, vector<16xf32>,
        %exp3A_1252 = math.exp %get3A_1251 : vector<16xf32>
        %add3A_1253 = arith.addf %add3A_1221, %exp3A_1252 : vector<16xf32>
        %add3A_1254 = arith.constant 26624 : i32
        %add3A_1255 = arith.addi %add3A_1254, %mul3A_811 : i32
        %add3A_1256 = arith.constant 32 : i32
        %add3A_1257 = arith.addi %add3A_1255, %add3A_1256 : i32
        %get3A_1258 = arith.index_cast %add3A_1257 : i32 to index
        %get3A_1259 = tpu.vector_load %arg7[%get3A_1258] {strides = array<i32>} : memref<38912xf32, #tpu.memory_space<vmem>>, vector<16xf32>,
        %exp3A_1260 = math.exp %get3A_1259 : vector<16xf32>
        %add3A_1261 = arith.addf %add3A_1229, %exp3A_1260 : vector<16xf32>
        %add3A_1262 = arith.constant 26624 : i32
        %add3A_1263 = arith.addi %add3A_1262, %mul3A_811 : i32
        %add3A_1264 = arith.constant 48 : i32
        %add3A_1265 = arith.addi %add3A_1263, %add3A_1264 : i32
        %get3A_1266 = arith.index_cast %add3A_1265 : i32 to index
        %get3A_1267 = tpu.vector_load %arg7[%get3A_1266] {strides = array<i32>} : memref<38912xf32, #tpu.memory_space<vmem>>, vector<16xf32>,
        %exp3A_1268 = math.exp %get3A_1267 : vector<16xf32>
        %add3A_1269 = arith.addf %add3A_1237, %exp3A_1268 : vector<16xf32>
        %add3A_1270 = arith.constant 28672 : i32
        %add3A_1271 = arith.addi %add3A_1270, %mul3A_811 : i32
        %add3A_1272 = arith.constant 0 : i32
        %add3A_1273 = arith.addi %add3A_1271, %add3A_1272 : i32
        %get3A_1274 = arith.index_cast %add3A_1273 : i32 to index
        %get3A_1275 = tpu.vector_load %arg7[%get3A_1274] {strides = array<i32>} : memref<38912xf32, #tpu.memory_space<vmem>>, vector<16xf32>,
        %exp3A_1276 = math.exp %get3A_1275 : vector<16xf32>
        %add3A_1277 = arith.addf %add3A_1245, %exp3A_1276 : vector<16xf32>
        %add3A_1278 = arith.constant 28672 : i32
        %add3A_1279 = arith.addi %add3A_1278, %mul3A_811 : i32
        %add3A_1280 = arith.constant 16 : i32
        %add3A_1281 = arith.addi %add3A_1279, %add3A_1280 : i32
        %get3A_1282 = arith.index_cast %add3A_1281 : i32 to index
        %get3A_1283 = tpu.vector_load %arg7[%get3A_1282] {strides = array<i32>} : memref<38912xf32, #tpu.memory_space<vmem>>, vector<16xf32>,
        %exp3A_1284 = math.exp %get3A_1283 : vector<16xf32>
        %add3A_1285 = arith.addf %add3A_1253, %exp3A_1284 : vector<16xf32>
        %add3A_1286 = arith.constant 28672 : i32
        %add3A_1287 = arith.addi %add3A_1286, %mul3A_811 : i32
        %add3A_1288 = arith.constant 32 : i32
        %add3A_1289 = arith.addi %add3A_1287, %add3A_1288 : i32
        %get3A_1290 = arith.index_cast %add3A_1289 : i32 to index
        %get3A_1291 = tpu.vector_load %arg7[%get3A_1290] {strides = array<i32>} : memref<38912xf32, #tpu.memory_space<vmem>>, vector<16xf32>,
        %exp3A_1292 = math.exp %get3A_1291 : vector<16xf32>
        %add3A_1293 = arith.addf %add3A_1261, %exp3A_1292 : vector<16xf32>
        %add3A_1294 = arith.constant 28672 : i32
        %add3A_1295 = arith.addi %add3A_1294, %mul3A_811 : i32
        %add3A_1296 = arith.constant 48 : i32
        %add3A_1297 = arith.addi %add3A_1295, %add3A_1296 : i32
        %get3A_1298 = arith.index_cast %add3A_1297 : i32 to index
        %get3A_1299 = tpu.vector_load %arg7[%get3A_1298] {strides = array<i32>} : memref<38912xf32, #tpu.memory_space<vmem>>, vector<16xf32>,
        %exp3A_1300 = math.exp %get3A_1299 : vector<16xf32>
        %add3A_1301 = arith.addf %add3A_1269, %exp3A_1300 : vector<16xf32>
        %add3A_1302 = arith.constant 30720 : i32
        %add3A_1303 = arith.addi %add3A_1302, %mul3A_811 : i32
        %add3A_1304 = arith.constant 0 : i32
        %add3A_1305 = arith.addi %add3A_1303, %add3A_1304 : i32
        %get3A_1306 = arith.index_cast %add3A_1305 : i32 to index
        %get3A_1307 = tpu.vector_load %arg7[%get3A_1306] {strides = array<i32>} : memref<38912xf32, #tpu.memory_space<vmem>>, vector<16xf32>,
        %exp3A_1308 = math.exp %get3A_1307 : vector<16xf32>
        %add3A_1309 = arith.addf %add3A_1277, %exp3A_1308 : vector<16xf32>
        %add3A_1310 = arith.constant 30720 : i32
        %add3A_1311 = arith.addi %add3A_1310, %mul3A_811 : i32
        %add3A_1312 = arith.constant 16 : i32
        %add3A_1313 = arith.addi %add3A_1311, %add3A_1312 : i32
        %get3A_1314 = arith.index_cast %add3A_1313 : i32 to index
        %get3A_1315 = tpu.vector_load %arg7[%get3A_1314] {strides = array<i32>} : memref<38912xf32, #tpu.memory_space<vmem>>, vector<16xf32>,
        %exp3A_1316 = math.exp %get3A_1315 : vector<16xf32>
        %add3A_1317 = arith.addf %add3A_1285, %exp3A_1316 : vector<16xf32>
        %add3A_1318 = arith.constant 30720 : i32
        %add3A_1319 = arith.addi %add3A_1318, %mul3A_811 : i32
        %add3A_1320 = arith.constant 32 : i32
        %add3A_1321 = arith.addi %add3A_1319, %add3A_1320 : i32
        %get3A_1322 = arith.index_cast %add3A_1321 : i32 to index
        %get3A_1323 = tpu.vector_load %arg7[%get3A_1322] {strides = array<i32>} : memref<38912xf32, #tpu.memory_space<vmem>>, vector<16xf32>,
        %exp3A_1324 = math.exp %get3A_1323 : vector<16xf32>
        %add3A_1325 = arith.addf %add3A_1293, %exp3A_1324 : vector<16xf32>
        %add3A_1326 = arith.constant 30720 : i32
        %add3A_1327 = arith.addi %add3A_1326, %mul3A_811 : i32
        %add3A_1328 = arith.constant 48 : i32
        %add3A_1329 = arith.addi %add3A_1327, %add3A_1328 : i32
        %get3A_1330 = arith.index_cast %add3A_1329 : i32 to index
        %get3A_1331 = tpu.vector_load %arg7[%get3A_1330] {strides = array<i32>} : memref<38912xf32, #tpu.memory_space<vmem>>, vector<16xf32>,
        %exp3A_1332 = math.exp %get3A_1331 : vector<16xf32>
        %add3A_1333 = arith.addf %add3A_1301, %exp3A_1332 : vector<16xf32>
        %add3A_1334 = arith.constant 32768 : i32
        %add3A_1335 = arith.addi %add3A_1334, %mul3A_811 : i32
        %add3A_1336 = arith.constant 0 : i32
        %add3A_1337 = arith.addi %add3A_1335, %add3A_1336 : i32
        %get3A_1338 = arith.index_cast %add3A_1337 : i32 to index
        %get3A_1339 = tpu.vector_load %arg7[%get3A_1338] {strides = array<i32>} : memref<38912xf32, #tpu.memory_space<vmem>>, vector<16xf32>,
        %exp3A_1340 = math.exp %get3A_1339 : vector<16xf32>
        %add3A_1341 = arith.addf %add3A_1309, %exp3A_1340 : vector<16xf32>
        %add3A_1342 = arith.constant 32768 : i32
        %add3A_1343 = arith.addi %add3A_1342, %mul3A_811 : i32
        %add3A_1344 = arith.constant 16 : i32
        %add3A_1345 = arith.addi %add3A_1343, %add3A_1344 : i32
        %get3A_1346 = arith.index_cast %add3A_1345 : i32 to index
        %get3A_1347 = tpu.vector_load %arg7[%get3A_1346] {strides = array<i32>} : memref<38912xf32, #tpu.memory_space<vmem>>, vector<16xf32>,
        %exp3A_1348 = math.exp %get3A_1347 : vector<16xf32>
        %add3A_1349 = arith.addf %add3A_1317, %exp3A_1348 : vector<16xf32>
        %add3A_1350 = arith.constant 32768 : i32
        %add3A_1351 = arith.addi %add3A_1350, %mul3A_811 : i32
        %add3A_1352 = arith.constant 32 : i32
        %add3A_1353 = arith.addi %add3A_1351, %add3A_1352 : i32
        %get3A_1354 = arith.index_cast %add3A_1353 : i32 to index
        %get3A_1355 = tpu.vector_load %arg7[%get3A_1354] {strides = array<i32>} : memref<38912xf32, #tpu.memory_space<vmem>>, vector<16xf32>,
        %exp3A_1356 = math.exp %get3A_1355 : vector<16xf32>
        %add3A_1357 = arith.addf %add3A_1325, %exp3A_1356 : vector<16xf32>
        %add3A_1358 = arith.constant 32768 : i32
        %add3A_1359 = arith.addi %add3A_1358, %mul3A_811 : i32
        %add3A_1360 = arith.constant 48 : i32
        %add3A_1361 = arith.addi %add3A_1359, %add3A_1360 : i32
        %get3A_1362 = arith.index_cast %add3A_1361 : i32 to index
        %get3A_1363 = tpu.vector_load %arg7[%get3A_1362] {strides = array<i32>} : memref<38912xf32, #tpu.memory_space<vmem>>, vector<16xf32>,
        %exp3A_1364 = math.exp %get3A_1363 : vector<16xf32>
        %add3A_1365 = arith.addf %add3A_1333, %exp3A_1364 : vector<16xf32>
        %add3A_1366 = arith.constant 34816 : i32
        %add3A_1367 = arith.addi %add3A_1366, %mul3A_811 : i32
        %add3A_1368 = arith.constant 0 : i32
        %add3A_1369 = arith.addi %add3A_1367, %add3A_1368 : i32
        %get3A_1370 = arith.index_cast %add3A_1369 : i32 to index
        %get3A_1371 = tpu.vector_load %arg7[%get3A_1370] {strides = array<i32>} : memref<38912xf32, #tpu.memory_space<vmem>>, vector<16xf32>,
        %exp3A_1372 = math.exp %get3A_1371 : vector<16xf32>
        %add3A_1373 = arith.addf %add3A_1341, %exp3A_1372 : vector<16xf32>
        %add3A_1374 = arith.constant 34816 : i32
        %add3A_1375 = arith.addi %add3A_1374, %mul3A_811 : i32
        %add3A_1376 = arith.constant 16 : i32
        %add3A_1377 = arith.addi %add3A_1375, %add3A_1376 : i32
        %get3A_1378 = arith.index_cast %add3A_1377 : i32 to index
        %get3A_1379 = tpu.vector_load %arg7[%get3A_1378] {strides = array<i32>} : memref<38912xf32, #tpu.memory_space<vmem>>, vector<16xf32>,
        %exp3A_1380 = math.exp %get3A_1379 : vector<16xf32>
        %add3A_1381 = arith.addf %add3A_1349, %exp3A_1380 : vector<16xf32>
        %add3A_1382 = arith.constant 34816 : i32
        %add3A_1383 = arith.addi %add3A_1382, %mul3A_811 : i32
        %add3A_1384 = arith.constant 32 : i32
        %add3A_1385 = arith.addi %add3A_1383, %add3A_1384 : i32
        %get3A_1386 = arith.index_cast %add3A_1385 : i32 to index
        %get3A_1387 = tpu.vector_load %arg7[%get3A_1386] {strides = array<i32>} : memref<38912xf32, #tpu.memory_space<vmem>>, vector<16xf32>,
        %exp3A_1388 = math.exp %get3A_1387 : vector<16xf32>
        %add3A_1389 = arith.addf %add3A_1357, %exp3A_1388 : vector<16xf32>
        %add3A_1390 = arith.constant 34816 : i32
        %add3A_1391 = arith.addi %add3A_1390, %mul3A_811 : i32
        %add3A_1392 = arith.constant 48 : i32
        %add3A_1393 = arith.addi %add3A_1391, %add3A_1392 : i32
        %get3A_1394 = arith.index_cast %add3A_1393 : i32 to index
        %get3A_1395 = tpu.vector_load %arg7[%get3A_1394] {strides = array<i32>} : memref<38912xf32, #tpu.memory_space<vmem>>, vector<16xf32>,
        %exp3A_1396 = math.exp %get3A_1395 : vector<16xf32>
        %add3A_1397 = arith.addf %add3A_1365, %exp3A_1396 : vector<16xf32>
        %add3A_1398 = arith.constant 36864 : i32
        %add3A_1399 = arith.addi %add3A_1398, %mul3A_811 : i32
        %add3A_1400 = arith.constant 0 : i32
        %add3A_1401 = arith.addi %add3A_1399, %add3A_1400 : i32
        %get3A_1402 = arith.index_cast %add3A_1401 : i32 to index
        %get3A_1403 = tpu.vector_load %arg7[%get3A_1402] {strides = array<i32>} : memref<38912xf32, #tpu.memory_space<vmem>>, vector<16xf32>,
        %exp3A_1404 = math.exp %get3A_1403 : vector<16xf32>
        %add3A_1405 = arith.addf %add3A_1373, %exp3A_1404 : vector<16xf32>
        %add3A_1406 = arith.constant 36864 : i32
        %add3A_1407 = arith.addi %add3A_1406, %mul3A_811 : i32
        %add3A_1408 = arith.constant 16 : i32
        %add3A_1409 = arith.addi %add3A_1407, %add3A_1408 : i32
        %get3A_1410 = arith.index_cast %add3A_1409 : i32 to index
        %get3A_1411 = tpu.vector_load %arg7[%get3A_1410] {strides = array<i32>} : memref<38912xf32, #tpu.memory_space<vmem>>, vector<16xf32>,
        %exp3A_1412 = math.exp %get3A_1411 : vector<16xf32>
        %add3A_1413 = arith.addf %add3A_1381, %exp3A_1412 : vector<16xf32>
        %add3A_1414 = arith.constant 36864 : i32
        %add3A_1415 = arith.addi %add3A_1414, %mul3A_811 : i32
        %add3A_1416 = arith.constant 32 : i32
        %add3A_1417 = arith.addi %add3A_1415, %add3A_1416 : i32
        %get3A_1418 = arith.index_cast %add3A_1417 : i32 to index
        %get3A_1419 = tpu.vector_load %arg7[%get3A_1418] {strides = array<i32>} : memref<38912xf32, #tpu.memory_space<vmem>>, vector<16xf32>,
        %exp3A_1420 = math.exp %get3A_1419 : vector<16xf32>
        %add3A_1421 = arith.addf %add3A_1389, %exp3A_1420 : vector<16xf32>
        %add3A_1422 = arith.constant 36864 : i32
        %add3A_1423 = arith.addi %add3A_1422, %mul3A_811 : i32
        %add3A_1424 = arith.constant 48 : i32
        %add3A_1425 = arith.addi %add3A_1423, %add3A_1424 : i32
        %get3A_1426 = arith.index_cast %add3A_1425 : i32 to index
        %get3A_1427 = tpu.vector_load %arg7[%get3A_1426] {strides = array<i32>} : memref<38912xf32, #tpu.memory_space<vmem>>, vector<16xf32>,
        %exp3A_1428 = math.exp %get3A_1427 : vector<16xf32>
        %add3A_1429 = arith.addf %add3A_1397, %exp3A_1428 : vector<16xf32>
        %div3A_1430 = vector.broadcast %scan3A_167 : f32 to vector<16xf32>
        %div3A_1431 = arith.divf %div3A_1430, %add3A_1405 : vector<16xf32>
        %div3A_1432 = vector.broadcast %scan3A_167 : f32 to vector<16xf32>
        %div3A_1433 = arith.divf %div3A_1432, %add3A_1413 : vector<16xf32>
        %div3A_1434 = vector.broadcast %scan3A_167 : f32 to vector<16xf32>
        %div3A_1435 = arith.divf %div3A_1434, %add3A_1421 : vector<16xf32>
        %div3A_1436 = vector.broadcast %scan3A_167 : f32 to vector<16xf32>
        %div3A_1437 = arith.divf %div3A_1436, %add3A_1429 : vector<16xf32>
        %mul3A_1438 = arith.mulf %exp3A, %div3A_1431 : vector<16xf32>
        %convert_element_type3A = arith.fptosi %mul3A_1438 : vector<16xf32> to vector<16xi32>
        %min3A_1439 = arith.constant 2047 : i32
        %min3A_1440 = vector.broadcast %min3A_1439 : i32 to vector<16xi32>
        %min3A_1441 = arith.minsi %convert_element_type3A, %min3A_1440 : vector<16xi32>
        %eq3A_1442 = arith.constant 0 : i32
        %eq3A_1443 = vector.broadcast %eq3A_1442 : i32 to vector<16xi32>
        %eq3A_1444 = arith.cmpi eq, %get3A_814, %eq3A_1443 : vector<16xi32>
        %sub3A_1445 = arith.constant 22527 : i32
        %sub3A_1446 = vector.broadcast %sub3A_1445 : i32 to vector<16xi32>
        %sub3A_1447 = arith.subi %sub3A_1446, %min3A_1441 : vector<16xi32>
        %add3A_1448 = arith.constant 0 : i32
        %add3A_1449 = vector.broadcast %add3A_1448 : i32 to vector<16xi32>
        %add3A_1450 = arith.addi %add3A_1449, %min3A_1441 : vector<16xi32>
        %select_n3A_1451 = arith.select %eq3A_1444, %sub3A_1447, %add3A_1450 : vector<16xi1>, vector<16xi32>
        tpu.vector_store_idx %arg9[%select_n3A_1451], %broadcast_in_dim3A_7 {add = true} : memref<40960xf32, #tpu.memory_space<vmem>>[vector<16xi32>], vector<16xf32>,
        %mul3A_1452 = arith.mulf %exp3A_839, %div3A_1433 : vector<16xf32>
        %convert_element_type3A_1453 = arith.fptosi %mul3A_1452 : vector<16xf32> to vector<16xi32>
        %min3A_1454 = arith.constant 2047 : i32
        %min3A_1455 = vector.broadcast %min3A_1454 : i32 to vector<16xi32>
        %min3A_1456 = arith.minsi %convert_element_type3A_1453, %min3A_1455 : vector<16xi32>
        %eq3A_1457 = arith.constant 0 : i32
        %eq3A_1458 = vector.broadcast %eq3A_1457 : i32 to vector<16xi32>
        %eq3A_1459 = arith.cmpi eq, %get3A_818, %eq3A_1458 : vector<16xi32>
        %sub3A_1460 = arith.constant 22527 : i32
        %sub3A_1461 = vector.broadcast %sub3A_1460 : i32 to vector<16xi32>
        %sub3A_1462 = arith.subi %sub3A_1461, %min3A_1456 : vector<16xi32>
        %add3A_1463 = arith.constant 0 : i32
        %add3A_1464 = vector.broadcast %add3A_1463 : i32 to vector<16xi32>
        %add3A_1465 = arith.addi %add3A_1464, %min3A_1456 : vector<16xi32>
        %select_n3A_1466 = arith.select %eq3A_1459, %sub3A_1462, %add3A_1465 : vector<16xi1>, vector<16xi32>
        tpu.vector_store_idx %arg9[%select_n3A_1466], %broadcast_in_dim3A_7 {add = true} : memref<40960xf32, #tpu.memory_space<vmem>>[vector<16xi32>], vector<16xf32>,
        %mul3A_1467 = arith.mulf %exp3A_846, %div3A_1435 : vector<16xf32>
        %convert_element_type3A_1468 = arith.fptosi %mul3A_1467 : vector<16xf32> to vector<16xi32>
        %min3A_1469 = arith.constant 2047 : i32
        %min3A_1470 = vector.broadcast %min3A_1469 : i32 to vector<16xi32>
        %min3A_1471 = arith.minsi %convert_element_type3A_1468, %min3A_1470 : vector<16xi32>
        %eq3A_1472 = arith.constant 0 : i32
        %eq3A_1473 = vector.broadcast %eq3A_1472 : i32 to vector<16xi32>
        %eq3A_1474 = arith.cmpi eq, %get3A_822, %eq3A_1473 : vector<16xi32>
        %sub3A_1475 = arith.constant 22527 : i32
        %sub3A_1476 = vector.broadcast %sub3A_1475 : i32 to vector<16xi32>
        %sub3A_1477 = arith.subi %sub3A_1476, %min3A_1471 : vector<16xi32>
        %add3A_1478 = arith.constant 0 : i32
        %add3A_1479 = vector.broadcast %add3A_1478 : i32 to vector<16xi32>
        %add3A_1480 = arith.addi %add3A_1479, %min3A_1471 : vector<16xi32>
        %select_n3A_1481 = arith.select %eq3A_1474, %sub3A_1477, %add3A_1480 : vector<16xi1>, vector<16xi32>
        tpu.vector_store_idx %arg9[%select_n3A_1481], %broadcast_in_dim3A_7 {add = true} : memref<40960xf32, #tpu.memory_space<vmem>>[vector<16xi32>], vector<16xf32>,
        %mul3A_1482 = arith.mulf %exp3A_853, %div3A_1437 : vector<16xf32>
        %convert_element_type3A_1483 = arith.fptosi %mul3A_1482 : vector<16xf32> to vector<16xi32>
        %min3A_1484 = arith.constant 2047 : i32
        %min3A_1485 = vector.broadcast %min3A_1484 : i32 to vector<16xi32>
        %min3A_1486 = arith.minsi %convert_element_type3A_1483, %min3A_1485 : vector<16xi32>
        %eq3A_1487 = arith.constant 0 : i32
        %eq3A_1488 = vector.broadcast %eq3A_1487 : i32 to vector<16xi32>
        %eq3A_1489 = arith.cmpi eq, %get3A_826, %eq3A_1488 : vector<16xi32>
        %sub3A_1490 = arith.constant 22527 : i32
        %sub3A_1491 = vector.broadcast %sub3A_1490 : i32 to vector<16xi32>
        %sub3A_1492 = arith.subi %sub3A_1491, %min3A_1486 : vector<16xi32>
        %add3A_1493 = arith.constant 0 : i32
        %add3A_1494 = vector.broadcast %add3A_1493 : i32 to vector<16xi32>
        %add3A_1495 = arith.addi %add3A_1494, %min3A_1486 : vector<16xi32>
        %select_n3A_1496 = arith.select %eq3A_1489, %sub3A_1492, %add3A_1495 : vector<16xi1>, vector<16xi32>
        tpu.vector_store_idx %arg9[%select_n3A_1496], %broadcast_in_dim3A_7 {add = true} : memref<40960xf32, #tpu.memory_space<vmem>>[vector<16xi32>], vector<16xf32>,
        %mul3A_1497 = arith.mulf %exp3A_860, %div3A_1431 : vector<16xf32>
        %convert_element_type3A_1498 = arith.fptosi %mul3A_1497 : vector<16xf32> to vector<16xi32>
        %min3A_1499 = arith.constant 2047 : i32
        %min3A_1500 = vector.broadcast %min3A_1499 : i32 to vector<16xi32>
        %min3A_1501 = arith.minsi %convert_element_type3A_1498, %min3A_1500 : vector<16xi32>
        %eq3A_1502 = arith.constant 1 : i32
        %eq3A_1503 = vector.broadcast %eq3A_1502 : i32 to vector<16xi32>
        %eq3A_1504 = arith.cmpi eq, %get3A_814, %eq3A_1503 : vector<16xi32>
        %sub3A_1505 = arith.constant 24575 : i32
        %sub3A_1506 = vector.broadcast %sub3A_1505 : i32 to vector<16xi32>
        %sub3A_1507 = arith.subi %sub3A_1506, %min3A_1501 : vector<16xi32>
        %add3A_1508 = arith.constant 2048 : i32
        %add3A_1509 = vector.broadcast %add3A_1508 : i32 to vector<16xi32>
        %add3A_1510 = arith.addi %add3A_1509, %min3A_1501 : vector<16xi32>
        %select_n3A_1511 = arith.select %eq3A_1504, %sub3A_1507, %add3A_1510 : vector<16xi1>, vector<16xi32>
        tpu.vector_store_idx %arg9[%select_n3A_1511], %broadcast_in_dim3A_7 {add = true} : memref<40960xf32, #tpu.memory_space<vmem>>[vector<16xi32>], vector<16xf32>,
        %mul3A_1512 = arith.mulf %exp3A_868, %div3A_1433 : vector<16xf32>
        %convert_element_type3A_1513 = arith.fptosi %mul3A_1512 : vector<16xf32> to vector<16xi32>
        %min3A_1514 = arith.constant 2047 : i32
        %min3A_1515 = vector.broadcast %min3A_1514 : i32 to vector<16xi32>
        %min3A_1516 = arith.minsi %convert_element_type3A_1513, %min3A_1515 : vector<16xi32>
        %eq3A_1517 = arith.constant 1 : i32
        %eq3A_1518 = vector.broadcast %eq3A_1517 : i32 to vector<16xi32>
        %eq3A_1519 = arith.cmpi eq, %get3A_818, %eq3A_1518 : vector<16xi32>
        %sub3A_1520 = arith.constant 24575 : i32
        %sub3A_1521 = vector.broadcast %sub3A_1520 : i32 to vector<16xi32>
        %sub3A_1522 = arith.subi %sub3A_1521, %min3A_1516 : vector<16xi32>
        %add3A_1523 = arith.constant 2048 : i32
        %add3A_1524 = vector.broadcast %add3A_1523 : i32 to vector<16xi32>
        %add3A_1525 = arith.addi %add3A_1524, %min3A_1516 : vector<16xi32>
        %select_n3A_1526 = arith.select %eq3A_1519, %sub3A_1522, %add3A_1525 : vector<16xi1>, vector<16xi32>
        tpu.vector_store_idx %arg9[%select_n3A_1526], %broadcast_in_dim3A_7 {add = true} : memref<40960xf32, #tpu.memory_space<vmem>>[vector<16xi32>], vector<16xf32>,
        %mul3A_1527 = arith.mulf %exp3A_876, %div3A_1435 : vector<16xf32>
        %convert_element_type3A_1528 = arith.fptosi %mul3A_1527 : vector<16xf32> to vector<16xi32>
        %min3A_1529 = arith.constant 2047 : i32
        %min3A_1530 = vector.broadcast %min3A_1529 : i32 to vector<16xi32>
        %min3A_1531 = arith.minsi %convert_element_type3A_1528, %min3A_1530 : vector<16xi32>
        %eq3A_1532 = arith.constant 1 : i32
        %eq3A_1533 = vector.broadcast %eq3A_1532 : i32 to vector<16xi32>
        %eq3A_1534 = arith.cmpi eq, %get3A_822, %eq3A_1533 : vector<16xi32>
        %sub3A_1535 = arith.constant 24575 : i32
        %sub3A_1536 = vector.broadcast %sub3A_1535 : i32 to vector<16xi32>
        %sub3A_1537 = arith.subi %sub3A_1536, %min3A_1531 : vector<16xi32>
        %add3A_1538 = arith.constant 2048 : i32
        %add3A_1539 = vector.broadcast %add3A_1538 : i32 to vector<16xi32>
        %add3A_1540 = arith.addi %add3A_1539, %min3A_1531 : vector<16xi32>
        %select_n3A_1541 = arith.select %eq3A_1534, %sub3A_1537, %add3A_1540 : vector<16xi1>, vector<16xi32>
        tpu.vector_store_idx %arg9[%select_n3A_1541], %broadcast_in_dim3A_7 {add = true} : memref<40960xf32, #tpu.memory_space<vmem>>[vector<16xi32>], vector<16xf32>,
        %mul3A_1542 = arith.mulf %exp3A_884, %div3A_1437 : vector<16xf32>
        %convert_element_type3A_1543 = arith.fptosi %mul3A_1542 : vector<16xf32> to vector<16xi32>
        %min3A_1544 = arith.constant 2047 : i32
        %min3A_1545 = vector.broadcast %min3A_1544 : i32 to vector<16xi32>
        %min3A_1546 = arith.minsi %convert_element_type3A_1543, %min3A_1545 : vector<16xi32>
        %eq3A_1547 = arith.constant 1 : i32
        %eq3A_1548 = vector.broadcast %eq3A_1547 : i32 to vector<16xi32>
        %eq3A_1549 = arith.cmpi eq, %get3A_826, %eq3A_1548 : vector<16xi32>
        %sub3A_1550 = arith.constant 24575 : i32
        %sub3A_1551 = vector.broadcast %sub3A_1550 : i32 to vector<16xi32>
        %sub3A_1552 = arith.subi %sub3A_1551, %min3A_1546 : vector<16xi32>
        %add3A_1553 = arith.constant 2048 : i32
        %add3A_1554 = vector.broadcast %add3A_1553 : i32 to vector<16xi32>
        %add3A_1555 = arith.addi %add3A_1554, %min3A_1546 : vector<16xi32>
        %select_n3A_1556 = arith.select %eq3A_1549, %sub3A_1552, %add3A_1555 : vector<16xi1>, vector<16xi32>
        tpu.vector_store_idx %arg9[%select_n3A_1556], %broadcast_in_dim3A_7 {add = true} : memref<40960xf32, #tpu.memory_space<vmem>>[vector<16xi32>], vector<16xf32>,
        %mul3A_1557 = arith.mulf %exp3A_892, %div3A_1431 : vector<16xf32>
        %convert_element_type3A_1558 = arith.fptosi %mul3A_1557 : vector<16xf32> to vector<16xi32>
        %min3A_1559 = arith.constant 2047 : i32
        %min3A_1560 = vector.broadcast %min3A_1559 : i32 to vector<16xi32>
        %min3A_1561 = arith.minsi %convert_element_type3A_1558, %min3A_1560 : vector<16xi32>
        %eq3A_1562 = arith.constant 2 : i32
        %eq3A_1563 = vector.broadcast %eq3A_1562 : i32 to vector<16xi32>
        %eq3A_1564 = arith.cmpi eq, %get3A_814, %eq3A_1563 : vector<16xi32>
        %sub3A_1565 = arith.constant 26623 : i32
        %sub3A_1566 = vector.broadcast %sub3A_1565 : i32 to vector<16xi32>
        %sub3A_1567 = arith.subi %sub3A_1566, %min3A_1561 : vector<16xi32>
        %add3A_1568 = arith.constant 4096 : i32
        %add3A_1569 = vector.broadcast %add3A_1568 : i32 to vector<16xi32>
        %add3A_1570 = arith.addi %add3A_1569, %min3A_1561 : vector<16xi32>
        %select_n3A_1571 = arith.select %eq3A_1564, %sub3A_1567, %add3A_1570 : vector<16xi1>, vector<16xi32>
        tpu.vector_store_idx %arg9[%select_n3A_1571], %broadcast_in_dim3A_7 {add = true} : memref<40960xf32, #tpu.memory_space<vmem>>[vector<16xi32>], vector<16xf32>,
        %mul3A_1572 = arith.mulf %exp3A_900, %div3A_1433 : vector<16xf32>
        %convert_element_type3A_1573 = arith.fptosi %mul3A_1572 : vector<16xf32> to vector<16xi32>
        %min3A_1574 = arith.constant 2047 : i32
        %min3A_1575 = vector.broadcast %min3A_1574 : i32 to vector<16xi32>
        %min3A_1576 = arith.minsi %convert_element_type3A_1573, %min3A_1575 : vector<16xi32>
        %eq3A_1577 = arith.constant 2 : i32
        %eq3A_1578 = vector.broadcast %eq3A_1577 : i32 to vector<16xi32>
        %eq3A_1579 = arith.cmpi eq, %get3A_818, %eq3A_1578 : vector<16xi32>
        %sub3A_1580 = arith.constant 26623 : i32
        %sub3A_1581 = vector.broadcast %sub3A_1580 : i32 to vector<16xi32>
        %sub3A_1582 = arith.subi %sub3A_1581, %min3A_1576 : vector<16xi32>
        %add3A_1583 = arith.constant 4096 : i32
        %add3A_1584 = vector.broadcast %add3A_1583 : i32 to vector<16xi32>
        %add3A_1585 = arith.addi %add3A_1584, %min3A_1576 : vector<16xi32>
        %select_n3A_1586 = arith.select %eq3A_1579, %sub3A_1582, %add3A_1585 : vector<16xi1>, vector<16xi32>
        tpu.vector_store_idx %arg9[%select_n3A_1586], %broadcast_in_dim3A_7 {add = true} : memref<40960xf32, #tpu.memory_space<vmem>>[vector<16xi32>], vector<16xf32>,
        %mul3A_1587 = arith.mulf %exp3A_908, %div3A_1435 : vector<16xf32>
        %convert_element_type3A_1588 = arith.fptosi %mul3A_1587 : vector<16xf32> to vector<16xi32>
        %min3A_1589 = arith.constant 2047 : i32
        %min3A_1590 = vector.broadcast %min3A_1589 : i32 to vector<16xi32>
        %min3A_1591 = arith.minsi %convert_element_type3A_1588, %min3A_1590 : vector<16xi32>
        %eq3A_1592 = arith.constant 2 : i32
        %eq3A_1593 = vector.broadcast %eq3A_1592 : i32 to vector<16xi32>
        %eq3A_1594 = arith.cmpi eq, %get3A_822, %eq3A_1593 : vector<16xi32>
        %sub3A_1595 = arith.constant 26623 : i32
        %sub3A_1596 = vector.broadcast %sub3A_1595 : i32 to vector<16xi32>
        %sub3A_1597 = arith.subi %sub3A_1596, %min3A_1591 : vector<16xi32>
        %add3A_1598 = arith.constant 4096 : i32
        %add3A_1599 = vector.broadcast %add3A_1598 : i32 to vector<16xi32>
        %add3A_1600 = arith.addi %add3A_1599, %min3A_1591 : vector<16xi32>
        %select_n3A_1601 = arith.select %eq3A_1594, %sub3A_1597, %add3A_1600 : vector<16xi1>, vector<16xi32>
        tpu.vector_store_idx %arg9[%select_n3A_1601], %broadcast_in_dim3A_7 {add = true} : memref<40960xf32, #tpu.memory_space<vmem>>[vector<16xi32>], vector<16xf32>,
        %mul3A_1602 = arith.mulf %exp3A_916, %div3A_1437 : vector<16xf32>
        %convert_element_type3A_1603 = arith.fptosi %mul3A_1602 : vector<16xf32> to vector<16xi32>
        %min3A_1604 = arith.constant 2047 : i32
        %min3A_1605 = vector.broadcast %min3A_1604 : i32 to vector<16xi32>
        %min3A_1606 = arith.minsi %convert_element_type3A_1603, %min3A_1605 : vector<16xi32>
        %eq3A_1607 = arith.constant 2 : i32
        %eq3A_1608 = vector.broadcast %eq3A_1607 : i32 to vector<16xi32>
        %eq3A_1609 = arith.cmpi eq, %get3A_826, %eq3A_1608 : vector<16xi32>
        %sub3A_1610 = arith.constant 26623 : i32
        %sub3A_1611 = vector.broadcast %sub3A_1610 : i32 to vector<16xi32>
        %sub3A_1612 = arith.subi %sub3A_1611, %min3A_1606 : vector<16xi32>
        %add3A_1613 = arith.constant 4096 : i32
        %add3A_1614 = vector.broadcast %add3A_1613 : i32 to vector<16xi32>
        %add3A_1615 = arith.addi %add3A_1614, %min3A_1606 : vector<16xi32>
        %select_n3A_1616 = arith.select %eq3A_1609, %sub3A_1612, %add3A_1615 : vector<16xi1>, vector<16xi32>
        tpu.vector_store_idx %arg9[%select_n3A_1616], %broadcast_in_dim3A_7 {add = true} : memref<40960xf32, #tpu.memory_space<vmem>>[vector<16xi32>], vector<16xf32>,
        %mul3A_1617 = arith.mulf %exp3A_924, %div3A_1431 : vector<16xf32>
        %convert_element_type3A_1618 = arith.fptosi %mul3A_1617 : vector<16xf32> to vector<16xi32>
        %min3A_1619 = arith.constant 2047 : i32
        %min3A_1620 = vector.broadcast %min3A_1619 : i32 to vector<16xi32>
        %min3A_1621 = arith.minsi %convert_element_type3A_1618, %min3A_1620 : vector<16xi32>
        %eq3A_1622 = arith.constant 3 : i32
        %eq3A_1623 = vector.broadcast %eq3A_1622 : i32 to vector<16xi32>
        %eq3A_1624 = arith.cmpi eq, %get3A_814, %eq3A_1623 : vector<16xi32>
        %sub3A_1625 = arith.constant 28671 : i32
        %sub3A_1626 = vector.broadcast %sub3A_1625 : i32 to vector<16xi32>
        %sub3A_1627 = arith.subi %sub3A_1626, %min3A_1621 : vector<16xi32>
        %add3A_1628 = arith.constant 6144 : i32
        %add3A_1629 = vector.broadcast %add3A_1628 : i32 to vector<16xi32>
        %add3A_1630 = arith.addi %add3A_1629, %min3A_1621 : vector<16xi32>
        %select_n3A_1631 = arith.select %eq3A_1624, %sub3A_1627, %add3A_1630 : vector<16xi1>, vector<16xi32>
        tpu.vector_store_idx %arg9[%select_n3A_1631], %broadcast_in_dim3A_7 {add = true} : memref<40960xf32, #tpu.memory_space<vmem>>[vector<16xi32>], vector<16xf32>,
        %mul3A_1632 = arith.mulf %exp3A_932, %div3A_1433 : vector<16xf32>
        %convert_element_type3A_1633 = arith.fptosi %mul3A_1632 : vector<16xf32> to vector<16xi32>
        %min3A_1634 = arith.constant 2047 : i32
        %min3A_1635 = vector.broadcast %min3A_1634 : i32 to vector<16xi32>
        %min3A_1636 = arith.minsi %convert_element_type3A_1633, %min3A_1635 : vector<16xi32>
        %eq3A_1637 = arith.constant 3 : i32
        %eq3A_1638 = vector.broadcast %eq3A_1637 : i32 to vector<16xi32>
        %eq3A_1639 = arith.cmpi eq, %get3A_818, %eq3A_1638 : vector<16xi32>
        %sub3A_1640 = arith.constant 28671 : i32
        %sub3A_1641 = vector.broadcast %sub3A_1640 : i32 to vector<16xi32>
        %sub3A_1642 = arith.subi %sub3A_1641, %min3A_1636 : vector<16xi32>
        %add3A_1643 = arith.constant 6144 : i32
        %add3A_1644 = vector.broadcast %add3A_1643 : i32 to vector<16xi32>
        %add3A_1645 = arith.addi %add3A_1644, %min3A_1636 : vector<16xi32>
        %select_n3A_1646 = arith.select %eq3A_1639, %sub3A_1642, %add3A_1645 : vector<16xi1>, vector<16xi32>
        tpu.vector_store_idx %arg9[%select_n3A_1646], %broadcast_in_dim3A_7 {add = true} : memref<40960xf32, #tpu.memory_space<vmem>>[vector<16xi32>], vector<16xf32>,
        %mul3A_1647 = arith.mulf %exp3A_940, %div3A_1435 : vector<16xf32>
        %convert_element_type3A_1648 = arith.fptosi %mul3A_1647 : vector<16xf32> to vector<16xi32>
        %min3A_1649 = arith.constant 2047 : i32
        %min3A_1650 = vector.broadcast %min3A_1649 : i32 to vector<16xi32>
        %min3A_1651 = arith.minsi %convert_element_type3A_1648, %min3A_1650 : vector<16xi32>
        %eq3A_1652 = arith.constant 3 : i32
        %eq3A_1653 = vector.broadcast %eq3A_1652 : i32 to vector<16xi32>
        %eq3A_1654 = arith.cmpi eq, %get3A_822, %eq3A_1653 : vector<16xi32>
        %sub3A_1655 = arith.constant 28671 : i32
        %sub3A_1656 = vector.broadcast %sub3A_1655 : i32 to vector<16xi32>
        %sub3A_1657 = arith.subi %sub3A_1656, %min3A_1651 : vector<16xi32>
        %add3A_1658 = arith.constant 6144 : i32
        %add3A_1659 = vector.broadcast %add3A_1658 : i32 to vector<16xi32>
        %add3A_1660 = arith.addi %add3A_1659, %min3A_1651 : vector<16xi32>
        %select_n3A_1661 = arith.select %eq3A_1654, %sub3A_1657, %add3A_1660 : vector<16xi1>, vector<16xi32>
        tpu.vector_store_idx %arg9[%select_n3A_1661], %broadcast_in_dim3A_7 {add = true} : memref<40960xf32, #tpu.memory_space<vmem>>[vector<16xi32>], vector<16xf32>,
        %mul3A_1662 = arith.mulf %exp3A_948, %div3A_1437 : vector<16xf32>
        %convert_element_type3A_1663 = arith.fptosi %mul3A_1662 : vector<16xf32> to vector<16xi32>
        %min3A_1664 = arith.constant 2047 : i32
        %min3A_1665 = vector.broadcast %min3A_1664 : i32 to vector<16xi32>
        %min3A_1666 = arith.minsi %convert_element_type3A_1663, %min3A_1665 : vector<16xi32>
        %eq3A_1667 = arith.constant 3 : i32
        %eq3A_1668 = vector.broadcast %eq3A_1667 : i32 to vector<16xi32>
        %eq3A_1669 = arith.cmpi eq, %get3A_826, %eq3A_1668 : vector<16xi32>
        %sub3A_1670 = arith.constant 28671 : i32
        %sub3A_1671 = vector.broadcast %sub3A_1670 : i32 to vector<16xi32>
        %sub3A_1672 = arith.subi %sub3A_1671, %min3A_1666 : vector<16xi32>
        %add3A_1673 = arith.constant 6144 : i32
        %add3A_1674 = vector.broadcast %add3A_1673 : i32 to vector<16xi32>
        %add3A_1675 = arith.addi %add3A_1674, %min3A_1666 : vector<16xi32>
        %select_n3A_1676 = arith.select %eq3A_1669, %sub3A_1672, %add3A_1675 : vector<16xi1>, vector<16xi32>
        tpu.vector_store_idx %arg9[%select_n3A_1676], %broadcast_in_dim3A_7 {add = true} : memref<40960xf32, #tpu.memory_space<vmem>>[vector<16xi32>], vector<16xf32>,
        %mul3A_1677 = arith.mulf %exp3A_956, %div3A_1431 : vector<16xf32>
        %convert_element_type3A_1678 = arith.fptosi %mul3A_1677 : vector<16xf32> to vector<16xi32>
        %min3A_1679 = arith.constant 2047 : i32
        %min3A_1680 = vector.broadcast %min3A_1679 : i32 to vector<16xi32>
        %min3A_1681 = arith.minsi %convert_element_type3A_1678, %min3A_1680 : vector<16xi32>
        %eq3A_1682 = arith.constant 4 : i32
        %eq3A_1683 = vector.broadcast %eq3A_1682 : i32 to vector<16xi32>
        %eq3A_1684 = arith.cmpi eq, %get3A_814, %eq3A_1683 : vector<16xi32>
        %sub3A_1685 = arith.constant 30719 : i32
        %sub3A_1686 = vector.broadcast %sub3A_1685 : i32 to vector<16xi32>
        %sub3A_1687 = arith.subi %sub3A_1686, %min3A_1681 : vector<16xi32>
        %add3A_1688 = arith.constant 8192 : i32
        %add3A_1689 = vector.broadcast %add3A_1688 : i32 to vector<16xi32>
        %add3A_1690 = arith.addi %add3A_1689, %min3A_1681 : vector<16xi32>
        %select_n3A_1691 = arith.select %eq3A_1684, %sub3A_1687, %add3A_1690 : vector<16xi1>, vector<16xi32>
        tpu.vector_store_idx %arg9[%select_n3A_1691], %broadcast_in_dim3A_7 {add = true} : memref<40960xf32, #tpu.memory_space<vmem>>[vector<16xi32>], vector<16xf32>,
        %mul3A_1692 = arith.mulf %exp3A_964, %div3A_1433 : vector<16xf32>
        %convert_element_type3A_1693 = arith.fptosi %mul3A_1692 : vector<16xf32> to vector<16xi32>
        %min3A_1694 = arith.constant 2047 : i32
        %min3A_1695 = vector.broadcast %min3A_1694 : i32 to vector<16xi32>
        %min3A_1696 = arith.minsi %convert_element_type3A_1693, %min3A_1695 : vector<16xi32>
        %eq3A_1697 = arith.constant 4 : i32
        %eq3A_1698 = vector.broadcast %eq3A_1697 : i32 to vector<16xi32>
        %eq3A_1699 = arith.cmpi eq, %get3A_818, %eq3A_1698 : vector<16xi32>
        %sub3A_1700 = arith.constant 30719 : i32
        %sub3A_1701 = vector.broadcast %sub3A_1700 : i32 to vector<16xi32>
        %sub3A_1702 = arith.subi %sub3A_1701, %min3A_1696 : vector<16xi32>
        %add3A_1703 = arith.constant 8192 : i32
        %add3A_1704 = vector.broadcast %add3A_1703 : i32 to vector<16xi32>
        %add3A_1705 = arith.addi %add3A_1704, %min3A_1696 : vector<16xi32>
        %select_n3A_1706 = arith.select %eq3A_1699, %sub3A_1702, %add3A_1705 : vector<16xi1>, vector<16xi32>
        tpu.vector_store_idx %arg9[%select_n3A_1706], %broadcast_in_dim3A_7 {add = true} : memref<40960xf32, #tpu.memory_space<vmem>>[vector<16xi32>], vector<16xf32>,
        %mul3A_1707 = arith.mulf %exp3A_972, %div3A_1435 : vector<16xf32>
        %convert_element_type3A_1708 = arith.fptosi %mul3A_1707 : vector<16xf32> to vector<16xi32>
        %min3A_1709 = arith.constant 2047 : i32
        %min3A_1710 = vector.broadcast %min3A_1709 : i32 to vector<16xi32>
        %min3A_1711 = arith.minsi %convert_element_type3A_1708, %min3A_1710 : vector<16xi32>
        %eq3A_1712 = arith.constant 4 : i32
        %eq3A_1713 = vector.broadcast %eq3A_1712 : i32 to vector<16xi32>
        %eq3A_1714 = arith.cmpi eq, %get3A_822, %eq3A_1713 : vector<16xi32>
        %sub3A_1715 = arith.constant 30719 : i32
        %sub3A_1716 = vector.broadcast %sub3A_1715 : i32 to vector<16xi32>
        %sub3A_1717 = arith.subi %sub3A_1716, %min3A_1711 : vector<16xi32>
        %add3A_1718 = arith.constant 8192 : i32
        %add3A_1719 = vector.broadcast %add3A_1718 : i32 to vector<16xi32>
        %add3A_1720 = arith.addi %add3A_1719, %min3A_1711 : vector<16xi32>
        %select_n3A_1721 = arith.select %eq3A_1714, %sub3A_1717, %add3A_1720 : vector<16xi1>, vector<16xi32>
        tpu.vector_store_idx %arg9[%select_n3A_1721], %broadcast_in_dim3A_7 {add = true} : memref<40960xf32, #tpu.memory_space<vmem>>[vector<16xi32>], vector<16xf32>,
        %mul3A_1722 = arith.mulf %exp3A_980, %div3A_1437 : vector<16xf32>
        %convert_element_type3A_1723 = arith.fptosi %mul3A_1722 : vector<16xf32> to vector<16xi32>
        %min3A_1724 = arith.constant 2047 : i32
        %min3A_1725 = vector.broadcast %min3A_1724 : i32 to vector<16xi32>
        %min3A_1726 = arith.minsi %convert_element_type3A_1723, %min3A_1725 : vector<16xi32>
        %eq3A_1727 = arith.constant 4 : i32
        %eq3A_1728 = vector.broadcast %eq3A_1727 : i32 to vector<16xi32>
        %eq3A_1729 = arith.cmpi eq, %get3A_826, %eq3A_1728 : vector<16xi32>
        %sub3A_1730 = arith.constant 30719 : i32
        %sub3A_1731 = vector.broadcast %sub3A_1730 : i32 to vector<16xi32>
        %sub3A_1732 = arith.subi %sub3A_1731, %min3A_1726 : vector<16xi32>
        %add3A_1733 = arith.constant 8192 : i32
        %add3A_1734 = vector.broadcast %add3A_1733 : i32 to vector<16xi32>
        %add3A_1735 = arith.addi %add3A_1734, %min3A_1726 : vector<16xi32>
        %select_n3A_1736 = arith.select %eq3A_1729, %sub3A_1732, %add3A_1735 : vector<16xi1>, vector<16xi32>
        tpu.vector_store_idx %arg9[%select_n3A_1736], %broadcast_in_dim3A_7 {add = true} : memref<40960xf32, #tpu.memory_space<vmem>>[vector<16xi32>], vector<16xf32>,
        %mul3A_1737 = arith.mulf %exp3A_988, %div3A_1431 : vector<16xf32>
        %convert_element_type3A_1738 = arith.fptosi %mul3A_1737 : vector<16xf32> to vector<16xi32>
        %min3A_1739 = arith.constant 2047 : i32
        %min3A_1740 = vector.broadcast %min3A_1739 : i32 to vector<16xi32>
        %min3A_1741 = arith.minsi %convert_element_type3A_1738, %min3A_1740 : vector<16xi32>
        %eq3A_1742 = arith.constant 5 : i32
        %eq3A_1743 = vector.broadcast %eq3A_1742 : i32 to vector<16xi32>
        %eq3A_1744 = arith.cmpi eq, %get3A_814, %eq3A_1743 : vector<16xi32>
        %sub3A_1745 = arith.constant 32767 : i32
        %sub3A_1746 = vector.broadcast %sub3A_1745 : i32 to vector<16xi32>
        %sub3A_1747 = arith.subi %sub3A_1746, %min3A_1741 : vector<16xi32>
        %add3A_1748 = arith.constant 10240 : i32
        %add3A_1749 = vector.broadcast %add3A_1748 : i32 to vector<16xi32>
        %add3A_1750 = arith.addi %add3A_1749, %min3A_1741 : vector<16xi32>
        %select_n3A_1751 = arith.select %eq3A_1744, %sub3A_1747, %add3A_1750 : vector<16xi1>, vector<16xi32>
        tpu.vector_store_idx %arg9[%select_n3A_1751], %broadcast_in_dim3A_7 {add = true} : memref<40960xf32, #tpu.memory_space<vmem>>[vector<16xi32>], vector<16xf32>,
        %mul3A_1752 = arith.mulf %exp3A_996, %div3A_1433 : vector<16xf32>
        %convert_element_type3A_1753 = arith.fptosi %mul3A_1752 : vector<16xf32> to vector<16xi32>
        %min3A_1754 = arith.constant 2047 : i32
        %min3A_1755 = vector.broadcast %min3A_1754 : i32 to vector<16xi32>
        %min3A_1756 = arith.minsi %convert_element_type3A_1753, %min3A_1755 : vector<16xi32>
        %eq3A_1757 = arith.constant 5 : i32
        %eq3A_1758 = vector.broadcast %eq3A_1757 : i32 to vector<16xi32>
        %eq3A_1759 = arith.cmpi eq, %get3A_818, %eq3A_1758 : vector<16xi32>
        %sub3A_1760 = arith.constant 32767 : i32
        %sub3A_1761 = vector.broadcast %sub3A_1760 : i32 to vector<16xi32>
        %sub3A_1762 = arith.subi %sub3A_1761, %min3A_1756 : vector<16xi32>
        %add3A_1763 = arith.constant 10240 : i32
        %add3A_1764 = vector.broadcast %add3A_1763 : i32 to vector<16xi32>
        %add3A_1765 = arith.addi %add3A_1764, %min3A_1756 : vector<16xi32>
        %select_n3A_1766 = arith.select %eq3A_1759, %sub3A_1762, %add3A_1765 : vector<16xi1>, vector<16xi32>
        tpu.vector_store_idx %arg9[%select_n3A_1766], %broadcast_in_dim3A_7 {add = true} : memref<40960xf32, #tpu.memory_space<vmem>>[vector<16xi32>], vector<16xf32>,
        %mul3A_1767 = arith.mulf %exp3A_1004, %div3A_1435 : vector<16xf32>
        %convert_element_type3A_1768 = arith.fptosi %mul3A_1767 : vector<16xf32> to vector<16xi32>
        %min3A_1769 = arith.constant 2047 : i32
        %min3A_1770 = vector.broadcast %min3A_1769 : i32 to vector<16xi32>
        %min3A_1771 = arith.minsi %convert_element_type3A_1768, %min3A_1770 : vector<16xi32>
        %eq3A_1772 = arith.constant 5 : i32
        %eq3A_1773 = vector.broadcast %eq3A_1772 : i32 to vector<16xi32>
        %eq3A_1774 = arith.cmpi eq, %get3A_822, %eq3A_1773 : vector<16xi32>
        %sub3A_1775 = arith.constant 32767 : i32
        %sub3A_1776 = vector.broadcast %sub3A_1775 : i32 to vector<16xi32>
        %sub3A_1777 = arith.subi %sub3A_1776, %min3A_1771 : vector<16xi32>
        %add3A_1778 = arith.constant 10240 : i32
        %add3A_1779 = vector.broadcast %add3A_1778 : i32 to vector<16xi32>
        %add3A_1780 = arith.addi %add3A_1779, %min3A_1771 : vector<16xi32>
        %select_n3A_1781 = arith.select %eq3A_1774, %sub3A_1777, %add3A_1780 : vector<16xi1>, vector<16xi32>
        tpu.vector_store_idx %arg9[%select_n3A_1781], %broadcast_in_dim3A_7 {add = true} : memref<40960xf32, #tpu.memory_space<vmem>>[vector<16xi32>], vector<16xf32>,
        %mul3A_1782 = arith.mulf %exp3A_1012, %div3A_1437 : vector<16xf32>
        %convert_element_type3A_1783 = arith.fptosi %mul3A_1782 : vector<16xf32> to vector<16xi32>
        %min3A_1784 = arith.constant 2047 : i32
        %min3A_1785 = vector.broadcast %min3A_1784 : i32 to vector<16xi32>
        %min3A_1786 = arith.minsi %convert_element_type3A_1783, %min3A_1785 : vector<16xi32>
        %eq3A_1787 = arith.constant 5 : i32
        %eq3A_1788 = vector.broadcast %eq3A_1787 : i32 to vector<16xi32>
        %eq3A_1789 = arith.cmpi eq, %get3A_826, %eq3A_1788 : vector<16xi32>
        %sub3A_1790 = arith.constant 32767 : i32
        %sub3A_1791 = vector.broadcast %sub3A_1790 : i32 to vector<16xi32>
        %sub3A_1792 = arith.subi %sub3A_1791, %min3A_1786 : vector<16xi32>
        %add3A_1793 = arith.constant 10240 : i32
        %add3A_1794 = vector.broadcast %add3A_1793 : i32 to vector<16xi32>
        %add3A_1795 = arith.addi %add3A_1794, %min3A_1786 : vector<16xi32>
        %select_n3A_1796 = arith.select %eq3A_1789, %sub3A_1792, %add3A_1795 : vector<16xi1>, vector<16xi32>
        tpu.vector_store_idx %arg9[%select_n3A_1796], %broadcast_in_dim3A_7 {add = true} : memref<40960xf32, #tpu.memory_space<vmem>>[vector<16xi32>], vector<16xf32>,
        %mul3A_1797 = arith.mulf %exp3A_1020, %div3A_1431 : vector<16xf32>
        %convert_element_type3A_1798 = arith.fptosi %mul3A_1797 : vector<16xf32> to vector<16xi32>
        %min3A_1799 = arith.constant 2047 : i32
        %min3A_1800 = vector.broadcast %min3A_1799 : i32 to vector<16xi32>
        %min3A_1801 = arith.minsi %convert_element_type3A_1798, %min3A_1800 : vector<16xi32>
        %eq3A_1802 = arith.constant 6 : i32
        %eq3A_1803 = vector.broadcast %eq3A_1802 : i32 to vector<16xi32>
        %eq3A_1804 = arith.cmpi eq, %get3A_814, %eq3A_1803 : vector<16xi32>
        %sub3A_1805 = arith.constant 34815 : i32
        %sub3A_1806 = vector.broadcast %sub3A_1805 : i32 to vector<16xi32>
        %sub3A_1807 = arith.subi %sub3A_1806, %min3A_1801 : vector<16xi32>
        %add3A_1808 = arith.constant 12288 : i32
        %add3A_1809 = vector.broadcast %add3A_1808 : i32 to vector<16xi32>
        %add3A_1810 = arith.addi %add3A_1809, %min3A_1801 : vector<16xi32>
        %select_n3A_1811 = arith.select %eq3A_1804, %sub3A_1807, %add3A_1810 : vector<16xi1>, vector<16xi32>
        tpu.vector_store_idx %arg9[%select_n3A_1811], %broadcast_in_dim3A_7 {add = true} : memref<40960xf32, #tpu.memory_space<vmem>>[vector<16xi32>], vector<16xf32>,
        %mul3A_1812 = arith.mulf %exp3A_1028, %div3A_1433 : vector<16xf32>
        %convert_element_type3A_1813 = arith.fptosi %mul3A_1812 : vector<16xf32> to vector<16xi32>
        %min3A_1814 = arith.constant 2047 : i32
        %min3A_1815 = vector.broadcast %min3A_1814 : i32 to vector<16xi32>
        %min3A_1816 = arith.minsi %convert_element_type3A_1813, %min3A_1815 : vector<16xi32>
        %eq3A_1817 = arith.constant 6 : i32
        %eq3A_1818 = vector.broadcast %eq3A_1817 : i32 to vector<16xi32>
        %eq3A_1819 = arith.cmpi eq, %get3A_818, %eq3A_1818 : vector<16xi32>
        %sub3A_1820 = arith.constant 34815 : i32
        %sub3A_1821 = vector.broadcast %sub3A_1820 : i32 to vector<16xi32>
        %sub3A_1822 = arith.subi %sub3A_1821, %min3A_1816 : vector<16xi32>
        %add3A_1823 = arith.constant 12288 : i32
        %add3A_1824 = vector.broadcast %add3A_1823 : i32 to vector<16xi32>
        %add3A_1825 = arith.addi %add3A_1824, %min3A_1816 : vector<16xi32>
        %select_n3A_1826 = arith.select %eq3A_1819, %sub3A_1822, %add3A_1825 : vector<16xi1>, vector<16xi32>
        tpu.vector_store_idx %arg9[%select_n3A_1826], %broadcast_in_dim3A_7 {add = true} : memref<40960xf32, #tpu.memory_space<vmem>>[vector<16xi32>], vector<16xf32>,
        %mul3A_1827 = arith.mulf %exp3A_1036, %div3A_1435 : vector<16xf32>
        %convert_element_type3A_1828 = arith.fptosi %mul3A_1827 : vector<16xf32> to vector<16xi32>
        %min3A_1829 = arith.constant 2047 : i32
        %min3A_1830 = vector.broadcast %min3A_1829 : i32 to vector<16xi32>
        %min3A_1831 = arith.minsi %convert_element_type3A_1828, %min3A_1830 : vector<16xi32>
        %eq3A_1832 = arith.constant 6 : i32
        %eq3A_1833 = vector.broadcast %eq3A_1832 : i32 to vector<16xi32>
        %eq3A_1834 = arith.cmpi eq, %get3A_822, %eq3A_1833 : vector<16xi32>
        %sub3A_1835 = arith.constant 34815 : i32
        %sub3A_1836 = vector.broadcast %sub3A_1835 : i32 to vector<16xi32>
        %sub3A_1837 = arith.subi %sub3A_1836, %min3A_1831 : vector<16xi32>
        %add3A_1838 = arith.constant 12288 : i32
        %add3A_1839 = vector.broadcast %add3A_1838 : i32 to vector<16xi32>
        %add3A_1840 = arith.addi %add3A_1839, %min3A_1831 : vector<16xi32>
        %select_n3A_1841 = arith.select %eq3A_1834, %sub3A_1837, %add3A_1840 : vector<16xi1>, vector<16xi32>
        tpu.vector_store_idx %arg9[%select_n3A_1841], %broadcast_in_dim3A_7 {add = true} : memref<40960xf32, #tpu.memory_space<vmem>>[vector<16xi32>], vector<16xf32>,
        %mul3A_1842 = arith.mulf %exp3A_1044, %div3A_1437 : vector<16xf32>
        %convert_element_type3A_1843 = arith.fptosi %mul3A_1842 : vector<16xf32> to vector<16xi32>
        %min3A_1844 = arith.constant 2047 : i32
        %min3A_1845 = vector.broadcast %min3A_1844 : i32 to vector<16xi32>
        %min3A_1846 = arith.minsi %convert_element_type3A_1843, %min3A_1845 : vector<16xi32>
        %eq3A_1847 = arith.constant 6 : i32
        %eq3A_1848 = vector.broadcast %eq3A_1847 : i32 to vector<16xi32>
        %eq3A_1849 = arith.cmpi eq, %get3A_826, %eq3A_1848 : vector<16xi32>
        %sub3A_1850 = arith.constant 34815 : i32
        %sub3A_1851 = vector.broadcast %sub3A_1850 : i32 to vector<16xi32>
        %sub3A_1852 = arith.subi %sub3A_1851, %min3A_1846 : vector<16xi32>
        %add3A_1853 = arith.constant 12288 : i32
        %add3A_1854 = vector.broadcast %add3A_1853 : i32 to vector<16xi32>
        %add3A_1855 = arith.addi %add3A_1854, %min3A_1846 : vector<16xi32>
        %select_n3A_1856 = arith.select %eq3A_1849, %sub3A_1852, %add3A_1855 : vector<16xi1>, vector<16xi32>
        tpu.vector_store_idx %arg9[%select_n3A_1856], %broadcast_in_dim3A_7 {add = true} : memref<40960xf32, #tpu.memory_space<vmem>>[vector<16xi32>], vector<16xf32>,
        %mul3A_1857 = arith.mulf %exp3A_1052, %div3A_1431 : vector<16xf32>
        %convert_element_type3A_1858 = arith.fptosi %mul3A_1857 : vector<16xf32> to vector<16xi32>
        %min3A_1859 = arith.constant 2047 : i32
        %min3A_1860 = vector.broadcast %min3A_1859 : i32 to vector<16xi32>
        %min3A_1861 = arith.minsi %convert_element_type3A_1858, %min3A_1860 : vector<16xi32>
        %eq3A_1862 = arith.constant 7 : i32
        %eq3A_1863 = vector.broadcast %eq3A_1862 : i32 to vector<16xi32>
        %eq3A_1864 = arith.cmpi eq, %get3A_814, %eq3A_1863 : vector<16xi32>
        %sub3A_1865 = arith.constant 36863 : i32
        %sub3A_1866 = vector.broadcast %sub3A_1865 : i32 to vector<16xi32>
        %sub3A_1867 = arith.subi %sub3A_1866, %min3A_1861 : vector<16xi32>
        %add3A_1868 = arith.constant 14336 : i32
        %add3A_1869 = vector.broadcast %add3A_1868 : i32 to vector<16xi32>
        %add3A_1870 = arith.addi %add3A_1869, %min3A_1861 : vector<16xi32>
        %select_n3A_1871 = arith.select %eq3A_1864, %sub3A_1867, %add3A_1870 : vector<16xi1>, vector<16xi32>
        tpu.vector_store_idx %arg9[%select_n3A_1871], %broadcast_in_dim3A_7 {add = true} : memref<40960xf32, #tpu.memory_space<vmem>>[vector<16xi32>], vector<16xf32>,
        %mul3A_1872 = arith.mulf %exp3A_1060, %div3A_1433 : vector<16xf32>
        %convert_element_type3A_1873 = arith.fptosi %mul3A_1872 : vector<16xf32> to vector<16xi32>
        %min3A_1874 = arith.constant 2047 : i32
        %min3A_1875 = vector.broadcast %min3A_1874 : i32 to vector<16xi32>
        %min3A_1876 = arith.minsi %convert_element_type3A_1873, %min3A_1875 : vector<16xi32>
        %eq3A_1877 = arith.constant 7 : i32
        %eq3A_1878 = vector.broadcast %eq3A_1877 : i32 to vector<16xi32>
        %eq3A_1879 = arith.cmpi eq, %get3A_818, %eq3A_1878 : vector<16xi32>
        %sub3A_1880 = arith.constant 36863 : i32
        %sub3A_1881 = vector.broadcast %sub3A_1880 : i32 to vector<16xi32>
        %sub3A_1882 = arith.subi %sub3A_1881, %min3A_1876 : vector<16xi32>
        %add3A_1883 = arith.constant 14336 : i32
        %add3A_1884 = vector.broadcast %add3A_1883 : i32 to vector<16xi32>
        %add3A_1885 = arith.addi %add3A_1884, %min3A_1876 : vector<16xi32>
        %select_n3A_1886 = arith.select %eq3A_1879, %sub3A_1882, %add3A_1885 : vector<16xi1>, vector<16xi32>
        tpu.vector_store_idx %arg9[%select_n3A_1886], %broadcast_in_dim3A_7 {add = true} : memref<40960xf32, #tpu.memory_space<vmem>>[vector<16xi32>], vector<16xf32>,
        %mul3A_1887 = arith.mulf %exp3A_1068, %div3A_1435 : vector<16xf32>
        %convert_element_type3A_1888 = arith.fptosi %mul3A_1887 : vector<16xf32> to vector<16xi32>
        %min3A_1889 = arith.constant 2047 : i32
        %min3A_1890 = vector.broadcast %min3A_1889 : i32 to vector<16xi32>
        %min3A_1891 = arith.minsi %convert_element_type3A_1888, %min3A_1890 : vector<16xi32>
        %eq3A_1892 = arith.constant 7 : i32
        %eq3A_1893 = vector.broadcast %eq3A_1892 : i32 to vector<16xi32>
        %eq3A_1894 = arith.cmpi eq, %get3A_822, %eq3A_1893 : vector<16xi32>
        %sub3A_1895 = arith.constant 36863 : i32
        %sub3A_1896 = vector.broadcast %sub3A_1895 : i32 to vector<16xi32>
        %sub3A_1897 = arith.subi %sub3A_1896, %min3A_1891 : vector<16xi32>
        %add3A_1898 = arith.constant 14336 : i32
        %add3A_1899 = vector.broadcast %add3A_1898 : i32 to vector<16xi32>
        %add3A_1900 = arith.addi %add3A_1899, %min3A_1891 : vector<16xi32>
        %select_n3A_1901 = arith.select %eq3A_1894, %sub3A_1897, %add3A_1900 : vector<16xi1>, vector<16xi32>
        tpu.vector_store_idx %arg9[%select_n3A_1901], %broadcast_in_dim3A_7 {add = true} : memref<40960xf32, #tpu.memory_space<vmem>>[vector<16xi32>], vector<16xf32>,
        %mul3A_1902 = arith.mulf %exp3A_1076, %div3A_1437 : vector<16xf32>
        %convert_element_type3A_1903 = arith.fptosi %mul3A_1902 : vector<16xf32> to vector<16xi32>
        %min3A_1904 = arith.constant 2047 : i32
        %min3A_1905 = vector.broadcast %min3A_1904 : i32 to vector<16xi32>
        %min3A_1906 = arith.minsi %convert_element_type3A_1903, %min3A_1905 : vector<16xi32>
        %eq3A_1907 = arith.constant 7 : i32
        %eq3A_1908 = vector.broadcast %eq3A_1907 : i32 to vector<16xi32>
        %eq3A_1909 = arith.cmpi eq, %get3A_826, %eq3A_1908 : vector<16xi32>
        %sub3A_1910 = arith.constant 36863 : i32
        %sub3A_1911 = vector.broadcast %sub3A_1910 : i32 to vector<16xi32>
        %sub3A_1912 = arith.subi %sub3A_1911, %min3A_1906 : vector<16xi32>
        %add3A_1913 = arith.constant 14336 : i32
        %add3A_1914 = vector.broadcast %add3A_1913 : i32 to vector<16xi32>
        %add3A_1915 = arith.addi %add3A_1914, %min3A_1906 : vector<16xi32>
        %select_n3A_1916 = arith.select %eq3A_1909, %sub3A_1912, %add3A_1915 : vector<16xi1>, vector<16xi32>
        tpu.vector_store_idx %arg9[%select_n3A_1916], %broadcast_in_dim3A_7 {add = true} : memref<40960xf32, #tpu.memory_space<vmem>>[vector<16xi32>], vector<16xf32>,
        %mul3A_1917 = arith.mulf %exp3A_1084, %div3A_1431 : vector<16xf32>
        %convert_element_type3A_1918 = arith.fptosi %mul3A_1917 : vector<16xf32> to vector<16xi32>
        %min3A_1919 = arith.constant 2047 : i32
        %min3A_1920 = vector.broadcast %min3A_1919 : i32 to vector<16xi32>
        %min3A_1921 = arith.minsi %convert_element_type3A_1918, %min3A_1920 : vector<16xi32>
        %eq3A_1922 = arith.constant 8 : i32
        %eq3A_1923 = vector.broadcast %eq3A_1922 : i32 to vector<16xi32>
        %eq3A_1924 = arith.cmpi eq, %get3A_814, %eq3A_1923 : vector<16xi32>
        %sub3A_1925 = arith.constant 38911 : i32
        %sub3A_1926 = vector.broadcast %sub3A_1925 : i32 to vector<16xi32>
        %sub3A_1927 = arith.subi %sub3A_1926, %min3A_1921 : vector<16xi32>
        %add3A_1928 = arith.constant 16384 : i32
        %add3A_1929 = vector.broadcast %add3A_1928 : i32 to vector<16xi32>
        %add3A_1930 = arith.addi %add3A_1929, %min3A_1921 : vector<16xi32>
        %select_n3A_1931 = arith.select %eq3A_1924, %sub3A_1927, %add3A_1930 : vector<16xi1>, vector<16xi32>
        tpu.vector_store_idx %arg9[%select_n3A_1931], %broadcast_in_dim3A_7 {add = true} : memref<40960xf32, #tpu.memory_space<vmem>>[vector<16xi32>], vector<16xf32>,
        %mul3A_1932 = arith.mulf %exp3A_1092, %div3A_1433 : vector<16xf32>
        %convert_element_type3A_1933 = arith.fptosi %mul3A_1932 : vector<16xf32> to vector<16xi32>
        %min3A_1934 = arith.constant 2047 : i32
        %min3A_1935 = vector.broadcast %min3A_1934 : i32 to vector<16xi32>
        %min3A_1936 = arith.minsi %convert_element_type3A_1933, %min3A_1935 : vector<16xi32>
        %eq3A_1937 = arith.constant 8 : i32
        %eq3A_1938 = vector.broadcast %eq3A_1937 : i32 to vector<16xi32>
        %eq3A_1939 = arith.cmpi eq, %get3A_818, %eq3A_1938 : vector<16xi32>
        %sub3A_1940 = arith.constant 38911 : i32
        %sub3A_1941 = vector.broadcast %sub3A_1940 : i32 to vector<16xi32>
        %sub3A_1942 = arith.subi %sub3A_1941, %min3A_1936 : vector<16xi32>
        %add3A_1943 = arith.constant 16384 : i32
        %add3A_1944 = vector.broadcast %add3A_1943 : i32 to vector<16xi32>
        %add3A_1945 = arith.addi %add3A_1944, %min3A_1936 : vector<16xi32>
        %select_n3A_1946 = arith.select %eq3A_1939, %sub3A_1942, %add3A_1945 : vector<16xi1>, vector<16xi32>
        tpu.vector_store_idx %arg9[%select_n3A_1946], %broadcast_in_dim3A_7 {add = true} : memref<40960xf32, #tpu.memory_space<vmem>>[vector<16xi32>], vector<16xf32>,
        %mul3A_1947 = arith.mulf %exp3A_1100, %div3A_1435 : vector<16xf32>
        %convert_element_type3A_1948 = arith.fptosi %mul3A_1947 : vector<16xf32> to vector<16xi32>
        %min3A_1949 = arith.constant 2047 : i32
        %min3A_1950 = vector.broadcast %min3A_1949 : i32 to vector<16xi32>
        %min3A_1951 = arith.minsi %convert_element_type3A_1948, %min3A_1950 : vector<16xi32>
        %eq3A_1952 = arith.constant 8 : i32
        %eq3A_1953 = vector.broadcast %eq3A_1952 : i32 to vector<16xi32>
        %eq3A_1954 = arith.cmpi eq, %get3A_822, %eq3A_1953 : vector<16xi32>
        %sub3A_1955 = arith.constant 38911 : i32
        %sub3A_1956 = vector.broadcast %sub3A_1955 : i32 to vector<16xi32>
        %sub3A_1957 = arith.subi %sub3A_1956, %min3A_1951 : vector<16xi32>
        %add3A_1958 = arith.constant 16384 : i32
        %add3A_1959 = vector.broadcast %add3A_1958 : i32 to vector<16xi32>
        %add3A_1960 = arith.addi %add3A_1959, %min3A_1951 : vector<16xi32>
        %select_n3A_1961 = arith.select %eq3A_1954, %sub3A_1957, %add3A_1960 : vector<16xi1>, vector<16xi32>
        tpu.vector_store_idx %arg9[%select_n3A_1961], %broadcast_in_dim3A_7 {add = true} : memref<40960xf32, #tpu.memory_space<vmem>>[vector<16xi32>], vector<16xf32>,
        %mul3A_1962 = arith.mulf %exp3A_1108, %div3A_1437 : vector<16xf32>
        %convert_element_type3A_1963 = arith.fptosi %mul3A_1962 : vector<16xf32> to vector<16xi32>
        %min3A_1964 = arith.constant 2047 : i32
        %min3A_1965 = vector.broadcast %min3A_1964 : i32 to vector<16xi32>
        %min3A_1966 = arith.minsi %convert_element_type3A_1963, %min3A_1965 : vector<16xi32>
        %eq3A_1967 = arith.constant 8 : i32
        %eq3A_1968 = vector.broadcast %eq3A_1967 : i32 to vector<16xi32>
        %eq3A_1969 = arith.cmpi eq, %get3A_826, %eq3A_1968 : vector<16xi32>
        %sub3A_1970 = arith.constant 38911 : i32
        %sub3A_1971 = vector.broadcast %sub3A_1970 : i32 to vector<16xi32>
        %sub3A_1972 = arith.subi %sub3A_1971, %min3A_1966 : vector<16xi32>
        %add3A_1973 = arith.constant 16384 : i32
        %add3A_1974 = vector.broadcast %add3A_1973 : i32 to vector<16xi32>
        %add3A_1975 = arith.addi %add3A_1974, %min3A_1966 : vector<16xi32>
        %select_n3A_1976 = arith.select %eq3A_1969, %sub3A_1972, %add3A_1975 : vector<16xi1>, vector<16xi32>
        tpu.vector_store_idx %arg9[%select_n3A_1976], %broadcast_in_dim3A_7 {add = true} : memref<40960xf32, #tpu.memory_space<vmem>>[vector<16xi32>], vector<16xf32>,
        %mul3A_1977 = arith.mulf %exp3A_1116, %div3A_1431 : vector<16xf32>
        %convert_element_type3A_1978 = arith.fptosi %mul3A_1977 : vector<16xf32> to vector<16xi32>
        %min3A_1979 = arith.constant 2047 : i32
        %min3A_1980 = vector.broadcast %min3A_1979 : i32 to vector<16xi32>
        %min3A_1981 = arith.minsi %convert_element_type3A_1978, %min3A_1980 : vector<16xi32>
        %eq3A_1982 = arith.constant 9 : i32
        %eq3A_1983 = vector.broadcast %eq3A_1982 : i32 to vector<16xi32>
        %eq3A_1984 = arith.cmpi eq, %get3A_814, %eq3A_1983 : vector<16xi32>
        %sub3A_1985 = arith.constant 40959 : i32
        %sub3A_1986 = vector.broadcast %sub3A_1985 : i32 to vector<16xi32>
        %sub3A_1987 = arith.subi %sub3A_1986, %min3A_1981 : vector<16xi32>
        %add3A_1988 = arith.constant 18432 : i32
        %add3A_1989 = vector.broadcast %add3A_1988 : i32 to vector<16xi32>
        %add3A_1990 = arith.addi %add3A_1989, %min3A_1981 : vector<16xi32>
        %select_n3A_1991 = arith.select %eq3A_1984, %sub3A_1987, %add3A_1990 : vector<16xi1>, vector<16xi32>
        tpu.vector_store_idx %arg9[%select_n3A_1991], %broadcast_in_dim3A_7 {add = true} : memref<40960xf32, #tpu.memory_space<vmem>>[vector<16xi32>], vector<16xf32>,
        %mul3A_1992 = arith.mulf %exp3A_1124, %div3A_1433 : vector<16xf32>
        %convert_element_type3A_1993 = arith.fptosi %mul3A_1992 : vector<16xf32> to vector<16xi32>
        %min3A_1994 = arith.constant 2047 : i32
        %min3A_1995 = vector.broadcast %min3A_1994 : i32 to vector<16xi32>
        %min3A_1996 = arith.minsi %convert_element_type3A_1993, %min3A_1995 : vector<16xi32>
        %eq3A_1997 = arith.constant 9 : i32
        %eq3A_1998 = vector.broadcast %eq3A_1997 : i32 to vector<16xi32>
        %eq3A_1999 = arith.cmpi eq, %get3A_818, %eq3A_1998 : vector<16xi32>
        %sub3A_2000 = arith.constant 40959 : i32
        %sub3A_2001 = vector.broadcast %sub3A_2000 : i32 to vector<16xi32>
        %sub3A_2002 = arith.subi %sub3A_2001, %min3A_1996 : vector<16xi32>
        %add3A_2003 = arith.constant 18432 : i32
        %add3A_2004 = vector.broadcast %add3A_2003 : i32 to vector<16xi32>
        %add3A_2005 = arith.addi %add3A_2004, %min3A_1996 : vector<16xi32>
        %select_n3A_2006 = arith.select %eq3A_1999, %sub3A_2002, %add3A_2005 : vector<16xi1>, vector<16xi32>
        tpu.vector_store_idx %arg9[%select_n3A_2006], %broadcast_in_dim3A_7 {add = true} : memref<40960xf32, #tpu.memory_space<vmem>>[vector<16xi32>], vector<16xf32>,
        %mul3A_2007 = arith.mulf %exp3A_1132, %div3A_1435 : vector<16xf32>
        %convert_element_type3A_2008 = arith.fptosi %mul3A_2007 : vector<16xf32> to vector<16xi32>
        %min3A_2009 = arith.constant 2047 : i32
        %min3A_2010 = vector.broadcast %min3A_2009 : i32 to vector<16xi32>
        %min3A_2011 = arith.minsi %convert_element_type3A_2008, %min3A_2010 : vector<16xi32>
        %eq3A_2012 = arith.constant 9 : i32
        %eq3A_2013 = vector.broadcast %eq3A_2012 : i32 to vector<16xi32>
        %eq3A_2014 = arith.cmpi eq, %get3A_822, %eq3A_2013 : vector<16xi32>
        %sub3A_2015 = arith.constant 40959 : i32
        %sub3A_2016 = vector.broadcast %sub3A_2015 : i32 to vector<16xi32>
        %sub3A_2017 = arith.subi %sub3A_2016, %min3A_2011 : vector<16xi32>
        %add3A_2018 = arith.constant 18432 : i32
        %add3A_2019 = vector.broadcast %add3A_2018 : i32 to vector<16xi32>
        %add3A_2020 = arith.addi %add3A_2019, %min3A_2011 : vector<16xi32>
        %select_n3A_2021 = arith.select %eq3A_2014, %sub3A_2017, %add3A_2020 : vector<16xi1>, vector<16xi32>
        tpu.vector_store_idx %arg9[%select_n3A_2021], %broadcast_in_dim3A_7 {add = true} : memref<40960xf32, #tpu.memory_space<vmem>>[vector<16xi32>], vector<16xf32>,
        %mul3A_2022 = arith.mulf %exp3A_1140, %div3A_1437 : vector<16xf32>
        %convert_element_type3A_2023 = arith.fptosi %mul3A_2022 : vector<16xf32> to vector<16xi32>
        %min3A_2024 = arith.constant 2047 : i32
        %min3A_2025 = vector.broadcast %min3A_2024 : i32 to vector<16xi32>
        %min3A_2026 = arith.minsi %convert_element_type3A_2023, %min3A_2025 : vector<16xi32>
        %eq3A_2027 = arith.constant 9 : i32
        %eq3A_2028 = vector.broadcast %eq3A_2027 : i32 to vector<16xi32>
        %eq3A_2029 = arith.cmpi eq, %get3A_826, %eq3A_2028 : vector<16xi32>
        %sub3A_2030 = arith.constant 40959 : i32
        %sub3A_2031 = vector.broadcast %sub3A_2030 : i32 to vector<16xi32>
        %sub3A_2032 = arith.subi %sub3A_2031, %min3A_2026 : vector<16xi32>
        %add3A_2033 = arith.constant 18432 : i32
        %add3A_2034 = vector.broadcast %add3A_2033 : i32 to vector<16xi32>
        %add3A_2035 = arith.addi %add3A_2034, %min3A_2026 : vector<16xi32>
        %select_n3A_2036 = arith.select %eq3A_2029, %sub3A_2032, %add3A_2035 : vector<16xi1>, vector<16xi32>
        tpu.vector_store_idx %arg9[%select_n3A_2036], %broadcast_in_dim3A_7 {add = true} : memref<40960xf32, #tpu.memory_space<vmem>>[vector<16xi32>], vector<16xf32>,
        %scan3A_2037 = arith.constant 0 : i32
        scf.yield %scan3A_2037 : i32
      }
      %scan3A_806 = arith.constant 32 : i32
      %scan3A_807 = arith.constant 0 : i32
      scf.yield %scan3A_807 : i32
    }
    %scan3A_174 = arith.constant 16 : i32
    %dma_wait3A = arith.constant 0 : i32
    %dma_wait3A_175 = tpu.memref_slice %arg2[%dma_wait3A] : memref<39845888xf32, #tpu.memory_space<hbm>> -> memref<38912xf32, #tpu.memory_space<hbm>>
    %dma_wait3A_176 = arith.constant 0 : i32
    %dma_wait3A_177 = tpu.memref_slice %arg2[%dma_wait3A_176] : memref<39845888xf32, #tpu.memory_space<hbm>> -> memref<38912xf32, #tpu.memory_space<hbm>>
    tpu.wait_dma2 semaphore(%arg10 : memref<!tpu.dma_semaphore, #tpu.memory_space<semaphore_mem>>) src(%dma_wait3A_177 : memref<38912xf32, #tpu.memory_space<hbm>>) dst(%arg5 : memref<38912xf32, #tpu.memory_space<vmem>>)
    %dma_wait3A_178 = arith.constant 0 : i32
    %dma_wait3A_179 = tpu.memref_slice %arg3[%dma_wait3A_178] : memref<2097152xi32, #tpu.memory_space<hbm>> -> memref<2048xi32, #tpu.memory_space<hbm>>
    %dma_wait3A_180 = arith.constant 0 : i32
    %dma_wait3A_181 = tpu.memref_slice %arg3[%dma_wait3A_180] : memref<2097152xi32, #tpu.memory_space<hbm>> -> memref<2048xi32, #tpu.memory_space<hbm>>
    tpu.wait_dma2 semaphore(%arg10 : memref<!tpu.dma_semaphore, #tpu.memory_space<semaphore_mem>>) src(%dma_wait3A_181 : memref<2048xi32, #tpu.memory_space<hbm>>) dst(%arg6 : memref<2048xi32, #tpu.memory_space<vmem>>)
    %mul3A_182 = arith.constant 40960 : i32
    %mul3A_183 = arith.muli %add3A, %mul3A_182 : i32
    "tpu.region"() ({
      %run_scoped3A = tpu.sem_alloc : memref<!tpu.dma_semaphore, #tpu.memory_space<semaphore_mem>>
      %dma_start3A_184 = tpu.memref_slice %arg4[%mul3A_183] : memref<1310720xf32, #tpu.memory_space<hbm>> -> memref<40960xf32, #tpu.memory_space<hbm>>
      %dma_start3A_185 = tpu.memref_slice %arg4[%mul3A_183] : memref<1310720xf32, #tpu.memory_space<hbm>> -> memref<40960xf32, #tpu.memory_space<hbm>>
      tpu.enqueue_dma source(%arg9 : memref<40960xf32, #tpu.memory_space<vmem>>) target(%dma_start3A_185 : memref<40960xf32, #tpu.memory_space<hbm>>) target_semaphore(%run_scoped3A : memref<!tpu.dma_semaphore, #tpu.memory_space<semaphore_mem>>)
      %dma_wait3A_186 = tpu.memref_slice %arg4[%mul3A_183] : memref<1310720xf32, #tpu.memory_space<hbm>> -> memref<40960xf32, #tpu.memory_space<hbm>>
      %dma_wait3A_187 = tpu.memref_slice %arg4[%mul3A_183] : memref<1310720xf32, #tpu.memory_space<hbm>> -> memref<40960xf32, #tpu.memory_space<hbm>>
      tpu.wait_dma2 semaphore(%run_scoped3A : memref<!tpu.dma_semaphore, #tpu.memory_space<semaphore_mem>>) src(%arg9 : memref<40960xf32, #tpu.memory_space<vmem>>) dst(%dma_wait3A_187 : memref<40960xf32, #tpu.memory_space<hbm>>)
      tpu.yield
    }) : () -> ()
    return
  }
}

module attributes {stable_mosaic.version = 14 : i64} {
  func.func @_tc_reduce_body(%arg0: memref<32x20x2048xf32, #tpu.memory_space<vmem>>, %arg1: memref<1x1xf32, #tpu.memory_space<vmem>>) attributes {dimension_semantics = [], scalar_prefetch = 0 : i64, scratch_operands = 0 : i64, tpu.core_type = #tpu.core_type<tc>} {
    %get3A = arith.constant 0 : index
    %get3A_0 = arith.constant 0 : index
    %get3A_1 = arith.constant 0 : index
    %get3A_2 = vector.load %arg0[%get3A, %get3A_0, %get3A_1] : memref<32x20x2048xf32, #tpu.memory_space<vmem>>, vector<32x20x2048xf32>
    %reduce_sum3A = arith.constant dense<0.000000e+00> : vector<20x2048xf32>
    %reduce_sum3A_3 = vector.multi_reduction <add>, %get3A_2, %reduce_sum3A [0] : vector<32x20x2048xf32> to vector<20x2048xf32>
    %slice3A = vector.extract_strided_slice %reduce_sum3A_3 {offsets = [0, 0], sizes = [10, 2048], strides = [1, 1]} : vector<20x2048xf32> to vector<10x2048xf32>
    %slice3A_4 = vector.extract_strided_slice %reduce_sum3A_3 {offsets = [10, 0], sizes = [10, 2048], strides = [1, 1]} : vector<20x2048xf32> to vector<10x2048xf32>
    %iota3A = tpu.iota {dimensions = array<i32: 0>} : vector<2048x2048xi32>
    %iota3A_5 = tpu.iota {dimensions = array<i32: 1>} : vector<2048x2048xi32>
    %ge3A = arith.cmpi sge, %iota3A, %iota3A_5 : vector<2048x2048xi32>
    %convert_element_type3A = arith.extui %ge3A : vector<2048x2048xi1> to vector<2048x2048xi32>
    %convert_element_type3A_6 = arith.sitofp %convert_element_type3A : vector<2048x2048xi32> to vector<2048x2048xf32>
    %dot_general3A = arith.constant dense<0.000000e+00> : vector<10x2048xf32>
    %dot_general3A_7 = tpu.matmul %slice3A_4, %convert_element_type3A_6, %dot_general3A {dimension_numbers = #tpu.dot_dimension_numbers<[1], [0], [0], [1], [0, 0, 1, 1], [], []>, transpose_lhs_hint = false} : vector<10x2048xf32>, vector<2048x2048xf32>, vector<10x2048xf32> -> vector<10x2048xf32>
    %dot_general3A_8 = arith.constant dense<0.000000e+00> : vector<10x2048xf32>
    %dot_general3A_9 = tpu.matmul %slice3A, %convert_element_type3A_6, %dot_general3A_8 {dimension_numbers = #tpu.dot_dimension_numbers<[1], [0], [0], [1], [0, 0, 1, 1], [], []>, transpose_lhs_hint = false} : vector<10x2048xf32>, vector<2048x2048xf32>, vector<10x2048xf32> -> vector<10x2048xf32>
    %slice3A_10 = vector.extract_strided_slice %dot_general3A_7 {offsets = [0, 0], sizes = [10, 1], strides = [1, 1]} : vector<10x2048xf32> to vector<10x1xf32>
    %iota3A_11 = tpu.iota {dimensions = array<i32: 1>} : vector<1x2048xi32>
    %convert_element_type3A_12 = arith.sitofp %iota3A_11 : vector<1x2048xi32> to vector<1x2048xf32>
    %add3A = arith.constant 5.000000e-01 : f32
    %add3A_13 = vector.broadcast %add3A : f32 to vector<1x2048xf32>
    %add3A_14 = arith.addf %convert_element_type3A_12, %add3A_13 : vector<1x2048xf32>
    %mul3A = arith.constant 4.8828125E-4 : f32
    %mul3A_15 = vector.broadcast %mul3A : f32 to vector<1x2048xf32>
    %mul3A_16 = arith.mulf %add3A_14, %mul3A_15 : vector<1x2048xf32>
    %mul3A_17 = arith.constant 5.000000e-01 : f32
    %mul3A_18 = vector.broadcast %mul3A_17 : f32 to vector<10x2048xf32>
    %mul3A_19 = arith.mulf %mul3A_18, %slice3A_4 : vector<10x2048xf32>
    %sub3A = arith.subf %dot_general3A_7, %mul3A_19 : vector<10x2048xf32>
    %mul3A_20 = arith.constant 5.000000e-01 : f32
    %mul3A_21 = vector.broadcast %mul3A_20 : f32 to vector<10x2048xf32>
    %mul3A_22 = arith.mulf %mul3A_21, %slice3A : vector<10x2048xf32>
    %sub3A_23 = arith.subf %dot_general3A_9, %mul3A_22 : vector<10x2048xf32>
    %add3A_24 = vector.broadcast %slice3A_10 : vector<10x1xf32> to vector<10x2048xf32>
    %add3A_25 = arith.addf %add3A_24, %sub3A_23 : vector<10x2048xf32>
    %max3A = arith.constant 5.000000e-01 : f32
    %max3A_26 = vector.broadcast %max3A : f32 to vector<10x2048xf32>
    %max3A_27 = arith.maximumf %add3A_25, %max3A_26 : vector<10x2048xf32>
    %div3A = arith.divf %slice3A_4, %max3A_27 : vector<10x2048xf32>
    %sub3A_28 = vector.broadcast %slice3A_10 : vector<10x1xf32> to vector<10x2048xf32>
    %sub3A_29 = arith.subf %sub3A_28, %sub3A : vector<10x2048xf32>
    %mul3A_30 = arith.mulf %slice3A, %sub3A_29 : vector<10x2048xf32>
    %add3A_31 = arith.constant 1.000000e+00 : f32
    %add3A_32 = vector.broadcast %add3A_31 : f32 to vector<10x2048xf32>
    %add3A_33 = arith.addf %max3A_27, %add3A_32 : vector<10x2048xf32>
    %mul3A_34 = arith.mulf %max3A_27, %add3A_33 : vector<10x2048xf32>
    %div3A_35 = arith.divf %mul3A_30, %mul3A_34 : vector<10x2048xf32>
    %add3A_36 = arith.addf %div3A, %div3A_35 : vector<10x2048xf32>
    %mul3A_37 = vector.broadcast %mul3A_16 : vector<1x2048xf32> to vector<10x2048xf32>
    %mul3A_38 = arith.mulf %mul3A_37, %add3A_36 : vector<10x2048xf32>
    %reduce_sum3A_39 = arith.constant dense<0.000000e+00> : vector<10xf32>
    %reduce_sum3A_40 = vector.multi_reduction <add>, %mul3A_38, %reduce_sum3A_39 [1] : vector<10x2048xf32> to vector<10xf32>
    %broadcast_in_dim3A = vector.shape_cast %reduce_sum3A_40 : vector<10xf32> to vector<10x1xf32>
    %gt3A = arith.constant 0.000000e+00 : f32
    %gt3A_41 = vector.broadcast %gt3A : f32 to vector<10x1xf32>
    %gt3A_42 = arith.cmpf ogt, %slice3A_10, %gt3A_41 : vector<10x1xf32>
    %jit3A = arith.constant 0.000000e+00 : f32
    %broadcast_in_dim3A_43 = vector.broadcast %jit3A : f32 to vector<10x1xf32>
    %select_n3A = arith.select %gt3A_42, %broadcast_in_dim3A, %broadcast_in_dim3A_43 : vector<10x1xi1>, vector<10x1xf32>
    %reduce_sum3A_44 = vector.shape_cast %select_n3A : vector<10x1xf32> to vector<1x10x1xf32>
    %reduce_sum3A_45 = arith.constant dense<0.000000e+00> : vector<1xf32>
    %reduce_sum3A_46 = vector.multi_reduction <add>, %reduce_sum3A_44, %reduce_sum3A_45 [1, 2] : vector<1x10x1xf32> to vector<1xf32>
    %reduce_sum3A_47 = vector.shape_cast %reduce_sum3A_46 : vector<1xf32> to vector<1x1x1xf32>
    %reduce_sum3A_48 = vector.extract %reduce_sum3A_47[0, 0, 0] : f32 from vector<1x1x1xf32>
    %broadcast_in_dim3A_49 = vector.broadcast %reduce_sum3A_48 : f32 to vector<1x1xf32>
    %div3A_50 = arith.constant 1.000000e+01 : f32
    %div3A_51 = vector.broadcast %div3A_50 : f32 to vector<1x1xf32>
    %div3A_52 = arith.divf %broadcast_in_dim3A_49, %div3A_51 : vector<1x1xf32>
    %swap3A = arith.constant 0 : index
    %swap3A_53 = arith.constant 0 : index
    %swap3A_54 = vector.load %arg1[%swap3A, %swap3A_53] : memref<1x1xf32, #tpu.memory_space<vmem>>, vector<1x1xf32>
    tpu.vector_store %arg1[%swap3A, %swap3A_53], %div3A_52 {strides = array<i32>} : memref<1x1xf32, #tpu.memory_space<vmem>>, vector<1x1xf32>,
    return
  }
}

</mosaic_0001>

<sc_bundles>
// kernel: kernel.4.cloned.1.call-start
scs
__scs_entry_jumppad:
0x0: {  	(pc) =	sbr.rel $0x88, $3  }
0x1: {  	(tag) =	ssettag $0x0;
	lr =	simm.s32 $0x1  }
0x2: {  	[smem:$0x3F9F] =	sst lr;
	_ =	strace $0xD0000000  }
0x3: {  	_ = 	snop  }
0x4: {  	_ = 	snop  }
0x5: {  	_ = 	snop  }
0x6: {  	_ = 	snop  }
0x7: {  	_ = 	snop  }
__scs_overlays_trampoline_lowered:
0x8: {  	[smem:$0x3FAE] =	sst s0  }
0x9: {  	[smem:$0x3FAF] =	sst s1  }
0xa: {  	[smem:$0x3FB0] =	sst s2  }
0xb: {  	[smem:$0x3FB1] =	sst s3  }
0xc: {  	[smem:$0x3FB2] =	sst s4  }
0xd: {  	[smem:$0x3FB3] =	sst s5  }
0xe: {  	[smem:$0x3FB4] =	sst s6  }
0xf: {  	[smem:$0x3FB5] =	sst s7  }
0x10: {  	[smem:$0x3FB6] =	sst s8  }
0x11: {  	[smem:$0x3FB7] =	sst s9;
	s0 =	simm.s32 @!p0 $0x0  }
0x12: {  	s1 =	sld [smem:$0x3F9D];
	s0 =	simm.s32 @p0 $0x1  }
0x13: {  	[smem:$0x3FB8] =	sst s0;
	s0 =	simm.s32 @!p1 $0x0  }
0x14: {  	s2 =	sld [smem:$0x3F9C];
	s0 =	simm.s32 @p1 $0x1  }
0x15: {  	[smem:$0x3FB9] =	sst s0;
	s0 =	simm.s32 @!p2 $0x0  }
0x16: {  	s3 =	sld [smem:$0x3FDB];
	s0 =	simm.s32 @p2 $0x1  }
0x17: {  	s4 =	simm.s32 $0x1BF5;
	[smem:$0x3FBB] =	sst s0  }
0x18: {  	s0 =	sld [smem:$0x3F9E];
	_ =	swait.ge [sflag:s4], $0x0  }
0x19: {  	s7 =	sld [smem:$0x3F9F]  }
0x1a: {  	s8 =	sadd.s32 $0xFFFFE003, lr  }
0x1b: {  	s9 =	sadd.s32 $0xFFFFFEF7, lr;
	s5 =	simm.s32 $0xFFFFFFFF;
	p2 =	slt.u32 s8, $0xFFFFF086  }
0x1c: {  	p1 =	slt.u32 s9, $0xF7A;
	s5 =	simm.s32 @!p2 $0x0  }
0x1d: {  	s5 =	simm.s32 @p1 $0x1;
	p0 =	seq.s32 s7, s2  }
0x1e: {  	s7 =	smul.u32 @!p0 $0xF7A, s2;
	p2 =	seq.s32 @!p0 s5, $0x0  }
0x1f: {  	s9 =	smul.u32 $0xF7A, s1;
	s8 =	simm.s32 @!p0 $0x1BF5;
	p2 =	por !p2, p0  }
0x20: {  	[sflag:s8] =	ssyncset.s32 @!p0 $0xFFFFF086;
	s6 =	sadd.s32 @!p0 s3, s7;
	s7 =	simm.s32 @!p0 $0x108  }
0x21: {  	s3 =	sadd.s32 s3, s9;
	s6 =	sadd.s32 @!p0 $0x88, s6;
	s7 =	simm.s32 @p2 $0x1082  }
0x22: {  	[simem:s7], [sflag:s8] =	dma.local @!p0 [hbm:s6], $0xF7A  }
0x23: {  	s9 =	sor.u32 $0xD0000000, s2;
	s6 =	simm.s32 $0x108;
	_ =	swait.ge @!p0 [sflag:s8], $0x0  }
0x24: {  	s3 =	sadd.s32 $0x88, s3;
	s6 =	simm.s32 @!p1 $0x1082;
	[sflag:s4] =	ssyncset.s32 $0xFFFFF086  }
0x25: {  	[simem:s6], [sflag:s4] =	dma.local [hbm:s3], $0xF7A  }
0x26: {  	[smem:$0x3F9F] =	sst s1;
	(tag) =	ssettag s2;
	_ =	strace s9  }
0x27: {  	s1 =	sld [smem:$0x3FAF]  }
0x28: {  	s2 =	sld [smem:$0x3FB0]  }
0x29: {  	s4 =	sld [smem:$0x3FB2]  }
0x2a: {  	p0 =	seq.s32 s5, $0x0;
	s5 =	sld [smem:$0x3FB3]  }
0x2b: {  	s6 =	sld [smem:$0x3FB4]  }
0x2c: {  	s7 =	sld [smem:$0x3FB5]  }
0x2d: {  	s3 =	simm.s32 $0x108;
	s8 =	sld [smem:$0x3FB6]  }
0x2e: {  	s3 =	simm.s32 @!p0 $0x1082;
	s9 =	sld [smem:$0x3FB7]  }
0x2f: {  	lr =	sadd.s32 s0, s3;
	s0 =	sld [smem:$0x3FAE]  }
0x30: {  	s3 =	sld [smem:$0x3FB1]  }
0x31: {  	[smem:$0x3FBA] =	sst s10  }
0x32: {  	s10 =	sld [smem:$0x3FB8];
	_ =	sdelay $0x3  }
0x33: {  	p0 =	seq.s32 s10, $0x1;
	s10 =	sld [smem:$0x3FBA];
	_ =	sdelay $0x3  }
0x34: {  	[smem:$0x3FBA] =	sst s10  }
0x35: {  	s10 =	sld [smem:$0x3FB9];
	_ =	sdelay $0x3  }
0x36: {  	p1 =	seq.s32 s10, $0x1;
	s10 =	sld [smem:$0x3FBA];
	_ =	sdelay $0x3  }
0x37: {  	[smem:$0x3FBA] =	sst s10  }
0x38: {  	s10 =	sld [smem:$0x3FBB]  }
0x39: {  	_ = 	snop;
	(pc) =	sbr.ind lr, $3  }
0x3a: {  	_ = 	snop  }
0x3b: {  	_ = 	snop  }
0x3c: {  	p2 =	seq.s32 s10, $0x1;
	s10 =	sld [smem:$0x3FBA]  }
0x3d: {  	_ =	shalt  }
0x3e: {  	_ =	shalt  }
0x3f: {  	_ =	shalt  }
0x40: {  	_ =	shalt  }
0x41: {  	_ =	shalt  }
0x42: {  	_ =	shalt  }
0x43: {  	_ =	shalt  }
0x44: {  	_ =	shalt  }
0x45: {  	_ =	shalt  }
0x46: {  	_ =	shalt  }
0x47: {  	_ =	shalt  }
0x48: {  	_ =	shalt  }
0x49: {  	_ =	shalt  }
0x4a: {  	_ =	shalt  }
0x4b: {  	_ =	shalt  }
0x4c: {  	_ =	shalt  }
0x4d: {  	_ =	shalt  }
0x4e: {  	_ =	shalt  }
0x4f: {  	_ =	shalt  }
0x50: {  	_ =	shalt  }
0x51: {  	_ =	shalt  }
0x52: {  	_ =	shalt  }
0x53: {  	_ =	shalt  }
0x54: {  	_ =	shalt  }
0x55: {  	_ =	shalt  }
0x56: {  	_ =	shalt  }
0x57: {  	_ =	shalt  }
0x58: {  	_ =	shalt  }
0x59: {  	_ =	shalt  }
0x5a: {  	_ =	shalt  }
0x5b: {  	_ =	shalt  }
0x5c: {  	_ =	shalt  }
0x5d: {  	_ =	shalt  }
0x5e: {  	_ =	shalt  }
0x5f: {  	_ =	shalt  }
0x60: {  	_ =	shalt  }
0x61: {  	_ =	shalt  }
0x62: {  	_ =	shalt  }
0x63: {  	_ =	shalt  }
0x64: {  	_ =	shalt  }
0x65: {  	_ =	shalt  }
0x66: {  	_ =	shalt  }
0x67: {  	_ =	shalt  }
0x68: {  	_ =	shalt  }
0x69: {  	_ =	shalt  }
0x6a: {  	_ =	shalt  }
0x6b: {  	_ =	shalt  }
0x6c: {  	_ =	shalt  }
0x6d: {  	_ =	shalt  }
0x6e: {  	_ =	shalt  }
0x6f: {  	_ =	shalt  }
0x70: {  	_ =	shalt  }
0x71: {  	_ =	shalt  }
0x72: {  	_ =	shalt  }
0x73: {  	_ =	shalt  }
0x74: {  	_ =	shalt  }
0x75: {  	_ =	shalt  }
0x76: {  	_ =	shalt  }
0x77: {  	_ =	shalt  }
0x78: {  	_ =	shalt  }
0x79: {  	_ =	shalt  }
0x7a: {  	_ =	shalt  }
0x7b: {  	_ =	shalt  }
0x7c: {  	_ =	shalt  }
0x7d: {  	_ =	shalt  }
0x7e: {  	_ =	shalt  }
0x7f: {  	_ =	shalt  }
0x80: {  	_ =	shalt  }
0x81: {  	_ =	shalt  }
0x82: {  	_ =	shalt  }
0x83: {  	_ =	shalt  }
0x84: {  	_ =	shalt  }
0x85: {  	_ =	shalt  }
0x86: {  	_ =	shalt  }
0x87: {  	_ =	shalt  }
.Lfunc_end0:
.L_simem_size_0:
called_computation.1_lowered:
.L_overlay_start_0:
0x88: {  	s2 =	sld [smem:$0x3FD9]  }
0x89: {  	s3 =	sld [smem:$0x3FFE];
	_ =	sdelay $0x1  }
0x8a: {  	s1 =	srdreg.scid  }
0x8b: {  	s0 =	sand.u32 $0x1, s1  }
0x8c: {  	s16 =	sshll.u32 s0, $0xA;
	s2 =	sadd.s32 s3, s2  }
0x8d: {  	s2 =	sadd.s32 s2, s16  }
0x8e: {  	[smem:$0x3FC6] =	sst s2  }
0x8f: {  	_ = 	snop  }
0x90: {  	(tm) =	ssettm $0x1  }
0x91: {  	s17 =	sld [smem:$0x3FFB];
	_ =	sdelay $0x3  }
0x92: {  	_ =	strace s17  }
0x93: {  	s2 =	sld [smem:$0x3FFC];
	_ =	sdelay $0x3  }
0x94: {  	_ =	strace s2  }
0x95: {  	s2 =	sld [smem:$0x3FFD];
	_ =	sdelay $0x3  }
0x96: {  	_ =	strace s2  }
0x97: {  	_ =	strace $0x8FFFFFFF  }
0x98: {  	s18 =	sld [smem:$0x3FDB];
	_ =	sdelay $0x1  }
0x99: {  	s19 =	simm.s32 $_scs_section_size  }
0x9a: {  	s4 =	simm.s32 $_size__tile_overlayer_lowered;
	s5 =	simm.s32 $_tile_overlayer_lowered  }
0x9b: {  	s22 =	simm.s32 $0x1BFF;
	s21 =	sshll.u32 s5, $0x1;
	s2 =	sadd.s32 s19, s18  }
0x9c: {  	s6 =	simm.s32 $0x0;
	s20 =	sshll.u32 s4, $0x1;
	s4 =	sadd.s32 s21, s2  }
0x9d: {  	[timem:s6], [sflag:s22] =	dma.local [hbm:s4], s20  }
0x9e: {  	_ =	swait.ge [sflag:s22], s20  }
0x9f: {  	s3 =	ssub.s32 $0x0, s20;
	[sflag:s22] =	ssyncset.done $0x0  }
0xa0: {  	[sflag:s22] =	ssyncadd.s32 s3;
	_ =	sdelay $0x1  }
0xa1: {  	s23 =	simm.s32 $0x1B8B  }
0xa2: {  	_ =	swait.ge [sflag:s23], $0x1  }
0xa3: {  	[sflag:s23] =	ssyncset.done $0x0  }
0xa4: {  	s25 =	simm.s32 $0x1B8E;
	s24 =	sld [smem:$0x3FFE];
	[sflag:s23] =	ssyncadd.s32 $0xFFFFFFFF  }
0xa5: {  	s26 =	simm.s32 $execute0_lowered;
	[smem:$0x3FD2] =	sst s25  }
0xa6: {  	s4 =	sshll.u32 s26, $0x1;
	_ =	strace $0x80000049;
	[dreg:$0x1] =	wrdreg $0xFFFFFFFF  }
0xa7: {  	s28 =	simm.s32 $_size_execute0_lowered;
	s2 =	sadd.s32 s2, s4;
	[dreg:$0x0] =	wrdreg $0x0  }
0xa8: {  	s4 =	sshll.u32 s28, $0x1;
	[dreg:$0x2] =	wrdreg s2  }
0xa9: {  	[dreg:$0x3] =	wrdreg s4  }
0xaa: {  	[dreg:$0x4] =	wrdreg $0xC0  }
0xab: {  	_ =	task [dreg:s6], $0x5FFFF  }
0xac: {  	[dreg:$0x1] =	wrdreg $0xFFFFFFFF  }
0xad: {  	[dreg:$0x0] =	wrdreg $0x60  }
0xae: {  	[dreg:$0x2] =	wrdreg s24  }
0xaf: {  	[dreg:$0x3] =	wrdreg $0x9  }
0xb0: {  	_ =	task.clear_ibuf [dreg:s6], $0x4FFFF;
	_ =	strace $0x90000049  }
0xb1: {  	s29 =	simm.s32 $0x9;
	_ =	strace $0x8000004B  }
0xb2: {  	_ =	swait.ge [sflag:s29], $0x1  }
0xb3: {  	[sflag:s29] =	ssyncadd.s32 $0xFFFFFFFF  }
0xb4: {  	_ =	strace $0x9000004B  }
0xb5: {  	_ =	sfence  }
0xb6: {  	s30 =	sld [smem:$0x0];
	_ =	sdelay $0x2  }
0xb7: {  	s31 =	sshll.u32 s1, $0xD;
	s1 =	sshrl.u32 s1, $0x2  }
0xb8: {  	s3 =	sand.u32 $0x4000, s31;
	s1 =	sadd.s32 s1, s30  }
0xb9: {  	s0 =	sor.u32 s3, s0;
	s1 =	sshll.u32 s1, $0x11  }
0xba: {  	s0 =	sor.u32 s1, s0  }
0xbb: {  	s0 =	sadd.s32 $0x8F2B, s0  }
0xbc: {  	[sflag:s0] =	ssyncadd.remote.s32 $0x1  }
0xbd: {  	_ =	sfence.sel $0xFFFF  }
0xbe: {  	[dreg:$0x0] =	wrdreg $0xFFFFFFFF;
	(pc) =	sbr.abs _section_cstart, $3  }
0xbf: {  	[dreg:$0x1] =	wrdreg $0xFFFFFFFF  }
0xc0: {  	_ =	task.clear_ibuf [dreg:s6], $0x2FFFF;
	_ =	strace $0x9FFFFFFF  }
0xc1: {  	(tm) =	ssettm $0x7FFFFFFF  }
tec
execute0_lowered:
.L_overlay_start_1:
0x0: {  	(tag) =	ssettag $0x1  }
0x1: {  	s0 =	rddreg [dreg:$0x0]  }
0x2: {  	s1 =	srdreg.scid;
	s2 =	stileid.u32  }
0x3: {  	s3 =	simm.s32 $0x0;
	s1 =	sand.u32 $0x1, s1;
	s2 =	sshll.u32 s2, $0x1  }
0x4: {  	[smem:$0x7FF] =	sst s3;
	s2 =	sor.u32 s1, s2  }
0x5: {  	s3 =	sadd.s32 $0xA00, s0;
	s4 =	sadd.s32 $0x4C0A00, s0;
	s6 =	sshll.u32 s2, $0xA  }
0x6: {  	s10 =	sadd.s32 s3, s6;
	s6 =	sadd.s32 s4, s6  }
0x7: {  	_ =	strace $0x8000004A;
	[dreg:$0x13] =	wrdreg s6  }
0x8: {  	s7 =	sadd.s32 $0x8000, s10;
	[dreg:$0x2] =	wrdreg s10  }
0x9: {  	s11 =	sadd.s32 $0x10000, s10;
	[dreg:$0x3] =	wrdreg s7  }
0xa: {  	s12 =	sadd.s32 $0x18000, s10;
	[dreg:$0x4] =	wrdreg s11  }
0xb: {  	s13 =	sadd.s32 $0x20000, s10;
	[dreg:$0x5] =	wrdreg s12  }
0xc: {  	s14 =	sadd.s32 $0x28000, s10;
	[dreg:$0x6] =	wrdreg s13  }
0xd: {  	s15 =	sadd.s32 $0x30000, s10;
	[dreg:$0x7] =	wrdreg s14  }
0xe: {  	s16 =	sadd.s32 $0x38000, s10;
	[dreg:$0x8] =	wrdreg s15  }
0xf: {  	s8 =	simm.s32 $0x3800;
	s17 =	sadd.s32 $0x40000, s10;
	[dreg:$0x9] =	wrdreg s16  }
0x10: {  	s28 =	simm.s32 $0x2;
	s18 =	sadd.s32 $0x48000, s10;
	[dreg:$0xa] =	wrdreg s17  }
0x11: {  	s1 =	ssub.s32 $0x2, s1;
	s19 =	sadd.s32 $0x50000, s10;
	[dreg:$0xb] =	wrdreg s18  }
0x12: {  	s5 =	smul.u32 $0x1400, s2;
	s20 =	sadd.s32 $0x58000, s10;
	[dreg:$0xc] =	wrdreg s19  }
0x13: {  	s9 =	sshrl.u32 s1, $0x1;
	s21 =	sadd.s32 $0x60000, s10;
	[dreg:$0xd] =	wrdreg s20  }
0x14: {  	s1 =	ssub.s32 s1, s9;
	s22 =	sadd.s32 $0x68000, s10;
	[dreg:$0xe] =	wrdreg s21  }
0x15: {  	s9 =	simm.s32 $0x4000;
	s23 =	sadd.s32 $0x70000, s10;
	[dreg:$0xf] =	wrdreg s22  }
0x16: {  	s0 =	sadd.s32 s5, s0;
	s24 =	sadd.s32 $0x78000, s10;
	[dreg:$0x10] =	wrdreg s23  }
0x17: {  	s5 =	sshll.u32 s2, $0xD;
	s25 =	sadd.s32 $0x80000, s10;
	[dreg:$0x11] =	wrdreg s24  }
0x18: {  	s26 =	smax.u32 s1, $0x1;
	s30 =	sadd.s32 $0x88000, s10;
	[dreg:$0x12] =	wrdreg s25  }
0x19: {  	s31 =	sadd.s32 $0x90000, s10;
	s1 =	simm.s32 $0x2000;
	[dreg:$0x15] =	wrdreg s26  }
0x1a: {  	s2 =	simm.s32 $0x2800;
	s10 =	simm.s32 $0x4800;
	[dreg:$0x16] =	wrdreg s30  }
0x1b: {  	s0 =	sadd.s32 $0x500A00, s0;
	[dreg:$0x17] =	wrdreg s31;
	s29 =	sor.u32 $0x800, s5  }
0x1c: {  	s7 =	simm.s32 $0x3000;
	s11 =	simm.s32 $0x5000;
	s12 =	simm.s32 $0x5800  }
0x1d: {  	s13 =	simm.s32 $0x6000;
	s14 =	simm.s32 $0x6800;
	s15 =	simm.s32 $0x7000  }
0x1e: {  	s16 =	simm.s32 $0x7800;
	s17 =	simm.s32 $0x8000;
	s18 =	simm.s32 $0x8800  }
0x1f: {  	s19 =	simm.s32 $0x9000;
	s20 =	simm.s32 $0x9800;
	s25 =	simm.s32 $0x1  }
0x20: {  	v0 =	vimm.f32 $0.0e+00;
	v39 =	vimm.f32 $1.000000000e+00;
	s26 =	simm.s32 $0x14000;
	s21 =	simm.s32 $0x0;
	[dreg:$0x14] =	wrdreg s0  }
.LBB2_1:
0x21: {  	[dreg:$0x18] =	wrdreg s21;
	s6 =	simm.s32 $0x40;
	s21 =	simm.s32 $0x0  }
.LBB2_2:
0x22: {  	p0 =	sne.s32 s6, $0x27FC0;
	[tilespmem:s21+$0x14000] =	vst v0;
	s21 =	smov.u32 s6;
	s6 =	sadd.s32 $0x40, s6  }
.Ltmp0:
0x23: {  	(pc) =	sbr.rel @p0 .LBB2_2-.Ltmp0, $2  }
0x24: {  	_ =	sdelay $0x2  }
0x25: {  	s21 =	sshra.s32 s21, $0x2  }
0x26: {  	[tilespmem:s21+$0x14000] =	vst v0;
	s6 =	simm.s32 $0x0;
	s23 =	rddreg [dreg:$0x2]  }
0x27: {  	[tilespmem:s6], [sflag:$0x1] =	stream.linear.gather [hbm4b:s23+s6], $0x800, $0x38;
	[tilespmem:$0x1E000] =	vst v63  }
0x28: {  	s24 =	rddreg [dreg:$0x3];
	s0 =	simm.s32 $0x800  }
0x29: {  	[tilespmem:s0], [sflag:$0x1] =	stream.linear.gather [hbm4b:s24+s6], $0x800, $0x38;
	[tilespmem:$0x1E000] =	vst v63  }
0x2a: {  	s30 =	rddreg [dreg:$0x4];
	s31 =	simm.s32 $0x1000  }
0x2b: {  	[tilespmem:s31], [sflag:$0x1] =	stream.linear.gather [hbm4b:s30+s6], $0x800, $0x38;
	[tilespmem:$0x1E000] =	vst v63  }
0x2c: {  	s22 =	simm.s32 $0x1800;
	s0 =	rddreg [dreg:$0x5]  }
0x2d: {  	[tilespmem:s22], [sflag:$0x1] =	stream.linear.gather [hbm4b:s0+s6], $0x800, $0x38;
	[tilespmem:$0x1E000] =	vst v63  }
0x2e: {  	s23 =	rddreg [dreg:$0x6]  }
0x2f: {  	[tilespmem:s1], [sflag:$0x1] =	stream.linear.gather [hbm4b:s23+s6], $0x800, $0x38;
	[tilespmem:$0x1E000] =	vst v63  }
0x30: {  	s24 =	rddreg [dreg:$0x7]  }
0x31: {  	[tilespmem:s2], [sflag:$0x1] =	stream.linear.gather [hbm4b:s24+s6], $0x800, $0x38;
	[tilespmem:$0x1E000] =	vst v63  }
0x32: {  	s30 =	rddreg [dreg:$0x8]  }
0x33: {  	[tilespmem:s7], [sflag:$0x1] =	stream.linear.gather [hbm4b:s30+s6], $0x800, $0x38;
	[tilespmem:$0x1E000] =	vst v63  }
0x34: {  	s31 =	rddreg [dreg:$0x9]  }
0x35: {  	[tilespmem:s8], [sflag:$0x1] =	stream.linear.gather [hbm4b:s31+s6], $0x800, $0x38;
	[tilespmem:$0x1E000] =	vst v63  }
0x36: {  	s0 =	rddreg [dreg:$0xa]  }
0x37: {  	[tilespmem:s9], [sflag:$0x1] =	stream.linear.gather [hbm4b:s0+s6], $0x800, $0x38;
	[tilespmem:$0x1E000] =	vst v63  }
0x38: {  	s22 =	rddreg [dreg:$0xb]  }
0x39: {  	[tilespmem:s10], [sflag:$0x1] =	stream.linear.gather [hbm4b:s22+s6], $0x800, $0x38;
	[tilespmem:$0x1E000] =	vst v63  }
0x3a: {  	s23 =	rddreg [dreg:$0xc]  }
0x3b: {  	[tilespmem:s11], [sflag:$0x1] =	stream.linear.gather [hbm4b:s23+s6], $0x800, $0x38;
	[tilespmem:$0x1E000] =	vst v63  }
0x3c: {  	s24 =	rddreg [dreg:$0xd]  }
0x3d: {  	[tilespmem:s12], [sflag:$0x1] =	stream.linear.gather [hbm4b:s24+s6], $0x800, $0x38;
	[tilespmem:$0x1E000] =	vst v63  }
0x3e: {  	s30 =	rddreg [dreg:$0xe]  }
0x3f: {  	[tilespmem:s13], [sflag:$0x1] =	stream.linear.gather [hbm4b:s30+s6], $0x800, $0x38;
	[tilespmem:$0x1E000] =	vst v63  }
0x40: {  	s31 =	rddreg [dreg:$0xf]  }
0x41: {  	[tilespmem:s14], [sflag:$0x1] =	stream.linear.gather [hbm4b:s31+s6], $0x800, $0x38;
	[tilespmem:$0x1E000] =	vst v63  }
0x42: {  	s0 =	rddreg [dreg:$0x10]  }
0x43: {  	[tilespmem:s15], [sflag:$0x1] =	stream.linear.gather [hbm4b:s0+s6], $0x800, $0x38;
	[tilespmem:$0x1E000] =	vst v63  }
0x44: {  	s22 =	rddreg [dreg:$0x11]  }
0x45: {  	[tilespmem:s16], [sflag:$0x1] =	stream.linear.gather [hbm4b:s22+s6], $0x800, $0x38;
	[tilespmem:$0x1E000] =	vst v63  }
0x46: {  	s23 =	rddreg [dreg:$0x12]  }
0x47: {  	[tilespmem:s17], [sflag:$0x1] =	stream.linear.gather [hbm4b:s23+s6], $0x800, $0x38;
	[tilespmem:$0x1E000] =	vst v63  }
0x48: {  	s24 =	rddreg [dreg:$0x16]  }
0x49: {  	[tilespmem:s18], [sflag:$0x1] =	stream.linear.gather [hbm4b:s24+s6], $0x800, $0x38;
	[tilespmem:$0x1E000] =	vst v63  }
0x4a: {  	s30 =	rddreg [dreg:$0x17]  }
0x4b: {  	[tilespmem:s19], [sflag:$0x1] =	stream.linear.gather [hbm4b:s30+s6], $0x800, $0x38;
	[tilespmem:$0x1E000] =	vst v63  }
0x4c: {  	s21 =	simm.s32 $0x0;
	s31 =	rddreg [dreg:$0x13]  }
0x4d: {  	[tilespmem:s20], [sflag:$0x1] =	stream.linear.gather [hbm4b:s31+s6], $0x800, $0x38;
	[tilespmem:$0x1E000] =	vst v63  }
.LBB2_4:
0x4e: {  	s22 =	sshrl.u32 s21, $0x1;
	s23 =	sshll.u32 s21, $0xC  }
0x4f: {  	s23 =	sand.u32 $0x1000, s23;
	s24 =	smul.u32 $0x4C0000, s22  }
0x50: {  	s23 =	sor.u32 s29, s23  }
0x51: {  	s24 =	sor.u32 s24, s23  }
0x52: {  	s30 =	sshrl.u32 s24, $0x3  }
0x53: {  	s0 =	simm.s32 $0xA000;
	s30 =	sadd.s32 s3, s30  }
0x54: {  	[tilespmem:s0], [sflag:$0x2] =	stream.linear.gather [hbm4b:s30+s6], $0x800, $0x38;
	[tilespmem:$0x1E000] =	vst v63  }
0x55: {  	s0 =	sadd.s32 $0x40000, s24  }
0x56: {  	s30 =	sshrl.u32 s0, $0x3  }
0x57: {  	s31 =	simm.s32 $0xA800;
	s0 =	sadd.s32 $0x80000, s24;
	s30 =	sadd.s32 s3, s30  }
0x58: {  	[tilespmem:s31], [sflag:$0x2] =	stream.linear.gather [hbm4b:s30+s6], $0x800, $0x38;
	[tilespmem:$0x1E000] =	vst v63  }
0x59: {  	s30 =	sshrl.u32 s0, $0x3  }
0x5a: {  	s31 =	simm.s32 $0xB000;
	s0 =	sadd.s32 $0xC0000, s24;
	s30 =	sadd.s32 s3, s30  }
0x5b: {  	[tilespmem:s31], [sflag:$0x2] =	stream.linear.gather [hbm4b:s30+s6], $0x800, $0x38;
	[tilespmem:$0x1E000] =	vst v63  }
0x5c: {  	s30 =	sshrl.u32 s0, $0x3  }
0x5d: {  	s31 =	simm.s32 $0xB800;
	s0 =	sadd.s32 $0x100000, s24;
	s30 =	sadd.s32 s3, s30  }
0x5e: {  	[tilespmem:s31], [sflag:$0x2] =	stream.linear.gather [hbm4b:s30+s6], $0x800, $0x38;
	[tilespmem:$0x1E000] =	vst v63  }
0x5f: {  	s30 =	sshrl.u32 s0, $0x3  }
0x60: {  	s31 =	simm.s32 $0xC000;
	s0 =	sadd.s32 $0x140000, s24;
	s30 =	sadd.s32 s3, s30  }
0x61: {  	[tilespmem:s31], [sflag:$0x2] =	stream.linear.gather [hbm4b:s30+s6], $0x800, $0x38;
	[tilespmem:$0x1E000] =	vst v63  }
0x62: {  	s30 =	sshrl.u32 s0, $0x3  }
0x63: {  	s31 =	simm.s32 $0xC800;
	s0 =	sadd.s32 $0x180000, s24;
	s30 =	sadd.s32 s3, s30  }
0x64: {  	[tilespmem:s31], [sflag:$0x2] =	stream.linear.gather [hbm4b:s30+s6], $0x800, $0x38;
	[tilespmem:$0x1E000] =	vst v63  }
0x65: {  	s30 =	sshrl.u32 s0, $0x3  }
0x66: {  	s31 =	simm.s32 $0xD000;
	s0 =	sadd.s32 $0x1C0000, s24;
	s30 =	sadd.s32 s3, s30  }
0x67: {  	[tilespmem:s31], [sflag:$0x2] =	stream.linear.gather [hbm4b:s30+s6], $0x800, $0x38;
	[tilespmem:$0x1E000] =	vst v63  }
0x68: {  	s30 =	sshrl.u32 s0, $0x3  }
0x69: {  	s31 =	simm.s32 $0xD800;
	s0 =	sadd.s32 $0x200000, s24;
	s30 =	sadd.s32 s3, s30  }
0x6a: {  	[tilespmem:s31], [sflag:$0x2] =	stream.linear.gather [hbm4b:s30+s6], $0x800, $0x38;
	[tilespmem:$0x1E000] =	vst v63  }
0x6b: {  	s30 =	sshrl.u32 s0, $0x3  }
0x6c: {  	s31 =	simm.s32 $0xE000;
	s0 =	sadd.s32 $0x240000, s24;
	s30 =	sadd.s32 s3, s30  }
0x6d: {  	[tilespmem:s31], [sflag:$0x2] =	stream.linear.gather [hbm4b:s30+s6], $0x800, $0x38;
	[tilespmem:$0x1E000] =	vst v63  }
0x6e: {  	s30 =	sshrl.u32 s0, $0x3  }
0x6f: {  	s31 =	simm.s32 $0xE800;
	s0 =	sadd.s32 $0x280000, s24;
	s30 =	sadd.s32 s3, s30  }
0x70: {  	[tilespmem:s31], [sflag:$0x2] =	stream.linear.gather [hbm4b:s30+s6], $0x800, $0x38;
	[tilespmem:$0x1E000] =	vst v63  }
0x71: {  	s30 =	sshrl.u32 s0, $0x3  }
0x72: {  	s31 =	simm.s32 $0xF000;
	s0 =	sadd.s32 $0x2C0000, s24;
	s30 =	sadd.s32 s3, s30  }
0x73: {  	[tilespmem:s31], [sflag:$0x2] =	stream.linear.gather [hbm4b:s30+s6], $0x800, $0x38;
	[tilespmem:$0x1E000] =	vst v63  }
0x74: {  	s30 =	sshrl.u32 s0, $0x3  }
0x75: {  	s31 =	simm.s32 $0xF800;
	s0 =	sadd.s32 $0x300000, s24;
	s30 =	sadd.s32 s3, s30  }
0x76: {  	[tilespmem:s31], [sflag:$0x2] =	stream.linear.gather [hbm4b:s30+s6], $0x800, $0x38;
	[tilespmem:$0x1E000] =	vst v63  }
0x77: {  	s30 =	sshrl.u32 s0, $0x3  }
0x78: {  	s31 =	simm.s32 $0x10000;
	s0 =	sadd.s32 $0x340000, s24;
	s30 =	sadd.s32 s3, s30  }
0x79: {  	[tilespmem:s31], [sflag:$0x2] =	stream.linear.gather [hbm4b:s30+s6], $0x800, $0x38;
	[tilespmem:$0x1E000] =	vst v63  }
0x7a: {  	s30 =	sshrl.u32 s0, $0x3  }
0x7b: {  	s31 =	simm.s32 $0x10800;
	s0 =	sadd.s32 $0x380000, s24;
	s30 =	sadd.s32 s3, s30  }
0x7c: {  	[tilespmem:s31], [sflag:$0x2] =	stream.linear.gather [hbm4b:s30+s6], $0x800, $0x38;
	[tilespmem:$0x1E000] =	vst v63  }
0x7d: {  	s30 =	sshrl.u32 s0, $0x3  }
0x7e: {  	s31 =	simm.s32 $0x11000;
	s0 =	sadd.s32 $0x3C0000, s24;
	s30 =	sadd.s32 s3, s30  }
0x7f: {  	[tilespmem:s31], [sflag:$0x2] =	stream.linear.gather [hbm4b:s30+s6], $0x800, $0x38;
	[tilespmem:$0x1E000] =	vst v63  }
0x80: {  	s30 =	sshrl.u32 s0, $0x3  }
0x81: {  	s31 =	simm.s32 $0x11800;
	s0 =	sadd.s32 $0x400000, s24;
	s30 =	sadd.s32 s3, s30  }
0x82: {  	[tilespmem:s31], [sflag:$0x2] =	stream.linear.gather [hbm4b:s30+s6], $0x800, $0x38;
	[tilespmem:$0x1E000] =	vst v63  }
0x83: {  	s22 =	sshll.u32 s22, $0x12;
	s30 =	sshrl.u32 s0, $0x3  }
0x84: {  	s31 =	simm.s32 $0x12000;
	s0 =	sadd.s32 $0x440000, s24;
	s30 =	sadd.s32 s3, s30  }
0x85: {  	[tilespmem:s31], [sflag:$0x2] =	stream.linear.gather [hbm4b:s30+s6], $0x800, $0x38;
	[tilespmem:$0x1E000] =	vst v63  }
0x86: {  	s22 =	sor.u32 s22, s23;
	s24 =	sadd.s32 $0x480000, s24;
	s30 =	sshrl.u32 s0, $0x3  }
0x87: {  	s24 =	sshrl.u32 s24, $0x3;
	s31 =	simm.s32 $0x12800;
	s30 =	sadd.s32 s3, s30  }
0x88: {  	[tilespmem:s31], [sflag:$0x2] =	stream.linear.gather [hbm4b:s30+s6], $0x800, $0x38;
	[tilespmem:$0x1E000] =	vst v63  }
0x89: {  	s22 =	sshrl.u32 s22, $0x3;
	s24 =	sadd.s32 s3, s24;
	s30 =	simm.s32 $0x13000  }
0x8a: {  	[tilespmem:s30], [sflag:$0x2] =	stream.linear.gather [hbm4b:s24+s6], $0x800, $0x38;
	[tilespmem:$0x1E000] =	vst v63  }
0x8b: {  	s22 =	sadd.s32 s4, s22;
	s31 =	simm.s32 $0x13800  }
0x8c: {  	[tilespmem:s31], [sflag:$0x2] =	stream.linear.gather [hbm4b:s22+s6], $0x800, $0x38;
	[tilespmem:$0x1E000] =	vst v63  }
0x8d: {  	_ =	swait.ge [sflag:s25], $0x9800  }
0x8e: {  	[sflag:s25] =	ssyncset.done $0x0  }
0x8f: {  	[sflag:s25] =	ssyncadd.s32 $0xFFFF6800  }
0x90: {  	_ =	swait.ge [sflag:s25], $0x800  }
0x91: {  	[sflag:s25] =	ssyncset.done $0x0  }
0x92: {  	s23 =	simm.s32 $0x0;
	s22 =	simm.s32 $0x0;
	[sflag:s25] =	ssyncadd.s32 $0xFFFFF800  }
.LBB2_5:
0x93: {  	s24 =	sshra.s32 s23, $0x2  }
0x94: {  	v2 =	vld [tilespmem:s24+$0x0]  }
0x95: {  	v3 =	vld [tilespmem:s24+$0x10]  }
0x96: {  	v4 =	vld [tilespmem:s24+$0x20]  }
0x97: {  	s30 =	sand.u32 $0x7C0, s22;
	v5 =	vld [tilespmem:s24+$0x30]  }
0x98: {  	v6 =	vld [tilespmem:s30+$0x800]  }
0x99: {  	v7 =	vld [tilespmem:s24+$0x810]  }
0x9a: {  	v8 =	vld [tilespmem:s24+$0x820];
	v2 =	vmul.f32 $1.442695020e+00, v2  }
0x9b: {  	v61 =	vld [tilespmem:s24+$0x830];
	v3 =	vmul.f32 $1.442695020e+00, v3;
	v60 =	vmul.f32 $1.442695020e+00, v4  }
0x9c: {  	v63 =	vld [tilespmem:s30+$0x1000];
	v62 =	vmul.f32 $1.442695020e+00, v5;
	(erf) = vpow2.f32 v2  }
0x9d: {  	v13 =	vld [tilespmem:s24+$0x1010];
	v12 =	vmul.f32 $1.442695020e+00, v6;
	(erf) = vpow2.f32 v3  }
0x9e: {  	v15 =	vld [tilespmem:s24+$0x1020];
	v14 =	vmul.f32 $1.442695020e+00, v7;
	(erf) = vpow2.f32 v60  }
0x9f: {  	v17 =	vld [tilespmem:s24+$0x1030];
	v16 =	vmul.f32 $1.442695020e+00, v8;
	(erf) = vpow2.f32 v62  }
0xa0: {  	v19 =	vld [tilespmem:s30+$0x1800];
	v18 =	vmul.f32 $1.442695020e+00, v61;
	(erf) = vpow2.f32 v12  }
0xa1: {  	v21 =	vld [tilespmem:s24+$0x1810];
	v20 =	vmul.f32 $1.442695020e+00, v63;
	(erf) = vpow2.f32 v14  }
0xa2: {  	v23 =	vld [tilespmem:s24+$0x1820];
	v22 =	vmul.f32 $1.442695020e+00, v13;
	(erf) = vpow2.f32 v16  }
0xa3: {  	v25 =	vld [tilespmem:s24+$0x1830];
	v24 =	vmul.f32 $1.442695020e+00, v15;
	(erf) = vpow2.f32 v18  }
0xa4: {  	v27 =	vld [tilespmem:s30+$0x2000];
	v26 =	vmul.f32 $1.442695020e+00, v17;
	(erf) = vpow2.f32 v20  }
0xa5: {  	v29 =	vld [tilespmem:s24+$0x2010];
	v28 =	vmul.f32 $1.442695020e+00, v19;
	v37 =	vpop (erf);
	(erf) = vpow2.f32 v22  }
0xa6: {  	v31 =	vld [tilespmem:s24+$0x2020];
	v30 =	vmul.f32 $1.442695020e+00, v21;
	v42 =	vpop (erf);
	(erf) = vpow2.f32 v24  }
0xa7: {  	v45 =	vld [tilespmem:s24+$0x2030];
	v44 =	vmul.f32 $1.442695020e+00, v23;
	v38 =	vpop (erf);
	(erf) = vpow2.f32 v26  }
0xa8: {  	v47 =	vld [tilespmem:s30+$0x2800];
	v46 =	vmul.f32 $1.442695020e+00, v25;
	v35 =	vpop (erf);
	(erf) = vpow2.f32 v28  }
0xa9: {  	v49 =	vld [tilespmem:s24+$0x2810];
	v48 =	vmul.f32 $1.442695020e+00, v27;
	v41 =	vpop (erf);
	(erf) = vpow2.f32 v30  }
0xaa: {  	v57 =	vld [tilespmem:s24+$0x3010];
	v50 =	vmul.f32 $1.442695020e+00, v29;
	v13 =	vpop (erf);
	(erf) = vpow2.f32 v44  }
0xab: {  	v51 =	vld [tilespmem:s24+$0x2820];
	v52 =	vmul.f32 $1.442695020e+00, v31;
	v36 =	vpop (erf);
	(erf) = vpow2.f32 v46  }
0xac: {  	v53 =	vld [tilespmem:s24+$0x2830];
	v54 =	vmul.f32 $1.442695020e+00, v45;
	v34 =	vpop (erf);
	(erf) = vpow2.f32 v48  }
0xad: {  	v55 =	vld [tilespmem:s30+$0x3000];
	v56 =	vmul.f32 $1.442695020e+00, v47;
	v33 =	vpop (erf);
	(erf) = vpow2.f32 v50  }
0xae: {  	v59 =	vld [tilespmem:s24+$0x3020];
	v58 =	vmul.f32 $1.442695020e+00, v49;
	v32 =	vpop (erf);
	(erf) = vpow2.f32 v52  }
0xaf: {  	v40 =	vld [tilespmem:s30+$0x4000];
	v15 =	vmul.f32 $1.442695020e+00, v57;
	v31 =	vpop (erf);
	(erf) = vpow2.f32 v54  }
0xb0: {  	v61 =	vld [tilespmem:s24+$0x3030];
	v60 =	vmul.f32 $1.442695020e+00, v51;
	v30 =	vpop (erf);
	(erf) = vpow2.f32 v56  }
0xb1: {  	v63 =	vld [tilespmem:s30+$0x3800];
	v62 =	vmul.f32 $1.442695020e+00, v53;
	v29 =	vpop (erf);
	(erf) = vpow2.f32 v58  }
0xb2: {  	v12 =	vmul.f32 $1.442695020e+00, v55;
	v14 =	vld [tilespmem:s24+$0x3810];
	v28 =	vpop (erf);
	(erf) = vpow2.f32 v60  }
0xb3: {  	v17 =	vmul.f32 $1.442695020e+00, v59;
	v16 =	vld [tilespmem:s24+$0x3820];
	v27 =	vpop (erf);
	(erf) = vpow2.f32 v62  }
0xb4: {  	v51 =	vmul.f32 $1.442695020e+00, v40;
	v18 =	vld [tilespmem:s24+$0x3830];
	v26 =	vpop (erf);
	(erf) = vpow2.f32 v12  }
0xb5: {  	v19 =	vmul.f32 $1.442695020e+00, v61;
	v44 =	vld [tilespmem:s24+$0x4010];
	v25 =	vpop (erf);
	(erf) = vpow2.f32 v15  }
0xb6: {  	v43 =	vmul.f32 $1.442695020e+00, v63;
	v46 =	vld [tilespmem:s24+$0x4020];
	v24 =	vpop (erf);
	(erf) = vpow2.f32 v17  }
0xb7: {  	v45 =	vmul.f32 $1.442695020e+00, v14;
	v48 =	vld [tilespmem:s24+$0x4030];
	v23 =	vpop (erf);
	(erf) = vpow2.f32 v19  }
0xb8: {  	v47 =	vmul.f32 $1.442695020e+00, v16;
	v50 =	vld [tilespmem:s30+$0x4800];
	v22 =	vpop (erf);
	(erf) = vpow2.f32 v43  }
0xb9: {  	v49 =	vmul.f32 $1.442695020e+00, v18;
	v52 =	vld [tilespmem:s24+$0x4810];
	v21 =	vpop (erf);
	(erf) = vpow2.f32 v45  }
0xba: {  	v53 =	vmul.f32 $1.442695020e+00, v44;
	v54 =	vld [tilespmem:s24+$0x4820];
	v20 =	vpop (erf);
	(erf) = vpow2.f32 v47  }
0xbb: {  	v9 =	vadd.f32 v41, v37;
	v55 =	vmul.f32 $1.442695020e+00, v46;
	v62 =	vld [tilespmem:s24+$0x5020];
	v19 =	vpop (erf);
	(erf) = vpow2.f32 v49  }
0xbc: {  	v10 =	vadd.f32 v13, v42;
	v56 =	vld [tilespmem:s24+$0x4830];
	v57 =	vmul.f32 $1.442695020e+00, v48;
	v18 =	vpop (erf);
	(erf) = vpow2.f32 v51  }
0xbd: {  	v11 =	vadd.f32 v36, v38;
	v58 =	vld [tilespmem:s30+$0x5000];
	v59 =	vmul.f32 $1.442695020e+00, v50;
	v17 =	vpop (erf);
	(erf) = vpow2.f32 v53  }
0xbe: {  	v60 =	vld [tilespmem:s24+$0x5010];
	v61 =	vmul.f32 $1.442695020e+00, v52;
	v12 =	vadd.f32 v34, v35;
	v16 =	vpop (erf);
	(erf) = vpow2.f32 v55  }
0xbf: {  	v9 =	vadd.f32 v33, v9;
	v48 =	vld [tilespmem:s24+$0x5030];
	v63 =	vmul.f32 $1.442695020e+00, v54;
	v15 =	vpop (erf);
	(erf) = vpow2.f32 v57  }
0xc0: {  	v10 =	vadd.f32 v32, v10;
	v46 =	vld [tilespmem:s24+$0x5820];
	v54 =	vmul.f32 $1.442695020e+00, v62;
	v14 =	vpop (erf);
	(erf) = vpow2.f32 v59  }
0xc1: {  	v40 =	vadd.f32 v31, v11;
	v50 =	vld [tilespmem:s30+$0x5800];
	v49 =	vmul.f32 $1.442695020e+00, v56;
	v11 =	vpop (erf);
	(erf) = vpow2.f32 v61  }
0xc2: {  	v43 =	vadd.f32 v30, v12;
	v45 =	vld [tilespmem:s24+$0x5810];
	v51 =	vmul.f32 $1.442695020e+00, v58;
	v12 =	vpop (erf);
	(erf) = vpow2.f32 v63  }
0xc3: {  	v44 =	vadd.f32 v29, v9;
	v62 =	vld [tilespmem:s24+$0x6820];
	v53 =	vmul.f32 $1.442695020e+00, v60;
	v9 =	vpop (erf);
	(erf) = vpow2.f32 v49  }
0xc4: {  	v52 =	vadd.f32 v28, v10;
	v56 =	vmul.f32 $1.442695020e+00, v48;
	v55 =	vld [tilespmem:s24+$0x5830];
	v10 =	vpop (erf);
	(erf) = vpow2.f32 v51  }
0xc5: {  	v47 =	vld [tilespmem:s30+$0x6000];
	v60 =	vmul.f32 $1.442695020e+00, v46;
	v8 =	vpop (erf);
	(erf) = vpow2.f32 v53  }
0xc6: {  	v48 =	vld [tilespmem:s24+$0x6010];
	v57 =	vmul.f32 $1.442695020e+00, v50;
	v5 =	vpop (erf);
	(erf) = vpow2.f32 v54  }
0xc7: {  	v40 =	vadd.f32 v27, v40;
	v58 =	vmul.f32 $1.442695020e+00, v45;
	v59 =	vld [tilespmem:s24+$0x6020];
	v7 =	vpop (erf);
	(erf) = vpow2.f32 v56  }
0xc8: {  	v44 =	vadd.f32 v25, v44;
	v62 =	vmul.f32 $1.442695020e+00, v62;
	v61 =	vld [tilespmem:s24+$0x6030];
	v6 =	vpop (erf);
	(erf) = vpow2.f32 v57  }
0xc9: {  	v40 =	vadd.f32 v23, v40;
	v50 =	vmul.f32 $1.442695020e+00, v55;
	v51 =	vld [tilespmem:s30+$0x6800];
	v1 =	vpop (erf);
	(erf) = vpow2.f32 v58  }
0xca: {  	v47 =	vmul.f32 $1.442695020e+00, v47;
	v49 =	vadd.f32 v24, v52;
	v52 =	vld [tilespmem:s24+$0x6810];
	v4 =	vpop (erf);
	(erf) = vpow2.f32 v60  }
0xcb: {  	v43 =	vadd.f32 v26, v43;
	v48 =	vmul.f32 $1.442695020e+00, v48;
	v0 =	vpop (erf);
	(erf) = vpow2.f32 v50  }
0xcc: {  	v44 =	vadd.f32 v21, v44;
	v63 =	vld [tilespmem:s24+$0x6830];
	v45 =	vmul.f32 $1.442695020e+00, v59;
	v2 =	vpop (erf);
	(erf) = vpow2.f32 v47  }
0xcd: {  	v43 =	vadd.f32 v22, v43;
	v46 =	vmul.f32 $1.442695020e+00, v61;
	v53 =	vpop (erf);
	(erf) = vpow2.f32 v48;
	v48 =	vld [tilespmem:s30+$0x7000]  }
0xce: {  	v40 =	vadd.f32 v19, v40;
	v3 =	vmul.f32 $1.442695020e+00, v51;
	v60 =	vld [tilespmem:s24+$0x7010];
	v54 =	vpop (erf);
	(erf) = vpow2.f32 v45  }
0xcf: {  	v44 =	vadd.f32 v17, v44;
	v61 =	vmul.f32 $1.442695020e+00, v52;
	v52 =	vld [tilespmem:s24+$0x7020];
	v55 =	vpop (erf);
	(erf) = vpow2.f32 v46  }
0xd0: {  	v43 =	vadd.f32 v18, v43;
	v40 =	vadd.f32 v15, v40;
	v50 =	vld [tilespmem:s24+$0x7030];
	v56 =	vpop (erf);
	(erf) = vpow2.f32 v3  }
0xd1: {  	v44 =	vadd.f32 v11, v44;
	v63 =	vmul.f32 $1.442695020e+00, v63;
	v57 =	vpop (erf);
	(erf) = vpow2.f32 v61  }
0xd2: {  	v49 =	vadd.f32 v20, v49;
	v47 =	vld [tilespmem:s30+$0x7800];
	v58 =	vpop (erf);
	(erf) = vpow2.f32 v62;
	v45 =	vmul.f32 $1.442695020e+00, v48  }
0xd3: {  	v40 =	vadd.f32 v9, v40;
	v3 =	vmul.f32 $1.442695020e+00, v60;
	v48 =	vld [tilespmem:s24+$0x7810];
	v59 =	vpop (erf);
	(erf) = vpow2.f32 v63  }
0xd4: {  	v49 =	vadd.f32 v16, v49;
	v51 =	vld [tilespmem:s24+$0x7820];
	v60 =	vpop (erf);
	(erf) = vpow2.f32 v45;
	v45 =	vmul.f32 $1.442695020e+00, v52  }
0xd5: {  	v44 =	vadd.f32 v8, v44;
	v52 =	vld [tilespmem:s24+$0x7830];
	v61 =	vpop (erf);
	(erf) = vpow2.f32 v3;
	v3 =	vmul.f32 $1.442695020e+00, v50  }
0xd6: {  	v40 =	vadd.f32 v7, v40;
	v49 =	vadd.f32 v12, v49;
	v50 =	vld [tilespmem:s30+$0x8000]  }
0xd7: {  	v44 =	vadd.f32 v1, v44;
	v62 =	vpop (erf);
	(erf) = vpow2.f32 v45;
	v45 =	vmul.f32 $1.442695020e+00, v47;
	v47 =	vld [tilespmem:s24+$0x8010]  }
0xd8: {  	v49 =	vadd.f32 v5, v49;
	v63 =	vpop (erf);
	(erf) = vpow2.f32 v3;
	v46 =	vmul.f32 $1.442695020e+00, v48;
	v48 =	vld [tilespmem:s24+$0x8020]  }
0xd9: {  	[tilespmem:$0x1FFE0] =	vst v1;
	v40 =	vadd.f32 v0, v40;
	v3 =	vpop (erf);
	(erf) = vpow2.f32 v45;
	v45 =	vmul.f32 $1.442695020e+00, v51;
	v51 =	vld [tilespmem:s24+$0x8030]  }
0xda: {  	[tilespmem:$0x1FFF0] =	vst v0;
	v49 =	vadd.f32 v4, v49;
	v1 =	vmul.f32 $1.442695020e+00, v52;
	v52 =	vld [tilespmem:s30+$0x8800];
	v0 =	vpop (erf);
	(erf) = vpow2.f32 v46  }
0xdb: {  	v44 =	vadd.f32 v53, v44;
	v53 =	vpop (erf);
	(erf) = vpow2.f32 v45;
	v45 =	vmul.f32 $1.442695020e+00, v50;
	v50 =	vld [tilespmem:s24+$0x8810]  }
0xdc: {  	v43 =	vadd.f32 v14, v43;
	v49 =	vadd.f32 v54, v49;
	v54 =	vpop (erf);
	(erf) = vpow2.f32 v1  }
0xdd: {  	(erf) = vpow2.f32 v45;
	v45 =	vmul.f32 $1.442695020e+00, v48  }
0xde: {  	v43 =	vadd.f32 v10, v43;
	v1 =	vmul.f32 $1.442695020e+00, v47;
	v47 =	vld [tilespmem:s24+$0x8820];
	v51 =	vmul.f32 $1.442695020e+00, v51  }
0xdf: {  	v40 =	vadd.f32 v55, v40;
	v55 =	vpop (erf);
	v48 =	vld [tilespmem:s24+$0x8830];
	v52 =	vmul.f32 $1.442695020e+00, v52  }
0xe0: {  	v43 =	vadd.f32 v6, v43;
	(erf) = vpow2.f32 v1;
	v46 =	vpop (erf);
	v1 =	vld [tilespmem:s30+$0x9000];
	v50 =	vmul.f32 $1.442695020e+00, v50  }
0xe1: {  	v44 =	vadd.f32 v57, v44;
	(erf) = vpow2.f32 v45;
	v45 =	vpop (erf)  }
0xe2: {  	v43 =	vadd.f32 v2, v43;
	v57 =	vld [tilespmem:s24+$0x9010];
	(erf) = vpow2.f32 v51;
	v51 =	vpop (erf)  }
0xe3: {  	v44 =	vadd.f32 v61, v44;
	v47 =	vmul.f32 $1.442695020e+00, v47;
	(erf) = vpow2.f32 v52;
	v52 =	vpop (erf)  }
0xe4: {  	v49 =	vadd.f32 v58, v49;
	v48 =	vmul.f32 $1.442695020e+00, v48;
	(erf) = vpow2.f32 v50;
	v50 =	vpop (erf)  }
0xe5: {  	v43 =	vadd.f32 v56, v43;
	v1 =	vmul.f32 $1.442695020e+00, v1;
	(erf) = vpow2.f32 v47;
	v47 =	vld [tilespmem:s24+$0x9020];
	v58 =	vpop (erf)  }
0xe6: {  	v40 =	vadd.f32 v59, v40;
	v49 =	vadd.f32 v62, v49;
	(erf) = vpow2.f32 v48;
	v61 =	vpop (erf)  }
0xe7: {  	v56 =	vld [tilespmem:s24+$0x9030];
	v0 =	vadd.f32 v0, v44;
	v44 =	vpop (erf);
	(erf) = vpow2.f32 v1;
	v1 =	vmul.f32 $1.442695020e+00, v57  }
0xe8: {  	v43 =	vadd.f32 v60, v43;
	v49 =	vadd.f32 v53, v49  }
0xe9: {  	v40 =	vadd.f32 v63, v40;
	v0 =	vadd.f32 v46, v0;
	v48 =	vpop (erf);
	(erf) = vpow2.f32 v1  }
0xea: {  	v63 =	vadd.f32 v3, v43;
	v45 =	vadd.f32 v45, v49;
	v46 =	vpop (erf);
	v47 =	vmul.f32 $1.442695020e+00, v47  }
0xeb: {  	v40 =	vadd.f32 v54, v40;
	v0 =	vadd.f32 v50, v0;
	v1 =	vpop (erf)  }
0xec: {  	v45 =	vadd.f32 v58, v45;
	v58 =	vmul.f32 $1.442695020e+00, v56;
	(erf) = vpow2.f32 v47;
	v53 =	vpop (erf)  }
0xed: {  	v62 =	vmov v2;
	v2 =	vadd.f32 v55, v63;
	v54 =	vpop (erf)  }
0xee: {  	v40 =	vadd.f32 v51, v40;
	v0 =	vadd.f32 v48, v0;
	(erf) = vpow2.f32 v58;
	v57 =	vpop (erf)  }
0xef: {  	v2 =	vadd.f32 v52, v2;
	v45 =	vadd.f32 v46, v45;
	v59 =	vpop (erf)  }
0xf0: {  	v40 =	vadd.f32 v61, v40;
	v0 =	vadd.f32 v54, v0;
	v60 =	vpop (erf)  }
0xf1: {  	v2 =	vadd.f32 v44, v2;
	v45 =	vadd.f32 v57, v45;
	v61 =	vpop (erf)  }
0xf2: {  	v1 =	vadd.f32 v1, v40;
	v0 =	vadd.f32 v61, v0;
	v63 =	vpop (erf)  }
0xf3: {  	v40 =	vadd.f32 v63, v45  }
0xf4: {  	v46 =	vadd.f32 v53, v2;
	v45 =	vadd.f32 v59, v1;
	(erf) = vrcp.f32 v0  }
0xf5: {  	v47 =	vpop (erf);
	(erf) = vrcp.f32 v40  }
0xf6: {  	v1 =	vadd.f32 v60, v46;
	v0 =	vadd.f32 v47, v45  }
0xf7: {  	v48 =	vpop (erf)  }
0xf8: {  	v49 =	vadd.f32 v48, v1;
	(erf) = vrcp.f32 v0;
	_ =	sdelay $0x1  }
0xf9: {  	(erf) = vrcp.f32 v49;
	_ =	sdelay $0x2  }
0xfa: {  	v50 =	vpop (erf)  }
0xfb: {  	v45 =	vmul.f32 $2.048000000e+03, v50;
	v51 =	vpop (erf)  }
0xfc: {  	v44 =	vmul.f32 $2.048000000e+03, v51  }
0xfd: {  	v52 =	vmul.f32 v45, v37;
	v11 =	vmul.f32 v45, v11  }
0xfe: {  	v53 =	vpop (erf);
	v8 =	vmul.f32 v45, v8;
	v54 =	vmul.f32 v44, v42  }
0xff: {  	v42 =	vmul.f32 $2.048000000e+03, v53;
	v12 =	vmul.f32 v44, v12  }
0x100: {  	v56 =	vpop (erf);
	v5 =	vmul.f32 v44, v5;
	v4 =	vmul.f32 v44, v4  }
0x101: {  	v0 =	vtrunc.f32 v52;
	v43 =	vmul.f32 $2.048000000e+03, v56  }
0x102: {  	v52 =	vmul.f32 v45, v41;
	v11 =	vtrunc.f32 v11  }
0x103: {  	v8 =	vtrunc.f32 v8;
	v0 =	vcvt.f32.s32 v0  }
0x104: {  	v55 =	vtrunc.f32 v54;
	v57 =	vmul.f32 v42, v38  }
0x105: {  	v15 =	vmul.f32 v42, v15;
	v11 =	vcvt.f32.s32 v11  }
0x106: {  	v12 =	vtrunc.f32 v12;
	v9 =	vmul.f32 v42, v9  }
0x107: {  	v8 =	vcvt.f32.s32 v8;
	v5 =	vtrunc.f32 v5  }
0x108: {  	v7 =	vmul.f32 v42, v7;
	v4 =	vtrunc.f32 v4  }
0x109: {  	v1 =	vcvt.f32.s32 v55;
	v60 =	vmul.f32 v43, v35  }
0x10a: {  	v40 =	vld [tilespmem:s24+$0x9800];
	v56 =	vtrunc.f32 v52;
	v52 =	vmul.f32 v43, v34  }
0x10b: {  	v14 =	vmul.f32 v43, v14;
	v12 =	vcvt.f32.s32 v12  }
0x10c: {  	v10 =	vmul.f32 v43, v10;
	v5 =	vcvt.f32.s32 v5  }
0x10d: {  	v37 =	vld [tilespmem:s24+$0x9810];
	v6 =	vmul.f32 v43, v6;
	v4 =	vcvt.f32.s32 v4  }
0x10e: {  	v46 =	vtrunc.f32 v57;
	v47 =	vcvt.f32.s32 v56  }
0x10f: {  	vm11 =	veq.s32 v40, $0x0;
	v57 =	vmul.f32 v44, v13;
	v56 =	vmul.f32 v45, v33  }
0x110: {  	vm6 =	veq.s32 v40, $0x1;
	v15 =	vtrunc.f32 v15;
	v9 =	vtrunc.f32 v9  }
0x111: {  	vm0 =	vlt.s32 v0, $0x7FF;
	v7 =	vtrunc.f32 v7;
	v59 =	vcvt.f32.s32 v46  }
0x112: {  	vm12 =	veq.s32 v37, $0x0;
	v63 =	vtrunc.f32 v60;
	v60 =	vmul.f32 v42, v36  }
0x113: {  	vm8 =	veq.s32 v37, $0x1;
	v15 =	vcvt.f32.s32 v15;
	v14 =	vtrunc.f32 v14  }
0x114: {  	v38 =	vld [tilespmem:s24+$0x9820];
	v0 =	vnsel vm0, $0x7FF, v0;
	v9 =	vcvt.f32.s32 v9;
	v10 =	vtrunc.f32 v10  }
0x115: {  	vm1 =	vlt.s32 v1, $0x7FF;
	v7 =	vcvt.f32.s32 v7;
	v6 =	vtrunc.f32 v6  }
0x116: {  	v58 =	vsub.s32 $0x57FF, v0;
	v1 =	vnsel vm1, $0x7FF, v1;
	v54 =	vcvt.f32.s32 v63  }
0x117: {  	v35 =	vld [tilespmem:s24+$0x9830];
	vm5 =	vlt.s32 v47, $0x7FF;
	v14 =	vcvt.f32.s32 v14;
	v10 =	vcvt.f32.s32 v10  }
0x118: {  	v6 =	vcvt.f32.s32 v6;
	v46 =	vsel vm11, v58, v0;
	v61 =	vsub.s32 $0x57FF, v1  }
0x119: {  	vm13 =	vlt.s32 v59, $0x7FF;
	vm14 =	veq.s32 v38, $0x0;
	v47 =	vnsel vm5, $0x7FF, v47  }
0x11a: {  	v51 =	vtrunc.f32 v60;
	vm10 =	veq.s32 v38, $0x1;
	v60 =	vmul.f32 v44, v32  }
0x11b: {  	v41 =	vsel vm12, v61, v1;
	v53 =	vnsel vm13, $0x7FF, v59;
	vm15 =	vlt.s32 v54, $0x7FF  }
0x11c: {  	vm4 =	veq.s32 v35, $0x0;
	v59 =	vtrunc.f32 v57;
	v61 =	vsub.s32 $0x5FFF, v47  }
0x11d: {  	v63 =	vadd.s32 $0x800, v47;
	v47 =	vcvt.f32.s32 v51;
	vm12 =	veq.s32 v35, $0x1  }
0x11e: {  	v55 =	vsub.s32 $0x57FF, v53;
	v58 =	vnsel vm15, $0x7FF, v54;
	v2 =	vcvt.f32.s32 v59  }
0x11f: {  	v34 =	vsel vm6, v61, v63;
	v59 =	vtrunc.f32 v56;
	v51 =	vtrunc.f32 v60  }
0x120: {  	v56 =	vmul.f32 v43, v30;
	v60 =	vmul.f32 v45, v29;
	vm6 =	veq.s32 v38, $0x2  }
0x121: {  	v13 =	vsel vm14, v55, v53;
	v1 =	vsub.s32 $0x57FF, v58;
	vm9 =	vlt.s32 v47, $0x7FF  }
0x122: {  	v55 =	vtrunc.f32 v52;
	v52 =	vmul.f32 v42, v31;
	vm14 =	veq.s32 v40, $0x2  }
0x123: {  	v36 =	vsel vm4, v1, v58;
	vm7 =	vlt.s32 v2, $0x7FF;
	v47 =	vnsel vm9, $0x7FF, v47  }
0x124: {  	vm4 =	veq.s32 v37, $0x2;
	v2 =	vnsel vm7, $0x7FF, v2;
	v57 =	vsub.s32 $0x5FFF, v47  }
0x125: {  	v58 =	vadd.s32 $0x800, v47;
	v47 =	vcvt.f32.s32 v59;
	v59 =	vtrunc.f32 v56  }
0x126: {  	v56 =	vmul.f32 v42, v27;
	v53 =	vsub.s32 $0x5FFF, v2;
	v54 =	vadd.s32 $0x800, v2  }
0x127: {  	v2 =	vcvt.f32.s32 v55;
	v32 =	vsel vm10, v57, v58;
	v55 =	vtrunc.f32 v52  }
0x128: {  	v52 =	vmul.f32 v44, v28;
	vm10 =	veq.s32 v40, $0x3;
	vm13 =	vlt.s32 v47, $0x7FF  }
0x129: {  	v33 =	vsel vm8, v53, v54;
	vm11 =	vlt.s32 v2, $0x7FF;
	v47 =	vnsel vm13, $0x7FF, v47  }
0x12a: {  	vm8 =	veq.s32 v35, $0x2;
	v2 =	vnsel vm11, $0x7FF, v2;
	v53 =	vsub.s32 $0x67FF, v47  }
0x12b: {  	v54 =	vadd.s32 $0x1000, v47;
	v47 =	vcvt.f32.s32 v55;
	v55 =	vtrunc.f32 v52  }
0x12c: {  	v52 =	vmul.f32 v45, v25;
	v61 =	vsub.s32 $0x5FFF, v2;
	v63 =	vadd.s32 $0x800, v2  }
0x12d: {  	v2 =	vcvt.f32.s32 v51;
	v30 =	vsel vm14, v53, v54;
	v51 =	vtrunc.f32 v60  }
0x12e: {  	v60 =	vmul.f32 v43, v26;
	vm14 =	veq.s32 v38, $0x3;
	vm5 =	vlt.s32 v47, $0x7FF  }
0x12f: {  	v31 =	vsel vm12, v61, v63;
	vm15 =	vlt.s32 v2, $0x7FF;
	v47 =	vnsel vm5, $0x7FF, v47  }
0x130: {  	vm12 =	veq.s32 v37, $0x3;
	v2 =	vnsel vm15, $0x7FF, v2;
	v61 =	vsub.s32 $0x67FF, v47  }
0x131: {  	v63 =	vadd.s32 $0x1000, v47;
	v47 =	vcvt.f32.s32 v51;
	v51 =	vtrunc.f32 v60  }
0x132: {  	v60 =	vmul.f32 v42, v23;
	v57 =	vsub.s32 $0x67FF, v2;
	v58 =	vadd.s32 $0x1000, v2  }
0x133: {  	v2 =	vcvt.f32.s32 v59;
	v28 =	vsel vm6, v61, v63;
	v59 =	vtrunc.f32 v56  }
0x134: {  	v56 =	vmul.f32 v44, v24;
	vm6 =	veq.s32 v40, $0x4;
	vm9 =	vlt.s32 v47, $0x7FF  }
0x135: {  	v29 =	vsel vm4, v57, v58;
	vm7 =	vlt.s32 v2, $0x7FF;
	v47 =	vnsel vm9, $0x7FF, v47  }
0x136: {  	vm4 =	veq.s32 v35, $0x3;
	v2 =	vnsel vm7, $0x7FF, v2;
	v57 =	vsub.s32 $0x6FFF, v47  }
0x137: {  	v58 =	vadd.s32 $0x1800, v47;
	v47 =	vcvt.f32.s32 v59;
	v59 =	vtrunc.f32 v56  }
0x138: {  	v56 =	vmul.f32 v45, v21;
	v53 =	vsub.s32 $0x67FF, v2;
	v54 =	vadd.s32 $0x1000, v2  }
0x139: {  	v2 =	vcvt.f32.s32 v55;
	v26 =	vsel vm10, v57, v58;
	v55 =	vtrunc.f32 v52  }
0x13a: {  	v52 =	vmul.f32 v43, v22;
	vm10 =	veq.s32 v38, $0x4;
	vm13 =	vlt.s32 v47, $0x7FF  }
0x13b: {  	v27 =	vsel vm8, v53, v54;
	vm11 =	vlt.s32 v2, $0x7FF;
	v47 =	vnsel vm13, $0x7FF, v47  }
0x13c: {  	vm8 =	veq.s32 v37, $0x4;
	v2 =	vnsel vm11, $0x7FF, v2;
	v53 =	vsub.s32 $0x6FFF, v47  }
0x13d: {  	v54 =	vadd.s32 $0x1800, v47;
	v47 =	vcvt.f32.s32 v55;
	v55 =	vtrunc.f32 v52  }
0x13e: {  	v52 =	vmul.f32 v42, v19;
	v61 =	vsub.s32 $0x6FFF, v2;
	v63 =	vadd.s32 $0x1800, v2  }
0x13f: {  	v2 =	vcvt.f32.s32 v51;
	v24 =	vsel vm14, v53, v54;
	v51 =	vtrunc.f32 v60  }
0x140: {  	v60 =	vmul.f32 v44, v20;
	vm14 =	veq.s32 v40, $0x5;
	vm5 =	vlt.s32 v47, $0x7FF  }
0x141: {  	v25 =	vsel vm12, v61, v63;
	vm15 =	vlt.s32 v2, $0x7FF;
	v47 =	vnsel vm5, $0x7FF, v47  }
0x142: {  	vm12 =	veq.s32 v35, $0x4;
	v2 =	vnsel vm15, $0x7FF, v2;
	v61 =	vsub.s32 $0x77FF, v47  }
0x143: {  	v63 =	vadd.s32 $0x2000, v47;
	v47 =	vcvt.f32.s32 v51;
	v51 =	vtrunc.f32 v60  }
0x144: {  	v60 =	vmul.f32 v45, v17;
	v57 =	vsub.s32 $0x6FFF, v2;
	v58 =	vadd.s32 $0x1800, v2  }
0x145: {  	v2 =	vcvt.f32.s32 v59;
	v22 =	vsel vm6, v61, v63;
	v59 =	vtrunc.f32 v56  }
0x146: {  	v56 =	vmul.f32 v43, v18;
	vm6 =	veq.s32 v38, $0x5;
	vm9 =	vlt.s32 v47, $0x7FF  }
0x147: {  	v23 =	vsel vm4, v57, v58;
	vm7 =	vlt.s32 v2, $0x7FF;
	v47 =	vnsel vm9, $0x7FF, v47  }
0x148: {  	vm4 =	veq.s32 v37, $0x5;
	v2 =	vnsel vm7, $0x7FF, v2;
	v57 =	vsub.s32 $0x77FF, v47  }
0x149: {  	v58 =	vadd.s32 $0x2000, v47;
	v47 =	vcvt.f32.s32 v59;
	v59 =	vtrunc.f32 v56  }
0x14a: {  	v53 =	vsub.s32 $0x77FF, v2;
	v54 =	vadd.s32 $0x2000, v2;
	v2 =	vcvt.f32.s32 v55  }
0x14b: {  	v20 =	vsel vm10, v57, v58;
	v55 =	vtrunc.f32 v52;
	v52 =	vtrunc.f32 v60  }
0x14c: {  	vm10 =	veq.s32 v40, $0x6;
	v21 =	vsel vm8, v53, v54;
	vm13 =	vlt.s32 v47, $0x7FF  }
0x14d: {  	vm8 =	veq.s32 v35, $0x5;
	vm11 =	vlt.s32 v2, $0x7FF;
	v47 =	vnsel vm13, $0x7FF, v47  }
0x14e: {  	vm13 =	vlt.s32 v15, $0x7FF;
	v2 =	vnsel vm11, $0x7FF, v2;
	v53 =	vsub.s32 $0x7FFF, v47  }
0x14f: {  	v54 =	vadd.s32 $0x2800, v47;
	v47 =	vcvt.f32.s32 v55;
	v15 =	vnsel vm13, $0x7FF, v15  }
0x150: {  	vm13 =	vlt.s32 v8, $0x7FF;
	v61 =	vsub.s32 $0x77FF, v2;
	v63 =	vadd.s32 $0x2000, v2  }
0x151: {  	v2 =	vcvt.f32.s32 v51;
	v18 =	vsel vm14, v53, v54;
	v53 =	vmul.f32 v44, v16  }
0x152: {  	[tilespmem:v46+s26+$0x0] =	vst.idx.add.f32.msk $0xffff, v39;
	vm14 =	veq.s32 v38, $0x6;
	v60 =	vsub.s32 $0x87FF, v15;
	v15 =	vadd.s32 $0x3000, v15  }
0x153: {  	[tilespmem:v41+s26+$0x0] =	vst.idx.add.f32.msk $0xffff, v39;
	v8 =	vnsel vm13, $0x7FF, v8;
	v19 =	vsel vm12, v61, v63;
	vm5 =	vlt.s32 v47, $0x7FF  }
0x154: {  	[tilespmem:v13+s26+$0x0] =	vst.idx.add.f32.msk $0xffff, v39;
	vm12 =	veq.s32 v37, $0x6;
	v15 =	vsel vm14, v60, v15;
	vm14 =	veq.s32 v40, $0x8  }
0x155: {  	[tilespmem:v36+s26+$0x0] =	vst.idx.add.f32.msk $0xffff, v39;
	v36 =	vsub.s32 $0x97FF, v8;
	v8 =	vadd.s32 $0x4000, v8;
	vm15 =	vlt.s32 v2, $0x7FF  }
0x156: {  	v47 =	vnsel vm5, $0x7FF, v47;
	vm5 =	vlt.s32 v11, $0x7FF;
	v8 =	vsel vm14, v36, v8  }
0x157: {  	vm14 =	veq.s32 v38, $0x9;
	v2 =	vnsel vm15, $0x7FF, v2;
	v61 =	vsub.s32 $0x7FFF, v47  }
0x158: {  	v46 =	vld [tilespmem:$0x1FFE0];
	v63 =	vadd.s32 $0x2800, v47;
	v47 =	vcvt.f32.s32 v52;
	vm15 =	vlt.s32 v14, $0x7FF  }
0x159: {  	[tilespmem:v34+s26+$0x0] =	vst.idx.add.f32.msk $0xffff, v39;
	v11 =	vnsel vm5, $0x7FF, v11;
	vm5 =	vlt.s32 v7, $0x7FF;
	v57 =	vsub.s32 $0x7FFF, v2  }
0x15a: {  	[tilespmem:v33+s26+$0x0] =	vst.idx.add.f32.msk $0xffff, v39;
	v58 =	vadd.s32 $0x2800, v2;
	v2 =	vcvt.f32.s32 v59;
	v54 =	vsel vm6, v61, v63  }
0x15b: {  	[tilespmem:v32+s26+$0x0] =	vst.idx.add.f32.msk $0xffff, v39;
	v14 =	vnsel vm15, $0x7FF, v14;
	vm6 =	veq.s32 v40, $0x7;
	v63 =	vsub.s32 $0x8FFF, v11  }
0x15c: {  	[tilespmem:v31+s26+$0x0] =	vst.idx.add.f32.msk $0xffff, v39;
	v11 =	vadd.s32 $0x3800, v11;
	vm15 =	vlt.s32 v5, $0x7FF;
	v7 =	vnsel vm5, $0x7FF, v7  }
0x15d: {  	[tilespmem:v30+s26+$0x0] =	vst.idx.add.f32.msk $0xffff, v39;
	v17 =	vsel vm4, v57, v58;
	vm9 =	vlt.s32 v47, $0x7FF;
	v57 =	vtrunc.f32 v53  }
0x15e: {  	[tilespmem:v29+s26+$0x0] =	vst.idx.add.f32.msk $0xffff, v39;
	vm4 =	veq.s32 v35, $0x6;
	v61 =	vsub.s32 $0x87FF, v14;
	v14 =	vadd.s32 $0x3000, v14  }
0x15f: {  	[tilespmem:v28+s26+$0x0] =	vst.idx.add.f32.msk $0xffff, v39;
	v11 =	vsel vm6, v63, v11;
	v5 =	vnsel vm15, $0x7FF, v5;
	vm6 =	veq.s32 v38, $0x8  }
0x160: {  	[tilespmem:v27+s26+$0x0] =	vst.idx.add.f32.msk $0xffff, v39;
	v48 =	vsub.s32 $0x97FF, v7;
	v7 =	vadd.s32 $0x4000, v7;
	vm15 =	veq.s32 v35, $0x9  }
0x161: {  	[tilespmem:v26+s26+$0x0] =	vst.idx.add.f32.msk $0xffff, v39;
	vm7 =	vlt.s32 v2, $0x7FF;
	v47 =	vnsel vm9, $0x7FF, v47;
	v14 =	vsel vm4, v61, v14  }
0x162: {  	[tilespmem:v25+s26+$0x0] =	vst.idx.add.f32.msk $0xffff, v39;
	vm9 =	vlt.s32 v9, $0x7FF;
	vm4 =	veq.s32 v37, $0x8;
	v41 =	vsub.s32 $0x97FF, v5  }
0x163: {  	[tilespmem:v24+s26+$0x0] =	vst.idx.add.f32.msk $0xffff, v39;
	v5 =	vadd.s32 $0x4000, v5;
	v52 =	vsel vm6, v48, v7;
	v2 =	vnsel vm7, $0x7FF, v2  }
0x164: {  	[tilespmem:v23+s26+$0x0] =	vst.idx.add.f32.msk $0xffff, v39;
	v58 =	vsub.s32 $0x87FF, v47;
	v47 =	vadd.s32 $0x3000, v47;
	vm7 =	vlt.s32 v12, $0x7FF  }
0x165: {  	[tilespmem:v22+s26+$0x0] =	vst.idx.add.f32.msk $0xffff, v39;
	v9 =	vnsel vm9, $0x7FF, v9;
	v5 =	vsel vm4, v41, v5;
	v55 =	vsub.s32 $0x7FFF, v2  }
0x166: {  	[tilespmem:v21+s26+$0x0] =	vst.idx.add.f32.msk $0xffff, v39;
	v56 =	vadd.s32 $0x2800, v2;
	v2 =	vcvt.f32.s32 v57;
	v1 =	vsel vm10, v58, v47  }
0x167: {  	[tilespmem:v20+s26+$0x0] =	vst.idx.add.f32.msk $0xffff, v39;
	v12 =	vnsel vm7, $0x7FF, v12;
	vm10 =	veq.s32 v38, $0x7;
	v33 =	vsub.s32 $0x8FFF, v9  }
0x168: {  	[tilespmem:v19+s26+$0x0] =	vst.idx.add.f32.msk $0xffff, v39;
	v9 =	vadd.s32 $0x3800, v9;
	v47 =	vmul.f32 v45, v46;
	vm7 =	vlt.s32 v6, $0x7FF  }
0x169: {  	[tilespmem:v18+s26+$0x0] =	vst.idx.add.f32.msk $0xffff, v39;
	v0 =	vsel vm8, v55, v56;
	vm8 =	veq.s32 v37, $0x7;
	vm11 =	vlt.s32 v2, $0x7FF  }
0x16a: {  	v3 =	vsub.s32 $0x8FFF, v12;
	v12 =	vadd.s32 $0x3800, v12;
	[tilespmem:v17+s26+$0x0] =	vst.idx.add.f32.msk $0xffff, v39;
	v2 =	vnsel vm11, $0x7FF, v2  }
0x16b: {  	v9 =	vsel vm10, v33, v9;
	[tilespmem:v54+s26+$0x0] =	vst.idx.add.f32.msk $0xffff, v39;
	v59 =	vsub.s32 $0x87FF, v2;
	v2 =	vadd.s32 $0x3000, v2  }
0x16c: {  	v6 =	vnsel vm7, $0x7FF, v6;
	vm10 =	veq.s32 v40, $0x9;
	v54 =	vld [tilespmem:$0x1FFF0];
	v2 =	vsel vm12, v59, v2  }
0x16d: {  	v56 =	vmul.f32 v43, v62;
	v12 =	vsel vm8, v3, v12;
	v49 =	vtrunc.f32 v47  }
0x16e: {  	vm8 =	veq.s32 v35, $0x8;
	v51 =	vsub.s32 $0x97FF, v6;
	v6 =	vadd.s32 $0x4000, v6  }
0x16f: {  	vm11 =	vlt.s32 v10, $0x7FF;
	v50 =	vcvt.f32.s32 v49;
	v6 =	vsel vm8, v51, v6;
	[tilespmem:v0+s26+$0x0] =	vst.idx.add.f32.msk $0xffff, v39  }
0x170: {  	v10 =	vnsel vm11, $0x7FF, v10;
	vm11 =	vlt.s32 v4, $0x7FF;
	vm12 =	veq.s32 v35, $0x7;
	[tilespmem:v1+s26+$0x0] =	vst.idx.add.f32.msk $0xffff, v39  }
0x171: {  	v34 =	vsub.s32 $0x8FFF, v10;
	v10 =	vadd.s32 $0x3800, v10;
	v3 =	vmul.f32 v42, v54;
	[tilespmem:v2+s26+$0x0] =	vst.idx.add.f32.msk $0xffff, v39  }
0x172: {  	vm9 =	vlt.s32 v50, $0x7FF;
	v58 =	vnsel vm11, $0x7FF, v4;
	v10 =	vsel vm12, v34, v10;
	[tilespmem:v15+s26+$0x0] =	vst.idx.add.f32.msk $0xffff, v39  }
0x173: {  	v59 =	vtrunc.f32 v56;
	v53 =	vnsel vm9, $0x7FF, v50;
	v3 =	vtrunc.f32 v3;
	[tilespmem:v14+s26+$0x0] =	vst.idx.add.f32.msk $0xffff, v39  }
0x174: {  	vm12 =	veq.s32 v37, $0x9;
	v4 =	vcvt.f32.s32 v59;
	v57 =	vcvt.f32.s32 v3;
	[tilespmem:v11+s26+$0x0] =	vst.idx.add.f32.msk $0xffff, v39  }
0x175: {  	v60 =	vsub.s32 $0x9FFF, v58;
	v55 =	vsub.s32 $0x9FFF, v53;
	v1 =	vadd.s32 $0x4800, v53;
	[tilespmem:v12+s26+$0x0] =	vst.idx.add.f32.msk $0xffff, v39  }
0x176: {  	v1 =	vsel vm10, v55, v1;
	vm2 =	vlt.s32 v4, $0x7FF;
	vm13 =	vlt.s32 v57, $0x7FF;
	[tilespmem:v9+s26+$0x0] =	vst.idx.add.f32.msk $0xffff, v39  }
0x177: {  	v4 =	vnsel vm2, $0x7FF, v4;
	v3 =	vadd.s32 $0x4800, v58;
	v2 =	vnsel vm13, $0x7FF, v57;
	[tilespmem:v10+s26+$0x0] =	vst.idx.add.f32.msk $0xffff, v39  }
0x178: {  	v3 =	vsel vm12, v60, v3;
	v61 =	vsub.s32 $0x9FFF, v2;
	v2 =	vadd.s32 $0x4800, v2;
	[tilespmem:v8+s26+$0x0] =	vst.idx.add.f32.msk $0xffff, v39  }
0x179: {  	v62 =	vsub.s32 $0x9FFF, v4;
	v4 =	vadd.s32 $0x4800, v4;
	v2 =	vsel vm14, v61, v2;
	[tilespmem:v5+s26+$0x0] =	vst.idx.add.f32.msk $0xffff, v39  }
0x17a: {  	p0 =	sne.s32 s23, $0x1F00;
	v63 =	vsel vm15, v62, v4;
	[tilespmem:v52+s26+$0x0] =	vst.idx.add.f32.msk $0xffff, v39  }
.Ltmp1:
0x17b: {  	[tilespmem:v6+s26+$0x0] =	vst.idx.add.f32.msk $0xffff, v39;
	(pc) =	sbr.rel @p0 .LBB2_5-.Ltmp1, $4  }
0x17c: {  	[tilespmem:v1+s26+$0x0] =	vst.idx.add.f32.msk $0xffff, v39  }
0x17d: {  	[tilespmem:v3+s26+$0x0] =	vst.idx.add.f32.msk $0xffff, v39  }
0x17e: {  	[tilespmem:v2+s26+$0x0] =	vst.idx.add.f32.msk $0xffff, v39  }
0x17f: {  	s22 =	sadd.s32 $0x40, s22;
	s23 =	sadd.s32 $0x100, s23;
	[tilespmem:v63+s26+$0x0] =	vst.idx.add.f32.msk $0xffff, v39  }
0x180: {  	s22 =	sshll.u32 s21, $0x1  }
0x181: {  	s22 =	smin.u32 s22, $0x1D  }
0x182: {  	s22 =	sadd.s32 $0x2, s22  }
0x183: {  	s23 =	sshrl.u32 s22, $0x2;
	s22 =	sshll.u32 s22, $0xB  }
0x184: {  	s22 =	sand.u32 $0x1800, s22;
	s30 =	smul.u32 $0x4C0000, s23  }
0x185: {  	s24 =	sor.u32 s5, s22  }
0x186: {  	s30 =	sor.u32 s30, s24  }
0x187: {  	s31 =	sshrl.u32 s30, $0x3  }
0x188: {  	s22 =	simm.s32 $0x0;
	s0 =	sadd.s32 $0x40000, s30;
	s31 =	sadd.s32 s3, s31  }
0x189: {  	[tilespmem:s22], [sflag:$0x1] =	stream.linear.gather [hbm4b:s31+s22], $0x800, $0x38;
	[tilespmem:$0x1E000] =	vst v63  }
0x18a: {  	s31 =	sshrl.u32 s0, $0x3  }
0x18b: {  	s0 =	simm.s32 $0x800;
	s31 =	sadd.s32 s3, s31  }
0x18c: {  	[tilespmem:s0], [sflag:$0x1] =	stream.linear.gather [hbm4b:s31+s22], $0x800, $0x38;
	[tilespmem:$0x1E000] =	vst v63  }
0x18d: {  	s0 =	sadd.s32 $0x80000, s30  }
0x18e: {  	s31 =	sshrl.u32 s0, $0x3  }
0x18f: {  	s0 =	simm.s32 $0x1000;
	s31 =	sadd.s32 s3, s31  }
0x190: {  	[tilespmem:s0], [sflag:$0x1] =	stream.linear.gather [hbm4b:s31+s22], $0x800, $0x38;
	[tilespmem:$0x1E000] =	vst v63  }
0x191: {  	s0 =	sadd.s32 $0xC0000, s30  }
0x192: {  	s31 =	sshrl.u32 s0, $0x3  }
0x193: {  	s0 =	simm.s32 $0x1800;
	s31 =	sadd.s32 s3, s31  }
0x194: {  	[tilespmem:s0], [sflag:$0x1] =	stream.linear.gather [hbm4b:s31+s22], $0x800, $0x38;
	[tilespmem:$0x1E000] =	vst v63  }
0x195: {  	s0 =	sadd.s32 $0x100000, s30  }
0x196: {  	s31 =	sshrl.u32 s0, $0x3  }
0x197: {  	s0 =	sadd.s32 $0x140000, s30;
	s31 =	sadd.s32 s3, s31  }
0x198: {  	[tilespmem:s1], [sflag:$0x1] =	stream.linear.gather [hbm4b:s31+s22], $0x800, $0x38;
	[tilespmem:$0x1E000] =	vst v63  }
0x199: {  	s31 =	sshrl.u32 s0, $0x3  }
0x19a: {  	s0 =	sadd.s32 $0x180000, s30;
	s31 =	sadd.s32 s3, s31  }
0x19b: {  	[tilespmem:s2], [sflag:$0x1] =	stream.linear.gather [hbm4b:s31+s22], $0x800, $0x38;
	[tilespmem:$0x1E000] =	vst v63  }
0x19c: {  	s31 =	sshrl.u32 s0, $0x3  }
0x19d: {  	s0 =	sadd.s32 $0x1C0000, s30;
	s31 =	sadd.s32 s3, s31  }
0x19e: {  	[tilespmem:s7], [sflag:$0x1] =	stream.linear.gather [hbm4b:s31+s22], $0x800, $0x38;
	[tilespmem:$0x1E000] =	vst v63  }
0x19f: {  	s31 =	sshrl.u32 s0, $0x3  }
0x1a0: {  	s0 =	sadd.s32 $0x200000, s30;
	s31 =	sadd.s32 s3, s31  }
0x1a1: {  	[tilespmem:s8], [sflag:$0x1] =	stream.linear.gather [hbm4b:s31+s22], $0x800, $0x38;
	[tilespmem:$0x1E000] =	vst v63  }
0x1a2: {  	s31 =	sshrl.u32 s0, $0x3  }
0x1a3: {  	s0 =	sadd.s32 $0x240000, s30;
	s31 =	sadd.s32 s3, s31  }
0x1a4: {  	[tilespmem:s9], [sflag:$0x1] =	stream.linear.gather [hbm4b:s31+s22], $0x800, $0x38;
	[tilespmem:$0x1E000] =	vst v63  }
0x1a5: {  	s31 =	sshrl.u32 s0, $0x3  }
0x1a6: {  	s0 =	sadd.s32 $0x280000, s30;
	s31 =	sadd.s32 s3, s31  }
0x1a7: {  	[tilespmem:s10], [sflag:$0x1] =	stream.linear.gather [hbm4b:s31+s22], $0x800, $0x38;
	[tilespmem:$0x1E000] =	vst v63  }
0x1a8: {  	s31 =	sshrl.u32 s0, $0x3  }
0x1a9: {  	s0 =	sadd.s32 $0x2C0000, s30;
	s31 =	sadd.s32 s3, s31  }
0x1aa: {  	[tilespmem:s11], [sflag:$0x1] =	stream.linear.gather [hbm4b:s31+s22], $0x800, $0x38;
	[tilespmem:$0x1E000] =	vst v63  }
0x1ab: {  	s31 =	sshrl.u32 s0, $0x3  }
0x1ac: {  	s0 =	sadd.s32 $0x300000, s30;
	s31 =	sadd.s32 s3, s31  }
0x1ad: {  	[tilespmem:s12], [sflag:$0x1] =	stream.linear.gather [hbm4b:s31+s22], $0x800, $0x38;
	[tilespmem:$0x1E000] =	vst v63  }
0x1ae: {  	s31 =	sshrl.u32 s0, $0x3  }
0x1af: {  	s0 =	sadd.s32 $0x340000, s30;
	s31 =	sadd.s32 s3, s31  }
0x1b0: {  	[tilespmem:s13], [sflag:$0x1] =	stream.linear.gather [hbm4b:s31+s22], $0x800, $0x38;
	[tilespmem:$0x1E000] =	vst v63  }
0x1b1: {  	s31 =	sshrl.u32 s0, $0x3  }
0x1b2: {  	s0 =	sadd.s32 $0x380000, s30;
	s31 =	sadd.s32 s3, s31  }
0x1b3: {  	[tilespmem:s14], [sflag:$0x1] =	stream.linear.gather [hbm4b:s31+s22], $0x800, $0x38;
	[tilespmem:$0x1E000] =	vst v63  }
0x1b4: {  	s31 =	sshrl.u32 s0, $0x3  }
0x1b5: {  	s0 =	sadd.s32 $0x3C0000, s30;
	s31 =	sadd.s32 s3, s31  }
0x1b6: {  	[tilespmem:s15], [sflag:$0x1] =	stream.linear.gather [hbm4b:s31+s22], $0x800, $0x38;
	[tilespmem:$0x1E000] =	vst v63  }
0x1b7: {  	s31 =	sshrl.u32 s0, $0x3  }
0x1b8: {  	s0 =	sadd.s32 $0x400000, s30;
	s31 =	sadd.s32 s3, s31  }
0x1b9: {  	[tilespmem:s16], [sflag:$0x1] =	stream.linear.gather [hbm4b:s31+s22], $0x800, $0x38;
	[tilespmem:$0x1E000] =	vst v63  }
0x1ba: {  	s31 =	sshrl.u32 s0, $0x3  }
0x1bb: {  	s0 =	sadd.s32 $0x440000, s30;
	s31 =	sadd.s32 s3, s31  }
0x1bc: {  	[tilespmem:s17], [sflag:$0x1] =	stream.linear.gather [hbm4b:s31+s22], $0x800, $0x38;
	[tilespmem:$0x1E000] =	vst v63  }
0x1bd: {  	s23 =	sshll.u32 s23, $0x12;
	s30 =	sadd.s32 $0x480000, s30;
	s31 =	sshrl.u32 s0, $0x3  }
0x1be: {  	s23 =	sor.u32 s23, s24;
	s30 =	sshrl.u32 s30, $0x3;
	s31 =	sadd.s32 s3, s31  }
0x1bf: {  	[tilespmem:s18], [sflag:$0x1] =	stream.linear.gather [hbm4b:s31+s22], $0x800, $0x38;
	[tilespmem:$0x1E000] =	vst v63  }
0x1c0: {  	s23 =	sshrl.u32 s23, $0x3;
	s30 =	sadd.s32 s3, s30  }
0x1c1: {  	[tilespmem:s19], [sflag:$0x1] =	stream.linear.gather [hbm4b:s30+s22], $0x800, $0x38;
	[tilespmem:$0x1E000] =	vst v63  }
0x1c2: {  	s23 =	sadd.s32 s4, s23  }
0x1c3: {  	[tilespmem:s20], [sflag:$0x1] =	stream.linear.gather [hbm4b:s23+s22], $0x800, $0x38;
	[tilespmem:$0x1E000] =	vst v63  }
0x1c4: {  	_ =	swait.ge [sflag:s28], $0x9800  }
0x1c5: {  	[sflag:s28] =	ssyncset.done $0x0  }
0x1c6: {  	[sflag:s28] =	ssyncadd.s32 $0xFFFF6800  }
0x1c7: {  	_ =	swait.ge [sflag:s28], $0x800  }
0x1c8: {  	[sflag:s28] =	ssyncset.done $0x0  }
0x1c9: {  	s23 =	simm.s32 $0x0;
	[sflag:s28] =	ssyncadd.s32 $0xFFFFF800  }
.LBB2_7:
0x1ca: {  	s24 =	sshra.s32 s23, $0x2  }
0x1cb: {  	v0 =	vld [tilespmem:s24+$0xA000]  }
0x1cc: {  	v1 =	vld [tilespmem:s24+$0xA010]  }
0x1cd: {  	v2 =	vld [tilespmem:s24+$0xA020]  }
0x1ce: {  	s30 =	sand.u32 $0x7C0, s22;
	v3 =	vld [tilespmem:s24+$0xA030]  }
0x1cf: {  	v4 =	vld [tilespmem:s30+$0xA800]  }
0x1d0: {  	v5 =	vld [tilespmem:s24+$0xA810]  }
0x1d1: {  	v6 =	vld [tilespmem:s24+$0xA820]  }
0x1d2: {  	v58 =	vld [tilespmem:s24+$0xA830];
	v0 =	vmul.f32 $1.442695020e+00, v0;
	v1 =	vmul.f32 $1.442695020e+00, v1  }
0x1d3: {  	v60 =	vld [tilespmem:s30+$0xB000];
	v57 =	vmul.f32 $1.442695020e+00, v2;
	v59 =	vmul.f32 $1.442695020e+00, v3  }
0x1d4: {  	v62 =	vld [tilespmem:s24+$0xB010];
	v61 =	vmul.f32 $1.442695020e+00, v4;
	(erf) = vpow2.f32 v0  }
0x1d5: {  	v9 =	vld [tilespmem:s24+$0xB020];
	v63 =	vmul.f32 $1.442695020e+00, v5;
	(erf) = vpow2.f32 v1  }
0x1d6: {  	v11 =	vld [tilespmem:s24+$0xB030];
	v10 =	vmul.f32 $1.442695020e+00, v6;
	(erf) = vpow2.f32 v57  }
0x1d7: {  	v13 =	vld [tilespmem:s30+$0xB800];
	v12 =	vmul.f32 $1.442695020e+00, v58;
	(erf) = vpow2.f32 v59  }
0x1d8: {  	v15 =	vld [tilespmem:s24+$0xB810];
	v14 =	vmul.f32 $1.442695020e+00, v60;
	(erf) = vpow2.f32 v61  }
0x1d9: {  	v17 =	vld [tilespmem:s24+$0xB820];
	v16 =	vmul.f32 $1.442695020e+00, v62;
	(erf) = vpow2.f32 v63  }
0x1da: {  	v19 =	vld [tilespmem:s24+$0xB830];
	v18 =	vmul.f32 $1.442695020e+00, v9;
	(erf) = vpow2.f32 v10  }
0x1db: {  	v21 =	vld [tilespmem:s30+$0xC000];
	v20 =	vmul.f32 $1.442695020e+00, v11;
	(erf) = vpow2.f32 v12  }
0x1dc: {  	v23 =	vld [tilespmem:s24+$0xC010];
	v22 =	vmul.f32 $1.442695020e+00, v13;
	(erf) = vpow2.f32 v14  }
0x1dd: {  	v25 =	vld [tilespmem:s24+$0xC020];
	v24 =	vmul.f32 $1.442695020e+00, v15;
	v37 =	vpop (erf);
	(erf) = vpow2.f32 v16  }
0x1de: {  	v27 =	vld [tilespmem:s24+$0xC030];
	v26 =	vmul.f32 $1.442695020e+00, v17;
	v42 =	vpop (erf);
	(erf) = vpow2.f32 v18  }
0x1df: {  	v29 =	vld [tilespmem:s30+$0xC800];
	v28 =	vmul.f32 $1.442695020e+00, v19;
	v38 =	vpop (erf);
	(erf) = vpow2.f32 v20  }
0x1e0: {  	v43 =	vld [tilespmem:s24+$0xC810];
	v40 =	vmul.f32 $1.442695020e+00, v21;
	v35 =	vpop (erf);
	(erf) = vpow2.f32 v22  }
0x1e1: {  	v45 =	vld [tilespmem:s24+$0xC820];
	v44 =	vmul.f32 $1.442695020e+00, v23;
	v41 =	vpop (erf);
	(erf) = vpow2.f32 v24  }
0x1e2: {  	v47 =	vld [tilespmem:s24+$0xC830];
	v46 =	vmul.f32 $1.442695020e+00, v25;
	v11 =	vpop (erf);
	(erf) = vpow2.f32 v26  }
0x1e3: {  	v49 =	vld [tilespmem:s30+$0xD000];
	v48 =	vmul.f32 $1.442695020e+00, v27;
	v36 =	vpop (erf);
	(erf) = vpow2.f32 v28  }
0x1e4: {  	v51 =	vld [tilespmem:s24+$0xD010];
	v50 =	vmul.f32 $1.442695020e+00, v29;
	v34 =	vpop (erf);
	(erf) = vpow2.f32 v40  }
0x1e5: {  	v53 =	vld [tilespmem:s24+$0xD020];
	v52 =	vmul.f32 $1.442695020e+00, v43;
	v33 =	vpop (erf);
	(erf) = vpow2.f32 v44  }
0x1e6: {  	v55 =	vld [tilespmem:s24+$0xD030];
	v54 =	vmul.f32 $1.442695020e+00, v45;
	v32 =	vpop (erf);
	(erf) = vpow2.f32 v46  }
0x1e7: {  	v56 =	vmul.f32 $1.442695020e+00, v47;
	v13 =	vld [tilespmem:s24+$0xE010];
	v31 =	vpop (erf);
	(erf) = vpow2.f32 v48  }
0x1e8: {  	v58 =	vmul.f32 $1.442695020e+00, v49;
	v15 =	vld [tilespmem:s24+$0xE020];
	v30 =	vpop (erf);
	(erf) = vpow2.f32 v50  }
0x1e9: {  	v60 =	vmul.f32 $1.442695020e+00, v51;
	v57 =	vld [tilespmem:s30+$0xD800];
	v29 =	vpop (erf);
	(erf) = vpow2.f32 v52  }
0x1ea: {  	v62 =	vmul.f32 $1.442695020e+00, v53;
	v59 =	vld [tilespmem:s24+$0xD810];
	v28 =	vpop (erf);
	(erf) = vpow2.f32 v54  }
0x1eb: {  	v9 =	vmul.f32 $1.442695020e+00, v55;
	v61 =	vld [tilespmem:s24+$0xD820];
	v27 =	vpop (erf);
	(erf) = vpow2.f32 v56  }
0x1ec: {  	v47 =	vmul.f32 $1.442695020e+00, v13;
	v63 =	vld [tilespmem:s24+$0xD830];
	v26 =	vpop (erf);
	(erf) = vpow2.f32 v58  }
0x1ed: {  	v49 =	vmul.f32 $1.442695020e+00, v15;
	v10 =	vld [tilespmem:s30+$0xE000];
	v25 =	vpop (erf);
	(erf) = vpow2.f32 v60  }
0x1ee: {  	v12 =	vmul.f32 $1.442695020e+00, v57;
	v24 =	vpop (erf);
	(erf) = vpow2.f32 v62  }
0x1ef: {  	v14 =	vmul.f32 $1.442695020e+00, v59;
	v40 =	vld [tilespmem:s24+$0xE030];
	v23 =	vpop (erf);
	(erf) = vpow2.f32 v9  }
0x1f0: {  	v17 =	vmul.f32 $1.442695020e+00, v61;
	v44 =	vld [tilespmem:s30+$0xE800];
	v22 =	vpop (erf);
	(erf) = vpow2.f32 v12  }
0x1f1: {  	v43 =	vmul.f32 $1.442695020e+00, v63;
	v46 =	vld [tilespmem:s24+$0xE810];
	v21 =	vpop (erf);
	(erf) = vpow2.f32 v14  }
0x1f2: {  	v45 =	vmul.f32 $1.442695020e+00, v10;
	v48 =	vld [tilespmem:s24+$0xE820];
	v20 =	vpop (erf);
	(erf) = vpow2.f32 v17  }
0x1f3: {  	v7 =	vadd.f32 v41, v37;
	v8 =	vadd.f32 v11, v42;
	v50 =	vld [tilespmem:s24+$0xE830];
	v19 =	vpop (erf);
	(erf) = vpow2.f32 v43  }
0x1f4: {  	v10 =	vadd.f32 v34, v35;
	v51 =	vmul.f32 $1.442695020e+00, v40;
	v52 =	vld [tilespmem:s30+$0xF000];
	v18 =	vpop (erf);
	(erf) = vpow2.f32 v45  }
0x1f5: {  	v7 =	vadd.f32 v33, v7;
	v53 =	vmul.f32 $1.442695020e+00, v44;
	v54 =	vld [tilespmem:s24+$0xF010];
	v17 =	vpop (erf);
	(erf) = vpow2.f32 v47  }
0x1f6: {  	v55 =	vmul.f32 $1.442695020e+00, v46;
	v56 =	vld [tilespmem:s24+$0xF020];
	v9 =	vadd.f32 v36, v38;
	v16 =	vpop (erf);
	(erf) = vpow2.f32 v49  }
0x1f7: {  	v8 =	vadd.f32 v32, v8;
	v3 =	vmul.f32 $1.442695020e+00, v48;
	v60 =	vld [tilespmem:s24+$0xF810];
	v15 =	vpop (erf);
	(erf) = vpow2.f32 v51  }
0x1f8: {  	v40 =	vld [tilespmem:s24+$0xF030];
	v57 =	vmul.f32 $1.442695020e+00, v50;
	v9 =	vadd.f32 v31, v9;
	v14 =	vpop (erf);
	(erf) = vpow2.f32 v53  }
0x1f9: {  	v58 =	vld [tilespmem:s30+$0xF800];
	v59 =	vmul.f32 $1.442695020e+00, v52;
	v43 =	vadd.f32 v30, v10;
	v10 =	vpop (erf);
	(erf) = vpow2.f32 v55  }
0x1fa: {  	v7 =	vadd.f32 v29, v7;
	v48 =	vld [tilespmem:s24+$0x10020];
	v61 =	vmul.f32 $1.442695020e+00, v54;
	v12 =	vpop (erf);
	(erf) = vpow2.f32 v3  }
0x1fb: {  	v44 =	vadd.f32 v28, v8;
	v2 =	vmul.f32 $1.442695020e+00, v56;
	v45 =	vld [tilespmem:s24+$0xF820];
	v8 =	vpop (erf);
	(erf) = vpow2.f32 v57  }
0x1fc: {  	v63 =	vld [tilespmem:s24+$0xF830];
	v54 =	vmul.f32 $1.442695020e+00, v60;
	v62 =	vadd.f32 v27, v9;
	v9 =	vpop (erf);
	(erf) = vpow2.f32 v59  }
0x1fd: {  	v52 =	vld [tilespmem:s30+$0x10000];
	v51 =	vmul.f32 $1.442695020e+00, v40;
	v13 =	vpop (erf);
	(erf) = vpow2.f32 v61  }
0x1fe: {  	v46 =	vadd.f32 v25, v7;
	v47 =	vld [tilespmem:s24+$0x10010];
	v53 =	vmul.f32 $1.442695020e+00, v58;
	v7 =	vpop (erf);
	(erf) = vpow2.f32 v2  }
0x1ff: {  	v50 =	vld [tilespmem:s30+$0x10800];
	v60 =	vmul.f32 $1.442695020e+00, v48;
	v4 =	vpop (erf);
	(erf) = vpow2.f32 v51  }
0x200: {  	v44 =	vadd.f32 v24, v44;
	v56 =	vld [tilespmem:s24+$0x10030];
	v55 =	vmul.f32 $1.442695020e+00, v45;
	v6 =	vpop (erf);
	(erf) = vpow2.f32 v53  }
0x201: {  	v46 =	vadd.f32 v21, v46;
	v57 =	vmul.f32 $1.442695020e+00, v63;
	v5 =	vpop (erf);
	(erf) = vpow2.f32 v54  }
0x202: {  	v44 =	vadd.f32 v20, v44;
	v40 =	vmul.f32 $1.442695020e+00, v52;
	v51 =	vld [tilespmem:s24+$0x10810];
	v3 =	vpop (erf);
	(erf) = vpow2.f32 v55  }
0x203: {  	v43 =	vadd.f32 v26, v43;
	v58 =	vmul.f32 $1.442695020e+00, v47;
	v59 =	vld [tilespmem:s24+$0x10820];
	v0 =	vpop (erf);
	(erf) = vpow2.f32 v57  }
0x204: {  	v48 =	vld [tilespmem:s24+$0x10830];
	v49 =	vadd.f32 v23, v62;
	v62 =	vmul.f32 $1.442695020e+00, v50;
	v2 =	vpop (erf);
	(erf) = vpow2.f32 v40  }
0x205: {  	v46 =	vadd.f32 v17, v46;
	v45 =	vld [tilespmem:s30+$0x11000];
	v61 =	vmul.f32 $1.442695020e+00, v56;
	v52 =	vpop (erf);
	(erf) = vpow2.f32 v58  }
0x206: {  	v50 =	vld [tilespmem:s24+$0x11010];
	v43 =	vadd.f32 v22, v43;
	v49 =	vadd.f32 v19, v49;
	v53 =	vpop (erf);
	(erf) = vpow2.f32 v60  }
0x207: {  	v44 =	vadd.f32 v16, v44;
	v63 =	vmul.f32 $1.442695020e+00, v51;
	v60 =	vld [tilespmem:s24+$0x11020];
	v54 =	vpop (erf);
	(erf) = vpow2.f32 v61  }
0x208: {  	v49 =	vadd.f32 v15, v49;
	v47 =	vld [tilespmem:s24+$0x11030];
	v61 =	vmul.f32 $1.442695020e+00, v59;
	v55 =	vpop (erf);
	(erf) = vpow2.f32 v62  }
0x209: {  	v46 =	vadd.f32 v10, v46;
	v62 =	vmul.f32 $1.442695020e+00, v48;
	v48 =	vld [tilespmem:s30+$0x11800];
	v56 =	vpop (erf);
	(erf) = vpow2.f32 v63  }
0x20a: {  	v44 =	vadd.f32 v12, v44;
	v63 =	vmul.f32 $1.442695020e+00, v45;
	v45 =	vld [tilespmem:s24+$0x11810];
	v57 =	vpop (erf);
	(erf) = vpow2.f32 v61  }
0x20b: {  	v1 =	vmul.f32 $1.442695020e+00, v50;
	v50 =	vld [tilespmem:s24+$0x11820];
	v49 =	vadd.f32 v8, v49;
	v58 =	vpop (erf);
	(erf) = vpow2.f32 v62  }
0x20c: {  	v46 =	vadd.f32 v13, v46;
	v51 =	vld [tilespmem:s24+$0x11830];
	v40 =	vmul.f32 $1.442695020e+00, v60;
	v59 =	vpop (erf);
	(erf) = vpow2.f32 v63  }
0x20d: {  	[tilespmem:$0x1FFC0] =	vst v13;
	v44 =	vadd.f32 v7, v44;
	v13 =	vmul.f32 $1.442695020e+00, v47;
	v47 =	vld [tilespmem:s30+$0x12000];
	v60 =	vpop (erf);
	(erf) = vpow2.f32 v1  }
0x20e: {  	v49 =	vadd.f32 v4, v49;
	v61 =	vpop (erf);
	(erf) = vpow2.f32 v40;
	v40 =	vmul.f32 $1.442695020e+00, v48;
	v48 =	vld [tilespmem:s24+$0x12010]  }
0x20f: {  	v46 =	vadd.f32 v5, v46;
	v62 =	vpop (erf);
	(erf) = vpow2.f32 v13;
	v13 =	vmul.f32 $1.442695020e+00, v45;
	v45 =	vld [tilespmem:s24+$0x12020]  }
0x210: {  	v44 =	vadd.f32 v3, v44;
	v63 =	vpop (erf);
	(erf) = vpow2.f32 v40;
	v40 =	vmul.f32 $1.442695020e+00, v50;
	v50 =	vld [tilespmem:s24+$0x12030]  }
0x211: {  	[tilespmem:$0x1FFD0] =	vst v0;
	v49 =	vadd.f32 v0, v49;
	v0 =	vpop (erf);
	(erf) = vpow2.f32 v13;
	v13 =	vmul.f32 $1.442695020e+00, v51;
	v51 =	vld [tilespmem:s30+$0x12800]  }
0x212: {  	v46 =	vadd.f32 v52, v46;
	v52 =	vpop (erf);
	(erf) = vpow2.f32 v40;
	v40 =	vmul.f32 $1.442695020e+00, v47;
	v47 =	vld [tilespmem:s24+$0x12810]  }
0x213: {  	v44 =	vadd.f32 v53, v44;
	v53 =	vpop (erf);
	(erf) = vpow2.f32 v13;
	v13 =	vmul.f32 $1.442695020e+00, v48  }
0x214: {  	v43 =	vadd.f32 v18, v43;
	v48 =	vld [tilespmem:s24+$0x12820];
	(erf) = vpow2.f32 v40;
	v40 =	vmul.f32 $1.442695020e+00, v45  }
0x215: {  	v45 =	vld [tilespmem:s24+$0x12830];
	v50 =	vmul.f32 $1.442695020e+00, v50  }
0x216: {  	v43 =	vadd.f32 v14, v43;
	v49 =	vadd.f32 v54, v49;
	v54 =	vpop (erf);
	v51 =	vmul.f32 $1.442695020e+00, v51  }
0x217: {  	(erf) = vpow2.f32 v13;
	v1 =	vpop (erf);
	v13 =	vld [tilespmem:s30+$0x13000];
	v47 =	vmul.f32 $1.442695020e+00, v47  }
0x218: {  	v43 =	vadd.f32 v9, v43;
	(erf) = vpow2.f32 v40;
	v40 =	vpop (erf)  }
0x219: {  	v46 =	vadd.f32 v56, v46;
	v56 =	vld [tilespmem:s24+$0x13010];
	(erf) = vpow2.f32 v50;
	v48 =	vmul.f32 $1.442695020e+00, v48;
	v50 =	vpop (erf)  }
0x21a: {  	(erf) = vpow2.f32 v51;
	v45 =	vmul.f32 $1.442695020e+00, v45;
	v51 =	vpop (erf)  }
0x21b: {  	v43 =	vadd.f32 v6, v43;
	v44 =	vadd.f32 v57, v44;
	(erf) = vpow2.f32 v47;
	v47 =	vpop (erf)  }
0x21c: {  	v46 =	vadd.f32 v60, v46;
	v13 =	vmul.f32 $1.442695020e+00, v13;
	(erf) = vpow2.f32 v48;
	v57 =	vpop (erf)  }
0x21d: {  	v48 =	vld [tilespmem:s24+$0x13020];
	(erf) = vpow2.f32 v45;
	v60 =	vpop (erf)  }
0x21e: {  	v43 =	vadd.f32 v2, v43;
	v45 =	vpop (erf);
	(erf) = vpow2.f32 v13;
	v13 =	vmul.f32 $1.442695020e+00, v56  }
0x21f: {  	v44 =	vadd.f32 v61, v44;
	v0 =	vadd.f32 v0, v46  }
0x220: {  	v43 =	vadd.f32 v55, v43;
	v55 =	vld [tilespmem:s24+$0x13030];
	v49 =	vadd.f32 v58, v49;
	v46 =	vpop (erf)  }
0x221: {  	v44 =	vadd.f32 v52, v44;
	v0 =	vadd.f32 v1, v0;
	v58 =	vpop (erf);
	(erf) = vpow2.f32 v13  }
0x222: {  	v43 =	vadd.f32 v59, v43;
	v49 =	vadd.f32 v62, v49;
	v48 =	vmul.f32 $1.442695020e+00, v48;
	v13 =	vpop (erf)  }
0x223: {  	v40 =	vadd.f32 v40, v44;
	v0 =	vadd.f32 v47, v0;
	v52 =	vpop (erf)  }
0x224: {  	v43 =	vadd.f32 v63, v43;
	v62 =	vadd.f32 v53, v49;
	(erf) = vpow2.f32 v48;
	v63 =	vpop (erf)  }
0x225: {  	v40 =	vadd.f32 v57, v40;
	v56 =	vmul.f32 $1.442695020e+00, v55;
	v0 =	vadd.f32 v46, v0;
	v53 =	vpop (erf)  }
0x226: {  	v43 =	vadd.f32 v54, v43;
	v44 =	vadd.f32 v50, v62;
	v57 =	vpop (erf)  }
0x227: {  	v1 =	vadd.f32 v58, v40;
	(erf) = vpow2.f32 v56;
	v0 =	vadd.f32 v63, v0;
	v58 =	vpop (erf)  }
0x228: {  	v43 =	vadd.f32 v51, v43;
	v44 =	vadd.f32 v60, v44;
	v59 =	vpop (erf)  }
0x229: {  	v1 =	vadd.f32 v53, v1;
	v0 =	vadd.f32 v59, v0  }
0x22a: {  	v13 =	vadd.f32 v13, v44;
	v60 =	vpop (erf)  }
0x22b: {  	v43 =	vadd.f32 v45, v43;
	v1 =	vadd.f32 v60, v1;
	(erf) = vrcp.f32 v0  }
0x22c: {  	v62 =	vadd.f32 v57, v13  }
0x22d: {  	v63 =	vadd.f32 v52, v43;
	v45 =	vpop (erf);
	(erf) = vrcp.f32 v1  }
0x22e: {  	v0 =	vadd.f32 v45, v62  }
0x22f: {  	v46 =	vadd.f32 v58, v63  }
0x230: {  	v47 =	vpop (erf);
	(erf) = vrcp.f32 v0  }
0x231: {  	v48 =	vadd.f32 v47, v46;
	_ =	sdelay $0x1  }
0x232: {  	(erf) = vrcp.f32 v48  }
0x233: {  	v49 =	vpop (erf)  }
0x234: {  	v45 =	vmul.f32 $2.048000000e+03, v49  }
0x235: {  	v50 =	vpop (erf)  }
0x236: {  	v44 =	vmul.f32 $2.048000000e+03, v50;
	v51 =	vmul.f32 v45, v37  }
0x237: {  	v63 =	vmul.f32 v45, v41;
	v10 =	vmul.f32 v45, v10  }
0x238: {  	v52 =	vpop (erf);
	v5 =	vmul.f32 v45, v5;
	v53 =	vmul.f32 v44, v42  }
0x239: {  	v42 =	vmul.f32 $2.048000000e+03, v52;
	v11 =	vmul.f32 v44, v11  }
0x23a: {  	v12 =	vmul.f32 v44, v12;
	v7 =	vmul.f32 v44, v7  }
0x23b: {  	v55 =	vpop (erf);
	v3 =	vmul.f32 v44, v3;
	v0 =	vtrunc.f32 v51  }
0x23c: {  	v43 =	vmul.f32 $2.048000000e+03, v55;
	v55 =	vtrunc.f32 v63  }
0x23d: {  	v10 =	vtrunc.f32 v10;
	v5 =	vtrunc.f32 v5  }
0x23e: {  	v0 =	vcvt.f32.s32 v0;
	v54 =	vtrunc.f32 v53  }
0x23f: {  	v56 =	vmul.f32 v42, v38;
	v47 =	vcvt.f32.s32 v55  }
0x240: {  	v11 =	vtrunc.f32 v11;
	v15 =	vmul.f32 v42, v15  }
0x241: {  	v10 =	vcvt.f32.s32 v10;
	v12 =	vtrunc.f32 v12  }
0x242: {  	v40 =	vld [tilespmem:s24+$0x13800];
	v8 =	vmul.f32 v42, v8;
	v7 =	vtrunc.f32 v7  }
0x243: {  	v4 =	vmul.f32 v42, v4;
	v5 =	vcvt.f32.s32 v5  }
0x244: {  	v37 =	vld [tilespmem:s24+$0x13810];
	v3 =	vtrunc.f32 v3;
	v1 =	vcvt.f32.s32 v54  }
0x245: {  	v59 =	vmul.f32 v43, v35;
	v11 =	vcvt.f32.s32 v11  }
0x246: {  	v14 =	vmul.f32 v43, v14;
	v12 =	vcvt.f32.s32 v12  }
0x247: {  	vm11 =	veq.s32 v40, $0x0;
	v9 =	vmul.f32 v43, v9;
	v7 =	vcvt.f32.s32 v7  }
0x248: {  	vm6 =	veq.s32 v40, $0x1;
	v6 =	vmul.f32 v43, v6;
	v3 =	vcvt.f32.s32 v3  }
0x249: {  	vm0 =	vlt.s32 v0, $0x7FF;
	v46 =	vtrunc.f32 v56;
	vm12 =	veq.s32 v37, $0x0  }
0x24a: {  	vm5 =	vlt.s32 v47, $0x7FF;
	vm8 =	veq.s32 v37, $0x1;
	v15 =	vtrunc.f32 v15  }
0x24b: {  	v8 =	vtrunc.f32 v8;
	v4 =	vtrunc.f32 v4;
	v0 =	vnsel vm0, $0x7FF, v0  }
0x24c: {  	vm1 =	vlt.s32 v1, $0x7FF;
	v58 =	vcvt.f32.s32 v46;
	v62 =	vtrunc.f32 v59  }
0x24d: {  	v47 =	vnsel vm5, $0x7FF, v47;
	v15 =	vcvt.f32.s32 v15;
	v14 =	vtrunc.f32 v14  }
0x24e: {  	v38 =	vld [tilespmem:s24+$0x13820];
	vm7 =	vlt.s32 v11, $0x7FF;
	v8 =	vcvt.f32.s32 v8;
	v9 =	vtrunc.f32 v9  }
0x24f: {  	v4 =	vcvt.f32.s32 v4;
	v6 =	vtrunc.f32 v6;
	v57 =	vsub.s32 $0x57FF, v0  }
0x250: {  	v1 =	vnsel vm1, $0x7FF, v1;
	v53 =	vcvt.f32.s32 v62;
	v59 =	vadd.s32 $0x800, v47  }
0x251: {  	v35 =	vld [tilespmem:s24+$0x13830];
	v11 =	vnsel vm7, $0x7FF, v11;
	v62 =	vmul.f32 v43, v34;
	v14 =	vcvt.f32.s32 v14  }
0x252: {  	v9 =	vcvt.f32.s32 v9;
	v6 =	vcvt.f32.s32 v6;
	v46 =	vsel vm11, v57, v0  }
0x253: {  	v60 =	vsub.s32 $0x57FF, v1;
	vm13 =	vlt.s32 v58, $0x7FF;
	vm14 =	veq.s32 v38, $0x0  }
0x254: {  	v57 =	vmul.f32 v42, v36;
	v63 =	vsub.s32 $0x5FFF, v11;
	v11 =	vadd.s32 $0x800, v11  }
0x255: {  	vm10 =	veq.s32 v38, $0x1;
	v41 =	vsel vm12, v60, v1;
	v52 =	vnsel vm13, $0x7FF, v58  }
0x256: {  	vm15 =	vlt.s32 v53, $0x7FF;
	vm4 =	veq.s32 v35, $0x0;
	v58 =	vsub.s32 $0x5FFF, v47  }
0x257: {  	vm12 =	veq.s32 v35, $0x1;
	v54 =	vsub.s32 $0x57FF, v52;
	v1 =	vnsel vm15, $0x7FF, v53  }
0x258: {  	v60 =	vtrunc.f32 v57;
	v34 =	vsel vm6, v58, v59;
	v53 =	vmul.f32 v45, v33  }
0x259: {  	v33 =	vsel vm8, v63, v11;
	v57 =	vmul.f32 v44, v32;
	vm6 =	veq.s32 v38, $0x2  }
0x25a: {  	vm8 =	veq.s32 v35, $0x2;
	v0 =	vsel vm14, v54, v52;
	v47 =	vcvt.f32.s32 v60  }
0x25b: {  	v56 =	vsub.s32 $0x57FF, v1;
	v52 =	vtrunc.f32 v62;
	v62 =	vmul.f32 v42, v31  }
0x25c: {  	v36 =	vsel vm4, v56, v1;
	v13 =	vcvt.f32.s32 v52;
	v56 =	vtrunc.f32 v53  }
0x25d: {  	vm14 =	veq.s32 v40, $0x2;
	v60 =	vtrunc.f32 v57;
	v53 =	vmul.f32 v43, v30  }
0x25e: {  	vm4 =	veq.s32 v37, $0x2;
	v57 =	vmul.f32 v45, v29;
	vm9 =	vlt.s32 v47, $0x7FF  }
0x25f: {  	v52 =	vtrunc.f32 v62;
	v62 =	vmul.f32 v44, v28;
	v47 =	vnsel vm9, $0x7FF, v47  }
0x260: {  	vm11 =	vlt.s32 v13, $0x7FF;
	v54 =	vsub.s32 $0x5FFF, v47;
	v55 =	vadd.s32 $0x800, v47  }
0x261: {  	v13 =	vnsel vm11, $0x7FF, v13;
	v47 =	vcvt.f32.s32 v56;
	v56 =	vtrunc.f32 v53  }
0x262: {  	v53 =	vmul.f32 v42, v27;
	v32 =	vsel vm10, v54, v55;
	v58 =	vsub.s32 $0x5FFF, v13  }
0x263: {  	v59 =	vadd.s32 $0x800, v13;
	v13 =	vcvt.f32.s32 v60;
	v60 =	vtrunc.f32 v57  }
0x264: {  	vm10 =	veq.s32 v40, $0x3;
	v57 =	vmul.f32 v43, v26;
	vm13 =	vlt.s32 v47, $0x7FF  }
0x265: {  	v31 =	vsel vm12, v58, v59;
	vm12 =	veq.s32 v37, $0x3;
	v47 =	vnsel vm13, $0x7FF, v47  }
0x266: {  	v61 =	vmovc v2;
	vm15 =	vlt.s32 v13, $0x7FF;
	v63 =	vsub.s32 $0x67FF, v47;
	v2 =	vadd.s32 $0x1000, v47  }
0x267: {  	v13 =	vnsel vm15, $0x7FF, v13;
	v47 =	vcvt.f32.s32 v52;
	v52 =	vtrunc.f32 v62  }
0x268: {  	v62 =	vmul.f32 v45, v25;
	v30 =	vsel vm14, v63, v2;
	v54 =	vsub.s32 $0x67FF, v13  }
0x269: {  	v55 =	vadd.s32 $0x1000, v13;
	v13 =	vcvt.f32.s32 v56;
	v56 =	vtrunc.f32 v53  }
0x26a: {  	vm14 =	veq.s32 v38, $0x3;
	v53 =	vmul.f32 v44, v24;
	vm5 =	vlt.s32 v47, $0x7FF  }
0x26b: {  	v29 =	vsel vm4, v54, v55;
	vm4 =	veq.s32 v35, $0x3;
	v47 =	vnsel vm5, $0x7FF, v47  }
0x26c: {  	vm7 =	vlt.s32 v13, $0x7FF;
	v58 =	vsub.s32 $0x67FF, v47;
	v59 =	vadd.s32 $0x1000, v47  }
0x26d: {  	v13 =	vnsel vm7, $0x7FF, v13;
	v47 =	vcvt.f32.s32 v60;
	v60 =	vtrunc.f32 v57  }
0x26e: {  	v57 =	vmul.f32 v42, v23;
	v28 =	vsel vm6, v58, v59;
	v63 =	vsub.s32 $0x67FF, v13  }
0x26f: {  	v2 =	vadd.s32 $0x1000, v13;
	v13 =	vcvt.f32.s32 v52;
	v52 =	vtrunc.f32 v62  }
0x270: {  	vm6 =	veq.s32 v40, $0x4;
	v62 =	vmul.f32 v43, v22;
	vm9 =	vlt.s32 v47, $0x7FF  }
0x271: {  	v27 =	vsel vm8, v63, v2;
	vm8 =	veq.s32 v37, $0x4;
	v47 =	vnsel vm9, $0x7FF, v47  }
0x272: {  	vm11 =	vlt.s32 v13, $0x7FF;
	v54 =	vsub.s32 $0x6FFF, v47;
	v55 =	vadd.s32 $0x1800, v47  }
0x273: {  	v13 =	vnsel vm11, $0x7FF, v13;
	v47 =	vcvt.f32.s32 v56;
	v56 =	vtrunc.f32 v53  }
0x274: {  	v53 =	vmul.f32 v45, v21;
	v26 =	vsel vm10, v54, v55;
	v58 =	vsub.s32 $0x6FFF, v13  }
0x275: {  	v59 =	vadd.s32 $0x1800, v13;
	v13 =	vcvt.f32.s32 v60;
	v60 =	vtrunc.f32 v57  }
0x276: {  	vm10 =	veq.s32 v38, $0x4;
	v57 =	vmul.f32 v44, v20;
	vm13 =	vlt.s32 v47, $0x7FF  }
0x277: {  	v25 =	vsel vm12, v58, v59;
	vm12 =	veq.s32 v35, $0x4;
	v47 =	vnsel vm13, $0x7FF, v47  }
0x278: {  	vm15 =	vlt.s32 v13, $0x7FF;
	v63 =	vsub.s32 $0x6FFF, v47;
	v2 =	vadd.s32 $0x1800, v47  }
0x279: {  	v13 =	vnsel vm15, $0x7FF, v13;
	v47 =	vcvt.f32.s32 v52;
	v52 =	vtrunc.f32 v62  }
0x27a: {  	v62 =	vmul.f32 v42, v19;
	v24 =	vsel vm14, v63, v2;
	v54 =	vsub.s32 $0x6FFF, v13  }
0x27b: {  	v55 =	vadd.s32 $0x1800, v13;
	v13 =	vcvt.f32.s32 v56;
	v56 =	vtrunc.f32 v53  }
0x27c: {  	vm14 =	veq.s32 v40, $0x5;
	vm5 =	vlt.s32 v47, $0x7FF;
	v23 =	vsel vm4, v54, v55  }
0x27d: {  	v53 =	vtrunc.f32 v62;
	vm4 =	veq.s32 v37, $0x5;
	v47 =	vnsel vm5, $0x7FF, v47  }
0x27e: {  	vm7 =	vlt.s32 v13, $0x7FF;
	v58 =	vsub.s32 $0x77FF, v47;
	v59 =	vadd.s32 $0x2000, v47  }
0x27f: {  	v13 =	vnsel vm7, $0x7FF, v13;
	v47 =	vcvt.f32.s32 v60;
	v60 =	vtrunc.f32 v57  }
0x280: {  	v22 =	vsel vm6, v58, v59;
	v63 =	vsub.s32 $0x77FF, v13;
	v2 =	vadd.s32 $0x2000, v13  }
0x281: {  	v13 =	vcvt.f32.s32 v52;
	vm6 =	veq.s32 v38, $0x5;
	vm9 =	vlt.s32 v47, $0x7FF  }
0x282: {  	v21 =	vsel vm8, v63, v2;
	vm8 =	veq.s32 v35, $0x5;
	v47 =	vnsel vm9, $0x7FF, v47  }
0x283: {  	vm11 =	vlt.s32 v13, $0x7FF;
	v54 =	vsub.s32 $0x77FF, v47;
	v55 =	vadd.s32 $0x2000, v47  }
0x284: {  	v13 =	vnsel vm11, $0x7FF, v13;
	v47 =	vcvt.f32.s32 v56;
	v20 =	vsel vm10, v54, v55  }
0x285: {  	v58 =	vsub.s32 $0x77FF, v13;
	v59 =	vadd.s32 $0x2000, v13;
	v13 =	vcvt.f32.s32 v60  }
0x286: {  	v54 =	vmul.f32 v43, v18;
	vm10 =	veq.s32 v40, $0x6;
	vm13 =	vlt.s32 v47, $0x7FF  }
0x287: {  	v19 =	vsel vm12, v58, v59;
	v58 =	vmul.f32 v45, v17;
	vm12 =	veq.s32 v37, $0x6  }
0x288: {  	v47 =	vnsel vm13, $0x7FF, v47;
	vm15 =	vlt.s32 v13, $0x7FF;
	v57 =	vtrunc.f32 v54  }
0x289: {  	vm13 =	vlt.s32 v15, $0x7FF;
	v63 =	vsub.s32 $0x7FFF, v47;
	v52 =	vadd.s32 $0x2800, v47  }
0x28a: {  	v13 =	vnsel vm15, $0x7FF, v13;
	v47 =	vcvt.f32.s32 v53;
	v62 =	vtrunc.f32 v58  }
0x28b: {  	v15 =	vnsel vm13, $0x7FF, v15;
	vm15 =	vlt.s32 v14, $0x7FF;
	v18 =	vsel vm14, v63, v52  }
0x28c: {  	v55 =	vsub.s32 $0x7FFF, v13;
	v56 =	vadd.s32 $0x2800, v13;
	v13 =	vcvt.f32.s32 v57  }
0x28d: {  	v63 =	vmul.f32 v44, v16;
	vm14 =	veq.s32 v38, $0x6;
	v57 =	vsub.s32 $0x87FF, v15  }
0x28e: {  	v15 =	vadd.s32 $0x3000, v15;
	v14 =	vnsel vm15, $0x7FF, v14;
	vm15 =	vlt.s32 v7, $0x7FF  }
0x28f: {  	[tilespmem:v46+s26+$0x0] =	vst.idx.add.f32.msk $0xffff, v39;
	vm5 =	vlt.s32 v47, $0x7FF;
	v17 =	vsel vm4, v55, v56;
	v15 =	vsel vm14, v57, v15  }
0x290: {  	[tilespmem:v41+s26+$0x0] =	vst.idx.add.f32.msk $0xffff, v39;
	vm4 =	veq.s32 v35, $0x6;
	v58 =	vsub.s32 $0x87FF, v14;
	v14 =	vadd.s32 $0x3000, v14  }
0x291: {  	[tilespmem:v0+s26+$0x0] =	vst.idx.add.f32.msk $0xffff, v39;
	vm14 =	veq.s32 v40, $0x8;
	v7 =	vnsel vm15, $0x7FF, v7;
	v57 =	vmul.f32 v43, v61  }
0x292: {  	[tilespmem:v36+s26+$0x0] =	vst.idx.add.f32.msk $0xffff, v39;
	vm15 =	veq.s32 v35, $0x9;
	v47 =	vnsel vm5, $0x7FF, v47;
	vm7 =	vlt.s32 v13, $0x7FF  }
0x293: {  	[tilespmem:v34+s26+$0x0] =	vst.idx.add.f32.msk $0xffff, v39;
	v54 =	vtrunc.f32 v63;
	vm5 =	vlt.s32 v10, $0x7FF;
	v14 =	vsel vm4, v58, v14  }
0x294: {  	[tilespmem:v33+s26+$0x0] =	vst.idx.add.f32.msk $0xffff, v39;
	vm4 =	veq.s32 v37, $0x8;
	v50 =	vsub.s32 $0x97FF, v7;
	v7 =	vadd.s32 $0x4000, v7  }
0x295: {  	[tilespmem:v32+s26+$0x0] =	vst.idx.add.f32.msk $0xffff, v39;
	v59 =	vsub.s32 $0x7FFF, v47;
	v60 =	vadd.s32 $0x2800, v47;
	v13 =	vnsel vm7, $0x7FF, v13  }
0x296: {  	[tilespmem:v31+s26+$0x0] =	vst.idx.add.f32.msk $0xffff, v39;
	v47 =	vcvt.f32.s32 v62;
	v10 =	vnsel vm5, $0x7FF, v10;
	vm7 =	vlt.s32 v12, $0x7FF  }
0x297: {  	[tilespmem:v30+s26+$0x0] =	vst.idx.add.f32.msk $0xffff, v39;
	vm5 =	vlt.s32 v4, $0x7FF;
	v7 =	vsel vm4, v50, v7;
	v16 =	vsel vm6, v59, v60  }
0x298: {  	[tilespmem:v29+s26+$0x0] =	vst.idx.add.f32.msk $0xffff, v39;
	v52 =	vsub.s32 $0x7FFF, v13;
	v53 =	vadd.s32 $0x2800, v13;
	v13 =	vcvt.f32.s32 v54  }
0x299: {  	[tilespmem:v28+s26+$0x0] =	vst.idx.add.f32.msk $0xffff, v39;
	vm6 =	veq.s32 v40, $0x7;
	v59 =	vsub.s32 $0x8FFF, v10;
	v60 =	vadd.s32 $0x3800, v10  }
0x29a: {  	[tilespmem:v27+s26+$0x0] =	vst.idx.add.f32.msk $0xffff, v39;
	v62 =	vnsel vm7, $0x7FF, v12;
	v4 =	vnsel vm5, $0x7FF, v4;
	vm7 =	vlt.s32 v6, $0x7FF  }
0x29b: {  	[tilespmem:v26+s26+$0x0] =	vst.idx.add.f32.msk $0xffff, v39;
	vm9 =	vlt.s32 v47, $0x7FF;
	v1 =	vsel vm8, v52, v53;
	v0 =	vsel vm6, v59, v60  }
0x29c: {  	[tilespmem:v25+s26+$0x0] =	vst.idx.add.f32.msk $0xffff, v39;
	vm8 =	veq.s32 v37, $0x7;
	v12 =	vsub.s32 $0x8FFF, v62;
	v10 =	vadd.s32 $0x3800, v62  }
0x29d: {  	v63 =	vld [tilespmem:$0x1FFC0];
	vm6 =	veq.s32 v38, $0x8;
	v51 =	vsub.s32 $0x97FF, v4;
	v4 =	vadd.s32 $0x4000, v4  }
0x29e: {  	[tilespmem:v24+s26+$0x0] =	vst.idx.add.f32.msk $0xffff, v39;
	v6 =	vnsel vm7, $0x7FF, v6;
	v59 =	vtrunc.f32 v57;
	v47 =	vnsel vm9, $0x7FF, v47  }
0x29f: {  	[tilespmem:v23+s26+$0x0] =	vst.idx.add.f32.msk $0xffff, v39;
	vm11 =	vlt.s32 v13, $0x7FF;
	vm9 =	vlt.s32 v8, $0x7FF;
	v10 =	vsel vm8, v12, v10  }
0x2a0: {  	[tilespmem:v22+s26+$0x0] =	vst.idx.add.f32.msk $0xffff, v39;
	vm8 =	veq.s32 v35, $0x8;
	v52 =	vsub.s32 $0x97FF, v6;
	v6 =	vadd.s32 $0x4000, v6  }
0x2a1: {  	[tilespmem:v21+s26+$0x0] =	vst.idx.add.f32.msk $0xffff, v39;
	v53 =	vsel vm6, v51, v4;
	v55 =	vsub.s32 $0x87FF, v47;
	v47 =	vadd.s32 $0x3000, v47  }
0x2a2: {  	[tilespmem:v20+s26+$0x0] =	vst.idx.add.f32.msk $0xffff, v39;
	v13 =	vnsel vm11, $0x7FF, v13;
	v8 =	vnsel vm9, $0x7FF, v8;
	v2 =	vmul.f32 v45, v63  }
0x2a3: {  	[tilespmem:v19+s26+$0x0] =	vst.idx.add.f32.msk $0xffff, v39;
	vm11 =	vlt.s32 v9, $0x7FF;
	v54 =	vsel vm8, v52, v6;
	vm9 =	vlt.s32 v5, $0x7FF  }
0x2a4: {  	[tilespmem:v18+s26+$0x0] =	vst.idx.add.f32.msk $0xffff, v39;
	v11 =	vsel vm10, v55, v47;
	v56 =	vsub.s32 $0x87FF, v13;
	v13 =	vadd.s32 $0x3000, v13  }
0x2a5: {  	vm10 =	veq.s32 v38, $0x7;
	v34 =	vsub.s32 $0x8FFF, v8;
	v55 =	vld [tilespmem:$0x1FFD0];
	v13 =	vsel vm12, v56, v13  }
0x2a6: {  	[tilespmem:v17+s26+$0x0] =	vst.idx.add.f32.msk $0xffff, v39;
	v8 =	vadd.s32 $0x3800, v8;
	v9 =	vnsel vm11, $0x7FF, v9;
	v36 =	vtrunc.f32 v2  }
0x2a7: {  	v5 =	vnsel vm9, $0x7FF, v5;
	vm11 =	vlt.s32 v3, $0x7FF;
	[tilespmem:v16+s26+$0x0] =	vst.idx.add.f32.msk $0xffff, v39;
	v41 =	vcvt.f32.s32 v36  }
0x2a8: {  	v8 =	vsel vm10, v34, v8;
	vm12 =	veq.s32 v35, $0x7;
	v46 =	vsub.s32 $0x8FFF, v9;
	[tilespmem:v1+s26+$0x0] =	vst.idx.add.f32.msk $0xffff, v39  }
0x2a9: {  	v9 =	vadd.s32 $0x3800, v9;
	vm10 =	veq.s32 v40, $0x9;
	vm13 =	vlt.s32 v41, $0x7FF;
	[tilespmem:v11+s26+$0x0] =	vst.idx.add.f32.msk $0xffff, v39  }
0x2aa: {  	v58 =	vnsel vm11, $0x7FF, v3;
	v47 =	vnsel vm13, $0x7FF, v41;
	v2 =	vmul.f32 v42, v55;
	[tilespmem:v13+s26+$0x0] =	vst.idx.add.f32.msk $0xffff, v39  }
0x2ab: {  	v9 =	vsel vm12, v46, v9;
	v48 =	vsub.s32 $0x97FF, v47;
	v49 =	vadd.s32 $0x4000, v47;
	[tilespmem:v15+s26+$0x0] =	vst.idx.add.f32.msk $0xffff, v39  }
0x2ac: {  	v3 =	vcvt.f32.s32 v59;
	v12 =	vsel vm14, v48, v49;
	v2 =	vtrunc.f32 v2;
	[tilespmem:v14+s26+$0x0] =	vst.idx.add.f32.msk $0xffff, v39  }
0x2ad: {  	v56 =	vsub.s32 $0x9FFF, v5;
	v5 =	vadd.s32 $0x4800, v5;
	v2 =	vcvt.f32.s32 v2;
	[tilespmem:v0+s26+$0x0] =	vst.idx.add.f32.msk $0xffff, v39  }
0x2ae: {  	v5 =	vsel vm10, v56, v5;
	vm12 =	veq.s32 v37, $0x9;
	vm2 =	vlt.s32 v3, $0x7FF;
	[tilespmem:v10+s26+$0x0] =	vst.idx.add.f32.msk $0xffff, v39  }
0x2af: {  	v60 =	vsub.s32 $0x9FFF, v58;
	v3 =	vnsel vm2, $0x7FF, v3;
	vm13 =	vlt.s32 v2, $0x7FF;
	[tilespmem:v8+s26+$0x0] =	vst.idx.add.f32.msk $0xffff, v39  }
0x2b0: {  	vm14 =	veq.s32 v38, $0x9;
	v0 =	vadd.s32 $0x4800, v58;
	v2 =	vnsel vm13, $0x7FF, v2;
	[tilespmem:v9+s26+$0x0] =	vst.idx.add.f32.msk $0xffff, v39  }
0x2b1: {  	v0 =	vsel vm12, v60, v0;
	v61 =	vsub.s32 $0x9FFF, v2;
	v2 =	vadd.s32 $0x4800, v2;
	[tilespmem:v12+s26+$0x0] =	vst.idx.add.f32.msk $0xffff, v39  }
0x2b2: {  	v62 =	vsub.s32 $0x9FFF, v3;
	v3 =	vadd.s32 $0x4800, v3;
	v2 =	vsel vm14, v61, v2;
	[tilespmem:v7+s26+$0x0] =	vst.idx.add.f32.msk $0xffff, v39  }
0x2b3: {  	p0 =	sne.s32 s23, $0x1F00;
	v63 =	vsel vm15, v62, v3;
	[tilespmem:v53+s26+$0x0] =	vst.idx.add.f32.msk $0xffff, v39  }
.Ltmp2:
0x2b4: {  	[tilespmem:v54+s26+$0x0] =	vst.idx.add.f32.msk $0xffff, v39;
	(pc) =	sbr.rel @p0 .LBB2_7-.Ltmp2, $4  }
0x2b5: {  	[tilespmem:v5+s26+$0x0] =	vst.idx.add.f32.msk $0xffff, v39  }
0x2b6: {  	[tilespmem:v0+s26+$0x0] =	vst.idx.add.f32.msk $0xffff, v39  }
0x2b7: {  	[tilespmem:v2+s26+$0x0] =	vst.idx.add.f32.msk $0xffff, v39  }
0x2b8: {  	s22 =	sadd.s32 $0x40, s22;
	s23 =	sadd.s32 $0x100, s23;
	[tilespmem:v63+s26+$0x0] =	vst.idx.add.f32.msk $0xffff, v39  }
0x2b9: {  	s21 =	sadd.s32 $0x1, s21  }
0x2ba: {  	p0 =	sne.s32 s21, $0x10  }
.Ltmp3:
0x2bb: {  	_ = 	snop;
	(pc) =	sbr.rel @p0 .LBB2_4-.Ltmp3, $1  }
0x2bc: {  	_ =	sdelay $0x3  }
0x2bd: {  	_ =	swait.ge [sflag:s25], $0x9800  }
0x2be: {  	[sflag:s25] =	ssyncset.done $0x0  }
0x2bf: {  	[sflag:s25] =	ssyncadd.s32 $0xFFFF6800  }
0x2c0: {  	_ =	swait.ge [sflag:s25], $0x800  }
0x2c1: {  	s6 =	simm.s32 $0x0;
	[sflag:s25] =	ssyncset.done $0x0  }
0x2c2: {  	s0 =	simm.s32 $0x3;
	s21 =	rddreg [dreg:$0x14];
	[sflag:s25] =	ssyncadd.s32 $0xFFFFF800  }
0x2c3: {  	[hbm4b:s21+s6] =	stream.linear.scatter [tilespmem:s26], [sflag:$0x3], $0xA000, $0x38;
	[tilespmem:$0x1E000] =	vst v63  }
0x2c4: {  	_ =	swait.ge [sflag:s0], $0xA000  }
0x2c5: {  	s30 =	rddreg [dreg:$0x18]  }
0x2c6: {  	s31 =	rddreg [dreg:$0x15];
	s21 =	sadd.s32 $0x1, s30  }
0x2c7: {  	p0 =	sne.s32 s21, s31  }
.Ltmp4:
0x2c8: {  	_ = 	snop;
	(pc) =	sbr.rel @p0 .LBB2_1-.Ltmp4, $3  }
0x2c9: {  	_ =	sdelay $0x1  }
0x2ca: {  	[sflag:s0] =	ssyncset.done $0x0  }
0x2cb: {  	v0 =	vimm.f32 $0.0e+00;
	[sflag:s0] =	ssyncadd.s32 $0xFFFF6000  }
0x2cc: {  	_ =	sfence.sel $0x180000  }
0x2cd: {  	[bflag:$0x0] =	sbarrier.arrive $0xFFFF  }
0x2ce: {  	_ =	strace $0x9000004A  }
0x2cf: {  	s0 =	stileid.u32;
	[bflag:$0x2] =	sbarrier.arrive $0xFFFF  }
0x2d0: {  	p0 =	sne.s32 s0, $0x0;
	s0 =	rddreg [dreg:$0x1]  }
0x2d1: {  	s0 =	sadd.s32 @!p0 $0x100000, s0  }
0x2d2: {  	[sflag:s0] =	ssyncadd.tile.s32 @!p0 $0x1;
	_ =	shalt  }
.Lfunc_end2:
_tile_overlayer_lowered:
.L_overlay_start_2:
0x2d3: {  	(tag) =	ssettag $0x2  }
0x2d4: {  	s0 =	rddreg [dreg:$0x0];
	s2 =	stileid.u32  }
0x2d5: {  	s1 =	rddreg [dreg:$0x1];
	p0 =	sne.s32 s2, $0x0  }
0x2d6: {  	s3 =	rddreg [dreg:$0x2];
	[bflag:$0x3] =	sbarrier.arrive $0xFFFF;
	s2 =	simm.s32 @!p0 $0x1C03  }
0x2d7: {  	[timem:s3], [sflag:s2] =	dma.local @!p0 [hbm:s0], s1  }
0x2d8: {  	s0 =	simm.s32 @!p0 $0x3  }
0x2d9: {  	_ =	swait.ge @!p0 [sflag:s0], s1  }
0x2da: {  	s1 =	ssub.s32 @!p0 $0x0, s1;
	[sflag:s0] =	ssyncset.done @!p0 $0x0  }
0x2db: {  	[sflag:s0] =	ssyncadd.s32 @!p0 s1  }
0x2dc: {  	[bflag:$0x3] =	sbarrier.arrive $0xFFFF  }
0x2dd: {  	_ =	shalt  }

// kernel: sparse-core-data-format-call.cloned.1.call-start
scs
called_computation_lowered:
.L_overlay_start_0:
0x0: {  	s2 =	sld [smem:$0x3FD9]  }
0x1: {  	s3 =	sld [smem:$0x3FFE];
	_ =	sdelay $0x1  }
0x2: {  	s1 =	srdreg.scid  }
0x3: {  	s0 =	sand.u32 $0x1, s1  }
0x4: {  	s18 =	sshll.u32 s0, $0xA;
	s2 =	sadd.s32 s3, s2  }
0x5: {  	s2 =	sadd.s32 s2, s18  }
0x6: {  	[smem:$0x3FC6] =	sst s2  }
0x7: {  	_ = 	snop  }
0x8: {  	s2 =	sld [smem:$0x3FC9];
	(tm) =	ssettm $0x1  }
0x9: {  	s19 =	sld [smem:$0x3FFB];
	_ =	sdelay $0x3  }
0xa: {  	_ =	strace s19  }
0xb: {  	s3 =	sld [smem:$0x3FFC];
	_ =	sdelay $0x3  }
0xc: {  	_ =	strace s3  }
0xd: {  	s3 =	sld [smem:$0x3FFD];
	_ =	sdelay $0x3  }
0xe: {  	_ =	strace s3  }
0xf: {  	_ =	strace $0x8FFFFFFF  }
0x10: {  	s20 =	sld [smem:$0x3FDB];
	_ =	sdelay $0x1  }
0x11: {  	s4 =	simm.s32 $_scs_section_size  }
0x12: {  	s5 =	simm.s32 $_size__tile_overlayer_lowered;
	s6 =	simm.s32 $_tile_overlayer_lowered  }
0x13: {  	s23 =	simm.s32 $0x1BFF;
	s22 =	sshll.u32 s6, $0x1;
	s3 =	sadd.s32 s4, s20  }
0x14: {  	s7 =	simm.s32 $0x0;
	s21 =	sshll.u32 s5, $0x1;
	s5 =	sadd.s32 s22, s3  }
0x15: {  	[timem:s7], [sflag:s23] =	dma.local [hbm:s5], s21  }
0x16: {  	_ =	swait.ge [sflag:s23], s21  }
0x17: {  	s4 =	ssub.s32 $0x0, s21;
	[sflag:s23] =	ssyncset.done $0x0  }
0x18: {  	[sflag:s23] =	ssyncadd.s32 s4;
	_ =	sdelay $0x1  }
0x19: {  	s24 =	simm.s32 $0x1B8B  }
0x1a: {  	_ =	swait.ge [sflag:s24], $0x1  }
0x1b: {  	[sflag:s24] =	ssyncset.done $0x0  }
0x1c: {  	s26 =	simm.s32 $0x1B8E;
	s25 =	sld [smem:$0x3FFE];
	[sflag:s24] =	ssyncadd.s32 $0xFFFFFFFF  }
0x1d: {  	s27 =	simm.s32 $execute0_lowered;
	[smem:$0x3FD2] =	sst s26  }
0x1e: {  	s5 =	sshll.u32 s27, $0x1;
	_ =	strace $0x80000046;
	[dreg:$0x1] =	wrdreg $0xFFFFFFFF  }
0x1f: {  	s28 =	simm.s32 $_size_execute0_lowered;
	s3 =	sadd.s32 s3, s5;
	[dreg:$0x0] =	wrdreg $0x0  }
0x20: {  	s5 =	sshll.u32 s28, $0x1;
	[dreg:$0x2] =	wrdreg s3  }
0x21: {  	[dreg:$0x3] =	wrdreg s5  }
0x22: {  	[dreg:$0x4] =	wrdreg $0xC0  }
0x23: {  	_ =	task [dreg:s7], $0x5FFFF  }
0x24: {  	[dreg:$0x1] =	wrdreg $0xFFFFFFFF  }
0x25: {  	[dreg:$0x0] =	wrdreg $0x60  }
0x26: {  	[dreg:$0x2] =	wrdreg s2  }
0x27: {  	[dreg:$0x3] =	wrdreg s25  }
0x28: {  	[dreg:$0x4] =	wrdreg $0x9  }
0x29: {  	_ =	task.clear_ibuf [dreg:s7], $0x5FFFF;
	_ =	strace $0x90000046  }
0x2a: {  	s29 =	simm.s32 $0x9;
	_ =	strace $0x80000048  }
0x2b: {  	_ =	swait.ge [sflag:s29], $0x1  }
0x2c: {  	[sflag:s29] =	ssyncadd.s32 $0xFFFFFFFF  }
0x2d: {  	_ =	strace $0x90000048  }
0x2e: {  	_ =	sfence  }
0x2f: {  	s30 =	sld [smem:$0x0];
	_ =	sdelay $0x2  }
0x30: {  	s31 =	sshll.u32 s1, $0xD;
	s1 =	sshrl.u32 s1, $0x2  }
0x31: {  	s3 =	sand.u32 $0x4000, s31;
	s1 =	sadd.s32 s1, s30  }
0x32: {  	s0 =	sor.u32 s3, s0;
	s1 =	sshll.u32 s1, $0x11  }
0x33: {  	s0 =	sor.u32 s1, s0  }
0x34: {  	s0 =	sadd.s32 $0x8F2B, s0  }
0x35: {  	[sflag:s0] =	ssyncadd.remote.s32 $0x1  }
0x36: {  	_ =	sfence.sel $0xFFFF  }
0x37: {  	[dreg:$0x0] =	wrdreg $0xFFFFFFFF;
	(pc) =	sbr.abs _section_cstart, $3  }
0x38: {  	[dreg:$0x1] =	wrdreg $0xFFFFFFFF  }
0x39: {  	_ =	task.clear_ibuf [dreg:s7], $0x2FFFF;
	_ =	strace $0x9FFFFFFF  }
0x3a: {  	(tm) =	ssettm $0x7FFFFFFF  }
0x3b: {  	_ =	shalt  }
tec
execute0_lowered:
.L_overlay_start_1:
0x0: {  	(tag) =	ssettag $0x1  }
0x1: {  	s0 =	srdreg.scid  }
0x2: {  	s1 =	sshll.u32 s0, $0x4  }
0x3: {  	s2 =	rddreg [dreg:$0x0];
	s0 =	stileid.u32;
	s1 =	sand.u32 $0x10, s1  }
0x4: {  	s4 =	rddreg [dreg:$0x1];
	s7 =	simm.s32 $0x1;
	s1 =	sor.u32 s0, s1  }
0x5: {  	s8 =	simm.s32 $0x2;
	s9 =	simm.s32 $0x0;
	s3 =	sshll.u32 s1, $0x2  }
0x6: {  	s12 =	simm.s32 $0x0;
	s11 =	simm.s32 $0x0;
	s6 =	ssub.s32 $0x2600, s3  }
.Ltmp0:
0x7: {  	s4 =	sadd.s32 $0xA00, s4;
	s5 =	sand.u32 $0x7C, s6;
	(pc) =	sbr.rel .LBB1_1-.Ltmp0, $4  }
0x8: {  	s1 =	rddreg [dreg:$0x2];
	_ =	strace $0x80000047;
	p0 =	sne.s32 s5, $0x0  }
0x9: {  	s6 =	sshrl.u32 s6, $0x7;
	s5 =	simm.s32 $0x1;
	s7 =	simm.s32 @!p0 $0x0  }
0xa: {  	s10 =	smov.u32 s3;
	[sflag:s5] =	ssyncpa.u1 $0x0;
	s6 =	sadd.s32 s7, s6  }
0xb: {  	[sflag:s8] =	ssyncpa.u1 $0x0;
	s8 =	simm.s32 $0x0;
	s7 =	sadd.s32 $0x1, s6  }
.LBB1_9:
0xc: {  	s14 =	sadd.s32 $0x80, s10  }
0xd: {  	p1 =	sgt.s32 s14, $0x25FF  }
0xe: {  	s14 =	smov.u32 @p1 s3;
	p1 =	sne.s32 s11, s7  }
.Ltmp1:
0xf: {  	p0 =	slt.u32 s11, $0x2;
	(pc) =	sbr.rel @!p1 .LBB1_10-.Ltmp1, $4  }
0x10: {  	s13 =	simm.s32 @!p0 $0x2  }
0x11: {  	s15 =	sadd.s32 $0x1, s11;
	_ =	swait.ge @!p0 [sflag:s13], $0x4000  }
0x12: {  	s12 =	smov.u32 s10;
	s9 =	sadd.s32 $0x4000, s9;
	[sflag:s13] =	ssyncset.done @!p0 $0x0  }
0x13: {  	s11 =	smov.u32 s15;
	s10 =	smov.u32 s14;
	[sflag:s13] =	ssyncadd.s32 @!p0 $0xFFFFC000  }
.LBB1_1:
0x14: {  	p0 =	sge.u32 s11, s6  }
0x15: {  	s13 =	sxor.u32 @!p0 $0xFFFFFFFF, s11  }
0x16: {  	s31 =	sadd.s32 $0xFFFFFFFF, s11;
	s14 =	sshll.u32 @!p0 s10, $0x9;
	s13 =	sshll.u32 @!p0 s13, $0xE  }
0x17: {  	s15 =	simm.s32 @!p0 $0x0;
	s14 =	sadd.s32 @!p0 s2, s14;
	s13 =	sand.u32 @!p0 $0x4000, s13  }
0x18: {  	[tilespmem:s13], [sflag:$0x1] =	stream.linear.gather @!p0 [hbm4b:s14+s15], $0x4000, $0x38;
	[tilespmem:$0x10000] =	vst v63  }
0x19: {  	p0 =	sge.u32 s31, s6  }
.Ltmp2:
0x1a: {  	_ = 	snop;
	(pc) =	sbr.rel @p0 .LBB1_9-.Ltmp2, $1  }
0x1b: {  	_ =	sdelay $0x3  }
0x1c: {  	s14 =	sand.u32 $0x4000, s9  }
0x1d: {  	_ =	swait.ge [sflag:s5], $0x4000;
	s15 =	sshll.u32 s11, $0xE;
	s16 =	simm.s32 $0x0  }
0x1e: {  	s13 =	sor.u32 $0x40, s14;
	[sflag:s5] =	ssyncset.done $0x0;
	s15 =	sand.u32 $0x4000, s15  }
0x1f: {  	s14 =	sor.u32 $0x8040, s14;
	[sflag:s5] =	ssyncadd.s32 $0xFFFFC000;
	s15 =	sor.u32 $0x8000, s15  }
.LBB1_3:
0x20: {  	s17 =	smov.u32 s14;
	s18 =	smov.u32 s13;
	s19 =	simm.s32 $0x0  }
.LBB1_4:
0x21: {  	v0 =	vmov s17;
	v2 =	vld [tilespmem:s18+$0x30]  }
0x22: {  	v4 =	vld [tilespmem:s18+$0xFFFFFFD0]  }
0x23: {  	v6 =	vld [tilespmem:s18+$0xFFFFFFE0]  }
0x24: {  	v7 =	vld [tilespmem:s18+$0xFFFFFFF0]  }
0x25: {  	s20 =	simm.s32 $0x0;
	v1 =	vld [tilespmem:s18+$0x0]  }
0x26: {  	v3 =	vld [tilespmem:s18+$0x10];
	[tilespmem:v0+s20+$0x30 ss:$0x1] =	vst.idx.msk $0xffff, v2  }
0x27: {  	v5 =	vld [tilespmem:s18+$0x20];
	[tilespmem:v0+s20+$0xFFFFFFD0 ss:$0x1] =	vst.idx.msk $0xffff, v4  }
0x28: {  	s21 =	sadd.s32 $0x80, s18;
	v2 =	vld [tilespmem:s18+$0xFFFFFFC0];
	[tilespmem:v0+s20+$0xFFFFFFE0 ss:$0x1] =	vst.idx.msk $0xffff, v6  }
0x29: {  	s22 =	simm.s32 $0x800;
	s23 =	simm.s32 $0x1000;
	v4 =	vld [tilespmem:s21+$0x30];
	[tilespmem:v0+s20+$0xFFFFFFF0 ss:$0x1] =	vst.idx.msk $0xffff, v7  }
.LBB1_5:
0x2a: {  	p0 =	sne.s32 s23, $0x3800;
	v6 =	vld [tilespmem:s21+$0xFFFFFFD0];
	[tilespmem:v0+s20+$0x0 ss:$0x1] =	vst.idx.msk $0xffff, v1  }
0x2b: {  	v7 =	vld [tilespmem:s21+$0xFFFFFFE0];
	[tilespmem:v0+s20+$0x10 ss:$0x1] =	vst.idx.msk $0xffff, v3  }
0x2c: {  	v8 =	vld [tilespmem:s21+$0xFFFFFFF0];
	[tilespmem:v0+s20+$0x20 ss:$0x1] =	vst.idx.msk $0xffff, v5  }
.Ltmp3:
0x2d: {  	v1 =	vld [tilespmem:s21+$0x0];
	[tilespmem:v0+s20+$0xFFFFFFC0 ss:$0x1] =	vst.idx.msk $0xffff, v2;
	s20 =	sshra.s32 s22, $0x2;
	s22 =	smov.u32 s23;
	(pc) =	sbr.rel @p0 .LBB1_5-.Ltmp3, $4  }
0x2e: {  	v3 =	vld [tilespmem:s21+$0x10];
	[tilespmem:v0+s20+$0x30 ss:$0x1] =	vst.idx.msk $0xffff, v4  }
0x2f: {  	[tilespmem:v0+s20+$0xFFFFFFD0 ss:$0x1] =	vst.idx.msk $0xffff, v6;
	v5 =	vld [tilespmem:s21+$0x20]  }
0x30: {  	v2 =	vld [tilespmem:s21+$0xFFFFFFC0];
	[tilespmem:v0+s20+$0xFFFFFFE0 ss:$0x1] =	vst.idx.msk $0xffff, v7;
	s21 =	sadd.s32 $0x80, s21  }
0x31: {  	s23 =	sadd.s32 $0x800, s23;
	v4 =	vld [tilespmem:s21+$0x30];
	[tilespmem:v0+s20+$0xFFFFFFF0 ss:$0x1] =	vst.idx.msk $0xffff, v8  }
0x32: {  	_ =	sdelay $0x3  }
0x33: {  	v6 =	vld [tilespmem:s21+$0xFFFFFFD0];
	[tilespmem:v0+s20+$0x0 ss:$0x1] =	vst.idx.msk $0xffff, v1  }
0x34: {  	v58 =	vld [tilespmem:s21+$0xFFFFFFE0];
	[tilespmem:v0+s20+$0x10 ss:$0x1] =	vst.idx.msk $0xffff, v3  }
0x35: {  	v59 =	vld [tilespmem:s21+$0xFFFFFFF0];
	[tilespmem:v0+s20+$0x20 ss:$0x1] =	vst.idx.msk $0xffff, v5  }
0x36: {  	s22 =	sshra.s32 s22, $0x2;
	v60 =	vld [tilespmem:s21+$0x0];
	[tilespmem:v0+s20+$0xFFFFFFC0 ss:$0x1] =	vst.idx.msk $0xffff, v2  }
0x37: {  	v61 =	vld [tilespmem:s21+$0x10];
	[tilespmem:v0+s22+$0x30 ss:$0x1] =	vst.idx.msk $0xffff, v4  }
0x38: {  	v62 =	vld [tilespmem:s21+$0x20];
	s19 =	sadd.s32 $0x1, s19;
	[tilespmem:v0+s22+$0xFFFFFFD0 ss:$0x1] =	vst.idx.msk $0xffff, v6  }
0x39: {  	v63 =	vld [tilespmem:s21+$0xFFFFFFC0];
	p0 =	sne.s32 s19, $0x4;
	[tilespmem:v0+s22+$0xFFFFFFE0 ss:$0x1] =	vst.idx.msk $0xffff, v58  }
.Ltmp4:
0x3a: {  	[tilespmem:v0+s22+$0xFFFFFFF0 ss:$0x1] =	vst.idx.msk $0xffff, v59;
	(pc) =	sbr.rel @p0 .LBB1_4-.Ltmp4, $4  }
0x3b: {  	[tilespmem:v0+s22+$0x0 ss:$0x1] =	vst.idx.msk $0xffff, v60  }
0x3c: {  	[tilespmem:v0+s22+$0x10 ss:$0x1] =	vst.idx.msk $0xffff, v61  }
0x3d: {  	[tilespmem:v0+s22+$0x20 ss:$0x1] =	vst.idx.msk $0xffff, v62  }
0x3e: {  	s18 =	sadd.s32 $0x400, s18;
	s17 =	sadd.s32 $0x80, s17;
	[tilespmem:v0+s22+$0xFFFFFFC0 ss:$0x1] =	vst.idx.msk $0xffff, v63  }
0x3f: {  	s16 =	sadd.s32 $0x1, s16  }
0x40: {  	p0 =	sne.s32 s16, $0x4  }
.Ltmp5:
0x41: {  	_ = 	snop;
	(pc) =	sbr.rel @p0 .LBB1_3-.Ltmp5, $2  }
0x42: {  	_ =	sdelay $0x2  }
0x43: {  	s13 =	sadd.s32 $0x1000, s13;
	s14 =	sadd.s32 $0x1000, s14  }
.Ltmp6:
0x44: {  	(pc) =	sbr.rel .LBB1_9-.Ltmp6, $4  }
0x45: {  	_ = 	snop  }
0x46: {  	s12 =	sshll.u32 s12, $0x9  }
0x47: {  	s12 =	sadd.s32 s4, s12  }
0x48: {  	[hbm4b:s12+s8] =	stream.linear.scatter [tilespmem:s15], [sflag:$0x2], $0x4000, $0x38;
	[tilespmem:$0x10000] =	vst v63  }
.LBB1_10:
0x49: {  	_ =	sfence.sel $0x180000  }
0x4a: {  	s2 =	simm.s32 $0x1;
	[bflag:$0x0] =	sbarrier.arrive $0xFFFF  }
0x4b: {  	s31 =	simm.s32 $0x2;
	[sflag:s2] =	ssyncpa.u1 $0x1  }
0x4c: {  	[sflag:s31] =	ssyncpa.u1 $0x1  }
0x4d: {  	p0 =	sne.s32 s0, $0x0;
	_ =	strace $0x90000047  }
0x4e: {  	s0 =	sadd.s32 @!p0 $0x100000, s1;
	[bflag:$0x2] =	sbarrier.arrive $0xFFFF  }
0x4f: {  	[sflag:s0] =	ssyncadd.tile.s32 @!p0 $0x1;
	_ =	shalt  }
.Lfunc_end1:
_tile_overlayer_lowered:
.L_overlay_start_2:
0x50: {  	(tag) =	ssettag $0x2  }
0x51: {  	s0 =	rddreg [dreg:$0x0];
	s2 =	stileid.u32  }
0x52: {  	s1 =	rddreg [dreg:$0x1];
	p0 =	sne.s32 s2, $0x0  }
0x53: {  	s3 =	rddreg [dreg:$0x2];
	[bflag:$0x3] =	sbarrier.arrive $0xFFFF;
	s2 =	simm.s32 @!p0 $0x1C01  }
0x54: {  	[timem:s3], [sflag:s2] =	dma.local @!p0 [hbm:s0], s1  }
0x55: {  	s0 =	simm.s32 @!p0 $0x1  }
0x56: {  	_ =	swait.ge @!p0 [sflag:s0], s1  }
0x57: {  	s1 =	ssub.s32 @!p0 $0x0, s1;
	[sflag:s0] =	ssyncset.done @!p0 $0x0  }
0x58: {  	[sflag:s0] =	ssyncadd.s32 @!p0 s1  }
0x59: {  	[bflag:$0x3] =	sbarrier.arrive $0xFFFF  }
0x5a: {  	_ =	shalt  }

</sc_bundles>
